<compile_context>
chip_gen: v7x
topology: tpu7x:2x2x1
jax: 0.10.2.dev20260603
libtpu: 0.0.44.dev20260713+nightly
codegen_flags: <defaults>
</compile_context>

<pallas_src>
import numpy as np
import jax
import jax.numpy as jnp
from jax import lax
from jax.experimental import pallas as pl
from jax.experimental.pallas import tpu as pltpu
from jax.experimental.pallas import tpu_sc as plsc

_P = 3
_D = 27
_DP = 32
_B = 4
_NQ = 256
_G = 1468
_GP = 1472
_NGRP = _GP // 16
_NW = 32
_QPW = (_B * _NQ) // _NW

_CV = 3 * 48 * 48
_NSRC = 3 * _CV


def _cubic(t):
    a = -0.75
    at = jnp.abs(t)
    w1 = ((a + 2.0) * at - (a + 3.0)) * at * at + 1.0
    w2 = (((at - 5.0) * at + 8.0) * at - 4.0) * a
    return jnp.where(at <= 1.0, w1, jnp.where(at < 2.0, w2, 0.0))


def _resize1d(x, out_size, axis):
    in_size = x.shape[axis]
    o = jnp.arange(out_size, dtype=jnp.float32)
    src = o * ((in_size - 1) / (out_size - 1))
    i0 = jnp.floor(src).astype(jnp.int32)
    ts = src - i0.astype(jnp.float32)
    offs = jnp.arange(-1, 3)
    idx = jnp.clip(i0[:, None] + offs[None, :], 0, in_size - 1)
    w = _cubic(ts[:, None] - offs[None, :].astype(jnp.float32))
    xm = jnp.moveaxis(x, axis, -1)
    g = xm[..., idx]
    res = jnp.sum(g * w, axis=-1)
    return jnp.moveaxis(res, -1, axis)


def _resize(x, scale):
    _, _, h, w = x.shape
    x = _resize1d(x, int(round(h * scale)), 2)
    x = _resize1d(x, int(round(w * scale)), 3)
    return x


def _base_addrs():
    sizes = [(0, 48), (_CV, 24), (2 * _CV, 12)]
    rows = []

    def piece(base, s, i, j):
        n = (s - _P) // _P if (i or j) else s // _P
        for bi in range(n):
            for bj in range(n):
                rows.append(base + (i + bi * _P) * 48 + j + bj * _P)

    for i in range(1, _P):
        for j in range(1, _P):
            for base, s in sizes:
                piece(base, s, i, j)
    for base, s in sizes:
        piece(base, s, 0, 0)
    assert len(rows) == _G
    rows.extend([2 * _CV + 45 * 48 + 45] * (_GP - _G))
    return np.asarray(rows, np.int32)


_OFF = [c * 2304 + pi * 48 + pj
        for c in range(3) for pi in range(_P) for pj in range(_P)]
_BA = _base_addrs()


def _pad16(v):
    v = list(v)
    return [v[:16], v[16:] + [v[26]] * (_DP - _D)]


_OFFS = np.asarray(
    _pad16(_OFF)
    + _pad16([d // 9 for d in range(_D)])
    + _pad16([(d % 9) // 3 for d in range(_D)])
    + _pad16([d % 3 for d in range(_D)]),
    np.int32)


def _sc_nn_kernel(src_hbm, inp_hbm, ba_hbm, offs_hbm,
                  sel_hbm, loss_hbm,
                  src_v, inp_v, ba_v, offs_v,
                  gc_v, t_v, i_v, img_v, loss_v):
    nc = 2
    wid = lax.axis_index("s") * nc + lax.axis_index("c")
    b = wid // (_NQ // _QPW)
    qbase = (wid % (_NQ // _QPW)) * _QPW

    pltpu.sync_copy(src_hbm.at[b], src_v)
    pltpu.sync_copy(inp_hbm.at[b], inp_v)
    pltpu.sync_copy(ba_hbm, ba_v)
    pltpu.sync_copy(offs_hbm, offs_v)

    lanes = lax.iota(jnp.int32, 16)
    dmask = lanes < (_D - 16)
    orows = [offs_v[k, :] for k in range(8)]

    def stage_q(qi, c):
        q = qbase + qi
        av = lax.broadcast(144 * (q // 16) + 3 * (q % 16), (16,))
        ia = av + orows[0]
        ib = av + orows[1]
        t_v[qi, pl.ds(0, 16)] = plsc.load_gather(src_v, [ia])
        t_v[qi, pl.ds(16, 16)] = plsc.load_gather(src_v, [ib])
        i_v[qi, pl.ds(0, 16)] = plsc.load_gather(inp_v, [ia])
        i_v[qi, pl.ds(16, 16)] = jnp.where(
            dmask, plsc.load_gather(inp_v, [ib]), 0.0)
        return c

    lax.fori_loop(0, _QPW, stage_q, 0)

    def stage_g(gi, c):
        base = gi * 16
        av = ba_v[pl.ds(base, 16)]
        for d in range(_D):
            gc_v[d, pl.ds(base, 16)] = plsc.load_gather(src_v, [av + _OFF[d]])
        return c

    lax.fori_loop(0, _NGRP, stage_g, 0)

    def msp_of(qi):
        t_a = t_v[qi, pl.ds(0, 16)]
        t_b = t_v[qi, pl.ds(16, 16)]
        i_a = i_v[qi, pl.ds(0, 16)]
        i_b = i_v[qi, pl.ds(16, 16)]
        m_a = (t_a + i_a) * 0.5
        m_b = (t_b + i_b) * 0.5
        msp = []
        for d in range(_D):
            ms = m_a[d] if d < 16 else m_b[d - 16]
            msp.append(lax.broadcast(ms, (16,)))
        return msp, i_a, i_b

    def select_q(qi, cstar, i_a, i_b, lossacc):
        av = plsc.load_gather(ba_v, [lax.broadcast(cstar, (16,))])
        sela = plsc.load_gather(src_v, [av + orows[0]])
        selb = jnp.where(dmask, plsc.load_gather(src_v, [av + orows[1]]), 0.0)
        rowb = lax.broadcast(3 * (qi // 16), (16,))
        colb = lax.broadcast(3 * (qi % 16), (16,))
        plsc.store_scatter(
            img_v, [orows[2], rowb + orows[4], colb + orows[6]], sela)
        plsc.store_scatter(
            img_v, [orows[3], rowb + orows[5], colb + orows[7]],
            selb, mask=dmask)
        return (lossacc + jnp.abs(i_a - sela)) + jnp.abs(i_b - selb)

    def q_body(qp, lossacc):
        q1 = 2 * qp
        q2 = q1 + 1
        msp1, ia1, ib1 = msp_of(q1)
        msp2, ia2, ib2 = msp_of(q2)

        def g_body(gh, carry):
            mv1, mg1, mv2, mg2 = carry
            for sub in range(4):
                gi = gh * 4 + sub
                a1 = [jnp.zeros((16,), jnp.float32) for _ in range(4)]
                a2 = [jnp.zeros((16,), jnp.float32) for _ in range(4)]
                base = gi * 16
                for d in range(_D):
                    gv = gc_v[d, pl.ds(base, 16)]
                    df1 = msp1[d] - gv
                    a1[d % 4] = a1[d % 4] + df1 * df1
                    df2 = msp2[d] - gv
                    a2[d % 4] = a2[d % 4] + df2 * df2
                s1 = (a1[0] + a1[1]) + (a1[2] + a1[3])
                s2 = (a2[0] + a2[1]) + (a2[2] + a2[3])
                gb = lax.broadcast(gi, (16,))
                b1 = s1 < mv1
                mv1 = jnp.where(b1, s1, mv1)
                mg1 = jnp.where(b1, gb, mg1)
                b2 = s2 < mv2
                mv2 = jnp.where(b2, s2, mv2)
                mg2 = jnp.where(b2, gb, mg2)
            return mv1, mg1, mv2, mg2

        mv0 = jnp.full((16,), 3.0e38, jnp.float32)
        mg0 = jnp.zeros((16,), jnp.int32)
        mv1, mg1, mv2, mg2 = lax.fori_loop(
            0, _NGRP // 4, g_body, (mv0, mg0, mv0, mg0))

        def argmin_of(mv, mg):
            gmin = jnp.min(mv)
            cand = mg * 16 + lanes
            masked = jnp.where(mv == gmin, cand, jnp.int32(2**30))
            return jnp.min(masked)

        lossacc = select_q(q1, argmin_of(mv1, mg1), ia1, ib1, lossacc)
        return select_q(q2, argmin_of(mv2, mg2), ia2, ib2, lossacc)

    lossacc = lax.fori_loop(0, _QPW // 2, q_body,
                            jnp.zeros((16,), jnp.float32))
    loss_v[...] = lossacc
    pltpu.sync_copy(img_v, sel_hbm.at[b, wid % (_NQ // _QPW)])
    pltpu.sync_copy(loss_v, loss_hbm.at[wid])


def kernel(inp, tar):
    x2 = jnp.pad(_resize(tar, 0.5), ((0, 0), (0, 0), (0, 24), (0, 24)),
                 constant_values=1e9)
    x4 = jnp.pad(_resize(tar, 0.25), ((0, 0), (0, 0), (0, 36), (0, 36)),
                 constant_values=1e9)
    src = jnp.concatenate(
        [tar.reshape(_B, -1), x2.reshape(_B, -1), x4.reshape(_B, -1)],
        axis=1)
    inpf = inp.reshape(_B, -1)

    mesh = plsc.VectorSubcoreMesh(core_axis_name="c", subcore_axis_name="s")
    sel, lossp = pl.kernel(
        _sc_nn_kernel,
        mesh=mesh,
        compiler_params=pltpu.CompilerParams(
            needs_layout_passes=False, use_tc_tiling_on_sc=False),
        out_type=[
            jax.ShapeDtypeStruct((_B, 8, 3, 6, 48), jnp.float32),
            jax.ShapeDtypeStruct((_NW, 16), jnp.float32),
        ],
        scratch_types=[
            pltpu.VMEM((_NSRC,), jnp.float32),
            pltpu.VMEM((_CV,), jnp.float32),
            pltpu.VMEM((_GP,), jnp.int32),
            pltpu.VMEM((8, 16), jnp.int32),
            pltpu.VMEM((_D, _GP), jnp.float32),
            pltpu.VMEM((_QPW, _DP), jnp.float32),
            pltpu.VMEM((_QPW, _DP), jnp.float32),
            pltpu.VMEM((3, 6, 48), jnp.float32),
            pltpu.VMEM((16,), jnp.float32),
        ],
    )(src, inpf, jnp.asarray(_BA), jnp.asarray(_OFFS))

    sel_img = jnp.transpose(sel, (0, 2, 1, 3, 4)).reshape(_B, 3, 48, 48)
    loss = lossp.sum() / (_B * _NQ * _D)
    return loss, sel_img

# --- scband reference (transcript-rebuilt; emitter-appended) ---
"""Pipeline reference for scband-bb-loss-80298708566608 (READ-ONLY COPY).

The authoritative reference and input builder live on the scoring server;
editing this copy changes nothing except your own understanding.
"""

import jax, jax.numpy as jnp
import numpy as np

PATCH = 3
ALPHA = 0.5

def cubic_kernel(t):
    a = -0.75
    at = jnp.abs(t)
    w1 = ((a + 2.0) * at - (a + 3.0)) * at * at + 1.0
    w2 = (((at - 5.0) * at + 8.0) * at - 4.0) * a
    return jnp.where(at <= 1.0, w1, jnp.where(at < 2.0, w2, 0.0))

def resize1d_bicubic_ac(x, out_size, axis):
    in_size = x.shape[axis]
    o = jnp.arange(out_size, dtype=jnp.float32)
    src = o * ((in_size - 1) / (out_size - 1))
    i0 = jnp.floor(src).astype(jnp.int32)
    ts = src - i0.astype(jnp.float32)
    offs = jnp.arange(-1, 3)
    idx = jnp.clip(i0[:, None] + offs[None, :], 0, in_size - 1)
    w = cubic_kernel(ts[:, None] - offs[None, :].astype(jnp.float32))
    xm = jnp.moveaxis(x, axis, -1)
    g = xm[..., idx]
    res = jnp.sum(g * w, axis=-1)
    return jnp.moveaxis(res, -1, axis)

def resize_bicubic_ac(x, scale):
    B, C, H, W = x.shape
    x = resize1d_bicubic_ac(x, int(round(H * scale)), 2)
    x = resize1d_bicubic_ac(x, int(round(W * scale)), 3)
    return x

def unfold(x, p=PATCH):
    B, C, H, W = x.shape
    nh, nw = H // p, W // p
    x = x.reshape(B, C, nh, p, nw, p)
    x = jnp.transpose(x, (0, 2, 4, 1, 3, 5))
    return x.reshape(B, nh * nw, C, p, p)

def get_G_database(tar, p=PATCH):
    X2 = resize_bicubic_ac(tar, 0.5)
    X4 = resize_bicubic_ac(tar, 0.25)
    patches = []
    for i in range(1, p):
        for j in range(1, p):
            for X in (tar, X2, X4):
                if p < min(X.shape[3], X.shape[2]):
                    patches.append(unfold(X[:, :, i:-(p - i), j:-(p - j)]))
    patches.append(unfold(tar))
    patches.append(unfold(X2))
    patches.append(unfold(X4))
    return jnp.concatenate(patches, axis=1)

def patch_loss(m1, m2):
    d = m1[:, None] - m2[:, :, None]
    return jnp.sum(d * d, axis=(3, 4, 5))

def reassemble(t, H, W, p=PATCH):
    B, P, C, ph, pw = t.shape
    nh, nw = H // p, W // p
    t = t.reshape(B, nh, nw, C, ph, pw)
    t = jnp.transpose(t, (0, 3, 1, 4, 2, 5))
    return t.reshape(B, C, H, W)

def bb_loss_forward(inp, tar):
    H, W = tar.shape[2], tar.shape[3]
    inp_patch = unfold(inp)
    tar_patch = unfold(tar)
    g = get_G_database(tar)
    m1 = jax.lax.stop_gradient(tar_patch)
    m2 = jax.lax.stop_gradient(inp_patch)
    mg = jax.lax.stop_gradient(g)
    l1 = patch_loss(m1, mg)
    l2 = patch_loss(m2, mg)
    l = ALPHA * l1 + (1.0 - ALPHA) * l2
    index = jnp.argmin(l, axis=1)
    selected = jax.vmap(lambda gb, ib: gb[ib])(mg, index)
    selected = jax.lax.stop_gradient(selected)
    loss = jnp.abs(inp_patch - selected)
    loss_img = reassemble(loss, H, W)
    sel_img = reassemble(selected, H, W)
    return loss_img.mean(), sel_img

def setup_inputs(seed: int = 0):
    key = jax.random.key(seed)
    k1, k2 = jax.random.split(key)
    inp = jax.random.uniform(k1, (4, 3, 48, 48), dtype=jnp.float32)
    tar = jax.random.uniform(k2, (4, 3, 48, 48), dtype=jnp.float32)
    return {"inp": inp, "tar": tar}

def reference(inp, tar):
    return bb_loss_forward(inp, tar)

if __name__ == "__main__":
    import jax
    _d = setup_inputs()
    print(jax.jit(kernel)(*tuple(_d.values())))

</pallas_src>

<mosaic_0001>
#map = affine_map<(d0, d1) -> (0, 0)>
#map1 = affine_map<(d0, d1) -> (0)>
#map2 = affine_map<(d0, d1) -> (0, 0, 0, 0, 0)>
module attributes {stable_mosaic.version = 14 : i64} {
  func.func @_sc_nn_kernel(%arg0: i32, %arg1: i32, %arg2: memref<4x20736xf32, #tpu.memory_space<hbm>>, %arg3: memref<4x6912xf32, #tpu.memory_space<hbm>>, %arg4: memref<1472xi32, #tpu.memory_space<hbm>>, %arg5: memref<8x16xi32, #tpu.memory_space<hbm>>, %arg6: memref<4x8x3x6x48xf32, #tpu.memory_space<hbm>>, %arg7: memref<32x16xf32, #tpu.memory_space<hbm>>, %arg8: memref<20736xf32, #tpu.memory_space<vmem>>, %arg9: memref<6912xf32, #tpu.memory_space<vmem>>, %arg10: memref<1472xi32, #tpu.memory_space<vmem>>, %arg11: memref<8x16xi32, #tpu.memory_space<vmem>>, %arg12: memref<27x1472xf32, #tpu.memory_space<vmem>>, %arg13: memref<32x32xf32, #tpu.memory_space<vmem>>, %arg14: memref<32x32xf32, #tpu.memory_space<vmem>>, %arg15: memref<3x6x48xf32, #tpu.memory_space<vmem>>, %arg16: memref<16xf32, #tpu.memory_space<vmem>>) attributes {dimension_semantics = [#tpu.dimension_semantics<core_parallel>, #tpu.dimension_semantics<subcore_parallel>], iteration_bounds = array<i64: 2, 16>, scalar_prefetch = 0 : i64, scratch_operands = 9 : i64, tpu.core_type = #tpu.core_type<sc_vector_subcore>, window_params = [{transform_indices = #map}, {transform_indices = #map}, {transform_indices = #map1}, {transform_indices = #map}, {transform_indices = #map2}, {transform_indices = #map}]} {
    %mul3A = arith.constant 2 : i32
    %mul3A_0 = arith.muli %arg1, %mul3A : i32
    %add3A = arith.addi %mul3A_0, %arg0 : i32
    %jit3A = arith.constant 8 : i32
    %div3A = arith.divsi %add3A, %jit3A : i32
    %sign3A = arith.constant 0 : i32
    %sign3A_1 = arith.cmpi sgt, %add3A, %sign3A : i32
    %sign3A_2 = arith.extui %sign3A_1 : i1 to i32
    %sign3A_3 = arith.constant 0 : i32
    %sign3A_4 = arith.cmpi slt, %add3A, %sign3A_3 : i32
    %sign3A_5 = arith.extui %sign3A_4 : i1 to i32
    %sign3A_6 = arith.subi %sign3A_2, %sign3A_5 : i32
    %sign3A_7 = arith.constant 0 : i32
    %sign3A_8 = arith.cmpi sgt, %jit3A, %sign3A_7 : i32
    %sign3A_9 = arith.extui %sign3A_8 : i1 to i32
    %sign3A_10 = arith.constant 0 : i32
    %sign3A_11 = arith.cmpi slt, %jit3A, %sign3A_10 : i32
    %sign3A_12 = arith.extui %sign3A_11 : i1 to i32
    %sign3A_13 = arith.subi %sign3A_9, %sign3A_12 : i32
    %ne3A = arith.cmpi ne, %sign3A_6, %sign3A_13 : i32
    %rem3A = arith.remsi %add3A, %jit3A : i32
    %ne3A_14 = arith.constant 0 : i32
    %ne3A_15 = arith.cmpi ne, %rem3A, %ne3A_14 : i32
    %and3A = arith.andi %ne3A, %ne3A_15 : i1
    %sub3A = arith.constant 1 : i32
    %sub3A_16 = arith.subi %div3A, %sub3A : i32
    %select_n3A = arith.select %and3A, %sub3A_16, %div3A : i32
    %jit3A_17 = arith.constant 8 : i32
    %eq3A = arith.constant 0 : i32
    %eq3A_18 = arith.cmpi eq, %jit3A_17, %eq3A : i32
    %jit3A_19 = arith.constant 1 : i32
    %select_n3A_20 = arith.select %eq3A_18, %jit3A_19, %jit3A_17 : i32
    %rem3A_21 = arith.remsi %add3A, %select_n3A_20 : i32
    %ne3A_22 = arith.constant 0 : i32
    %ne3A_23 = arith.cmpi ne, %rem3A_21, %ne3A_22 : i32
    %lt3A = arith.constant 0 : i32
    %lt3A_24 = arith.cmpi slt, %rem3A_21, %lt3A : i32
    %lt3A_25 = arith.constant 0 : i32
    %lt3A_26 = arith.cmpi slt, %select_n3A_20, %lt3A_25 : i32
    %ne3A_27 = arith.xori %lt3A_24, %lt3A_26 : i1
    %and3A_28 = arith.andi %ne3A_27, %ne3A_23 : i1
    %add3A_29 = arith.addi %rem3A_21, %select_n3A_20 : i32
    %select_n3A_30 = arith.select %and3A_28, %add3A_29, %rem3A_21 : i32
    %mul3A_31 = arith.constant 32 : i32
    %mul3A_32 = arith.muli %select_n3A_30, %mul3A_31 : i32
    "tpu.region"() ({
      %run_scoped3A = tpu.sem_alloc : memref<!tpu.dma_semaphore, #tpu.memory_space<semaphore_mem>>
      %dma_start3A = arith.constant 0 : i32
      %dma_start3A_102 = tpu.memref_slice %arg2[%select_n3A, %dma_start3A] : memref<4x20736xf32, #tpu.memory_space<hbm>> -> memref<1x20736xf32, #tpu.memory_space<hbm>>
      %dma_start3A_103 = tpu.memref_squeeze %dma_start3A_102 : memref<1x20736xf32, #tpu.memory_space<hbm>> -> memref<20736xf32, #tpu.memory_space<hbm>>
      %dma_start3A_104 = arith.constant 0 : i32
      %dma_start3A_105 = tpu.memref_slice %arg2[%select_n3A, %dma_start3A_104] : memref<4x20736xf32, #tpu.memory_space<hbm>> -> memref<1x20736xf32, #tpu.memory_space<hbm>>
      %dma_start3A_106 = tpu.memref_squeeze %dma_start3A_105 : memref<1x20736xf32, #tpu.memory_space<hbm>> -> memref<20736xf32, #tpu.memory_space<hbm>>
      tpu.enqueue_dma source(%dma_start3A_106 : memref<20736xf32, #tpu.memory_space<hbm>>) target(%arg8 : memref<20736xf32, #tpu.memory_space<vmem>>) target_semaphore(%run_scoped3A : memref<!tpu.dma_semaphore, #tpu.memory_space<semaphore_mem>>)
      %dma_wait3A = arith.constant 0 : i32
      %dma_wait3A_107 = tpu.memref_slice %arg2[%select_n3A, %dma_wait3A] : memref<4x20736xf32, #tpu.memory_space<hbm>> -> memref<1x20736xf32, #tpu.memory_space<hbm>>
      %dma_wait3A_108 = tpu.memref_squeeze %dma_wait3A_107 : memref<1x20736xf32, #tpu.memory_space<hbm>> -> memref<20736xf32, #tpu.memory_space<hbm>>
      %dma_wait3A_109 = arith.constant 0 : i32
      %dma_wait3A_110 = tpu.memref_slice %arg2[%select_n3A, %dma_wait3A_109] : memref<4x20736xf32, #tpu.memory_space<hbm>> -> memref<1x20736xf32, #tpu.memory_space<hbm>>
      %dma_wait3A_111 = tpu.memref_squeeze %dma_wait3A_110 : memref<1x20736xf32, #tpu.memory_space<hbm>> -> memref<20736xf32, #tpu.memory_space<hbm>>
      tpu.wait_dma2 semaphore(%run_scoped3A : memref<!tpu.dma_semaphore, #tpu.memory_space<semaphore_mem>>) src(%dma_wait3A_111 : memref<20736xf32, #tpu.memory_space<hbm>>) dst(%arg8 : memref<20736xf32, #tpu.memory_space<vmem>>)
      tpu.yield
    }) : () -> ()
    "tpu.region"() ({
      %run_scoped3A = tpu.sem_alloc : memref<!tpu.dma_semaphore, #tpu.memory_space<semaphore_mem>>
      %dma_start3A = arith.constant 0 : i32
      %dma_start3A_102 = tpu.memref_slice %arg3[%select_n3A, %dma_start3A] : memref<4x6912xf32, #tpu.memory_space<hbm>> -> memref<1x6912xf32, #tpu.memory_space<hbm>>
      %dma_start3A_103 = tpu.memref_squeeze %dma_start3A_102 : memref<1x6912xf32, #tpu.memory_space<hbm>> -> memref<6912xf32, #tpu.memory_space<hbm>>
      %dma_start3A_104 = arith.constant 0 : i32
      %dma_start3A_105 = tpu.memref_slice %arg3[%select_n3A, %dma_start3A_104] : memref<4x6912xf32, #tpu.memory_space<hbm>> -> memref<1x6912xf32, #tpu.memory_space<hbm>>
      %dma_start3A_106 = tpu.memref_squeeze %dma_start3A_105 : memref<1x6912xf32, #tpu.memory_space<hbm>> -> memref<6912xf32, #tpu.memory_space<hbm>>
      tpu.enqueue_dma source(%dma_start3A_106 : memref<6912xf32, #tpu.memory_space<hbm>>) target(%arg9 : memref<6912xf32, #tpu.memory_space<vmem>>) target_semaphore(%run_scoped3A : memref<!tpu.dma_semaphore, #tpu.memory_space<semaphore_mem>>)
      %dma_wait3A = arith.constant 0 : i32
      %dma_wait3A_107 = tpu.memref_slice %arg3[%select_n3A, %dma_wait3A] : memref<4x6912xf32, #tpu.memory_space<hbm>> -> memref<1x6912xf32, #tpu.memory_space<hbm>>
      %dma_wait3A_108 = tpu.memref_squeeze %dma_wait3A_107 : memref<1x6912xf32, #tpu.memory_space<hbm>> -> memref<6912xf32, #tpu.memory_space<hbm>>
      %dma_wait3A_109 = arith.constant 0 : i32
      %dma_wait3A_110 = tpu.memref_slice %arg3[%select_n3A, %dma_wait3A_109] : memref<4x6912xf32, #tpu.memory_space<hbm>> -> memref<1x6912xf32, #tpu.memory_space<hbm>>
      %dma_wait3A_111 = tpu.memref_squeeze %dma_wait3A_110 : memref<1x6912xf32, #tpu.memory_space<hbm>> -> memref<6912xf32, #tpu.memory_space<hbm>>
      tpu.wait_dma2 semaphore(%run_scoped3A : memref<!tpu.dma_semaphore, #tpu.memory_space<semaphore_mem>>) src(%dma_wait3A_111 : memref<6912xf32, #tpu.memory_space<hbm>>) dst(%arg9 : memref<6912xf32, #tpu.memory_space<vmem>>)
      tpu.yield
    }) : () -> ()
    "tpu.region"() ({
      %run_scoped3A = tpu.sem_alloc : memref<!tpu.dma_semaphore, #tpu.memory_space<semaphore_mem>>
      tpu.enqueue_dma source(%arg4 : memref<1472xi32, #tpu.memory_space<hbm>>) target(%arg10 : memref<1472xi32, #tpu.memory_space<vmem>>) target_semaphore(%run_scoped3A : memref<!tpu.dma_semaphore, #tpu.memory_space<semaphore_mem>>)
      tpu.wait_dma2 semaphore(%run_scoped3A : memref<!tpu.dma_semaphore, #tpu.memory_space<semaphore_mem>>) src(%arg4 : memref<1472xi32, #tpu.memory_space<hbm>>) dst(%arg10 : memref<1472xi32, #tpu.memory_space<vmem>>)
      tpu.yield
    }) : () -> ()
    "tpu.region"() ({
      %run_scoped3A = tpu.sem_alloc : memref<!tpu.dma_semaphore, #tpu.memory_space<semaphore_mem>>
      tpu.enqueue_dma source(%arg5 : memref<8x16xi32, #tpu.memory_space<hbm>>) target(%arg11 : memref<8x16xi32, #tpu.memory_space<vmem>>) target_semaphore(%run_scoped3A : memref<!tpu.dma_semaphore, #tpu.memory_space<semaphore_mem>>)
      tpu.wait_dma2 semaphore(%run_scoped3A : memref<!tpu.dma_semaphore, #tpu.memory_space<semaphore_mem>>) src(%arg5 : memref<8x16xi32, #tpu.memory_space<hbm>>) dst(%arg11 : memref<8x16xi32, #tpu.memory_space<vmem>>)
      tpu.yield
    }) : () -> ()
    %iota3A = tpu.iota {dimensions = array<i32: 0>} : vector<16xi32>
    %lt3A_33 = arith.constant 11 : i32
    %lt3A_34 = vector.broadcast %lt3A_33 : i32 to vector<16xi32>
    %lt3A_35 = arith.cmpi slt, %iota3A, %lt3A_34 : vector<16xi32>
    %get3A = arith.constant 0 : i32
    %get3A_36 = arith.index_cast %get3A : i32 to index
    %get3A_37 = arith.constant 0 : index
    %get3A_38 = tpu.vector_load %arg11[%get3A_36, %get3A_37] {strides = array<i32>} : memref<8x16xi32, #tpu.memory_space<vmem>>, vector<16xi32>,
    %get3A_39 = arith.constant 1 : i32
    %get3A_40 = arith.index_cast %get3A_39 : i32 to index
    %get3A_41 = arith.constant 0 : index
    %get3A_42 = tpu.vector_load %arg11[%get3A_40, %get3A_41] {strides = array<i32>} : memref<8x16xi32, #tpu.memory_space<vmem>>, vector<16xi32>,
    %get3A_43 = arith.constant 2 : i32
    %get3A_44 = arith.index_cast %get3A_43 : i32 to index
    %get3A_45 = arith.constant 0 : index
    %get3A_46 = tpu.vector_load %arg11[%get3A_44, %get3A_45] {strides = array<i32>} : memref<8x16xi32, #tpu.memory_space<vmem>>, vector<16xi32>,
    %get3A_47 = arith.constant 3 : i32
    %get3A_48 = arith.index_cast %get3A_47 : i32 to index
    %get3A_49 = arith.constant 0 : index
    %get3A_50 = tpu.vector_load %arg11[%get3A_48, %get3A_49] {strides = array<i32>} : memref<8x16xi32, #tpu.memory_space<vmem>>, vector<16xi32>,
    %get3A_51 = arith.constant 4 : i32
    %get3A_52 = arith.index_cast %get3A_51 : i32 to index
    %get3A_53 = arith.constant 0 : index
    %get3A_54 = tpu.vector_load %arg11[%get3A_52, %get3A_53] {strides = array<i32>} : memref<8x16xi32, #tpu.memory_space<vmem>>, vector<16xi32>,
    %get3A_55 = arith.constant 5 : i32
    %get3A_56 = arith.index_cast %get3A_55 : i32 to index
    %get3A_57 = arith.constant 0 : index
    %get3A_58 = tpu.vector_load %arg11[%get3A_56, %get3A_57] {strides = array<i32>} : memref<8x16xi32, #tpu.memory_space<vmem>>, vector<16xi32>,
    %get3A_59 = arith.constant 6 : i32
    %get3A_60 = arith.index_cast %get3A_59 : i32 to index
    %get3A_61 = arith.constant 0 : index
    %get3A_62 = tpu.vector_load %arg11[%get3A_60, %get3A_61] {strides = array<i32>} : memref<8x16xi32, #tpu.memory_space<vmem>>, vector<16xi32>,
    %get3A_63 = arith.constant 7 : i32
    %get3A_64 = arith.index_cast %get3A_63 : i32 to index
    %get3A_65 = arith.constant 0 : index
    %get3A_66 = tpu.vector_load %arg11[%get3A_64, %get3A_65] {strides = array<i32>} : memref<8x16xi32, #tpu.memory_space<vmem>>, vector<16xi32>,
    %scan3A = arith.constant 0 : i32
    %scan3A_67 = arith.constant 0 : i32
    %scan3A_68 = arith.constant 32 : i32
    %scan3A_69 = arith.addi %scan3A_67, %scan3A_68 : i32
    %scan3A_70 = arith.constant 1 : i32
    scf.for %scan3A_102 = %scan3A_67 to %scan3A_69 step %scan3A_70  : i32 {
      %add3A_103 = arith.addi %mul3A_32, %scan3A_102 : i32
      %jit3A_104 = arith.constant 16 : i32
      %div3A_105 = arith.divsi %add3A_103, %jit3A_104 : i32
      %sign3A_106 = arith.constant 0 : i32
      %sign3A_107 = arith.cmpi sgt, %add3A_103, %sign3A_106 : i32
      %sign3A_108 = arith.extui %sign3A_107 : i1 to i32
      %sign3A_109 = arith.constant 0 : i32
      %sign3A_110 = arith.cmpi slt, %add3A_103, %sign3A_109 : i32
      %sign3A_111 = arith.extui %sign3A_110 : i1 to i32
      %sign3A_112 = arith.subi %sign3A_108, %sign3A_111 : i32
      %sign3A_113 = arith.constant 0 : i32
      %sign3A_114 = arith.cmpi sgt, %jit3A_104, %sign3A_113 : i32
      %sign3A_115 = arith.extui %sign3A_114 : i1 to i32
      %sign3A_116 = arith.constant 0 : i32
      %sign3A_117 = arith.cmpi slt, %jit3A_104, %sign3A_116 : i32
      %sign3A_118 = arith.extui %sign3A_117 : i1 to i32
      %sign3A_119 = arith.subi %sign3A_115, %sign3A_118 : i32
      %ne3A_120 = arith.cmpi ne, %sign3A_112, %sign3A_119 : i32
      %rem3A_121 = arith.remsi %add3A_103, %jit3A_104 : i32
      %ne3A_122 = arith.constant 0 : i32
      %ne3A_123 = arith.cmpi ne, %rem3A_121, %ne3A_122 : i32
      %and3A_124 = arith.andi %ne3A_120, %ne3A_123 : i1
      %sub3A_125 = arith.constant 1 : i32
      %sub3A_126 = arith.subi %div3A_105, %sub3A_125 : i32
      %select_n3A_127 = arith.select %and3A_124, %sub3A_126, %div3A_105 : i32
      %mul3A_128 = arith.constant 144 : i32
      %mul3A_129 = arith.muli %mul3A_128, %select_n3A_127 : i32
      %jit3A_130 = arith.constant 16 : i32
      %eq3A_131 = arith.constant 0 : i32
      %eq3A_132 = arith.cmpi eq, %jit3A_130, %eq3A_131 : i32
      %jit3A_133 = arith.constant 1 : i32
      %select_n3A_134 = arith.select %eq3A_132, %jit3A_133, %jit3A_130 : i32
      %rem3A_135 = arith.remsi %add3A_103, %select_n3A_134 : i32
      %ne3A_136 = arith.constant 0 : i32
      %ne3A_137 = arith.cmpi ne, %rem3A_135, %ne3A_136 : i32
      %lt3A_138 = arith.constant 0 : i32
      %lt3A_139 = arith.cmpi slt, %rem3A_135, %lt3A_138 : i32
      %lt3A_140 = arith.constant 0 : i32
      %lt3A_141 = arith.cmpi slt, %select_n3A_134, %lt3A_140 : i32
      %ne3A_142 = arith.xori %lt3A_139, %lt3A_141 : i1
      %and3A_143 = arith.andi %ne3A_142, %ne3A_137 : i1
      %add3A_144 = arith.addi %rem3A_135, %select_n3A_134 : i32
      %select_n3A_145 = arith.select %and3A_143, %add3A_144, %rem3A_135 : i32
      %mul3A_146 = arith.constant 3 : i32
      %mul3A_147 = arith.muli %mul3A_146, %select_n3A_145 : i32
      %add3A_148 = arith.addi %mul3A_129, %mul3A_147 : i32
      %broadcast_in_dim3A_149 = vector.broadcast %add3A_148 : i32 to vector<16xi32>
      %add3A_150 = arith.addi %broadcast_in_dim3A_149, %get3A_38 : vector<16xi32>
      %add3A_151 = arith.addi %broadcast_in_dim3A_149, %get3A_42 : vector<16xi32>
      %gather3A = tpu.vector_load_idx %arg8[%add3A_150] : memref<20736xf32, #tpu.memory_space<vmem>>[vector<16xi32>], vector<16xf32>,
      %swap3A_152 = arith.index_cast %scan3A_102 : i32 to index
      %swap3A_153 = arith.constant 0 : index
      %swap3A_154 = tpu.vector_load %arg13[%swap3A_152, %swap3A_153] {strides = array<i32>} : memref<32x32xf32, #tpu.memory_space<vmem>>, vector<16xf32>,
      tpu.vector_store %arg13[%swap3A_152, %swap3A_153], %gather3A {strides = array<i32>} : memref<32x32xf32, #tpu.memory_space<vmem>>, vector<16xf32>,
      %gather3A_155 = tpu.vector_load_idx %arg8[%add3A_151] : memref<20736xf32, #tpu.memory_space<vmem>>[vector<16xi32>], vector<16xf32>,
      %swap3A_156 = arith.index_cast %scan3A_102 : i32 to index
      %swap3A_157 = arith.constant 16 : index
      %swap3A_158 = tpu.vector_load %arg13[%swap3A_156, %swap3A_157] {strides = array<i32>} : memref<32x32xf32, #tpu.memory_space<vmem>>, vector<16xf32>,
      tpu.vector_store %arg13[%swap3A_156, %swap3A_157], %gather3A_155 {strides = array<i32>} : memref<32x32xf32, #tpu.memory_space<vmem>>, vector<16xf32>,
      %gather3A_159 = tpu.vector_load_idx %arg9[%add3A_150] : memref<6912xf32, #tpu.memory_space<vmem>>[vector<16xi32>], vector<16xf32>,
      %swap3A_160 = arith.index_cast %scan3A_102 : i32 to index
      %swap3A_161 = arith.constant 0 : index
      %swap3A_162 = tpu.vector_load %arg14[%swap3A_160, %swap3A_161] {strides = array<i32>} : memref<32x32xf32, #tpu.memory_space<vmem>>, vector<16xf32>,
      tpu.vector_store %arg14[%swap3A_160, %swap3A_161], %gather3A_159 {strides = array<i32>} : memref<32x32xf32, #tpu.memory_space<vmem>>, vector<16xf32>,
      %gather3A_163 = tpu.vector_load_idx %arg9[%add3A_151] : memref<6912xf32, #tpu.memory_space<vmem>>[vector<16xi32>], vector<16xf32>,
      %jit3A_164 = arith.constant 0.000000e+00 : f32
      %broadcast_in_dim3A_165 = vector.broadcast %jit3A_164 : f32 to vector<16xf32>
      %select_n3A_166 = arith.select %lt3A_35, %gather3A_163, %broadcast_in_dim3A_165 : vector<16xi1>, vector<16xf32>
      %swap3A_167 = arith.index_cast %scan3A_102 : i32 to index
      %swap3A_168 = arith.constant 16 : index
      %swap3A_169 = tpu.vector_load %arg14[%swap3A_167, %swap3A_168] {strides = array<i32>} : memref<32x32xf32, #tpu.memory_space<vmem>>, vector<16xf32>,
      tpu.vector_store %arg14[%swap3A_167, %swap3A_168], %select_n3A_166 {strides = array<i32>} : memref<32x32xf32, #tpu.memory_space<vmem>>, vector<16xf32>,
    }
    %scan3A_71 = arith.constant 32 : i32
    %scan3A_72 = arith.constant 0 : i32
    %scan3A_73 = arith.constant 0 : i32
    %scan3A_74 = arith.constant 92 : i32
    %scan3A_75 = arith.addi %scan3A_73, %scan3A_74 : i32
    %scan3A_76 = arith.constant 1 : i32
    scf.for %scan3A_102 = %scan3A_73 to %scan3A_75 step %scan3A_76  : i32 {
      %mul3A_103 = arith.constant 16 : i32
      %mul3A_104 = arith.muli %scan3A_102, %mul3A_103 : i32
      %get3A_105 = arith.index_cast %mul3A_104 : i32 to index
      %get3A_106 = tpu.vector_load %arg10[%get3A_105] {strides = array<i32>} : memref<1472xi32, #tpu.memory_space<vmem>>, vector<16xi32>,
      %add3A_107 = arith.constant 0 : i32
      %add3A_108 = vector.broadcast %add3A_107 : i32 to vector<16xi32>
      %add3A_109 = arith.addi %get3A_106, %add3A_108 : vector<16xi32>
      %gather3A = tpu.vector_load_idx %arg8[%add3A_109] : memref<20736xf32, #tpu.memory_space<vmem>>[vector<16xi32>], vector<16xf32>,
      %swap3A_110 = arith.constant 0 : i32
      %swap3A_111 = arith.index_cast %swap3A_110 : i32 to index
      %swap3A_112 = arith.index_cast %mul3A_104 : i32 to index
      %swap3A_113 = tpu.vector_load %arg12[%swap3A_111, %swap3A_112] {strides = array<i32>} : memref<27x1472xf32, #tpu.memory_space<vmem>>, vector<16xf32>,
      tpu.vector_store %arg12[%swap3A_111, %swap3A_112], %gather3A {strides = array<i32>} : memref<27x1472xf32, #tpu.memory_space<vmem>>, vector<16xf32>,
      %add3A_114 = arith.constant 1 : i32
      %add3A_115 = vector.broadcast %add3A_114 : i32 to vector<16xi32>
      %add3A_116 = arith.addi %get3A_106, %add3A_115 : vector<16xi32>
      %gather3A_117 = tpu.vector_load_idx %arg8[%add3A_116] : memref<20736xf32, #tpu.memory_space<vmem>>[vector<16xi32>], vector<16xf32>,
      %swap3A_118 = arith.constant 1 : i32
      %swap3A_119 = arith.index_cast %swap3A_118 : i32 to index
      %swap3A_120 = arith.index_cast %mul3A_104 : i32 to index
      %swap3A_121 = tpu.vector_load %arg12[%swap3A_119, %swap3A_120] {strides = array<i32>} : memref<27x1472xf32, #tpu.memory_space<vmem>>, vector<16xf32>,
      tpu.vector_store %arg12[%swap3A_119, %swap3A_120], %gather3A_117 {strides = array<i32>} : memref<27x1472xf32, #tpu.memory_space<vmem>>, vector<16xf32>,
      %add3A_122 = arith.constant 2 : i32
      %add3A_123 = vector.broadcast %add3A_122 : i32 to vector<16xi32>
      %add3A_124 = arith.addi %get3A_106, %add3A_123 : vector<16xi32>
      %gather3A_125 = tpu.vector_load_idx %arg8[%add3A_124] : memref<20736xf32, #tpu.memory_space<vmem>>[vector<16xi32>], vector<16xf32>,
      %swap3A_126 = arith.constant 2 : i32
      %swap3A_127 = arith.index_cast %swap3A_126 : i32 to index
      %swap3A_128 = arith.index_cast %mul3A_104 : i32 to index
      %swap3A_129 = tpu.vector_load %arg12[%swap3A_127, %swap3A_128] {strides = array<i32>} : memref<27x1472xf32, #tpu.memory_space<vmem>>, vector<16xf32>,
      tpu.vector_store %arg12[%swap3A_127, %swap3A_128], %gather3A_125 {strides = array<i32>} : memref<27x1472xf32, #tpu.memory_space<vmem>>, vector<16xf32>,
      %add3A_130 = arith.constant 48 : i32
      %add3A_131 = vector.broadcast %add3A_130 : i32 to vector<16xi32>
      %add3A_132 = arith.addi %get3A_106, %add3A_131 : vector<16xi32>
      %gather3A_133 = tpu.vector_load_idx %arg8[%add3A_132] : memref<20736xf32, #tpu.memory_space<vmem>>[vector<16xi32>], vector<16xf32>,
      %swap3A_134 = arith.constant 3 : i32
      %swap3A_135 = arith.index_cast %swap3A_134 : i32 to index
      %swap3A_136 = arith.index_cast %mul3A_104 : i32 to index
      %swap3A_137 = tpu.vector_load %arg12[%swap3A_135, %swap3A_136] {strides = array<i32>} : memref<27x1472xf32, #tpu.memory_space<vmem>>, vector<16xf32>,
      tpu.vector_store %arg12[%swap3A_135, %swap3A_136], %gather3A_133 {strides = array<i32>} : memref<27x1472xf32, #tpu.memory_space<vmem>>, vector<16xf32>,
      %add3A_138 = arith.constant 49 : i32
      %add3A_139 = vector.broadcast %add3A_138 : i32 to vector<16xi32>
      %add3A_140 = arith.addi %get3A_106, %add3A_139 : vector<16xi32>
      %gather3A_141 = tpu.vector_load_idx %arg8[%add3A_140] : memref<20736xf32, #tpu.memory_space<vmem>>[vector<16xi32>], vector<16xf32>,
      %swap3A_142 = arith.constant 4 : i32
      %swap3A_143 = arith.index_cast %swap3A_142 : i32 to index
      %swap3A_144 = arith.index_cast %mul3A_104 : i32 to index
      %swap3A_145 = tpu.vector_load %arg12[%swap3A_143, %swap3A_144] {strides = array<i32>} : memref<27x1472xf32, #tpu.memory_space<vmem>>, vector<16xf32>,
      tpu.vector_store %arg12[%swap3A_143, %swap3A_144], %gather3A_141 {strides = array<i32>} : memref<27x1472xf32, #tpu.memory_space<vmem>>, vector<16xf32>,
      %add3A_146 = arith.constant 50 : i32
      %add3A_147 = vector.broadcast %add3A_146 : i32 to vector<16xi32>
      %add3A_148 = arith.addi %get3A_106, %add3A_147 : vector<16xi32>
      %gather3A_149 = tpu.vector_load_idx %arg8[%add3A_148] : memref<20736xf32, #tpu.memory_space<vmem>>[vector<16xi32>], vector<16xf32>,
      %swap3A_150 = arith.constant 5 : i32
      %swap3A_151 = arith.index_cast %swap3A_150 : i32 to index
      %swap3A_152 = arith.index_cast %mul3A_104 : i32 to index
      %swap3A_153 = tpu.vector_load %arg12[%swap3A_151, %swap3A_152] {strides = array<i32>} : memref<27x1472xf32, #tpu.memory_space<vmem>>, vector<16xf32>,
      tpu.vector_store %arg12[%swap3A_151, %swap3A_152], %gather3A_149 {strides = array<i32>} : memref<27x1472xf32, #tpu.memory_space<vmem>>, vector<16xf32>,
      %add3A_154 = arith.constant 96 : i32
      %add3A_155 = vector.broadcast %add3A_154 : i32 to vector<16xi32>
      %add3A_156 = arith.addi %get3A_106, %add3A_155 : vector<16xi32>
      %gather3A_157 = tpu.vector_load_idx %arg8[%add3A_156] : memref<20736xf32, #tpu.memory_space<vmem>>[vector<16xi32>], vector<16xf32>,
      %swap3A_158 = arith.constant 6 : i32
      %swap3A_159 = arith.index_cast %swap3A_158 : i32 to index
      %swap3A_160 = arith.index_cast %mul3A_104 : i32 to index
      %swap3A_161 = tpu.vector_load %arg12[%swap3A_159, %swap3A_160] {strides = array<i32>} : memref<27x1472xf32, #tpu.memory_space<vmem>>, vector<16xf32>,
      tpu.vector_store %arg12[%swap3A_159, %swap3A_160], %gather3A_157 {strides = array<i32>} : memref<27x1472xf32, #tpu.memory_space<vmem>>, vector<16xf32>,
      %add3A_162 = arith.constant 97 : i32
      %add3A_163 = vector.broadcast %add3A_162 : i32 to vector<16xi32>
      %add3A_164 = arith.addi %get3A_106, %add3A_163 : vector<16xi32>
      %gather3A_165 = tpu.vector_load_idx %arg8[%add3A_164] : memref<20736xf32, #tpu.memory_space<vmem>>[vector<16xi32>], vector<16xf32>,
      %swap3A_166 = arith.constant 7 : i32
      %swap3A_167 = arith.index_cast %swap3A_166 : i32 to index
      %swap3A_168 = arith.index_cast %mul3A_104 : i32 to index
      %swap3A_169 = tpu.vector_load %arg12[%swap3A_167, %swap3A_168] {strides = array<i32>} : memref<27x1472xf32, #tpu.memory_space<vmem>>, vector<16xf32>,
      tpu.vector_store %arg12[%swap3A_167, %swap3A_168], %gather3A_165 {strides = array<i32>} : memref<27x1472xf32, #tpu.memory_space<vmem>>, vector<16xf32>,
      %add3A_170 = arith.constant 98 : i32
      %add3A_171 = vector.broadcast %add3A_170 : i32 to vector<16xi32>
      %add3A_172 = arith.addi %get3A_106, %add3A_171 : vector<16xi32>
      %gather3A_173 = tpu.vector_load_idx %arg8[%add3A_172] : memref<20736xf32, #tpu.memory_space<vmem>>[vector<16xi32>], vector<16xf32>,
      %swap3A_174 = arith.constant 8 : i32
      %swap3A_175 = arith.index_cast %swap3A_174 : i32 to index
      %swap3A_176 = arith.index_cast %mul3A_104 : i32 to index
      %swap3A_177 = tpu.vector_load %arg12[%swap3A_175, %swap3A_176] {strides = array<i32>} : memref<27x1472xf32, #tpu.memory_space<vmem>>, vector<16xf32>,
      tpu.vector_store %arg12[%swap3A_175, %swap3A_176], %gather3A_173 {strides = array<i32>} : memref<27x1472xf32, #tpu.memory_space<vmem>>, vector<16xf32>,
      %add3A_178 = arith.constant 2304 : i32
      %add3A_179 = vector.broadcast %add3A_178 : i32 to vector<16xi32>
      %add3A_180 = arith.addi %get3A_106, %add3A_179 : vector<16xi32>
      %gather3A_181 = tpu.vector_load_idx %arg8[%add3A_180] : memref<20736xf32, #tpu.memory_space<vmem>>[vector<16xi32>], vector<16xf32>,
      %swap3A_182 = arith.constant 9 : i32
      %swap3A_183 = arith.index_cast %swap3A_182 : i32 to index
      %swap3A_184 = arith.index_cast %mul3A_104 : i32 to index
      %swap3A_185 = tpu.vector_load %arg12[%swap3A_183, %swap3A_184] {strides = array<i32>} : memref<27x1472xf32, #tpu.memory_space<vmem>>, vector<16xf32>,
      tpu.vector_store %arg12[%swap3A_183, %swap3A_184], %gather3A_181 {strides = array<i32>} : memref<27x1472xf32, #tpu.memory_space<vmem>>, vector<16xf32>,
      %add3A_186 = arith.constant 2305 : i32
      %add3A_187 = vector.broadcast %add3A_186 : i32 to vector<16xi32>
      %add3A_188 = arith.addi %get3A_106, %add3A_187 : vector<16xi32>
      %gather3A_189 = tpu.vector_load_idx %arg8[%add3A_188] : memref<20736xf32, #tpu.memory_space<vmem>>[vector<16xi32>], vector<16xf32>,
      %swap3A_190 = arith.constant 10 : i32
      %swap3A_191 = arith.index_cast %swap3A_190 : i32 to index
      %swap3A_192 = arith.index_cast %mul3A_104 : i32 to index
      %swap3A_193 = tpu.vector_load %arg12[%swap3A_191, %swap3A_192] {strides = array<i32>} : memref<27x1472xf32, #tpu.memory_space<vmem>>, vector<16xf32>,
      tpu.vector_store %arg12[%swap3A_191, %swap3A_192], %gather3A_189 {strides = array<i32>} : memref<27x1472xf32, #tpu.memory_space<vmem>>, vector<16xf32>,
      %add3A_194 = arith.constant 2306 : i32
      %add3A_195 = vector.broadcast %add3A_194 : i32 to vector<16xi32>
      %add3A_196 = arith.addi %get3A_106, %add3A_195 : vector<16xi32>
      %gather3A_197 = tpu.vector_load_idx %arg8[%add3A_196] : memref<20736xf32, #tpu.memory_space<vmem>>[vector<16xi32>], vector<16xf32>,
      %swap3A_198 = arith.constant 11 : i32
      %swap3A_199 = arith.index_cast %swap3A_198 : i32 to index
      %swap3A_200 = arith.index_cast %mul3A_104 : i32 to index
      %swap3A_201 = tpu.vector_load %arg12[%swap3A_199, %swap3A_200] {strides = array<i32>} : memref<27x1472xf32, #tpu.memory_space<vmem>>, vector<16xf32>,
      tpu.vector_store %arg12[%swap3A_199, %swap3A_200], %gather3A_197 {strides = array<i32>} : memref<27x1472xf32, #tpu.memory_space<vmem>>, vector<16xf32>,
      %add3A_202 = arith.constant 2352 : i32
      %add3A_203 = vector.broadcast %add3A_202 : i32 to vector<16xi32>
      %add3A_204 = arith.addi %get3A_106, %add3A_203 : vector<16xi32>
      %gather3A_205 = tpu.vector_load_idx %arg8[%add3A_204] : memref<20736xf32, #tpu.memory_space<vmem>>[vector<16xi32>], vector<16xf32>,
      %swap3A_206 = arith.constant 12 : i32
      %swap3A_207 = arith.index_cast %swap3A_206 : i32 to index
      %swap3A_208 = arith.index_cast %mul3A_104 : i32 to index
      %swap3A_209 = tpu.vector_load %arg12[%swap3A_207, %swap3A_208] {strides = array<i32>} : memref<27x1472xf32, #tpu.memory_space<vmem>>, vector<16xf32>,
      tpu.vector_store %arg12[%swap3A_207, %swap3A_208], %gather3A_205 {strides = array<i32>} : memref<27x1472xf32, #tpu.memory_space<vmem>>, vector<16xf32>,
      %add3A_210 = arith.constant 2353 : i32
      %add3A_211 = vector.broadcast %add3A_210 : i32 to vector<16xi32>
      %add3A_212 = arith.addi %get3A_106, %add3A_211 : vector<16xi32>
      %gather3A_213 = tpu.vector_load_idx %arg8[%add3A_212] : memref<20736xf32, #tpu.memory_space<vmem>>[vector<16xi32>], vector<16xf32>,
      %swap3A_214 = arith.constant 13 : i32
      %swap3A_215 = arith.index_cast %swap3A_214 : i32 to index
      %swap3A_216 = arith.index_cast %mul3A_104 : i32 to index
      %swap3A_217 = tpu.vector_load %arg12[%swap3A_215, %swap3A_216] {strides = array<i32>} : memref<27x1472xf32, #tpu.memory_space<vmem>>, vector<16xf32>,
      tpu.vector_store %arg12[%swap3A_215, %swap3A_216], %gather3A_213 {strides = array<i32>} : memref<27x1472xf32, #tpu.memory_space<vmem>>, vector<16xf32>,
      %add3A_218 = arith.constant 2354 : i32
      %add3A_219 = vector.broadcast %add3A_218 : i32 to vector<16xi32>
      %add3A_220 = arith.addi %get3A_106, %add3A_219 : vector<16xi32>
      %gather3A_221 = tpu.vector_load_idx %arg8[%add3A_220] : memref<20736xf32, #tpu.memory_space<vmem>>[vector<16xi32>], vector<16xf32>,
      %swap3A_222 = arith.constant 14 : i32
      %swap3A_223 = arith.index_cast %swap3A_222 : i32 to index
      %swap3A_224 = arith.index_cast %mul3A_104 : i32 to index
      %swap3A_225 = tpu.vector_load %arg12[%swap3A_223, %swap3A_224] {strides = array<i32>} : memref<27x1472xf32, #tpu.memory_space<vmem>>, vector<16xf32>,
      tpu.vector_store %arg12[%swap3A_223, %swap3A_224], %gather3A_221 {strides = array<i32>} : memref<27x1472xf32, #tpu.memory_space<vmem>>, vector<16xf32>,
      %add3A_226 = arith.constant 2400 : i32
      %add3A_227 = vector.broadcast %add3A_226 : i32 to vector<16xi32>
      %add3A_228 = arith.addi %get3A_106, %add3A_227 : vector<16xi32>
      %gather3A_229 = tpu.vector_load_idx %arg8[%add3A_228] : memref<20736xf32, #tpu.memory_space<vmem>>[vector<16xi32>], vector<16xf32>,
      %swap3A_230 = arith.constant 15 : i32
      %swap3A_231 = arith.index_cast %swap3A_230 : i32 to index
      %swap3A_232 = arith.index_cast %mul3A_104 : i32 to index
      %swap3A_233 = tpu.vector_load %arg12[%swap3A_231, %swap3A_232] {strides = array<i32>} : memref<27x1472xf32, #tpu.memory_space<vmem>>, vector<16xf32>,
      tpu.vector_store %arg12[%swap3A_231, %swap3A_232], %gather3A_229 {strides = array<i32>} : memref<27x1472xf32, #tpu.memory_space<vmem>>, vector<16xf32>,
      %add3A_234 = arith.constant 2401 : i32
      %add3A_235 = vector.broadcast %add3A_234 : i32 to vector<16xi32>
      %add3A_236 = arith.addi %get3A_106, %add3A_235 : vector<16xi32>
      %gather3A_237 = tpu.vector_load_idx %arg8[%add3A_236] : memref<20736xf32, #tpu.memory_space<vmem>>[vector<16xi32>], vector<16xf32>,
      %swap3A_238 = arith.constant 16 : i32
      %swap3A_239 = arith.index_cast %swap3A_238 : i32 to index
      %swap3A_240 = arith.index_cast %mul3A_104 : i32 to index
      %swap3A_241 = tpu.vector_load %arg12[%swap3A_239, %swap3A_240] {strides = array<i32>} : memref<27x1472xf32, #tpu.memory_space<vmem>>, vector<16xf32>,
      tpu.vector_store %arg12[%swap3A_239, %swap3A_240], %gather3A_237 {strides = array<i32>} : memref<27x1472xf32, #tpu.memory_space<vmem>>, vector<16xf32>,
      %add3A_242 = arith.constant 2402 : i32
      %add3A_243 = vector.broadcast %add3A_242 : i32 to vector<16xi32>
      %add3A_244 = arith.addi %get3A_106, %add3A_243 : vector<16xi32>
      %gather3A_245 = tpu.vector_load_idx %arg8[%add3A_244] : memref<20736xf32, #tpu.memory_space<vmem>>[vector<16xi32>], vector<16xf32>,
      %swap3A_246 = arith.constant 17 : i32
      %swap3A_247 = arith.index_cast %swap3A_246 : i32 to index
      %swap3A_248 = arith.index_cast %mul3A_104 : i32 to index
      %swap3A_249 = tpu.vector_load %arg12[%swap3A_247, %swap3A_248] {strides = array<i32>} : memref<27x1472xf32, #tpu.memory_space<vmem>>, vector<16xf32>,
      tpu.vector_store %arg12[%swap3A_247, %swap3A_248], %gather3A_245 {strides = array<i32>} : memref<27x1472xf32, #tpu.memory_space<vmem>>, vector<16xf32>,
      %add3A_250 = arith.constant 4608 : i32
      %add3A_251 = vector.broadcast %add3A_250 : i32 to vector<16xi32>
      %add3A_252 = arith.addi %get3A_106, %add3A_251 : vector<16xi32>
      %gather3A_253 = tpu.vector_load_idx %arg8[%add3A_252] : memref<20736xf32, #tpu.memory_space<vmem>>[vector<16xi32>], vector<16xf32>,
      %swap3A_254 = arith.constant 18 : i32
      %swap3A_255 = arith.index_cast %swap3A_254 : i32 to index
      %swap3A_256 = arith.index_cast %mul3A_104 : i32 to index
      %swap3A_257 = tpu.vector_load %arg12[%swap3A_255, %swap3A_256] {strides = array<i32>} : memref<27x1472xf32, #tpu.memory_space<vmem>>, vector<16xf32>,
      tpu.vector_store %arg12[%swap3A_255, %swap3A_256], %gather3A_253 {strides = array<i32>} : memref<27x1472xf32, #tpu.memory_space<vmem>>, vector<16xf32>,
      %add3A_258 = arith.constant 4609 : i32
      %add3A_259 = vector.broadcast %add3A_258 : i32 to vector<16xi32>
      %add3A_260 = arith.addi %get3A_106, %add3A_259 : vector<16xi32>
      %gather3A_261 = tpu.vector_load_idx %arg8[%add3A_260] : memref<20736xf32, #tpu.memory_space<vmem>>[vector<16xi32>], vector<16xf32>,
      %swap3A_262 = arith.constant 19 : i32
      %swap3A_263 = arith.index_cast %swap3A_262 : i32 to index
      %swap3A_264 = arith.index_cast %mul3A_104 : i32 to index
      %swap3A_265 = tpu.vector_load %arg12[%swap3A_263, %swap3A_264] {strides = array<i32>} : memref<27x1472xf32, #tpu.memory_space<vmem>>, vector<16xf32>,
      tpu.vector_store %arg12[%swap3A_263, %swap3A_264], %gather3A_261 {strides = array<i32>} : memref<27x1472xf32, #tpu.memory_space<vmem>>, vector<16xf32>,
      %add3A_266 = arith.constant 4610 : i32
      %add3A_267 = vector.broadcast %add3A_266 : i32 to vector<16xi32>
      %add3A_268 = arith.addi %get3A_106, %add3A_267 : vector<16xi32>
      %gather3A_269 = tpu.vector_load_idx %arg8[%add3A_268] : memref<20736xf32, #tpu.memory_space<vmem>>[vector<16xi32>], vector<16xf32>,
      %swap3A_270 = arith.constant 20 : i32
      %swap3A_271 = arith.index_cast %swap3A_270 : i32 to index
      %swap3A_272 = arith.index_cast %mul3A_104 : i32 to index
      %swap3A_273 = tpu.vector_load %arg12[%swap3A_271, %swap3A_272] {strides = array<i32>} : memref<27x1472xf32, #tpu.memory_space<vmem>>, vector<16xf32>,
      tpu.vector_store %arg12[%swap3A_271, %swap3A_272], %gather3A_269 {strides = array<i32>} : memref<27x1472xf32, #tpu.memory_space<vmem>>, vector<16xf32>,
      %add3A_274 = arith.constant 4656 : i32
      %add3A_275 = vector.broadcast %add3A_274 : i32 to vector<16xi32>
      %add3A_276 = arith.addi %get3A_106, %add3A_275 : vector<16xi32>
      %gather3A_277 = tpu.vector_load_idx %arg8[%add3A_276] : memref<20736xf32, #tpu.memory_space<vmem>>[vector<16xi32>], vector<16xf32>,
      %swap3A_278 = arith.constant 21 : i32
      %swap3A_279 = arith.index_cast %swap3A_278 : i32 to index
      %swap3A_280 = arith.index_cast %mul3A_104 : i32 to index
      %swap3A_281 = tpu.vector_load %arg12[%swap3A_279, %swap3A_280] {strides = array<i32>} : memref<27x1472xf32, #tpu.memory_space<vmem>>, vector<16xf32>,
      tpu.vector_store %arg12[%swap3A_279, %swap3A_280], %gather3A_277 {strides = array<i32>} : memref<27x1472xf32, #tpu.memory_space<vmem>>, vector<16xf32>,
      %add3A_282 = arith.constant 4657 : i32
      %add3A_283 = vector.broadcast %add3A_282 : i32 to vector<16xi32>
      %add3A_284 = arith.addi %get3A_106, %add3A_283 : vector<16xi32>
      %gather3A_285 = tpu.vector_load_idx %arg8[%add3A_284] : memref<20736xf32, #tpu.memory_space<vmem>>[vector<16xi32>], vector<16xf32>,
      %swap3A_286 = arith.constant 22 : i32
      %swap3A_287 = arith.index_cast %swap3A_286 : i32 to index
      %swap3A_288 = arith.index_cast %mul3A_104 : i32 to index
      %swap3A_289 = tpu.vector_load %arg12[%swap3A_287, %swap3A_288] {strides = array<i32>} : memref<27x1472xf32, #tpu.memory_space<vmem>>, vector<16xf32>,
      tpu.vector_store %arg12[%swap3A_287, %swap3A_288], %gather3A_285 {strides = array<i32>} : memref<27x1472xf32, #tpu.memory_space<vmem>>, vector<16xf32>,
      %add3A_290 = arith.constant 4658 : i32
      %add3A_291 = vector.broadcast %add3A_290 : i32 to vector<16xi32>
      %add3A_292 = arith.addi %get3A_106, %add3A_291 : vector<16xi32>
      %gather3A_293 = tpu.vector_load_idx %arg8[%add3A_292] : memref<20736xf32, #tpu.memory_space<vmem>>[vector<16xi32>], vector<16xf32>,
      %swap3A_294 = arith.constant 23 : i32
      %swap3A_295 = arith.index_cast %swap3A_294 : i32 to index
      %swap3A_296 = arith.index_cast %mul3A_104 : i32 to index
      %swap3A_297 = tpu.vector_load %arg12[%swap3A_295, %swap3A_296] {strides = array<i32>} : memref<27x1472xf32, #tpu.memory_space<vmem>>, vector<16xf32>,
      tpu.vector_store %arg12[%swap3A_295, %swap3A_296], %gather3A_293 {strides = array<i32>} : memref<27x1472xf32, #tpu.memory_space<vmem>>, vector<16xf32>,
      %add3A_298 = arith.constant 4704 : i32
      %add3A_299 = vector.broadcast %add3A_298 : i32 to vector<16xi32>
      %add3A_300 = arith.addi %get3A_106, %add3A_299 : vector<16xi32>
      %gather3A_301 = tpu.vector_load_idx %arg8[%add3A_300] : memref<20736xf32, #tpu.memory_space<vmem>>[vector<16xi32>], vector<16xf32>,
      %swap3A_302 = arith.constant 24 : i32
      %swap3A_303 = arith.index_cast %swap3A_302 : i32 to index
      %swap3A_304 = arith.index_cast %mul3A_104 : i32 to index
      %swap3A_305 = tpu.vector_load %arg12[%swap3A_303, %swap3A_304] {strides = array<i32>} : memref<27x1472xf32, #tpu.memory_space<vmem>>, vector<16xf32>,
      tpu.vector_store %arg12[%swap3A_303, %swap3A_304], %gather3A_301 {strides = array<i32>} : memref<27x1472xf32, #tpu.memory_space<vmem>>, vector<16xf32>,
      %add3A_306 = arith.constant 4705 : i32
      %add3A_307 = vector.broadcast %add3A_306 : i32 to vector<16xi32>
      %add3A_308 = arith.addi %get3A_106, %add3A_307 : vector<16xi32>
      %gather3A_309 = tpu.vector_load_idx %arg8[%add3A_308] : memref<20736xf32, #tpu.memory_space<vmem>>[vector<16xi32>], vector<16xf32>,
      %swap3A_310 = arith.constant 25 : i32
      %swap3A_311 = arith.index_cast %swap3A_310 : i32 to index
      %swap3A_312 = arith.index_cast %mul3A_104 : i32 to index
      %swap3A_313 = tpu.vector_load %arg12[%swap3A_311, %swap3A_312] {strides = array<i32>} : memref<27x1472xf32, #tpu.memory_space<vmem>>, vector<16xf32>,
      tpu.vector_store %arg12[%swap3A_311, %swap3A_312], %gather3A_309 {strides = array<i32>} : memref<27x1472xf32, #tpu.memory_space<vmem>>, vector<16xf32>,
      %add3A_314 = arith.constant 4706 : i32
      %add3A_315 = vector.broadcast %add3A_314 : i32 to vector<16xi32>
      %add3A_316 = arith.addi %get3A_106, %add3A_315 : vector<16xi32>
      %gather3A_317 = tpu.vector_load_idx %arg8[%add3A_316] : memref<20736xf32, #tpu.memory_space<vmem>>[vector<16xi32>], vector<16xf32>,
      %swap3A_318 = arith.constant 26 : i32
      %swap3A_319 = arith.index_cast %swap3A_318 : i32 to index
      %swap3A_320 = arith.index_cast %mul3A_104 : i32 to index
      %swap3A_321 = tpu.vector_load %arg12[%swap3A_319, %swap3A_320] {strides = array<i32>} : memref<27x1472xf32, #tpu.memory_space<vmem>>, vector<16xf32>,
      tpu.vector_store %arg12[%swap3A_319, %swap3A_320], %gather3A_317 {strides = array<i32>} : memref<27x1472xf32, #tpu.memory_space<vmem>>, vector<16xf32>,
    }
    %scan3A_77 = arith.constant 92 : i32
    %broadcast_in_dim3A = arith.constant 0.000000e+00 : f32
    %broadcast_in_dim3A_78 = vector.broadcast %broadcast_in_dim3A : f32 to vector<16xf32>
    %scan3A_79 = arith.constant 0 : i32
    %scan3A_80 = arith.constant 16 : i32
    %scan3A_81 = arith.addi %scan3A_79, %scan3A_80 : i32
    %scan3A_82 = arith.constant 1 : i32
    %scan3A_83 = scf.for %scan3A_102 = %scan3A_79 to %scan3A_81 step %scan3A_82 iter_args(%scan3A_103 = %broadcast_in_dim3A_78) -> (vector<16xf32>)  : i32 {
      %mul3A_104 = arith.constant 2 : i32
      %mul3A_105 = arith.muli %mul3A_104, %scan3A_102 : i32
      %add3A_106 = arith.constant 1 : i32
      %add3A_107 = arith.addi %mul3A_105, %add3A_106 : i32
      %get3A_108 = arith.index_cast %mul3A_105 : i32 to index
      %get3A_109 = arith.constant 0 : index
      %get3A_110 = tpu.vector_load %arg13[%get3A_108, %get3A_109] {strides = array<i32>} : memref<32x32xf32, #tpu.memory_space<vmem>>, vector<16xf32>,
      %get3A_111 = arith.index_cast %mul3A_105 : i32 to index
      %get3A_112 = arith.constant 16 : index
      %get3A_113 = tpu.vector_load %arg13[%get3A_111, %get3A_112] {strides = array<i32>} : memref<32x32xf32, #tpu.memory_space<vmem>>, vector<16xf32>,
      %get3A_114 = arith.index_cast %mul3A_105 : i32 to index
      %get3A_115 = arith.constant 0 : index
      %get3A_116 = tpu.vector_load %arg14[%get3A_114, %get3A_115] {strides = array<i32>} : memref<32x32xf32, #tpu.memory_space<vmem>>, vector<16xf32>,
      %get3A_117 = arith.index_cast %mul3A_105 : i32 to index
      %get3A_118 = arith.constant 16 : index
      %get3A_119 = tpu.vector_load %arg14[%get3A_117, %get3A_118] {strides = array<i32>} : memref<32x32xf32, #tpu.memory_space<vmem>>, vector<16xf32>,
      %add3A_120 = arith.addf %get3A_110, %get3A_116 : vector<16xf32>
      %mul3A_121 = arith.constant 5.000000e-01 : f32
      %mul3A_122 = vector.broadcast %mul3A_121 : f32 to vector<16xf32>
      %mul3A_123 = arith.mulf %add3A_120, %mul3A_122 : vector<16xf32>
      %add3A_124 = arith.addf %get3A_113, %get3A_119 : vector<16xf32>
      %mul3A_125 = arith.constant 5.000000e-01 : f32
      %mul3A_126 = vector.broadcast %mul3A_125 : f32 to vector<16xf32>
      %mul3A_127 = arith.mulf %add3A_124, %mul3A_126 : vector<16xf32>
      %slice3A = vector.extract_strided_slice %mul3A_123 {offsets = [0], sizes = [1], strides = [1]} : vector<16xf32> to vector<1xf32>
      %squeeze3A = vector.extract %slice3A[0] : f32 from vector<1xf32>
      %broadcast_in_dim3A_128 = vector.broadcast %squeeze3A : f32 to vector<16xf32>
      %slice3A_129 = vector.extract_strided_slice %mul3A_123 {offsets = [1], sizes = [1], strides = [1]} : vector<16xf32> to vector<1xf32>
      %squeeze3A_130 = vector.extract %slice3A_129[0] : f32 from vector<1xf32>
      %broadcast_in_dim3A_131 = vector.broadcast %squeeze3A_130 : f32 to vector<16xf32>
      %slice3A_132 = vector.extract_strided_slice %mul3A_123 {offsets = [2], sizes = [1], strides = [1]} : vector<16xf32> to vector<1xf32>
      %squeeze3A_133 = vector.extract %slice3A_132[0] : f32 from vector<1xf32>
      %broadcast_in_dim3A_134 = vector.broadcast %squeeze3A_133 : f32 to vector<16xf32>
      %slice3A_135 = vector.extract_strided_slice %mul3A_123 {offsets = [3], sizes = [1], strides = [1]} : vector<16xf32> to vector<1xf32>
      %squeeze3A_136 = vector.extract %slice3A_135[0] : f32 from vector<1xf32>
      %broadcast_in_dim3A_137 = vector.broadcast %squeeze3A_136 : f32 to vector<16xf32>
      %slice3A_138 = vector.extract_strided_slice %mul3A_123 {offsets = [4], sizes = [1], strides = [1]} : vector<16xf32> to vector<1xf32>
      %squeeze3A_139 = vector.extract %slice3A_138[0] : f32 from vector<1xf32>
      %broadcast_in_dim3A_140 = vector.broadcast %squeeze3A_139 : f32 to vector<16xf32>
      %slice3A_141 = vector.extract_strided_slice %mul3A_123 {offsets = [5], sizes = [1], strides = [1]} : vector<16xf32> to vector<1xf32>
      %squeeze3A_142 = vector.extract %slice3A_141[0] : f32 from vector<1xf32>
      %broadcast_in_dim3A_143 = vector.broadcast %squeeze3A_142 : f32 to vector<16xf32>
      %slice3A_144 = vector.extract_strided_slice %mul3A_123 {offsets = [6], sizes = [1], strides = [1]} : vector<16xf32> to vector<1xf32>
      %squeeze3A_145 = vector.extract %slice3A_144[0] : f32 from vector<1xf32>
      %broadcast_in_dim3A_146 = vector.broadcast %squeeze3A_145 : f32 to vector<16xf32>
      %slice3A_147 = vector.extract_strided_slice %mul3A_123 {offsets = [7], sizes = [1], strides = [1]} : vector<16xf32> to vector<1xf32>
      %squeeze3A_148 = vector.extract %slice3A_147[0] : f32 from vector<1xf32>
      %broadcast_in_dim3A_149 = vector.broadcast %squeeze3A_148 : f32 to vector<16xf32>
      %slice3A_150 = vector.extract_strided_slice %mul3A_123 {offsets = [8], sizes = [1], strides = [1]} : vector<16xf32> to vector<1xf32>
      %squeeze3A_151 = vector.extract %slice3A_150[0] : f32 from vector<1xf32>
      %broadcast_in_dim3A_152 = vector.broadcast %squeeze3A_151 : f32 to vector<16xf32>
      %slice3A_153 = vector.extract_strided_slice %mul3A_123 {offsets = [9], sizes = [1], strides = [1]} : vector<16xf32> to vector<1xf32>
      %squeeze3A_154 = vector.extract %slice3A_153[0] : f32 from vector<1xf32>
      %broadcast_in_dim3A_155 = vector.broadcast %squeeze3A_154 : f32 to vector<16xf32>
      %slice3A_156 = vector.extract_strided_slice %mul3A_123 {offsets = [10], sizes = [1], strides = [1]} : vector<16xf32> to vector<1xf32>
      %squeeze3A_157 = vector.extract %slice3A_156[0] : f32 from vector<1xf32>
      %broadcast_in_dim3A_158 = vector.broadcast %squeeze3A_157 : f32 to vector<16xf32>
      %slice3A_159 = vector.extract_strided_slice %mul3A_123 {offsets = [11], sizes = [1], strides = [1]} : vector<16xf32> to vector<1xf32>
      %squeeze3A_160 = vector.extract %slice3A_159[0] : f32 from vector<1xf32>
      %broadcast_in_dim3A_161 = vector.broadcast %squeeze3A_160 : f32 to vector<16xf32>
      %slice3A_162 = vector.extract_strided_slice %mul3A_123 {offsets = [12], sizes = [1], strides = [1]} : vector<16xf32> to vector<1xf32>
      %squeeze3A_163 = vector.extract %slice3A_162[0] : f32 from vector<1xf32>
      %broadcast_in_dim3A_164 = vector.broadcast %squeeze3A_163 : f32 to vector<16xf32>
      %slice3A_165 = vector.extract_strided_slice %mul3A_123 {offsets = [13], sizes = [1], strides = [1]} : vector<16xf32> to vector<1xf32>
      %squeeze3A_166 = vector.extract %slice3A_165[0] : f32 from vector<1xf32>
      %broadcast_in_dim3A_167 = vector.broadcast %squeeze3A_166 : f32 to vector<16xf32>
      %slice3A_168 = vector.extract_strided_slice %mul3A_123 {offsets = [14], sizes = [1], strides = [1]} : vector<16xf32> to vector<1xf32>
      %squeeze3A_169 = vector.extract %slice3A_168[0] : f32 from vector<1xf32>
      %broadcast_in_dim3A_170 = vector.broadcast %squeeze3A_169 : f32 to vector<16xf32>
      %slice3A_171 = vector.extract_strided_slice %mul3A_123 {offsets = [15], sizes = [1], strides = [1]} : vector<16xf32> to vector<1xf32>
      %squeeze3A_172 = vector.extract %slice3A_171[0] : f32 from vector<1xf32>
      %broadcast_in_dim3A_173 = vector.broadcast %squeeze3A_172 : f32 to vector<16xf32>
      %slice3A_174 = vector.extract_strided_slice %mul3A_127 {offsets = [0], sizes = [1], strides = [1]} : vector<16xf32> to vector<1xf32>
      %squeeze3A_175 = vector.extract %slice3A_174[0] : f32 from vector<1xf32>
      %broadcast_in_dim3A_176 = vector.broadcast %squeeze3A_175 : f32 to vector<16xf32>
      %slice3A_177 = vector.extract_strided_slice %mul3A_127 {offsets = [1], sizes = [1], strides = [1]} : vector<16xf32> to vector<1xf32>
      %squeeze3A_178 = vector.extract %slice3A_177[0] : f32 from vector<1xf32>
      %broadcast_in_dim3A_179 = vector.broadcast %squeeze3A_178 : f32 to vector<16xf32>
      %slice3A_180 = vector.extract_strided_slice %mul3A_127 {offsets = [2], sizes = [1], strides = [1]} : vector<16xf32> to vector<1xf32>
      %squeeze3A_181 = vector.extract %slice3A_180[0] : f32 from vector<1xf32>
      %broadcast_in_dim3A_182 = vector.broadcast %squeeze3A_181 : f32 to vector<16xf32>
      %slice3A_183 = vector.extract_strided_slice %mul3A_127 {offsets = [3], sizes = [1], strides = [1]} : vector<16xf32> to vector<1xf32>
      %squeeze3A_184 = vector.extract %slice3A_183[0] : f32 from vector<1xf32>
      %broadcast_in_dim3A_185 = vector.broadcast %squeeze3A_184 : f32 to vector<16xf32>
      %slice3A_186 = vector.extract_strided_slice %mul3A_127 {offsets = [4], sizes = [1], strides = [1]} : vector<16xf32> to vector<1xf32>
      %squeeze3A_187 = vector.extract %slice3A_186[0] : f32 from vector<1xf32>
      %broadcast_in_dim3A_188 = vector.broadcast %squeeze3A_187 : f32 to vector<16xf32>
      %slice3A_189 = vector.extract_strided_slice %mul3A_127 {offsets = [5], sizes = [1], strides = [1]} : vector<16xf32> to vector<1xf32>
      %squeeze3A_190 = vector.extract %slice3A_189[0] : f32 from vector<1xf32>
      %broadcast_in_dim3A_191 = vector.broadcast %squeeze3A_190 : f32 to vector<16xf32>
      %slice3A_192 = vector.extract_strided_slice %mul3A_127 {offsets = [6], sizes = [1], strides = [1]} : vector<16xf32> to vector<1xf32>
      %squeeze3A_193 = vector.extract %slice3A_192[0] : f32 from vector<1xf32>
      %broadcast_in_dim3A_194 = vector.broadcast %squeeze3A_193 : f32 to vector<16xf32>
      %slice3A_195 = vector.extract_strided_slice %mul3A_127 {offsets = [7], sizes = [1], strides = [1]} : vector<16xf32> to vector<1xf32>
      %squeeze3A_196 = vector.extract %slice3A_195[0] : f32 from vector<1xf32>
      %broadcast_in_dim3A_197 = vector.broadcast %squeeze3A_196 : f32 to vector<16xf32>
      %slice3A_198 = vector.extract_strided_slice %mul3A_127 {offsets = [8], sizes = [1], strides = [1]} : vector<16xf32> to vector<1xf32>
      %squeeze3A_199 = vector.extract %slice3A_198[0] : f32 from vector<1xf32>
      %broadcast_in_dim3A_200 = vector.broadcast %squeeze3A_199 : f32 to vector<16xf32>
      %slice3A_201 = vector.extract_strided_slice %mul3A_127 {offsets = [9], sizes = [1], strides = [1]} : vector<16xf32> to vector<1xf32>
      %squeeze3A_202 = vector.extract %slice3A_201[0] : f32 from vector<1xf32>
      %broadcast_in_dim3A_203 = vector.broadcast %squeeze3A_202 : f32 to vector<16xf32>
      %slice3A_204 = vector.extract_strided_slice %mul3A_127 {offsets = [10], sizes = [1], strides = [1]} : vector<16xf32> to vector<1xf32>
      %squeeze3A_205 = vector.extract %slice3A_204[0] : f32 from vector<1xf32>
      %broadcast_in_dim3A_206 = vector.broadcast %squeeze3A_205 : f32 to vector<16xf32>
      %get3A_207 = arith.index_cast %add3A_107 : i32 to index
      %get3A_208 = arith.constant 0 : index
      %get3A_209 = tpu.vector_load %arg13[%get3A_207, %get3A_208] {strides = array<i32>} : memref<32x32xf32, #tpu.memory_space<vmem>>, vector<16xf32>,
      %get3A_210 = arith.index_cast %add3A_107 : i32 to index
      %get3A_211 = arith.constant 16 : index
      %get3A_212 = tpu.vector_load %arg13[%get3A_210, %get3A_211] {strides = array<i32>} : memref<32x32xf32, #tpu.memory_space<vmem>>, vector<16xf32>,
      %get3A_213 = arith.index_cast %add3A_107 : i32 to index
      %get3A_214 = arith.constant 0 : index
      %get3A_215 = tpu.vector_load %arg14[%get3A_213, %get3A_214] {strides = array<i32>} : memref<32x32xf32, #tpu.memory_space<vmem>>, vector<16xf32>,
      %get3A_216 = arith.index_cast %add3A_107 : i32 to index
      %get3A_217 = arith.constant 16 : index
      %get3A_218 = tpu.vector_load %arg14[%get3A_216, %get3A_217] {strides = array<i32>} : memref<32x32xf32, #tpu.memory_space<vmem>>, vector<16xf32>,
      %add3A_219 = arith.addf %get3A_209, %get3A_215 : vector<16xf32>
      %mul3A_220 = arith.constant 5.000000e-01 : f32
      %mul3A_221 = vector.broadcast %mul3A_220 : f32 to vector<16xf32>
      %mul3A_222 = arith.mulf %add3A_219, %mul3A_221 : vector<16xf32>
      %add3A_223 = arith.addf %get3A_212, %get3A_218 : vector<16xf32>
      %mul3A_224 = arith.constant 5.000000e-01 : f32
      %mul3A_225 = vector.broadcast %mul3A_224 : f32 to vector<16xf32>
      %mul3A_226 = arith.mulf %add3A_223, %mul3A_225 : vector<16xf32>
      %slice3A_227 = vector.extract_strided_slice %mul3A_222 {offsets = [0], sizes = [1], strides = [1]} : vector<16xf32> to vector<1xf32>
      %squeeze3A_228 = vector.extract %slice3A_227[0] : f32 from vector<1xf32>
      %broadcast_in_dim3A_229 = vector.broadcast %squeeze3A_228 : f32 to vector<16xf32>
      %slice3A_230 = vector.extract_strided_slice %mul3A_222 {offsets = [1], sizes = [1], strides = [1]} : vector<16xf32> to vector<1xf32>
      %squeeze3A_231 = vector.extract %slice3A_230[0] : f32 from vector<1xf32>
      %broadcast_in_dim3A_232 = vector.broadcast %squeeze3A_231 : f32 to vector<16xf32>
      %slice3A_233 = vector.extract_strided_slice %mul3A_222 {offsets = [2], sizes = [1], strides = [1]} : vector<16xf32> to vector<1xf32>
      %squeeze3A_234 = vector.extract %slice3A_233[0] : f32 from vector<1xf32>
      %broadcast_in_dim3A_235 = vector.broadcast %squeeze3A_234 : f32 to vector<16xf32>
      %slice3A_236 = vector.extract_strided_slice %mul3A_222 {offsets = [3], sizes = [1], strides = [1]} : vector<16xf32> to vector<1xf32>
      %squeeze3A_237 = vector.extract %slice3A_236[0] : f32 from vector<1xf32>
      %broadcast_in_dim3A_238 = vector.broadcast %squeeze3A_237 : f32 to vector<16xf32>
      %slice3A_239 = vector.extract_strided_slice %mul3A_222 {offsets = [4], sizes = [1], strides = [1]} : vector<16xf32> to vector<1xf32>
      %squeeze3A_240 = vector.extract %slice3A_239[0] : f32 from vector<1xf32>
      %broadcast_in_dim3A_241 = vector.broadcast %squeeze3A_240 : f32 to vector<16xf32>
      %slice3A_242 = vector.extract_strided_slice %mul3A_222 {offsets = [5], sizes = [1], strides = [1]} : vector<16xf32> to vector<1xf32>
      %squeeze3A_243 = vector.extract %slice3A_242[0] : f32 from vector<1xf32>
      %broadcast_in_dim3A_244 = vector.broadcast %squeeze3A_243 : f32 to vector<16xf32>
      %slice3A_245 = vector.extract_strided_slice %mul3A_222 {offsets = [6], sizes = [1], strides = [1]} : vector<16xf32> to vector<1xf32>
      %squeeze3A_246 = vector.extract %slice3A_245[0] : f32 from vector<1xf32>
      %broadcast_in_dim3A_247 = vector.broadcast %squeeze3A_246 : f32 to vector<16xf32>
      %slice3A_248 = vector.extract_strided_slice %mul3A_222 {offsets = [7], sizes = [1], strides = [1]} : vector<16xf32> to vector<1xf32>
      %squeeze3A_249 = vector.extract %slice3A_248[0] : f32 from vector<1xf32>
      %broadcast_in_dim3A_250 = vector.broadcast %squeeze3A_249 : f32 to vector<16xf32>
      %slice3A_251 = vector.extract_strided_slice %mul3A_222 {offsets = [8], sizes = [1], strides = [1]} : vector<16xf32> to vector<1xf32>
      %squeeze3A_252 = vector.extract %slice3A_251[0] : f32 from vector<1xf32>
      %broadcast_in_dim3A_253 = vector.broadcast %squeeze3A_252 : f32 to vector<16xf32>
      %slice3A_254 = vector.extract_strided_slice %mul3A_222 {offsets = [9], sizes = [1], strides = [1]} : vector<16xf32> to vector<1xf32>
      %squeeze3A_255 = vector.extract %slice3A_254[0] : f32 from vector<1xf32>
      %broadcast_in_dim3A_256 = vector.broadcast %squeeze3A_255 : f32 to vector<16xf32>
      %slice3A_257 = vector.extract_strided_slice %mul3A_222 {offsets = [10], sizes = [1], strides = [1]} : vector<16xf32> to vector<1xf32>
      %squeeze3A_258 = vector.extract %slice3A_257[0] : f32 from vector<1xf32>
      %broadcast_in_dim3A_259 = vector.broadcast %squeeze3A_258 : f32 to vector<16xf32>
      %slice3A_260 = vector.extract_strided_slice %mul3A_222 {offsets = [11], sizes = [1], strides = [1]} : vector<16xf32> to vector<1xf32>
      %squeeze3A_261 = vector.extract %slice3A_260[0] : f32 from vector<1xf32>
      %broadcast_in_dim3A_262 = vector.broadcast %squeeze3A_261 : f32 to vector<16xf32>
      %slice3A_263 = vector.extract_strided_slice %mul3A_222 {offsets = [12], sizes = [1], strides = [1]} : vector<16xf32> to vector<1xf32>
      %squeeze3A_264 = vector.extract %slice3A_263[0] : f32 from vector<1xf32>
      %broadcast_in_dim3A_265 = vector.broadcast %squeeze3A_264 : f32 to vector<16xf32>
      %slice3A_266 = vector.extract_strided_slice %mul3A_222 {offsets = [13], sizes = [1], strides = [1]} : vector<16xf32> to vector<1xf32>
      %squeeze3A_267 = vector.extract %slice3A_266[0] : f32 from vector<1xf32>
      %broadcast_in_dim3A_268 = vector.broadcast %squeeze3A_267 : f32 to vector<16xf32>
      %slice3A_269 = vector.extract_strided_slice %mul3A_222 {offsets = [14], sizes = [1], strides = [1]} : vector<16xf32> to vector<1xf32>
      %squeeze3A_270 = vector.extract %slice3A_269[0] : f32 from vector<1xf32>
      %broadcast_in_dim3A_271 = vector.broadcast %squeeze3A_270 : f32 to vector<16xf32>
      %slice3A_272 = vector.extract_strided_slice %mul3A_222 {offsets = [15], sizes = [1], strides = [1]} : vector<16xf32> to vector<1xf32>
      %squeeze3A_273 = vector.extract %slice3A_272[0] : f32 from vector<1xf32>
      %broadcast_in_dim3A_274 = vector.broadcast %squeeze3A_273 : f32 to vector<16xf32>
      %slice3A_275 = vector.extract_strided_slice %mul3A_226 {offsets = [0], sizes = [1], strides = [1]} : vector<16xf32> to vector<1xf32>
      %squeeze3A_276 = vector.extract %slice3A_275[0] : f32 from vector<1xf32>
      %broadcast_in_dim3A_277 = vector.broadcast %squeeze3A_276 : f32 to vector<16xf32>
      %slice3A_278 = vector.extract_strided_slice %mul3A_226 {offsets = [1], sizes = [1], strides = [1]} : vector<16xf32> to vector<1xf32>
      %squeeze3A_279 = vector.extract %slice3A_278[0] : f32 from vector<1xf32>
      %broadcast_in_dim3A_280 = vector.broadcast %squeeze3A_279 : f32 to vector<16xf32>
      %slice3A_281 = vector.extract_strided_slice %mul3A_226 {offsets = [2], sizes = [1], strides = [1]} : vector<16xf32> to vector<1xf32>
      %squeeze3A_282 = vector.extract %slice3A_281[0] : f32 from vector<1xf32>
      %broadcast_in_dim3A_283 = vector.broadcast %squeeze3A_282 : f32 to vector<16xf32>
      %slice3A_284 = vector.extract_strided_slice %mul3A_226 {offsets = [3], sizes = [1], strides = [1]} : vector<16xf32> to vector<1xf32>
      %squeeze3A_285 = vector.extract %slice3A_284[0] : f32 from vector<1xf32>
      %broadcast_in_dim3A_286 = vector.broadcast %squeeze3A_285 : f32 to vector<16xf32>
      %slice3A_287 = vector.extract_strided_slice %mul3A_226 {offsets = [4], sizes = [1], strides = [1]} : vector<16xf32> to vector<1xf32>
      %squeeze3A_288 = vector.extract %slice3A_287[0] : f32 from vector<1xf32>
      %broadcast_in_dim3A_289 = vector.broadcast %squeeze3A_288 : f32 to vector<16xf32>
      %slice3A_290 = vector.extract_strided_slice %mul3A_226 {offsets = [5], sizes = [1], strides = [1]} : vector<16xf32> to vector<1xf32>
      %squeeze3A_291 = vector.extract %slice3A_290[0] : f32 from vector<1xf32>
      %broadcast_in_dim3A_292 = vector.broadcast %squeeze3A_291 : f32 to vector<16xf32>
      %slice3A_293 = vector.extract_strided_slice %mul3A_226 {offsets = [6], sizes = [1], strides = [1]} : vector<16xf32> to vector<1xf32>
      %squeeze3A_294 = vector.extract %slice3A_293[0] : f32 from vector<1xf32>
      %broadcast_in_dim3A_295 = vector.broadcast %squeeze3A_294 : f32 to vector<16xf32>
      %slice3A_296 = vector.extract_strided_slice %mul3A_226 {offsets = [7], sizes = [1], strides = [1]} : vector<16xf32> to vector<1xf32>
      %squeeze3A_297 = vector.extract %slice3A_296[0] : f32 from vector<1xf32>
      %broadcast_in_dim3A_298 = vector.broadcast %squeeze3A_297 : f32 to vector<16xf32>
      %slice3A_299 = vector.extract_strided_slice %mul3A_226 {offsets = [8], sizes = [1], strides = [1]} : vector<16xf32> to vector<1xf32>
      %squeeze3A_300 = vector.extract %slice3A_299[0] : f32 from vector<1xf32>
      %broadcast_in_dim3A_301 = vector.broadcast %squeeze3A_300 : f32 to vector<16xf32>
      %slice3A_302 = vector.extract_strided_slice %mul3A_226 {offsets = [9], sizes = [1], strides = [1]} : vector<16xf32> to vector<1xf32>
      %squeeze3A_303 = vector.extract %slice3A_302[0] : f32 from vector<1xf32>
      %broadcast_in_dim3A_304 = vector.broadcast %squeeze3A_303 : f32 to vector<16xf32>
      %slice3A_305 = vector.extract_strided_slice %mul3A_226 {offsets = [10], sizes = [1], strides = [1]} : vector<16xf32> to vector<1xf32>
      %squeeze3A_306 = vector.extract %slice3A_305[0] : f32 from vector<1xf32>
      %broadcast_in_dim3A_307 = vector.broadcast %squeeze3A_306 : f32 to vector<16xf32>
      %broadcast_in_dim3A_308 = arith.constant 3.000000e+38 : f32
      %broadcast_in_dim3A_309 = vector.broadcast %broadcast_in_dim3A_308 : f32 to vector<16xf32>
      %broadcast_in_dim3A_310 = arith.constant 0 : i32
      %broadcast_in_dim3A_311 = vector.broadcast %broadcast_in_dim3A_310 : i32 to vector<16xi32>
      %scan3A_312 = arith.constant 0 : i32
      %scan3A_313 = arith.constant 23 : i32
      %scan3A_314 = arith.addi %scan3A_312, %scan3A_313 : i32
      %scan3A_315 = arith.constant 1 : i32
      %scan3A_316:4 = scf.for %scan3A_487 = %scan3A_312 to %scan3A_314 step %scan3A_315 iter_args(%scan3A_488 = %broadcast_in_dim3A_309, %scan3A_489 = %broadcast_in_dim3A_311, %scan3A_490 = %broadcast_in_dim3A_309, %scan3A_491 = %broadcast_in_dim3A_311) -> (vector<16xf32>, vector<16xi32>, vector<16xf32>, vector<16xi32>)  : i32 {
        %mul3A_492 = arith.constant 4 : i32
        %mul3A_493 = arith.muli %scan3A_487, %mul3A_492 : i32
        %add3A_494 = arith.constant 0 : i32
        %add3A_495 = arith.addi %mul3A_493, %add3A_494 : i32
        %broadcast_in_dim3A_496 = arith.constant 0.000000e+00 : f32
        %broadcast_in_dim3A_497 = vector.broadcast %broadcast_in_dim3A_496 : f32 to vector<16xf32>
        %broadcast_in_dim3A_498 = arith.constant 0.000000e+00 : f32
        %broadcast_in_dim3A_499 = vector.broadcast %broadcast_in_dim3A_498 : f32 to vector<16xf32>
        %broadcast_in_dim3A_500 = arith.constant 0.000000e+00 : f32
        %broadcast_in_dim3A_501 = vector.broadcast %broadcast_in_dim3A_500 : f32 to vector<16xf32>
        %broadcast_in_dim3A_502 = arith.constant 0.000000e+00 : f32
        %broadcast_in_dim3A_503 = vector.broadcast %broadcast_in_dim3A_502 : f32 to vector<16xf32>
        %broadcast_in_dim3A_504 = arith.constant 0.000000e+00 : f32
        %broadcast_in_dim3A_505 = vector.broadcast %broadcast_in_dim3A_504 : f32 to vector<16xf32>
        %broadcast_in_dim3A_506 = arith.constant 0.000000e+00 : f32
        %broadcast_in_dim3A_507 = vector.broadcast %broadcast_in_dim3A_506 : f32 to vector<16xf32>
        %broadcast_in_dim3A_508 = arith.constant 0.000000e+00 : f32
        %broadcast_in_dim3A_509 = vector.broadcast %broadcast_in_dim3A_508 : f32 to vector<16xf32>
        %broadcast_in_dim3A_510 = arith.constant 0.000000e+00 : f32
        %broadcast_in_dim3A_511 = vector.broadcast %broadcast_in_dim3A_510 : f32 to vector<16xf32>
        %mul3A_512 = arith.constant 16 : i32
        %mul3A_513 = arith.muli %add3A_495, %mul3A_512 : i32
        %get3A_514 = arith.constant 0 : i32
        %get3A_515 = arith.index_cast %get3A_514 : i32 to index
        %get3A_516 = arith.index_cast %mul3A_513 : i32 to index
        %get3A_517 = tpu.vector_load %arg12[%get3A_515, %get3A_516] {strides = array<i32>} : memref<27x1472xf32, #tpu.memory_space<vmem>>, vector<16xf32>,
        %sub3A_518 = arith.subf %broadcast_in_dim3A_128, %get3A_517 : vector<16xf32>
        %mul3A_519 = arith.mulf %sub3A_518, %sub3A_518 : vector<16xf32>
        %add3A_520 = arith.addf %broadcast_in_dim3A_497, %mul3A_519 : vector<16xf32>
        %sub3A_521 = arith.subf %broadcast_in_dim3A_229, %get3A_517 : vector<16xf32>
        %mul3A_522 = arith.mulf %sub3A_521, %sub3A_521 : vector<16xf32>
        %add3A_523 = arith.addf %broadcast_in_dim3A_505, %mul3A_522 : vector<16xf32>
        %get3A_524 = arith.constant 1 : i32
        %get3A_525 = arith.index_cast %get3A_524 : i32 to index
        %get3A_526 = arith.index_cast %mul3A_513 : i32 to index
        %get3A_527 = tpu.vector_load %arg12[%get3A_525, %get3A_526] {strides = array<i32>} : memref<27x1472xf32, #tpu.memory_space<vmem>>, vector<16xf32>,
        %sub3A_528 = arith.subf %broadcast_in_dim3A_131, %get3A_527 : vector<16xf32>
        %mul3A_529 = arith.mulf %sub3A_528, %sub3A_528 : vector<16xf32>
        %add3A_530 = arith.addf %broadcast_in_dim3A_499, %mul3A_529 : vector<16xf32>
        %sub3A_531 = arith.subf %broadcast_in_dim3A_232, %get3A_527 : vector<16xf32>
        %mul3A_532 = arith.mulf %sub3A_531, %sub3A_531 : vector<16xf32>
        %add3A_533 = arith.addf %broadcast_in_dim3A_507, %mul3A_532 : vector<16xf32>
        %get3A_534 = arith.constant 2 : i32
        %get3A_535 = arith.index_cast %get3A_534 : i32 to index
        %get3A_536 = arith.index_cast %mul3A_513 : i32 to index
        %get3A_537 = tpu.vector_load %arg12[%get3A_535, %get3A_536] {strides = array<i32>} : memref<27x1472xf32, #tpu.memory_space<vmem>>, vector<16xf32>,
        %sub3A_538 = arith.subf %broadcast_in_dim3A_134, %get3A_537 : vector<16xf32>
        %mul3A_539 = arith.mulf %sub3A_538, %sub3A_538 : vector<16xf32>
        %add3A_540 = arith.addf %broadcast_in_dim3A_501, %mul3A_539 : vector<16xf32>
        %sub3A_541 = arith.subf %broadcast_in_dim3A_235, %get3A_537 : vector<16xf32>
        %mul3A_542 = arith.mulf %sub3A_541, %sub3A_541 : vector<16xf32>
        %add3A_543 = arith.addf %broadcast_in_dim3A_509, %mul3A_542 : vector<16xf32>
        %get3A_544 = arith.constant 3 : i32
        %get3A_545 = arith.index_cast %get3A_544 : i32 to index
        %get3A_546 = arith.index_cast %mul3A_513 : i32 to index
        %get3A_547 = tpu.vector_load %arg12[%get3A_545, %get3A_546] {strides = array<i32>} : memref<27x1472xf32, #tpu.memory_space<vmem>>, vector<16xf32>,
        %sub3A_548 = arith.subf %broadcast_in_dim3A_137, %get3A_547 : vector<16xf32>
        %mul3A_549 = arith.mulf %sub3A_548, %sub3A_548 : vector<16xf32>
        %add3A_550 = arith.addf %broadcast_in_dim3A_503, %mul3A_549 : vector<16xf32>
        %sub3A_551 = arith.subf %broadcast_in_dim3A_238, %get3A_547 : vector<16xf32>
        %mul3A_552 = arith.mulf %sub3A_551, %sub3A_551 : vector<16xf32>
        %add3A_553 = arith.addf %broadcast_in_dim3A_511, %mul3A_552 : vector<16xf32>
        %get3A_554 = arith.constant 4 : i32
        %get3A_555 = arith.index_cast %get3A_554 : i32 to index
        %get3A_556 = arith.index_cast %mul3A_513 : i32 to index
        %get3A_557 = tpu.vector_load %arg12[%get3A_555, %get3A_556] {strides = array<i32>} : memref<27x1472xf32, #tpu.memory_space<vmem>>, vector<16xf32>,
        %sub3A_558 = arith.subf %broadcast_in_dim3A_140, %get3A_557 : vector<16xf32>
        %mul3A_559 = arith.mulf %sub3A_558, %sub3A_558 : vector<16xf32>
        %add3A_560 = arith.addf %add3A_520, %mul3A_559 : vector<16xf32>
        %sub3A_561 = arith.subf %broadcast_in_dim3A_241, %get3A_557 : vector<16xf32>
        %mul3A_562 = arith.mulf %sub3A_561, %sub3A_561 : vector<16xf32>
        %add3A_563 = arith.addf %add3A_523, %mul3A_562 : vector<16xf32>
        %get3A_564 = arith.constant 5 : i32
        %get3A_565 = arith.index_cast %get3A_564 : i32 to index
        %get3A_566 = arith.index_cast %mul3A_513 : i32 to index
        %get3A_567 = tpu.vector_load %arg12[%get3A_565, %get3A_566] {strides = array<i32>} : memref<27x1472xf32, #tpu.memory_space<vmem>>, vector<16xf32>,
        %sub3A_568 = arith.subf %broadcast_in_dim3A_143, %get3A_567 : vector<16xf32>
        %mul3A_569 = arith.mulf %sub3A_568, %sub3A_568 : vector<16xf32>
        %add3A_570 = arith.addf %add3A_530, %mul3A_569 : vector<16xf32>
        %sub3A_571 = arith.subf %broadcast_in_dim3A_244, %get3A_567 : vector<16xf32>
        %mul3A_572 = arith.mulf %sub3A_571, %sub3A_571 : vector<16xf32>
        %add3A_573 = arith.addf %add3A_533, %mul3A_572 : vector<16xf32>
        %get3A_574 = arith.constant 6 : i32
        %get3A_575 = arith.index_cast %get3A_574 : i32 to index
        %get3A_576 = arith.index_cast %mul3A_513 : i32 to index
        %get3A_577 = tpu.vector_load %arg12[%get3A_575, %get3A_576] {strides = array<i32>} : memref<27x1472xf32, #tpu.memory_space<vmem>>, vector<16xf32>,
        %sub3A_578 = arith.subf %broadcast_in_dim3A_146, %get3A_577 : vector<16xf32>
        %mul3A_579 = arith.mulf %sub3A_578, %sub3A_578 : vector<16xf32>
        %add3A_580 = arith.addf %add3A_540, %mul3A_579 : vector<16xf32>
        %sub3A_581 = arith.subf %broadcast_in_dim3A_247, %get3A_577 : vector<16xf32>
        %mul3A_582 = arith.mulf %sub3A_581, %sub3A_581 : vector<16xf32>
        %add3A_583 = arith.addf %add3A_543, %mul3A_582 : vector<16xf32>
        %get3A_584 = arith.constant 7 : i32
        %get3A_585 = arith.index_cast %get3A_584 : i32 to index
        %get3A_586 = arith.index_cast %mul3A_513 : i32 to index
        %get3A_587 = tpu.vector_load %arg12[%get3A_585, %get3A_586] {strides = array<i32>} : memref<27x1472xf32, #tpu.memory_space<vmem>>, vector<16xf32>,
        %sub3A_588 = arith.subf %broadcast_in_dim3A_149, %get3A_587 : vector<16xf32>
        %mul3A_589 = arith.mulf %sub3A_588, %sub3A_588 : vector<16xf32>
        %add3A_590 = arith.addf %add3A_550, %mul3A_589 : vector<16xf32>
        %sub3A_591 = arith.subf %broadcast_in_dim3A_250, %get3A_587 : vector<16xf32>
        %mul3A_592 = arith.mulf %sub3A_591, %sub3A_591 : vector<16xf32>
        %add3A_593 = arith.addf %add3A_553, %mul3A_592 : vector<16xf32>
        %get3A_594 = arith.constant 8 : i32
        %get3A_595 = arith.index_cast %get3A_594 : i32 to index
        %get3A_596 = arith.index_cast %mul3A_513 : i32 to index
        %get3A_597 = tpu.vector_load %arg12[%get3A_595, %get3A_596] {strides = array<i32>} : memref<27x1472xf32, #tpu.memory_space<vmem>>, vector<16xf32>,
        %sub3A_598 = arith.subf %broadcast_in_dim3A_152, %get3A_597 : vector<16xf32>
        %mul3A_599 = arith.mulf %sub3A_598, %sub3A_598 : vector<16xf32>
        %add3A_600 = arith.addf %add3A_560, %mul3A_599 : vector<16xf32>
        %sub3A_601 = arith.subf %broadcast_in_dim3A_253, %get3A_597 : vector<16xf32>
        %mul3A_602 = arith.mulf %sub3A_601, %sub3A_601 : vector<16xf32>
        %add3A_603 = arith.addf %add3A_563, %mul3A_602 : vector<16xf32>
        %get3A_604 = arith.constant 9 : i32
        %get3A_605 = arith.index_cast %get3A_604 : i32 to index
        %get3A_606 = arith.index_cast %mul3A_513 : i32 to index
        %get3A_607 = tpu.vector_load %arg12[%get3A_605, %get3A_606] {strides = array<i32>} : memref<27x1472xf32, #tpu.memory_space<vmem>>, vector<16xf32>,
        %sub3A_608 = arith.subf %broadcast_in_dim3A_155, %get3A_607 : vector<16xf32>
        %mul3A_609 = arith.mulf %sub3A_608, %sub3A_608 : vector<16xf32>
        %add3A_610 = arith.addf %add3A_570, %mul3A_609 : vector<16xf32>
        %sub3A_611 = arith.subf %broadcast_in_dim3A_256, %get3A_607 : vector<16xf32>
        %mul3A_612 = arith.mulf %sub3A_611, %sub3A_611 : vector<16xf32>
        %add3A_613 = arith.addf %add3A_573, %mul3A_612 : vector<16xf32>
        %get3A_614 = arith.constant 10 : i32
        %get3A_615 = arith.index_cast %get3A_614 : i32 to index
        %get3A_616 = arith.index_cast %mul3A_513 : i32 to index
        %get3A_617 = tpu.vector_load %arg12[%get3A_615, %get3A_616] {strides = array<i32>} : memref<27x1472xf32, #tpu.memory_space<vmem>>, vector<16xf32>,
        %sub3A_618 = arith.subf %broadcast_in_dim3A_158, %get3A_617 : vector<16xf32>
        %mul3A_619 = arith.mulf %sub3A_618, %sub3A_618 : vector<16xf32>
        %add3A_620 = arith.addf %add3A_580, %mul3A_619 : vector<16xf32>
        %sub3A_621 = arith.subf %broadcast_in_dim3A_259, %get3A_617 : vector<16xf32>
        %mul3A_622 = arith.mulf %sub3A_621, %sub3A_621 : vector<16xf32>
        %add3A_623 = arith.addf %add3A_583, %mul3A_622 : vector<16xf32>
        %get3A_624 = arith.constant 11 : i32
        %get3A_625 = arith.index_cast %get3A_624 : i32 to index
        %get3A_626 = arith.index_cast %mul3A_513 : i32 to index
        %get3A_627 = tpu.vector_load %arg12[%get3A_625, %get3A_626] {strides = array<i32>} : memref<27x1472xf32, #tpu.memory_space<vmem>>, vector<16xf32>,
        %sub3A_628 = arith.subf %broadcast_in_dim3A_161, %get3A_627 : vector<16xf32>
        %mul3A_629 = arith.mulf %sub3A_628, %sub3A_628 : vector<16xf32>
        %add3A_630 = arith.addf %add3A_590, %mul3A_629 : vector<16xf32>
        %sub3A_631 = arith.subf %broadcast_in_dim3A_262, %get3A_627 : vector<16xf32>
        %mul3A_632 = arith.mulf %sub3A_631, %sub3A_631 : vector<16xf32>
        %add3A_633 = arith.addf %add3A_593, %mul3A_632 : vector<16xf32>
        %get3A_634 = arith.constant 12 : i32
        %get3A_635 = arith.index_cast %get3A_634 : i32 to index
        %get3A_636 = arith.index_cast %mul3A_513 : i32 to index
        %get3A_637 = tpu.vector_load %arg12[%get3A_635, %get3A_636] {strides = array<i32>} : memref<27x1472xf32, #tpu.memory_space<vmem>>, vector<16xf32>,
        %sub3A_638 = arith.subf %broadcast_in_dim3A_164, %get3A_637 : vector<16xf32>
        %mul3A_639 = arith.mulf %sub3A_638, %sub3A_638 : vector<16xf32>
        %add3A_640 = arith.addf %add3A_600, %mul3A_639 : vector<16xf32>
        %sub3A_641 = arith.subf %broadcast_in_dim3A_265, %get3A_637 : vector<16xf32>
        %mul3A_642 = arith.mulf %sub3A_641, %sub3A_641 : vector<16xf32>
        %add3A_643 = arith.addf %add3A_603, %mul3A_642 : vector<16xf32>
        %get3A_644 = arith.constant 13 : i32
        %get3A_645 = arith.index_cast %get3A_644 : i32 to index
        %get3A_646 = arith.index_cast %mul3A_513 : i32 to index
        %get3A_647 = tpu.vector_load %arg12[%get3A_645, %get3A_646] {strides = array<i32>} : memref<27x1472xf32, #tpu.memory_space<vmem>>, vector<16xf32>,
        %sub3A_648 = arith.subf %broadcast_in_dim3A_167, %get3A_647 : vector<16xf32>
        %mul3A_649 = arith.mulf %sub3A_648, %sub3A_648 : vector<16xf32>
        %add3A_650 = arith.addf %add3A_610, %mul3A_649 : vector<16xf32>
        %sub3A_651 = arith.subf %broadcast_in_dim3A_268, %get3A_647 : vector<16xf32>
        %mul3A_652 = arith.mulf %sub3A_651, %sub3A_651 : vector<16xf32>
        %add3A_653 = arith.addf %add3A_613, %mul3A_652 : vector<16xf32>
        %get3A_654 = arith.constant 14 : i32
        %get3A_655 = arith.index_cast %get3A_654 : i32 to index
        %get3A_656 = arith.index_cast %mul3A_513 : i32 to index
        %get3A_657 = tpu.vector_load %arg12[%get3A_655, %get3A_656] {strides = array<i32>} : memref<27x1472xf32, #tpu.memory_space<vmem>>, vector<16xf32>,
        %sub3A_658 = arith.subf %broadcast_in_dim3A_170, %get3A_657 : vector<16xf32>
        %mul3A_659 = arith.mulf %sub3A_658, %sub3A_658 : vector<16xf32>
        %add3A_660 = arith.addf %add3A_620, %mul3A_659 : vector<16xf32>
        %sub3A_661 = arith.subf %broadcast_in_dim3A_271, %get3A_657 : vector<16xf32>
        %mul3A_662 = arith.mulf %sub3A_661, %sub3A_661 : vector<16xf32>
        %add3A_663 = arith.addf %add3A_623, %mul3A_662 : vector<16xf32>
        %get3A_664 = arith.constant 15 : i32
        %get3A_665 = arith.index_cast %get3A_664 : i32 to index
        %get3A_666 = arith.index_cast %mul3A_513 : i32 to index
        %get3A_667 = tpu.vector_load %arg12[%get3A_665, %get3A_666] {strides = array<i32>} : memref<27x1472xf32, #tpu.memory_space<vmem>>, vector<16xf32>,
        %sub3A_668 = arith.subf %broadcast_in_dim3A_173, %get3A_667 : vector<16xf32>
        %mul3A_669 = arith.mulf %sub3A_668, %sub3A_668 : vector<16xf32>
        %add3A_670 = arith.addf %add3A_630, %mul3A_669 : vector<16xf32>
        %sub3A_671 = arith.subf %broadcast_in_dim3A_274, %get3A_667 : vector<16xf32>
        %mul3A_672 = arith.mulf %sub3A_671, %sub3A_671 : vector<16xf32>
        %add3A_673 = arith.addf %add3A_633, %mul3A_672 : vector<16xf32>
        %get3A_674 = arith.constant 16 : i32
        %get3A_675 = arith.index_cast %get3A_674 : i32 to index
        %get3A_676 = arith.index_cast %mul3A_513 : i32 to index
        %get3A_677 = tpu.vector_load %arg12[%get3A_675, %get3A_676] {strides = array<i32>} : memref<27x1472xf32, #tpu.memory_space<vmem>>, vector<16xf32>,
        %sub3A_678 = arith.subf %broadcast_in_dim3A_176, %get3A_677 : vector<16xf32>
        %mul3A_679 = arith.mulf %sub3A_678, %sub3A_678 : vector<16xf32>
        %add3A_680 = arith.addf %add3A_640, %mul3A_679 : vector<16xf32>
        %sub3A_681 = arith.subf %broadcast_in_dim3A_277, %get3A_677 : vector<16xf32>
        %mul3A_682 = arith.mulf %sub3A_681, %sub3A_681 : vector<16xf32>
        %add3A_683 = arith.addf %add3A_643, %mul3A_682 : vector<16xf32>
        %get3A_684 = arith.constant 17 : i32
        %get3A_685 = arith.index_cast %get3A_684 : i32 to index
        %get3A_686 = arith.index_cast %mul3A_513 : i32 to index
        %get3A_687 = tpu.vector_load %arg12[%get3A_685, %get3A_686] {strides = array<i32>} : memref<27x1472xf32, #tpu.memory_space<vmem>>, vector<16xf32>,
        %sub3A_688 = arith.subf %broadcast_in_dim3A_179, %get3A_687 : vector<16xf32>
        %mul3A_689 = arith.mulf %sub3A_688, %sub3A_688 : vector<16xf32>
        %add3A_690 = arith.addf %add3A_650, %mul3A_689 : vector<16xf32>
        %sub3A_691 = arith.subf %broadcast_in_dim3A_280, %get3A_687 : vector<16xf32>
        %mul3A_692 = arith.mulf %sub3A_691, %sub3A_691 : vector<16xf32>
        %add3A_693 = arith.addf %add3A_653, %mul3A_692 : vector<16xf32>
        %get3A_694 = arith.constant 18 : i32
        %get3A_695 = arith.index_cast %get3A_694 : i32 to index
        %get3A_696 = arith.index_cast %mul3A_513 : i32 to index
        %get3A_697 = tpu.vector_load %arg12[%get3A_695, %get3A_696] {strides = array<i32>} : memref<27x1472xf32, #tpu.memory_space<vmem>>, vector<16xf32>,
        %sub3A_698 = arith.subf %broadcast_in_dim3A_182, %get3A_697 : vector<16xf32>
        %mul3A_699 = arith.mulf %sub3A_698, %sub3A_698 : vector<16xf32>
        %add3A_700 = arith.addf %add3A_660, %mul3A_699 : vector<16xf32>
        %sub3A_701 = arith.subf %broadcast_in_dim3A_283, %get3A_697 : vector<16xf32>
        %mul3A_702 = arith.mulf %sub3A_701, %sub3A_701 : vector<16xf32>
        %add3A_703 = arith.addf %add3A_663, %mul3A_702 : vector<16xf32>
        %get3A_704 = arith.constant 19 : i32
        %get3A_705 = arith.index_cast %get3A_704 : i32 to index
        %get3A_706 = arith.index_cast %mul3A_513 : i32 to index
        %get3A_707 = tpu.vector_load %arg12[%get3A_705, %get3A_706] {strides = array<i32>} : memref<27x1472xf32, #tpu.memory_space<vmem>>, vector<16xf32>,
        %sub3A_708 = arith.subf %broadcast_in_dim3A_185, %get3A_707 : vector<16xf32>
        %mul3A_709 = arith.mulf %sub3A_708, %sub3A_708 : vector<16xf32>
        %add3A_710 = arith.addf %add3A_670, %mul3A_709 : vector<16xf32>
        %sub3A_711 = arith.subf %broadcast_in_dim3A_286, %get3A_707 : vector<16xf32>
        %mul3A_712 = arith.mulf %sub3A_711, %sub3A_711 : vector<16xf32>
        %add3A_713 = arith.addf %add3A_673, %mul3A_712 : vector<16xf32>
        %get3A_714 = arith.constant 20 : i32
        %get3A_715 = arith.index_cast %get3A_714 : i32 to index
        %get3A_716 = arith.index_cast %mul3A_513 : i32 to index
        %get3A_717 = tpu.vector_load %arg12[%get3A_715, %get3A_716] {strides = array<i32>} : memref<27x1472xf32, #tpu.memory_space<vmem>>, vector<16xf32>,
        %sub3A_718 = arith.subf %broadcast_in_dim3A_188, %get3A_717 : vector<16xf32>
        %mul3A_719 = arith.mulf %sub3A_718, %sub3A_718 : vector<16xf32>
        %add3A_720 = arith.addf %add3A_680, %mul3A_719 : vector<16xf32>
        %sub3A_721 = arith.subf %broadcast_in_dim3A_289, %get3A_717 : vector<16xf32>
        %mul3A_722 = arith.mulf %sub3A_721, %sub3A_721 : vector<16xf32>
        %add3A_723 = arith.addf %add3A_683, %mul3A_722 : vector<16xf32>
        %get3A_724 = arith.constant 21 : i32
        %get3A_725 = arith.index_cast %get3A_724 : i32 to index
        %get3A_726 = arith.index_cast %mul3A_513 : i32 to index
        %get3A_727 = tpu.vector_load %arg12[%get3A_725, %get3A_726] {strides = array<i32>} : memref<27x1472xf32, #tpu.memory_space<vmem>>, vector<16xf32>,
        %sub3A_728 = arith.subf %broadcast_in_dim3A_191, %get3A_727 : vector<16xf32>
        %mul3A_729 = arith.mulf %sub3A_728, %sub3A_728 : vector<16xf32>
        %add3A_730 = arith.addf %add3A_690, %mul3A_729 : vector<16xf32>
        %sub3A_731 = arith.subf %broadcast_in_dim3A_292, %get3A_727 : vector<16xf32>
        %mul3A_732 = arith.mulf %sub3A_731, %sub3A_731 : vector<16xf32>
        %add3A_733 = arith.addf %add3A_693, %mul3A_732 : vector<16xf32>
        %get3A_734 = arith.constant 22 : i32
        %get3A_735 = arith.index_cast %get3A_734 : i32 to index
        %get3A_736 = arith.index_cast %mul3A_513 : i32 to index
        %get3A_737 = tpu.vector_load %arg12[%get3A_735, %get3A_736] {strides = array<i32>} : memref<27x1472xf32, #tpu.memory_space<vmem>>, vector<16xf32>,
        %sub3A_738 = arith.subf %broadcast_in_dim3A_194, %get3A_737 : vector<16xf32>
        %mul3A_739 = arith.mulf %sub3A_738, %sub3A_738 : vector<16xf32>
        %add3A_740 = arith.addf %add3A_700, %mul3A_739 : vector<16xf32>
        %sub3A_741 = arith.subf %broadcast_in_dim3A_295, %get3A_737 : vector<16xf32>
        %mul3A_742 = arith.mulf %sub3A_741, %sub3A_741 : vector<16xf32>
        %add3A_743 = arith.addf %add3A_703, %mul3A_742 : vector<16xf32>
        %get3A_744 = arith.constant 23 : i32
        %get3A_745 = arith.index_cast %get3A_744 : i32 to index
        %get3A_746 = arith.index_cast %mul3A_513 : i32 to index
        %get3A_747 = tpu.vector_load %arg12[%get3A_745, %get3A_746] {strides = array<i32>} : memref<27x1472xf32, #tpu.memory_space<vmem>>, vector<16xf32>,
        %sub3A_748 = arith.subf %broadcast_in_dim3A_197, %get3A_747 : vector<16xf32>
        %mul3A_749 = arith.mulf %sub3A_748, %sub3A_748 : vector<16xf32>
        %add3A_750 = arith.addf %add3A_710, %mul3A_749 : vector<16xf32>
        %sub3A_751 = arith.subf %broadcast_in_dim3A_298, %get3A_747 : vector<16xf32>
        %mul3A_752 = arith.mulf %sub3A_751, %sub3A_751 : vector<16xf32>
        %add3A_753 = arith.addf %add3A_713, %mul3A_752 : vector<16xf32>
        %get3A_754 = arith.constant 24 : i32
        %get3A_755 = arith.index_cast %get3A_754 : i32 to index
        %get3A_756 = arith.index_cast %mul3A_513 : i32 to index
        %get3A_757 = tpu.vector_load %arg12[%get3A_755, %get3A_756] {strides = array<i32>} : memref<27x1472xf32, #tpu.memory_space<vmem>>, vector<16xf32>,
        %sub3A_758 = arith.subf %broadcast_in_dim3A_200, %get3A_757 : vector<16xf32>
        %mul3A_759 = arith.mulf %sub3A_758, %sub3A_758 : vector<16xf32>
        %add3A_760 = arith.addf %add3A_720, %mul3A_759 : vector<16xf32>
        %sub3A_761 = arith.subf %broadcast_in_dim3A_301, %get3A_757 : vector<16xf32>
        %mul3A_762 = arith.mulf %sub3A_761, %sub3A_761 : vector<16xf32>
        %add3A_763 = arith.addf %add3A_723, %mul3A_762 : vector<16xf32>
        %get3A_764 = arith.constant 25 : i32
        %get3A_765 = arith.index_cast %get3A_764 : i32 to index
        %get3A_766 = arith.index_cast %mul3A_513 : i32 to index
        %get3A_767 = tpu.vector_load %arg12[%get3A_765, %get3A_766] {strides = array<i32>} : memref<27x1472xf32, #tpu.memory_space<vmem>>, vector<16xf32>,
        %sub3A_768 = arith.subf %broadcast_in_dim3A_203, %get3A_767 : vector<16xf32>
        %mul3A_769 = arith.mulf %sub3A_768, %sub3A_768 : vector<16xf32>
        %add3A_770 = arith.addf %add3A_730, %mul3A_769 : vector<16xf32>
        %sub3A_771 = arith.subf %broadcast_in_dim3A_304, %get3A_767 : vector<16xf32>
        %mul3A_772 = arith.mulf %sub3A_771, %sub3A_771 : vector<16xf32>
        %add3A_773 = arith.addf %add3A_733, %mul3A_772 : vector<16xf32>
        %get3A_774 = arith.constant 26 : i32
        %get3A_775 = arith.index_cast %get3A_774 : i32 to index
        %get3A_776 = arith.index_cast %mul3A_513 : i32 to index
        %get3A_777 = tpu.vector_load %arg12[%get3A_775, %get3A_776] {strides = array<i32>} : memref<27x1472xf32, #tpu.memory_space<vmem>>, vector<16xf32>,
        %sub3A_778 = arith.subf %broadcast_in_dim3A_206, %get3A_777 : vector<16xf32>
        %mul3A_779 = arith.mulf %sub3A_778, %sub3A_778 : vector<16xf32>
        %add3A_780 = arith.addf %add3A_740, %mul3A_779 : vector<16xf32>
        %sub3A_781 = arith.subf %broadcast_in_dim3A_307, %get3A_777 : vector<16xf32>
        %mul3A_782 = arith.mulf %sub3A_781, %sub3A_781 : vector<16xf32>
        %add3A_783 = arith.addf %add3A_743, %mul3A_782 : vector<16xf32>
        %add3A_784 = arith.addf %add3A_760, %add3A_770 : vector<16xf32>
        %add3A_785 = arith.addf %add3A_780, %add3A_750 : vector<16xf32>
        %add3A_786 = arith.addf %add3A_784, %add3A_785 : vector<16xf32>
        %add3A_787 = arith.addf %add3A_763, %add3A_773 : vector<16xf32>
        %add3A_788 = arith.addf %add3A_783, %add3A_753 : vector<16xf32>
        %add3A_789 = arith.addf %add3A_787, %add3A_788 : vector<16xf32>
        %broadcast_in_dim3A_790 = vector.broadcast %add3A_495 : i32 to vector<16xi32>
        %lt3A_791 = arith.cmpf olt, %add3A_786, %scan3A_488 : vector<16xf32>
        %select_n3A_792 = arith.select %lt3A_791, %add3A_786, %scan3A_488 : vector<16xi1>, vector<16xf32>
        %select_n3A_793 = arith.select %lt3A_791, %broadcast_in_dim3A_790, %scan3A_489 : vector<16xi1>, vector<16xi32>
        %lt3A_794 = arith.cmpf olt, %add3A_789, %scan3A_490 : vector<16xf32>
        %select_n3A_795 = arith.select %lt3A_794, %add3A_789, %scan3A_490 : vector<16xi1>, vector<16xf32>
        %select_n3A_796 = arith.select %lt3A_794, %broadcast_in_dim3A_790, %scan3A_491 : vector<16xi1>, vector<16xi32>
        %mul3A_797 = arith.constant 4 : i32
        %mul3A_798 = arith.muli %scan3A_487, %mul3A_797 : i32
        %add3A_799 = arith.constant 1 : i32
        %add3A_800 = arith.addi %mul3A_798, %add3A_799 : i32
        %broadcast_in_dim3A_801 = arith.constant 0.000000e+00 : f32
        %broadcast_in_dim3A_802 = vector.broadcast %broadcast_in_dim3A_801 : f32 to vector<16xf32>
        %broadcast_in_dim3A_803 = arith.constant 0.000000e+00 : f32
        %broadcast_in_dim3A_804 = vector.broadcast %broadcast_in_dim3A_803 : f32 to vector<16xf32>
        %broadcast_in_dim3A_805 = arith.constant 0.000000e+00 : f32
        %broadcast_in_dim3A_806 = vector.broadcast %broadcast_in_dim3A_805 : f32 to vector<16xf32>
        %broadcast_in_dim3A_807 = arith.constant 0.000000e+00 : f32
        %broadcast_in_dim3A_808 = vector.broadcast %broadcast_in_dim3A_807 : f32 to vector<16xf32>
        %broadcast_in_dim3A_809 = arith.constant 0.000000e+00 : f32
        %broadcast_in_dim3A_810 = vector.broadcast %broadcast_in_dim3A_809 : f32 to vector<16xf32>
        %broadcast_in_dim3A_811 = arith.constant 0.000000e+00 : f32
        %broadcast_in_dim3A_812 = vector.broadcast %broadcast_in_dim3A_811 : f32 to vector<16xf32>
        %broadcast_in_dim3A_813 = arith.constant 0.000000e+00 : f32
        %broadcast_in_dim3A_814 = vector.broadcast %broadcast_in_dim3A_813 : f32 to vector<16xf32>
        %broadcast_in_dim3A_815 = arith.constant 0.000000e+00 : f32
        %broadcast_in_dim3A_816 = vector.broadcast %broadcast_in_dim3A_815 : f32 to vector<16xf32>
        %mul3A_817 = arith.constant 16 : i32
        %mul3A_818 = arith.muli %add3A_800, %mul3A_817 : i32
        %get3A_819 = arith.constant 0 : i32
        %get3A_820 = arith.index_cast %get3A_819 : i32 to index
        %get3A_821 = arith.index_cast %mul3A_818 : i32 to index
        %get3A_822 = tpu.vector_load %arg12[%get3A_820, %get3A_821] {strides = array<i32>} : memref<27x1472xf32, #tpu.memory_space<vmem>>, vector<16xf32>,
        %sub3A_823 = arith.subf %broadcast_in_dim3A_128, %get3A_822 : vector<16xf32>
        %mul3A_824 = arith.mulf %sub3A_823, %sub3A_823 : vector<16xf32>
        %add3A_825 = arith.addf %broadcast_in_dim3A_802, %mul3A_824 : vector<16xf32>
        %sub3A_826 = arith.subf %broadcast_in_dim3A_229, %get3A_822 : vector<16xf32>
        %mul3A_827 = arith.mulf %sub3A_826, %sub3A_826 : vector<16xf32>
        %add3A_828 = arith.addf %broadcast_in_dim3A_810, %mul3A_827 : vector<16xf32>
        %get3A_829 = arith.constant 1 : i32
        %get3A_830 = arith.index_cast %get3A_829 : i32 to index
        %get3A_831 = arith.index_cast %mul3A_818 : i32 to index
        %get3A_832 = tpu.vector_load %arg12[%get3A_830, %get3A_831] {strides = array<i32>} : memref<27x1472xf32, #tpu.memory_space<vmem>>, vector<16xf32>,
        %sub3A_833 = arith.subf %broadcast_in_dim3A_131, %get3A_832 : vector<16xf32>
        %mul3A_834 = arith.mulf %sub3A_833, %sub3A_833 : vector<16xf32>
        %add3A_835 = arith.addf %broadcast_in_dim3A_804, %mul3A_834 : vector<16xf32>
        %sub3A_836 = arith.subf %broadcast_in_dim3A_232, %get3A_832 : vector<16xf32>
        %mul3A_837 = arith.mulf %sub3A_836, %sub3A_836 : vector<16xf32>
        %add3A_838 = arith.addf %broadcast_in_dim3A_812, %mul3A_837 : vector<16xf32>
        %get3A_839 = arith.constant 2 : i32
        %get3A_840 = arith.index_cast %get3A_839 : i32 to index
        %get3A_841 = arith.index_cast %mul3A_818 : i32 to index
        %get3A_842 = tpu.vector_load %arg12[%get3A_840, %get3A_841] {strides = array<i32>} : memref<27x1472xf32, #tpu.memory_space<vmem>>, vector<16xf32>,
        %sub3A_843 = arith.subf %broadcast_in_dim3A_134, %get3A_842 : vector<16xf32>
        %mul3A_844 = arith.mulf %sub3A_843, %sub3A_843 : vector<16xf32>
        %add3A_845 = arith.addf %broadcast_in_dim3A_806, %mul3A_844 : vector<16xf32>
        %sub3A_846 = arith.subf %broadcast_in_dim3A_235, %get3A_842 : vector<16xf32>
        %mul3A_847 = arith.mulf %sub3A_846, %sub3A_846 : vector<16xf32>
        %add3A_848 = arith.addf %broadcast_in_dim3A_814, %mul3A_847 : vector<16xf32>
        %get3A_849 = arith.constant 3 : i32
        %get3A_850 = arith.index_cast %get3A_849 : i32 to index
        %get3A_851 = arith.index_cast %mul3A_818 : i32 to index
        %get3A_852 = tpu.vector_load %arg12[%get3A_850, %get3A_851] {strides = array<i32>} : memref<27x1472xf32, #tpu.memory_space<vmem>>, vector<16xf32>,
        %sub3A_853 = arith.subf %broadcast_in_dim3A_137, %get3A_852 : vector<16xf32>
        %mul3A_854 = arith.mulf %sub3A_853, %sub3A_853 : vector<16xf32>
        %add3A_855 = arith.addf %broadcast_in_dim3A_808, %mul3A_854 : vector<16xf32>
        %sub3A_856 = arith.subf %broadcast_in_dim3A_238, %get3A_852 : vector<16xf32>
        %mul3A_857 = arith.mulf %sub3A_856, %sub3A_856 : vector<16xf32>
        %add3A_858 = arith.addf %broadcast_in_dim3A_816, %mul3A_857 : vector<16xf32>
        %get3A_859 = arith.constant 4 : i32
        %get3A_860 = arith.index_cast %get3A_859 : i32 to index
        %get3A_861 = arith.index_cast %mul3A_818 : i32 to index
        %get3A_862 = tpu.vector_load %arg12[%get3A_860, %get3A_861] {strides = array<i32>} : memref<27x1472xf32, #tpu.memory_space<vmem>>, vector<16xf32>,
        %sub3A_863 = arith.subf %broadcast_in_dim3A_140, %get3A_862 : vector<16xf32>
        %mul3A_864 = arith.mulf %sub3A_863, %sub3A_863 : vector<16xf32>
        %add3A_865 = arith.addf %add3A_825, %mul3A_864 : vector<16xf32>
        %sub3A_866 = arith.subf %broadcast_in_dim3A_241, %get3A_862 : vector<16xf32>
        %mul3A_867 = arith.mulf %sub3A_866, %sub3A_866 : vector<16xf32>
        %add3A_868 = arith.addf %add3A_828, %mul3A_867 : vector<16xf32>
        %get3A_869 = arith.constant 5 : i32
        %get3A_870 = arith.index_cast %get3A_869 : i32 to index
        %get3A_871 = arith.index_cast %mul3A_818 : i32 to index
        %get3A_872 = tpu.vector_load %arg12[%get3A_870, %get3A_871] {strides = array<i32>} : memref<27x1472xf32, #tpu.memory_space<vmem>>, vector<16xf32>,
        %sub3A_873 = arith.subf %broadcast_in_dim3A_143, %get3A_872 : vector<16xf32>
        %mul3A_874 = arith.mulf %sub3A_873, %sub3A_873 : vector<16xf32>
        %add3A_875 = arith.addf %add3A_835, %mul3A_874 : vector<16xf32>
        %sub3A_876 = arith.subf %broadcast_in_dim3A_244, %get3A_872 : vector<16xf32>
        %mul3A_877 = arith.mulf %sub3A_876, %sub3A_876 : vector<16xf32>
        %add3A_878 = arith.addf %add3A_838, %mul3A_877 : vector<16xf32>
        %get3A_879 = arith.constant 6 : i32
        %get3A_880 = arith.index_cast %get3A_879 : i32 to index
        %get3A_881 = arith.index_cast %mul3A_818 : i32 to index
        %get3A_882 = tpu.vector_load %arg12[%get3A_880, %get3A_881] {strides = array<i32>} : memref<27x1472xf32, #tpu.memory_space<vmem>>, vector<16xf32>,
        %sub3A_883 = arith.subf %broadcast_in_dim3A_146, %get3A_882 : vector<16xf32>
        %mul3A_884 = arith.mulf %sub3A_883, %sub3A_883 : vector<16xf32>
        %add3A_885 = arith.addf %add3A_845, %mul3A_884 : vector<16xf32>
        %sub3A_886 = arith.subf %broadcast_in_dim3A_247, %get3A_882 : vector<16xf32>
        %mul3A_887 = arith.mulf %sub3A_886, %sub3A_886 : vector<16xf32>
        %add3A_888 = arith.addf %add3A_848, %mul3A_887 : vector<16xf32>
        %get3A_889 = arith.constant 7 : i32
        %get3A_890 = arith.index_cast %get3A_889 : i32 to index
        %get3A_891 = arith.index_cast %mul3A_818 : i32 to index
        %get3A_892 = tpu.vector_load %arg12[%get3A_890, %get3A_891] {strides = array<i32>} : memref<27x1472xf32, #tpu.memory_space<vmem>>, vector<16xf32>,
        %sub3A_893 = arith.subf %broadcast_in_dim3A_149, %get3A_892 : vector<16xf32>
        %mul3A_894 = arith.mulf %sub3A_893, %sub3A_893 : vector<16xf32>
        %add3A_895 = arith.addf %add3A_855, %mul3A_894 : vector<16xf32>
        %sub3A_896 = arith.subf %broadcast_in_dim3A_250, %get3A_892 : vector<16xf32>
        %mul3A_897 = arith.mulf %sub3A_896, %sub3A_896 : vector<16xf32>
        %add3A_898 = arith.addf %add3A_858, %mul3A_897 : vector<16xf32>
        %get3A_899 = arith.constant 8 : i32
        %get3A_900 = arith.index_cast %get3A_899 : i32 to index
        %get3A_901 = arith.index_cast %mul3A_818 : i32 to index
        %get3A_902 = tpu.vector_load %arg12[%get3A_900, %get3A_901] {strides = array<i32>} : memref<27x1472xf32, #tpu.memory_space<vmem>>, vector<16xf32>,
        %sub3A_903 = arith.subf %broadcast_in_dim3A_152, %get3A_902 : vector<16xf32>
        %mul3A_904 = arith.mulf %sub3A_903, %sub3A_903 : vector<16xf32>
        %add3A_905 = arith.addf %add3A_865, %mul3A_904 : vector<16xf32>
        %sub3A_906 = arith.subf %broadcast_in_dim3A_253, %get3A_902 : vector<16xf32>
        %mul3A_907 = arith.mulf %sub3A_906, %sub3A_906 : vector<16xf32>
        %add3A_908 = arith.addf %add3A_868, %mul3A_907 : vector<16xf32>
        %get3A_909 = arith.constant 9 : i32
        %get3A_910 = arith.index_cast %get3A_909 : i32 to index
        %get3A_911 = arith.index_cast %mul3A_818 : i32 to index
        %get3A_912 = tpu.vector_load %arg12[%get3A_910, %get3A_911] {strides = array<i32>} : memref<27x1472xf32, #tpu.memory_space<vmem>>, vector<16xf32>,
        %sub3A_913 = arith.subf %broadcast_in_dim3A_155, %get3A_912 : vector<16xf32>
        %mul3A_914 = arith.mulf %sub3A_913, %sub3A_913 : vector<16xf32>
        %add3A_915 = arith.addf %add3A_875, %mul3A_914 : vector<16xf32>
        %sub3A_916 = arith.subf %broadcast_in_dim3A_256, %get3A_912 : vector<16xf32>
        %mul3A_917 = arith.mulf %sub3A_916, %sub3A_916 : vector<16xf32>
        %add3A_918 = arith.addf %add3A_878, %mul3A_917 : vector<16xf32>
        %get3A_919 = arith.constant 10 : i32
        %get3A_920 = arith.index_cast %get3A_919 : i32 to index
        %get3A_921 = arith.index_cast %mul3A_818 : i32 to index
        %get3A_922 = tpu.vector_load %arg12[%get3A_920, %get3A_921] {strides = array<i32>} : memref<27x1472xf32, #tpu.memory_space<vmem>>, vector<16xf32>,
        %sub3A_923 = arith.subf %broadcast_in_dim3A_158, %get3A_922 : vector<16xf32>
        %mul3A_924 = arith.mulf %sub3A_923, %sub3A_923 : vector<16xf32>
        %add3A_925 = arith.addf %add3A_885, %mul3A_924 : vector<16xf32>
        %sub3A_926 = arith.subf %broadcast_in_dim3A_259, %get3A_922 : vector<16xf32>
        %mul3A_927 = arith.mulf %sub3A_926, %sub3A_926 : vector<16xf32>
        %add3A_928 = arith.addf %add3A_888, %mul3A_927 : vector<16xf32>
        %get3A_929 = arith.constant 11 : i32
        %get3A_930 = arith.index_cast %get3A_929 : i32 to index
        %get3A_931 = arith.index_cast %mul3A_818 : i32 to index
        %get3A_932 = tpu.vector_load %arg12[%get3A_930, %get3A_931] {strides = array<i32>} : memref<27x1472xf32, #tpu.memory_space<vmem>>, vector<16xf32>,
        %sub3A_933 = arith.subf %broadcast_in_dim3A_161, %get3A_932 : vector<16xf32>
        %mul3A_934 = arith.mulf %sub3A_933, %sub3A_933 : vector<16xf32>
        %add3A_935 = arith.addf %add3A_895, %mul3A_934 : vector<16xf32>
        %sub3A_936 = arith.subf %broadcast_in_dim3A_262, %get3A_932 : vector<16xf32>
        %mul3A_937 = arith.mulf %sub3A_936, %sub3A_936 : vector<16xf32>
        %add3A_938 = arith.addf %add3A_898, %mul3A_937 : vector<16xf32>
        %get3A_939 = arith.constant 12 : i32
        %get3A_940 = arith.index_cast %get3A_939 : i32 to index
        %get3A_941 = arith.index_cast %mul3A_818 : i32 to index
        %get3A_942 = tpu.vector_load %arg12[%get3A_940, %get3A_941] {strides = array<i32>} : memref<27x1472xf32, #tpu.memory_space<vmem>>, vector<16xf32>,
        %sub3A_943 = arith.subf %broadcast_in_dim3A_164, %get3A_942 : vector<16xf32>
        %mul3A_944 = arith.mulf %sub3A_943, %sub3A_943 : vector<16xf32>
        %add3A_945 = arith.addf %add3A_905, %mul3A_944 : vector<16xf32>
        %sub3A_946 = arith.subf %broadcast_in_dim3A_265, %get3A_942 : vector<16xf32>
        %mul3A_947 = arith.mulf %sub3A_946, %sub3A_946 : vector<16xf32>
        %add3A_948 = arith.addf %add3A_908, %mul3A_947 : vector<16xf32>
        %get3A_949 = arith.constant 13 : i32
        %get3A_950 = arith.index_cast %get3A_949 : i32 to index
        %get3A_951 = arith.index_cast %mul3A_818 : i32 to index
        %get3A_952 = tpu.vector_load %arg12[%get3A_950, %get3A_951] {strides = array<i32>} : memref<27x1472xf32, #tpu.memory_space<vmem>>, vector<16xf32>,
        %sub3A_953 = arith.subf %broadcast_in_dim3A_167, %get3A_952 : vector<16xf32>
        %mul3A_954 = arith.mulf %sub3A_953, %sub3A_953 : vector<16xf32>
        %add3A_955 = arith.addf %add3A_915, %mul3A_954 : vector<16xf32>
        %sub3A_956 = arith.subf %broadcast_in_dim3A_268, %get3A_952 : vector<16xf32>
        %mul3A_957 = arith.mulf %sub3A_956, %sub3A_956 : vector<16xf32>
        %add3A_958 = arith.addf %add3A_918, %mul3A_957 : vector<16xf32>
        %get3A_959 = arith.constant 14 : i32
        %get3A_960 = arith.index_cast %get3A_959 : i32 to index
        %get3A_961 = arith.index_cast %mul3A_818 : i32 to index
        %get3A_962 = tpu.vector_load %arg12[%get3A_960, %get3A_961] {strides = array<i32>} : memref<27x1472xf32, #tpu.memory_space<vmem>>, vector<16xf32>,
        %sub3A_963 = arith.subf %broadcast_in_dim3A_170, %get3A_962 : vector<16xf32>
        %mul3A_964 = arith.mulf %sub3A_963, %sub3A_963 : vector<16xf32>
        %add3A_965 = arith.addf %add3A_925, %mul3A_964 : vector<16xf32>
        %sub3A_966 = arith.subf %broadcast_in_dim3A_271, %get3A_962 : vector<16xf32>
        %mul3A_967 = arith.mulf %sub3A_966, %sub3A_966 : vector<16xf32>
        %add3A_968 = arith.addf %add3A_928, %mul3A_967 : vector<16xf32>
        %get3A_969 = arith.constant 15 : i32
        %get3A_970 = arith.index_cast %get3A_969 : i32 to index
        %get3A_971 = arith.index_cast %mul3A_818 : i32 to index
        %get3A_972 = tpu.vector_load %arg12[%get3A_970, %get3A_971] {strides = array<i32>} : memref<27x1472xf32, #tpu.memory_space<vmem>>, vector<16xf32>,
        %sub3A_973 = arith.subf %broadcast_in_dim3A_173, %get3A_972 : vector<16xf32>
        %mul3A_974 = arith.mulf %sub3A_973, %sub3A_973 : vector<16xf32>
        %add3A_975 = arith.addf %add3A_935, %mul3A_974 : vector<16xf32>
        %sub3A_976 = arith.subf %broadcast_in_dim3A_274, %get3A_972 : vector<16xf32>
        %mul3A_977 = arith.mulf %sub3A_976, %sub3A_976 : vector<16xf32>
        %add3A_978 = arith.addf %add3A_938, %mul3A_977 : vector<16xf32>
        %get3A_979 = arith.constant 16 : i32
        %get3A_980 = arith.index_cast %get3A_979 : i32 to index
        %get3A_981 = arith.index_cast %mul3A_818 : i32 to index
        %get3A_982 = tpu.vector_load %arg12[%get3A_980, %get3A_981] {strides = array<i32>} : memref<27x1472xf32, #tpu.memory_space<vmem>>, vector<16xf32>,
        %sub3A_983 = arith.subf %broadcast_in_dim3A_176, %get3A_982 : vector<16xf32>
        %mul3A_984 = arith.mulf %sub3A_983, %sub3A_983 : vector<16xf32>
        %add3A_985 = arith.addf %add3A_945, %mul3A_984 : vector<16xf32>
        %sub3A_986 = arith.subf %broadcast_in_dim3A_277, %get3A_982 : vector<16xf32>
        %mul3A_987 = arith.mulf %sub3A_986, %sub3A_986 : vector<16xf32>
        %add3A_988 = arith.addf %add3A_948, %mul3A_987 : vector<16xf32>
        %get3A_989 = arith.constant 17 : i32
        %get3A_990 = arith.index_cast %get3A_989 : i32 to index
        %get3A_991 = arith.index_cast %mul3A_818 : i32 to index
        %get3A_992 = tpu.vector_load %arg12[%get3A_990, %get3A_991] {strides = array<i32>} : memref<27x1472xf32, #tpu.memory_space<vmem>>, vector<16xf32>,
        %sub3A_993 = arith.subf %broadcast_in_dim3A_179, %get3A_992 : vector<16xf32>
        %mul3A_994 = arith.mulf %sub3A_993, %sub3A_993 : vector<16xf32>
        %add3A_995 = arith.addf %add3A_955, %mul3A_994 : vector<16xf32>
        %sub3A_996 = arith.subf %broadcast_in_dim3A_280, %get3A_992 : vector<16xf32>
        %mul3A_997 = arith.mulf %sub3A_996, %sub3A_996 : vector<16xf32>
        %add3A_998 = arith.addf %add3A_958, %mul3A_997 : vector<16xf32>
        %get3A_999 = arith.constant 18 : i32
        %get3A_1000 = arith.index_cast %get3A_999 : i32 to index
        %get3A_1001 = arith.index_cast %mul3A_818 : i32 to index
        %get3A_1002 = tpu.vector_load %arg12[%get3A_1000, %get3A_1001] {strides = array<i32>} : memref<27x1472xf32, #tpu.memory_space<vmem>>, vector<16xf32>,
        %sub3A_1003 = arith.subf %broadcast_in_dim3A_182, %get3A_1002 : vector<16xf32>
        %mul3A_1004 = arith.mulf %sub3A_1003, %sub3A_1003 : vector<16xf32>
        %add3A_1005 = arith.addf %add3A_965, %mul3A_1004 : vector<16xf32>
        %sub3A_1006 = arith.subf %broadcast_in_dim3A_283, %get3A_1002 : vector<16xf32>
        %mul3A_1007 = arith.mulf %sub3A_1006, %sub3A_1006 : vector<16xf32>
        %add3A_1008 = arith.addf %add3A_968, %mul3A_1007 : vector<16xf32>
        %get3A_1009 = arith.constant 19 : i32
        %get3A_1010 = arith.index_cast %get3A_1009 : i32 to index
        %get3A_1011 = arith.index_cast %mul3A_818 : i32 to index
        %get3A_1012 = tpu.vector_load %arg12[%get3A_1010, %get3A_1011] {strides = array<i32>} : memref<27x1472xf32, #tpu.memory_space<vmem>>, vector<16xf32>,
        %sub3A_1013 = arith.subf %broadcast_in_dim3A_185, %get3A_1012 : vector<16xf32>
        %mul3A_1014 = arith.mulf %sub3A_1013, %sub3A_1013 : vector<16xf32>
        %add3A_1015 = arith.addf %add3A_975, %mul3A_1014 : vector<16xf32>
        %sub3A_1016 = arith.subf %broadcast_in_dim3A_286, %get3A_1012 : vector<16xf32>
        %mul3A_1017 = arith.mulf %sub3A_1016, %sub3A_1016 : vector<16xf32>
        %add3A_1018 = arith.addf %add3A_978, %mul3A_1017 : vector<16xf32>
        %get3A_1019 = arith.constant 20 : i32
        %get3A_1020 = arith.index_cast %get3A_1019 : i32 to index
        %get3A_1021 = arith.index_cast %mul3A_818 : i32 to index
        %get3A_1022 = tpu.vector_load %arg12[%get3A_1020, %get3A_1021] {strides = array<i32>} : memref<27x1472xf32, #tpu.memory_space<vmem>>, vector<16xf32>,
        %sub3A_1023 = arith.subf %broadcast_in_dim3A_188, %get3A_1022 : vector<16xf32>
        %mul3A_1024 = arith.mulf %sub3A_1023, %sub3A_1023 : vector<16xf32>
        %add3A_1025 = arith.addf %add3A_985, %mul3A_1024 : vector<16xf32>
        %sub3A_1026 = arith.subf %broadcast_in_dim3A_289, %get3A_1022 : vector<16xf32>
        %mul3A_1027 = arith.mulf %sub3A_1026, %sub3A_1026 : vector<16xf32>
        %add3A_1028 = arith.addf %add3A_988, %mul3A_1027 : vector<16xf32>
        %get3A_1029 = arith.constant 21 : i32
        %get3A_1030 = arith.index_cast %get3A_1029 : i32 to index
        %get3A_1031 = arith.index_cast %mul3A_818 : i32 to index
        %get3A_1032 = tpu.vector_load %arg12[%get3A_1030, %get3A_1031] {strides = array<i32>} : memref<27x1472xf32, #tpu.memory_space<vmem>>, vector<16xf32>,
        %sub3A_1033 = arith.subf %broadcast_in_dim3A_191, %get3A_1032 : vector<16xf32>
        %mul3A_1034 = arith.mulf %sub3A_1033, %sub3A_1033 : vector<16xf32>
        %add3A_1035 = arith.addf %add3A_995, %mul3A_1034 : vector<16xf32>
        %sub3A_1036 = arith.subf %broadcast_in_dim3A_292, %get3A_1032 : vector<16xf32>
        %mul3A_1037 = arith.mulf %sub3A_1036, %sub3A_1036 : vector<16xf32>
        %add3A_1038 = arith.addf %add3A_998, %mul3A_1037 : vector<16xf32>
        %get3A_1039 = arith.constant 22 : i32
        %get3A_1040 = arith.index_cast %get3A_1039 : i32 to index
        %get3A_1041 = arith.index_cast %mul3A_818 : i32 to index
        %get3A_1042 = tpu.vector_load %arg12[%get3A_1040, %get3A_1041] {strides = array<i32>} : memref<27x1472xf32, #tpu.memory_space<vmem>>, vector<16xf32>,
        %sub3A_1043 = arith.subf %broadcast_in_dim3A_194, %get3A_1042 : vector<16xf32>
        %mul3A_1044 = arith.mulf %sub3A_1043, %sub3A_1043 : vector<16xf32>
        %add3A_1045 = arith.addf %add3A_1005, %mul3A_1044 : vector<16xf32>
        %sub3A_1046 = arith.subf %broadcast_in_dim3A_295, %get3A_1042 : vector<16xf32>
        %mul3A_1047 = arith.mulf %sub3A_1046, %sub3A_1046 : vector<16xf32>
        %add3A_1048 = arith.addf %add3A_1008, %mul3A_1047 : vector<16xf32>
        %get3A_1049 = arith.constant 23 : i32
        %get3A_1050 = arith.index_cast %get3A_1049 : i32 to index
        %get3A_1051 = arith.index_cast %mul3A_818 : i32 to index
        %get3A_1052 = tpu.vector_load %arg12[%get3A_1050, %get3A_1051] {strides = array<i32>} : memref<27x1472xf32, #tpu.memory_space<vmem>>, vector<16xf32>,
        %sub3A_1053 = arith.subf %broadcast_in_dim3A_197, %get3A_1052 : vector<16xf32>
        %mul3A_1054 = arith.mulf %sub3A_1053, %sub3A_1053 : vector<16xf32>
        %add3A_1055 = arith.addf %add3A_1015, %mul3A_1054 : vector<16xf32>
        %sub3A_1056 = arith.subf %broadcast_in_dim3A_298, %get3A_1052 : vector<16xf32>
        %mul3A_1057 = arith.mulf %sub3A_1056, %sub3A_1056 : vector<16xf32>
        %add3A_1058 = arith.addf %add3A_1018, %mul3A_1057 : vector<16xf32>
        %get3A_1059 = arith.constant 24 : i32
        %get3A_1060 = arith.index_cast %get3A_1059 : i32 to index
        %get3A_1061 = arith.index_cast %mul3A_818 : i32 to index
        %get3A_1062 = tpu.vector_load %arg12[%get3A_1060, %get3A_1061] {strides = array<i32>} : memref<27x1472xf32, #tpu.memory_space<vmem>>, vector<16xf32>,
        %sub3A_1063 = arith.subf %broadcast_in_dim3A_200, %get3A_1062 : vector<16xf32>
        %mul3A_1064 = arith.mulf %sub3A_1063, %sub3A_1063 : vector<16xf32>
        %add3A_1065 = arith.addf %add3A_1025, %mul3A_1064 : vector<16xf32>
        %sub3A_1066 = arith.subf %broadcast_in_dim3A_301, %get3A_1062 : vector<16xf32>
        %mul3A_1067 = arith.mulf %sub3A_1066, %sub3A_1066 : vector<16xf32>
        %add3A_1068 = arith.addf %add3A_1028, %mul3A_1067 : vector<16xf32>
        %get3A_1069 = arith.constant 25 : i32
        %get3A_1070 = arith.index_cast %get3A_1069 : i32 to index
        %get3A_1071 = arith.index_cast %mul3A_818 : i32 to index
        %get3A_1072 = tpu.vector_load %arg12[%get3A_1070, %get3A_1071] {strides = array<i32>} : memref<27x1472xf32, #tpu.memory_space<vmem>>, vector<16xf32>,
        %sub3A_1073 = arith.subf %broadcast_in_dim3A_203, %get3A_1072 : vector<16xf32>
        %mul3A_1074 = arith.mulf %sub3A_1073, %sub3A_1073 : vector<16xf32>
        %add3A_1075 = arith.addf %add3A_1035, %mul3A_1074 : vector<16xf32>
        %sub3A_1076 = arith.subf %broadcast_in_dim3A_304, %get3A_1072 : vector<16xf32>
        %mul3A_1077 = arith.mulf %sub3A_1076, %sub3A_1076 : vector<16xf32>
        %add3A_1078 = arith.addf %add3A_1038, %mul3A_1077 : vector<16xf32>
        %get3A_1079 = arith.constant 26 : i32
        %get3A_1080 = arith.index_cast %get3A_1079 : i32 to index
        %get3A_1081 = arith.index_cast %mul3A_818 : i32 to index
        %get3A_1082 = tpu.vector_load %arg12[%get3A_1080, %get3A_1081] {strides = array<i32>} : memref<27x1472xf32, #tpu.memory_space<vmem>>, vector<16xf32>,
        %sub3A_1083 = arith.subf %broadcast_in_dim3A_206, %get3A_1082 : vector<16xf32>
        %mul3A_1084 = arith.mulf %sub3A_1083, %sub3A_1083 : vector<16xf32>
        %add3A_1085 = arith.addf %add3A_1045, %mul3A_1084 : vector<16xf32>
        %sub3A_1086 = arith.subf %broadcast_in_dim3A_307, %get3A_1082 : vector<16xf32>
        %mul3A_1087 = arith.mulf %sub3A_1086, %sub3A_1086 : vector<16xf32>
        %add3A_1088 = arith.addf %add3A_1048, %mul3A_1087 : vector<16xf32>
        %add3A_1089 = arith.addf %add3A_1065, %add3A_1075 : vector<16xf32>
        %add3A_1090 = arith.addf %add3A_1085, %add3A_1055 : vector<16xf32>
        %add3A_1091 = arith.addf %add3A_1089, %add3A_1090 : vector<16xf32>
        %add3A_1092 = arith.addf %add3A_1068, %add3A_1078 : vector<16xf32>
        %add3A_1093 = arith.addf %add3A_1088, %add3A_1058 : vector<16xf32>
        %add3A_1094 = arith.addf %add3A_1092, %add3A_1093 : vector<16xf32>
        %broadcast_in_dim3A_1095 = vector.broadcast %add3A_800 : i32 to vector<16xi32>
        %lt3A_1096 = arith.cmpf olt, %add3A_1091, %select_n3A_792 : vector<16xf32>
        %select_n3A_1097 = arith.select %lt3A_1096, %add3A_1091, %select_n3A_792 : vector<16xi1>, vector<16xf32>
        %select_n3A_1098 = arith.select %lt3A_1096, %broadcast_in_dim3A_1095, %select_n3A_793 : vector<16xi1>, vector<16xi32>
        %lt3A_1099 = arith.cmpf olt, %add3A_1094, %select_n3A_795 : vector<16xf32>
        %select_n3A_1100 = arith.select %lt3A_1099, %add3A_1094, %select_n3A_795 : vector<16xi1>, vector<16xf32>
        %select_n3A_1101 = arith.select %lt3A_1099, %broadcast_in_dim3A_1095, %select_n3A_796 : vector<16xi1>, vector<16xi32>
        %mul3A_1102 = arith.constant 4 : i32
        %mul3A_1103 = arith.muli %scan3A_487, %mul3A_1102 : i32
        %add3A_1104 = arith.constant 2 : i32
        %add3A_1105 = arith.addi %mul3A_1103, %add3A_1104 : i32
        %broadcast_in_dim3A_1106 = arith.constant 0.000000e+00 : f32
        %broadcast_in_dim3A_1107 = vector.broadcast %broadcast_in_dim3A_1106 : f32 to vector<16xf32>
        %broadcast_in_dim3A_1108 = arith.constant 0.000000e+00 : f32
        %broadcast_in_dim3A_1109 = vector.broadcast %broadcast_in_dim3A_1108 : f32 to vector<16xf32>
        %broadcast_in_dim3A_1110 = arith.constant 0.000000e+00 : f32
        %broadcast_in_dim3A_1111 = vector.broadcast %broadcast_in_dim3A_1110 : f32 to vector<16xf32>
        %broadcast_in_dim3A_1112 = arith.constant 0.000000e+00 : f32
        %broadcast_in_dim3A_1113 = vector.broadcast %broadcast_in_dim3A_1112 : f32 to vector<16xf32>
        %broadcast_in_dim3A_1114 = arith.constant 0.000000e+00 : f32
        %broadcast_in_dim3A_1115 = vector.broadcast %broadcast_in_dim3A_1114 : f32 to vector<16xf32>
        %broadcast_in_dim3A_1116 = arith.constant 0.000000e+00 : f32
        %broadcast_in_dim3A_1117 = vector.broadcast %broadcast_in_dim3A_1116 : f32 to vector<16xf32>
        %broadcast_in_dim3A_1118 = arith.constant 0.000000e+00 : f32
        %broadcast_in_dim3A_1119 = vector.broadcast %broadcast_in_dim3A_1118 : f32 to vector<16xf32>
        %broadcast_in_dim3A_1120 = arith.constant 0.000000e+00 : f32
        %broadcast_in_dim3A_1121 = vector.broadcast %broadcast_in_dim3A_1120 : f32 to vector<16xf32>
        %mul3A_1122 = arith.constant 16 : i32
        %mul3A_1123 = arith.muli %add3A_1105, %mul3A_1122 : i32
        %get3A_1124 = arith.constant 0 : i32
        %get3A_1125 = arith.index_cast %get3A_1124 : i32 to index
        %get3A_1126 = arith.index_cast %mul3A_1123 : i32 to index
        %get3A_1127 = tpu.vector_load %arg12[%get3A_1125, %get3A_1126] {strides = array<i32>} : memref<27x1472xf32, #tpu.memory_space<vmem>>, vector<16xf32>,
        %sub3A_1128 = arith.subf %broadcast_in_dim3A_128, %get3A_1127 : vector<16xf32>
        %mul3A_1129 = arith.mulf %sub3A_1128, %sub3A_1128 : vector<16xf32>
        %add3A_1130 = arith.addf %broadcast_in_dim3A_1107, %mul3A_1129 : vector<16xf32>
        %sub3A_1131 = arith.subf %broadcast_in_dim3A_229, %get3A_1127 : vector<16xf32>
        %mul3A_1132 = arith.mulf %sub3A_1131, %sub3A_1131 : vector<16xf32>
        %add3A_1133 = arith.addf %broadcast_in_dim3A_1115, %mul3A_1132 : vector<16xf32>
        %get3A_1134 = arith.constant 1 : i32
        %get3A_1135 = arith.index_cast %get3A_1134 : i32 to index
        %get3A_1136 = arith.index_cast %mul3A_1123 : i32 to index
        %get3A_1137 = tpu.vector_load %arg12[%get3A_1135, %get3A_1136] {strides = array<i32>} : memref<27x1472xf32, #tpu.memory_space<vmem>>, vector<16xf32>,
        %sub3A_1138 = arith.subf %broadcast_in_dim3A_131, %get3A_1137 : vector<16xf32>
        %mul3A_1139 = arith.mulf %sub3A_1138, %sub3A_1138 : vector<16xf32>
        %add3A_1140 = arith.addf %broadcast_in_dim3A_1109, %mul3A_1139 : vector<16xf32>
        %sub3A_1141 = arith.subf %broadcast_in_dim3A_232, %get3A_1137 : vector<16xf32>
        %mul3A_1142 = arith.mulf %sub3A_1141, %sub3A_1141 : vector<16xf32>
        %add3A_1143 = arith.addf %broadcast_in_dim3A_1117, %mul3A_1142 : vector<16xf32>
        %get3A_1144 = arith.constant 2 : i32
        %get3A_1145 = arith.index_cast %get3A_1144 : i32 to index
        %get3A_1146 = arith.index_cast %mul3A_1123 : i32 to index
        %get3A_1147 = tpu.vector_load %arg12[%get3A_1145, %get3A_1146] {strides = array<i32>} : memref<27x1472xf32, #tpu.memory_space<vmem>>, vector<16xf32>,
        %sub3A_1148 = arith.subf %broadcast_in_dim3A_134, %get3A_1147 : vector<16xf32>
        %mul3A_1149 = arith.mulf %sub3A_1148, %sub3A_1148 : vector<16xf32>
        %add3A_1150 = arith.addf %broadcast_in_dim3A_1111, %mul3A_1149 : vector<16xf32>
        %sub3A_1151 = arith.subf %broadcast_in_dim3A_235, %get3A_1147 : vector<16xf32>
        %mul3A_1152 = arith.mulf %sub3A_1151, %sub3A_1151 : vector<16xf32>
        %add3A_1153 = arith.addf %broadcast_in_dim3A_1119, %mul3A_1152 : vector<16xf32>
        %get3A_1154 = arith.constant 3 : i32
        %get3A_1155 = arith.index_cast %get3A_1154 : i32 to index
        %get3A_1156 = arith.index_cast %mul3A_1123 : i32 to index
        %get3A_1157 = tpu.vector_load %arg12[%get3A_1155, %get3A_1156] {strides = array<i32>} : memref<27x1472xf32, #tpu.memory_space<vmem>>, vector<16xf32>,
        %sub3A_1158 = arith.subf %broadcast_in_dim3A_137, %get3A_1157 : vector<16xf32>
        %mul3A_1159 = arith.mulf %sub3A_1158, %sub3A_1158 : vector<16xf32>
        %add3A_1160 = arith.addf %broadcast_in_dim3A_1113, %mul3A_1159 : vector<16xf32>
        %sub3A_1161 = arith.subf %broadcast_in_dim3A_238, %get3A_1157 : vector<16xf32>
        %mul3A_1162 = arith.mulf %sub3A_1161, %sub3A_1161 : vector<16xf32>
        %add3A_1163 = arith.addf %broadcast_in_dim3A_1121, %mul3A_1162 : vector<16xf32>
        %get3A_1164 = arith.constant 4 : i32
        %get3A_1165 = arith.index_cast %get3A_1164 : i32 to index
        %get3A_1166 = arith.index_cast %mul3A_1123 : i32 to index
        %get3A_1167 = tpu.vector_load %arg12[%get3A_1165, %get3A_1166] {strides = array<i32>} : memref<27x1472xf32, #tpu.memory_space<vmem>>, vector<16xf32>,
        %sub3A_1168 = arith.subf %broadcast_in_dim3A_140, %get3A_1167 : vector<16xf32>
        %mul3A_1169 = arith.mulf %sub3A_1168, %sub3A_1168 : vector<16xf32>
        %add3A_1170 = arith.addf %add3A_1130, %mul3A_1169 : vector<16xf32>
        %sub3A_1171 = arith.subf %broadcast_in_dim3A_241, %get3A_1167 : vector<16xf32>
        %mul3A_1172 = arith.mulf %sub3A_1171, %sub3A_1171 : vector<16xf32>
        %add3A_1173 = arith.addf %add3A_1133, %mul3A_1172 : vector<16xf32>
        %get3A_1174 = arith.constant 5 : i32
        %get3A_1175 = arith.index_cast %get3A_1174 : i32 to index
        %get3A_1176 = arith.index_cast %mul3A_1123 : i32 to index
        %get3A_1177 = tpu.vector_load %arg12[%get3A_1175, %get3A_1176] {strides = array<i32>} : memref<27x1472xf32, #tpu.memory_space<vmem>>, vector<16xf32>,
        %sub3A_1178 = arith.subf %broadcast_in_dim3A_143, %get3A_1177 : vector<16xf32>
        %mul3A_1179 = arith.mulf %sub3A_1178, %sub3A_1178 : vector<16xf32>
        %add3A_1180 = arith.addf %add3A_1140, %mul3A_1179 : vector<16xf32>
        %sub3A_1181 = arith.subf %broadcast_in_dim3A_244, %get3A_1177 : vector<16xf32>
        %mul3A_1182 = arith.mulf %sub3A_1181, %sub3A_1181 : vector<16xf32>
        %add3A_1183 = arith.addf %add3A_1143, %mul3A_1182 : vector<16xf32>
        %get3A_1184 = arith.constant 6 : i32
        %get3A_1185 = arith.index_cast %get3A_1184 : i32 to index
        %get3A_1186 = arith.index_cast %mul3A_1123 : i32 to index
        %get3A_1187 = tpu.vector_load %arg12[%get3A_1185, %get3A_1186] {strides = array<i32>} : memref<27x1472xf32, #tpu.memory_space<vmem>>, vector<16xf32>,
        %sub3A_1188 = arith.subf %broadcast_in_dim3A_146, %get3A_1187 : vector<16xf32>
        %mul3A_1189 = arith.mulf %sub3A_1188, %sub3A_1188 : vector<16xf32>
        %add3A_1190 = arith.addf %add3A_1150, %mul3A_1189 : vector<16xf32>
        %sub3A_1191 = arith.subf %broadcast_in_dim3A_247, %get3A_1187 : vector<16xf32>
        %mul3A_1192 = arith.mulf %sub3A_1191, %sub3A_1191 : vector<16xf32>
        %add3A_1193 = arith.addf %add3A_1153, %mul3A_1192 : vector<16xf32>
        %get3A_1194 = arith.constant 7 : i32
        %get3A_1195 = arith.index_cast %get3A_1194 : i32 to index
        %get3A_1196 = arith.index_cast %mul3A_1123 : i32 to index
        %get3A_1197 = tpu.vector_load %arg12[%get3A_1195, %get3A_1196] {strides = array<i32>} : memref<27x1472xf32, #tpu.memory_space<vmem>>, vector<16xf32>,
        %sub3A_1198 = arith.subf %broadcast_in_dim3A_149, %get3A_1197 : vector<16xf32>
        %mul3A_1199 = arith.mulf %sub3A_1198, %sub3A_1198 : vector<16xf32>
        %add3A_1200 = arith.addf %add3A_1160, %mul3A_1199 : vector<16xf32>
        %sub3A_1201 = arith.subf %broadcast_in_dim3A_250, %get3A_1197 : vector<16xf32>
        %mul3A_1202 = arith.mulf %sub3A_1201, %sub3A_1201 : vector<16xf32>
        %add3A_1203 = arith.addf %add3A_1163, %mul3A_1202 : vector<16xf32>
        %get3A_1204 = arith.constant 8 : i32
        %get3A_1205 = arith.index_cast %get3A_1204 : i32 to index
        %get3A_1206 = arith.index_cast %mul3A_1123 : i32 to index
        %get3A_1207 = tpu.vector_load %arg12[%get3A_1205, %get3A_1206] {strides = array<i32>} : memref<27x1472xf32, #tpu.memory_space<vmem>>, vector<16xf32>,
        %sub3A_1208 = arith.subf %broadcast_in_dim3A_152, %get3A_1207 : vector<16xf32>
        %mul3A_1209 = arith.mulf %sub3A_1208, %sub3A_1208 : vector<16xf32>
        %add3A_1210 = arith.addf %add3A_1170, %mul3A_1209 : vector<16xf32>
        %sub3A_1211 = arith.subf %broadcast_in_dim3A_253, %get3A_1207 : vector<16xf32>
        %mul3A_1212 = arith.mulf %sub3A_1211, %sub3A_1211 : vector<16xf32>
        %add3A_1213 = arith.addf %add3A_1173, %mul3A_1212 : vector<16xf32>
        %get3A_1214 = arith.constant 9 : i32
        %get3A_1215 = arith.index_cast %get3A_1214 : i32 to index
        %get3A_1216 = arith.index_cast %mul3A_1123 : i32 to index
        %get3A_1217 = tpu.vector_load %arg12[%get3A_1215, %get3A_1216] {strides = array<i32>} : memref<27x1472xf32, #tpu.memory_space<vmem>>, vector<16xf32>,
        %sub3A_1218 = arith.subf %broadcast_in_dim3A_155, %get3A_1217 : vector<16xf32>
        %mul3A_1219 = arith.mulf %sub3A_1218, %sub3A_1218 : vector<16xf32>
        %add3A_1220 = arith.addf %add3A_1180, %mul3A_1219 : vector<16xf32>
        %sub3A_1221 = arith.subf %broadcast_in_dim3A_256, %get3A_1217 : vector<16xf32>
        %mul3A_1222 = arith.mulf %sub3A_1221, %sub3A_1221 : vector<16xf32>
        %add3A_1223 = arith.addf %add3A_1183, %mul3A_1222 : vector<16xf32>
        %get3A_1224 = arith.constant 10 : i32
        %get3A_1225 = arith.index_cast %get3A_1224 : i32 to index
        %get3A_1226 = arith.index_cast %mul3A_1123 : i32 to index
        %get3A_1227 = tpu.vector_load %arg12[%get3A_1225, %get3A_1226] {strides = array<i32>} : memref<27x1472xf32, #tpu.memory_space<vmem>>, vector<16xf32>,
        %sub3A_1228 = arith.subf %broadcast_in_dim3A_158, %get3A_1227 : vector<16xf32>
        %mul3A_1229 = arith.mulf %sub3A_1228, %sub3A_1228 : vector<16xf32>
        %add3A_1230 = arith.addf %add3A_1190, %mul3A_1229 : vector<16xf32>
        %sub3A_1231 = arith.subf %broadcast_in_dim3A_259, %get3A_1227 : vector<16xf32>
        %mul3A_1232 = arith.mulf %sub3A_1231, %sub3A_1231 : vector<16xf32>
        %add3A_1233 = arith.addf %add3A_1193, %mul3A_1232 : vector<16xf32>
        %get3A_1234 = arith.constant 11 : i32
        %get3A_1235 = arith.index_cast %get3A_1234 : i32 to index
        %get3A_1236 = arith.index_cast %mul3A_1123 : i32 to index
        %get3A_1237 = tpu.vector_load %arg12[%get3A_1235, %get3A_1236] {strides = array<i32>} : memref<27x1472xf32, #tpu.memory_space<vmem>>, vector<16xf32>,
        %sub3A_1238 = arith.subf %broadcast_in_dim3A_161, %get3A_1237 : vector<16xf32>
        %mul3A_1239 = arith.mulf %sub3A_1238, %sub3A_1238 : vector<16xf32>
        %add3A_1240 = arith.addf %add3A_1200, %mul3A_1239 : vector<16xf32>
        %sub3A_1241 = arith.subf %broadcast_in_dim3A_262, %get3A_1237 : vector<16xf32>
        %mul3A_1242 = arith.mulf %sub3A_1241, %sub3A_1241 : vector<16xf32>
        %add3A_1243 = arith.addf %add3A_1203, %mul3A_1242 : vector<16xf32>
        %get3A_1244 = arith.constant 12 : i32
        %get3A_1245 = arith.index_cast %get3A_1244 : i32 to index
        %get3A_1246 = arith.index_cast %mul3A_1123 : i32 to index
        %get3A_1247 = tpu.vector_load %arg12[%get3A_1245, %get3A_1246] {strides = array<i32>} : memref<27x1472xf32, #tpu.memory_space<vmem>>, vector<16xf32>,
        %sub3A_1248 = arith.subf %broadcast_in_dim3A_164, %get3A_1247 : vector<16xf32>
        %mul3A_1249 = arith.mulf %sub3A_1248, %sub3A_1248 : vector<16xf32>
        %add3A_1250 = arith.addf %add3A_1210, %mul3A_1249 : vector<16xf32>
        %sub3A_1251 = arith.subf %broadcast_in_dim3A_265, %get3A_1247 : vector<16xf32>
        %mul3A_1252 = arith.mulf %sub3A_1251, %sub3A_1251 : vector<16xf32>
        %add3A_1253 = arith.addf %add3A_1213, %mul3A_1252 : vector<16xf32>
        %get3A_1254 = arith.constant 13 : i32
        %get3A_1255 = arith.index_cast %get3A_1254 : i32 to index
        %get3A_1256 = arith.index_cast %mul3A_1123 : i32 to index
        %get3A_1257 = tpu.vector_load %arg12[%get3A_1255, %get3A_1256] {strides = array<i32>} : memref<27x1472xf32, #tpu.memory_space<vmem>>, vector<16xf32>,
        %sub3A_1258 = arith.subf %broadcast_in_dim3A_167, %get3A_1257 : vector<16xf32>
        %mul3A_1259 = arith.mulf %sub3A_1258, %sub3A_1258 : vector<16xf32>
        %add3A_1260 = arith.addf %add3A_1220, %mul3A_1259 : vector<16xf32>
        %sub3A_1261 = arith.subf %broadcast_in_dim3A_268, %get3A_1257 : vector<16xf32>
        %mul3A_1262 = arith.mulf %sub3A_1261, %sub3A_1261 : vector<16xf32>
        %add3A_1263 = arith.addf %add3A_1223, %mul3A_1262 : vector<16xf32>
        %get3A_1264 = arith.constant 14 : i32
        %get3A_1265 = arith.index_cast %get3A_1264 : i32 to index
        %get3A_1266 = arith.index_cast %mul3A_1123 : i32 to index
        %get3A_1267 = tpu.vector_load %arg12[%get3A_1265, %get3A_1266] {strides = array<i32>} : memref<27x1472xf32, #tpu.memory_space<vmem>>, vector<16xf32>,
        %sub3A_1268 = arith.subf %broadcast_in_dim3A_170, %get3A_1267 : vector<16xf32>
        %mul3A_1269 = arith.mulf %sub3A_1268, %sub3A_1268 : vector<16xf32>
        %add3A_1270 = arith.addf %add3A_1230, %mul3A_1269 : vector<16xf32>
        %sub3A_1271 = arith.subf %broadcast_in_dim3A_271, %get3A_1267 : vector<16xf32>
        %mul3A_1272 = arith.mulf %sub3A_1271, %sub3A_1271 : vector<16xf32>
        %add3A_1273 = arith.addf %add3A_1233, %mul3A_1272 : vector<16xf32>
        %get3A_1274 = arith.constant 15 : i32
        %get3A_1275 = arith.index_cast %get3A_1274 : i32 to index
        %get3A_1276 = arith.index_cast %mul3A_1123 : i32 to index
        %get3A_1277 = tpu.vector_load %arg12[%get3A_1275, %get3A_1276] {strides = array<i32>} : memref<27x1472xf32, #tpu.memory_space<vmem>>, vector<16xf32>,
        %sub3A_1278 = arith.subf %broadcast_in_dim3A_173, %get3A_1277 : vector<16xf32>
        %mul3A_1279 = arith.mulf %sub3A_1278, %sub3A_1278 : vector<16xf32>
        %add3A_1280 = arith.addf %add3A_1240, %mul3A_1279 : vector<16xf32>
        %sub3A_1281 = arith.subf %broadcast_in_dim3A_274, %get3A_1277 : vector<16xf32>
        %mul3A_1282 = arith.mulf %sub3A_1281, %sub3A_1281 : vector<16xf32>
        %add3A_1283 = arith.addf %add3A_1243, %mul3A_1282 : vector<16xf32>
        %get3A_1284 = arith.constant 16 : i32
        %get3A_1285 = arith.index_cast %get3A_1284 : i32 to index
        %get3A_1286 = arith.index_cast %mul3A_1123 : i32 to index
        %get3A_1287 = tpu.vector_load %arg12[%get3A_1285, %get3A_1286] {strides = array<i32>} : memref<27x1472xf32, #tpu.memory_space<vmem>>, vector<16xf32>,
        %sub3A_1288 = arith.subf %broadcast_in_dim3A_176, %get3A_1287 : vector<16xf32>
        %mul3A_1289 = arith.mulf %sub3A_1288, %sub3A_1288 : vector<16xf32>
        %add3A_1290 = arith.addf %add3A_1250, %mul3A_1289 : vector<16xf32>
        %sub3A_1291 = arith.subf %broadcast_in_dim3A_277, %get3A_1287 : vector<16xf32>
        %mul3A_1292 = arith.mulf %sub3A_1291, %sub3A_1291 : vector<16xf32>
        %add3A_1293 = arith.addf %add3A_1253, %mul3A_1292 : vector<16xf32>
        %get3A_1294 = arith.constant 17 : i32
        %get3A_1295 = arith.index_cast %get3A_1294 : i32 to index
        %get3A_1296 = arith.index_cast %mul3A_1123 : i32 to index
        %get3A_1297 = tpu.vector_load %arg12[%get3A_1295, %get3A_1296] {strides = array<i32>} : memref<27x1472xf32, #tpu.memory_space<vmem>>, vector<16xf32>,
        %sub3A_1298 = arith.subf %broadcast_in_dim3A_179, %get3A_1297 : vector<16xf32>
        %mul3A_1299 = arith.mulf %sub3A_1298, %sub3A_1298 : vector<16xf32>
        %add3A_1300 = arith.addf %add3A_1260, %mul3A_1299 : vector<16xf32>
        %sub3A_1301 = arith.subf %broadcast_in_dim3A_280, %get3A_1297 : vector<16xf32>
        %mul3A_1302 = arith.mulf %sub3A_1301, %sub3A_1301 : vector<16xf32>
        %add3A_1303 = arith.addf %add3A_1263, %mul3A_1302 : vector<16xf32>
        %get3A_1304 = arith.constant 18 : i32
        %get3A_1305 = arith.index_cast %get3A_1304 : i32 to index
        %get3A_1306 = arith.index_cast %mul3A_1123 : i32 to index
        %get3A_1307 = tpu.vector_load %arg12[%get3A_1305, %get3A_1306] {strides = array<i32>} : memref<27x1472xf32, #tpu.memory_space<vmem>>, vector<16xf32>,
        %sub3A_1308 = arith.subf %broadcast_in_dim3A_182, %get3A_1307 : vector<16xf32>
        %mul3A_1309 = arith.mulf %sub3A_1308, %sub3A_1308 : vector<16xf32>
        %add3A_1310 = arith.addf %add3A_1270, %mul3A_1309 : vector<16xf32>
        %sub3A_1311 = arith.subf %broadcast_in_dim3A_283, %get3A_1307 : vector<16xf32>
        %mul3A_1312 = arith.mulf %sub3A_1311, %sub3A_1311 : vector<16xf32>
        %add3A_1313 = arith.addf %add3A_1273, %mul3A_1312 : vector<16xf32>
        %get3A_1314 = arith.constant 19 : i32
        %get3A_1315 = arith.index_cast %get3A_1314 : i32 to index
        %get3A_1316 = arith.index_cast %mul3A_1123 : i32 to index
        %get3A_1317 = tpu.vector_load %arg12[%get3A_1315, %get3A_1316] {strides = array<i32>} : memref<27x1472xf32, #tpu.memory_space<vmem>>, vector<16xf32>,
        %sub3A_1318 = arith.subf %broadcast_in_dim3A_185, %get3A_1317 : vector<16xf32>
        %mul3A_1319 = arith.mulf %sub3A_1318, %sub3A_1318 : vector<16xf32>
        %add3A_1320 = arith.addf %add3A_1280, %mul3A_1319 : vector<16xf32>
        %sub3A_1321 = arith.subf %broadcast_in_dim3A_286, %get3A_1317 : vector<16xf32>
        %mul3A_1322 = arith.mulf %sub3A_1321, %sub3A_1321 : vector<16xf32>
        %add3A_1323 = arith.addf %add3A_1283, %mul3A_1322 : vector<16xf32>
        %get3A_1324 = arith.constant 20 : i32
        %get3A_1325 = arith.index_cast %get3A_1324 : i32 to index
        %get3A_1326 = arith.index_cast %mul3A_1123 : i32 to index
        %get3A_1327 = tpu.vector_load %arg12[%get3A_1325, %get3A_1326] {strides = array<i32>} : memref<27x1472xf32, #tpu.memory_space<vmem>>, vector<16xf32>,
        %sub3A_1328 = arith.subf %broadcast_in_dim3A_188, %get3A_1327 : vector<16xf32>
        %mul3A_1329 = arith.mulf %sub3A_1328, %sub3A_1328 : vector<16xf32>
        %add3A_1330 = arith.addf %add3A_1290, %mul3A_1329 : vector<16xf32>
        %sub3A_1331 = arith.subf %broadcast_in_dim3A_289, %get3A_1327 : vector<16xf32>
        %mul3A_1332 = arith.mulf %sub3A_1331, %sub3A_1331 : vector<16xf32>
        %add3A_1333 = arith.addf %add3A_1293, %mul3A_1332 : vector<16xf32>
        %get3A_1334 = arith.constant 21 : i32
        %get3A_1335 = arith.index_cast %get3A_1334 : i32 to index
        %get3A_1336 = arith.index_cast %mul3A_1123 : i32 to index
        %get3A_1337 = tpu.vector_load %arg12[%get3A_1335, %get3A_1336] {strides = array<i32>} : memref<27x1472xf32, #tpu.memory_space<vmem>>, vector<16xf32>,
        %sub3A_1338 = arith.subf %broadcast_in_dim3A_191, %get3A_1337 : vector<16xf32>
        %mul3A_1339 = arith.mulf %sub3A_1338, %sub3A_1338 : vector<16xf32>
        %add3A_1340 = arith.addf %add3A_1300, %mul3A_1339 : vector<16xf32>
        %sub3A_1341 = arith.subf %broadcast_in_dim3A_292, %get3A_1337 : vector<16xf32>
        %mul3A_1342 = arith.mulf %sub3A_1341, %sub3A_1341 : vector<16xf32>
        %add3A_1343 = arith.addf %add3A_1303, %mul3A_1342 : vector<16xf32>
        %get3A_1344 = arith.constant 22 : i32
        %get3A_1345 = arith.index_cast %get3A_1344 : i32 to index
        %get3A_1346 = arith.index_cast %mul3A_1123 : i32 to index
        %get3A_1347 = tpu.vector_load %arg12[%get3A_1345, %get3A_1346] {strides = array<i32>} : memref<27x1472xf32, #tpu.memory_space<vmem>>, vector<16xf32>,
        %sub3A_1348 = arith.subf %broadcast_in_dim3A_194, %get3A_1347 : vector<16xf32>
        %mul3A_1349 = arith.mulf %sub3A_1348, %sub3A_1348 : vector<16xf32>
        %add3A_1350 = arith.addf %add3A_1310, %mul3A_1349 : vector<16xf32>
        %sub3A_1351 = arith.subf %broadcast_in_dim3A_295, %get3A_1347 : vector<16xf32>
        %mul3A_1352 = arith.mulf %sub3A_1351, %sub3A_1351 : vector<16xf32>
        %add3A_1353 = arith.addf %add3A_1313, %mul3A_1352 : vector<16xf32>
        %get3A_1354 = arith.constant 23 : i32
        %get3A_1355 = arith.index_cast %get3A_1354 : i32 to index
        %get3A_1356 = arith.index_cast %mul3A_1123 : i32 to index
        %get3A_1357 = tpu.vector_load %arg12[%get3A_1355, %get3A_1356] {strides = array<i32>} : memref<27x1472xf32, #tpu.memory_space<vmem>>, vector<16xf32>,
        %sub3A_1358 = arith.subf %broadcast_in_dim3A_197, %get3A_1357 : vector<16xf32>
        %mul3A_1359 = arith.mulf %sub3A_1358, %sub3A_1358 : vector<16xf32>
        %add3A_1360 = arith.addf %add3A_1320, %mul3A_1359 : vector<16xf32>
        %sub3A_1361 = arith.subf %broadcast_in_dim3A_298, %get3A_1357 : vector<16xf32>
        %mul3A_1362 = arith.mulf %sub3A_1361, %sub3A_1361 : vector<16xf32>
        %add3A_1363 = arith.addf %add3A_1323, %mul3A_1362 : vector<16xf32>
        %get3A_1364 = arith.constant 24 : i32
        %get3A_1365 = arith.index_cast %get3A_1364 : i32 to index
        %get3A_1366 = arith.index_cast %mul3A_1123 : i32 to index
        %get3A_1367 = tpu.vector_load %arg12[%get3A_1365, %get3A_1366] {strides = array<i32>} : memref<27x1472xf32, #tpu.memory_space<vmem>>, vector<16xf32>,
        %sub3A_1368 = arith.subf %broadcast_in_dim3A_200, %get3A_1367 : vector<16xf32>
        %mul3A_1369 = arith.mulf %sub3A_1368, %sub3A_1368 : vector<16xf32>
        %add3A_1370 = arith.addf %add3A_1330, %mul3A_1369 : vector<16xf32>
        %sub3A_1371 = arith.subf %broadcast_in_dim3A_301, %get3A_1367 : vector<16xf32>
        %mul3A_1372 = arith.mulf %sub3A_1371, %sub3A_1371 : vector<16xf32>
        %add3A_1373 = arith.addf %add3A_1333, %mul3A_1372 : vector<16xf32>
        %get3A_1374 = arith.constant 25 : i32
        %get3A_1375 = arith.index_cast %get3A_1374 : i32 to index
        %get3A_1376 = arith.index_cast %mul3A_1123 : i32 to index
        %get3A_1377 = tpu.vector_load %arg12[%get3A_1375, %get3A_1376] {strides = array<i32>} : memref<27x1472xf32, #tpu.memory_space<vmem>>, vector<16xf32>,
        %sub3A_1378 = arith.subf %broadcast_in_dim3A_203, %get3A_1377 : vector<16xf32>
        %mul3A_1379 = arith.mulf %sub3A_1378, %sub3A_1378 : vector<16xf32>
        %add3A_1380 = arith.addf %add3A_1340, %mul3A_1379 : vector<16xf32>
        %sub3A_1381 = arith.subf %broadcast_in_dim3A_304, %get3A_1377 : vector<16xf32>
        %mul3A_1382 = arith.mulf %sub3A_1381, %sub3A_1381 : vector<16xf32>
        %add3A_1383 = arith.addf %add3A_1343, %mul3A_1382 : vector<16xf32>
        %get3A_1384 = arith.constant 26 : i32
        %get3A_1385 = arith.index_cast %get3A_1384 : i32 to index
        %get3A_1386 = arith.index_cast %mul3A_1123 : i32 to index
        %get3A_1387 = tpu.vector_load %arg12[%get3A_1385, %get3A_1386] {strides = array<i32>} : memref<27x1472xf32, #tpu.memory_space<vmem>>, vector<16xf32>,
        %sub3A_1388 = arith.subf %broadcast_in_dim3A_206, %get3A_1387 : vector<16xf32>
        %mul3A_1389 = arith.mulf %sub3A_1388, %sub3A_1388 : vector<16xf32>
        %add3A_1390 = arith.addf %add3A_1350, %mul3A_1389 : vector<16xf32>
        %sub3A_1391 = arith.subf %broadcast_in_dim3A_307, %get3A_1387 : vector<16xf32>
        %mul3A_1392 = arith.mulf %sub3A_1391, %sub3A_1391 : vector<16xf32>
        %add3A_1393 = arith.addf %add3A_1353, %mul3A_1392 : vector<16xf32>
        %add3A_1394 = arith.addf %add3A_1370, %add3A_1380 : vector<16xf32>
        %add3A_1395 = arith.addf %add3A_1390, %add3A_1360 : vector<16xf32>
        %add3A_1396 = arith.addf %add3A_1394, %add3A_1395 : vector<16xf32>
        %add3A_1397 = arith.addf %add3A_1373, %add3A_1383 : vector<16xf32>
        %add3A_1398 = arith.addf %add3A_1393, %add3A_1363 : vector<16xf32>
        %add3A_1399 = arith.addf %add3A_1397, %add3A_1398 : vector<16xf32>
        %broadcast_in_dim3A_1400 = vector.broadcast %add3A_1105 : i32 to vector<16xi32>
        %lt3A_1401 = arith.cmpf olt, %add3A_1396, %select_n3A_1097 : vector<16xf32>
        %select_n3A_1402 = arith.select %lt3A_1401, %add3A_1396, %select_n3A_1097 : vector<16xi1>, vector<16xf32>
        %select_n3A_1403 = arith.select %lt3A_1401, %broadcast_in_dim3A_1400, %select_n3A_1098 : vector<16xi1>, vector<16xi32>
        %lt3A_1404 = arith.cmpf olt, %add3A_1399, %select_n3A_1100 : vector<16xf32>
        %select_n3A_1405 = arith.select %lt3A_1404, %add3A_1399, %select_n3A_1100 : vector<16xi1>, vector<16xf32>
        %select_n3A_1406 = arith.select %lt3A_1404, %broadcast_in_dim3A_1400, %select_n3A_1101 : vector<16xi1>, vector<16xi32>
        %mul3A_1407 = arith.constant 4 : i32
        %mul3A_1408 = arith.muli %scan3A_487, %mul3A_1407 : i32
        %add3A_1409 = arith.constant 3 : i32
        %add3A_1410 = arith.addi %mul3A_1408, %add3A_1409 : i32
        %broadcast_in_dim3A_1411 = arith.constant 0.000000e+00 : f32
        %broadcast_in_dim3A_1412 = vector.broadcast %broadcast_in_dim3A_1411 : f32 to vector<16xf32>
        %broadcast_in_dim3A_1413 = arith.constant 0.000000e+00 : f32
        %broadcast_in_dim3A_1414 = vector.broadcast %broadcast_in_dim3A_1413 : f32 to vector<16xf32>
        %broadcast_in_dim3A_1415 = arith.constant 0.000000e+00 : f32
        %broadcast_in_dim3A_1416 = vector.broadcast %broadcast_in_dim3A_1415 : f32 to vector<16xf32>
        %broadcast_in_dim3A_1417 = arith.constant 0.000000e+00 : f32
        %broadcast_in_dim3A_1418 = vector.broadcast %broadcast_in_dim3A_1417 : f32 to vector<16xf32>
        %broadcast_in_dim3A_1419 = arith.constant 0.000000e+00 : f32
        %broadcast_in_dim3A_1420 = vector.broadcast %broadcast_in_dim3A_1419 : f32 to vector<16xf32>
        %broadcast_in_dim3A_1421 = arith.constant 0.000000e+00 : f32
        %broadcast_in_dim3A_1422 = vector.broadcast %broadcast_in_dim3A_1421 : f32 to vector<16xf32>
        %broadcast_in_dim3A_1423 = arith.constant 0.000000e+00 : f32
        %broadcast_in_dim3A_1424 = vector.broadcast %broadcast_in_dim3A_1423 : f32 to vector<16xf32>
        %broadcast_in_dim3A_1425 = arith.constant 0.000000e+00 : f32
        %broadcast_in_dim3A_1426 = vector.broadcast %broadcast_in_dim3A_1425 : f32 to vector<16xf32>
        %mul3A_1427 = arith.constant 16 : i32
        %mul3A_1428 = arith.muli %add3A_1410, %mul3A_1427 : i32
        %get3A_1429 = arith.constant 0 : i32
        %get3A_1430 = arith.index_cast %get3A_1429 : i32 to index
        %get3A_1431 = arith.index_cast %mul3A_1428 : i32 to index
        %get3A_1432 = tpu.vector_load %arg12[%get3A_1430, %get3A_1431] {strides = array<i32>} : memref<27x1472xf32, #tpu.memory_space<vmem>>, vector<16xf32>,
        %sub3A_1433 = arith.subf %broadcast_in_dim3A_128, %get3A_1432 : vector<16xf32>
        %mul3A_1434 = arith.mulf %sub3A_1433, %sub3A_1433 : vector<16xf32>
        %add3A_1435 = arith.addf %broadcast_in_dim3A_1412, %mul3A_1434 : vector<16xf32>
        %sub3A_1436 = arith.subf %broadcast_in_dim3A_229, %get3A_1432 : vector<16xf32>
        %mul3A_1437 = arith.mulf %sub3A_1436, %sub3A_1436 : vector<16xf32>
        %add3A_1438 = arith.addf %broadcast_in_dim3A_1420, %mul3A_1437 : vector<16xf32>
        %get3A_1439 = arith.constant 1 : i32
        %get3A_1440 = arith.index_cast %get3A_1439 : i32 to index
        %get3A_1441 = arith.index_cast %mul3A_1428 : i32 to index
        %get3A_1442 = tpu.vector_load %arg12[%get3A_1440, %get3A_1441] {strides = array<i32>} : memref<27x1472xf32, #tpu.memory_space<vmem>>, vector<16xf32>,
        %sub3A_1443 = arith.subf %broadcast_in_dim3A_131, %get3A_1442 : vector<16xf32>
        %mul3A_1444 = arith.mulf %sub3A_1443, %sub3A_1443 : vector<16xf32>
        %add3A_1445 = arith.addf %broadcast_in_dim3A_1414, %mul3A_1444 : vector<16xf32>
        %sub3A_1446 = arith.subf %broadcast_in_dim3A_232, %get3A_1442 : vector<16xf32>
        %mul3A_1447 = arith.mulf %sub3A_1446, %sub3A_1446 : vector<16xf32>
        %add3A_1448 = arith.addf %broadcast_in_dim3A_1422, %mul3A_1447 : vector<16xf32>
        %get3A_1449 = arith.constant 2 : i32
        %get3A_1450 = arith.index_cast %get3A_1449 : i32 to index
        %get3A_1451 = arith.index_cast %mul3A_1428 : i32 to index
        %get3A_1452 = tpu.vector_load %arg12[%get3A_1450, %get3A_1451] {strides = array<i32>} : memref<27x1472xf32, #tpu.memory_space<vmem>>, vector<16xf32>,
        %sub3A_1453 = arith.subf %broadcast_in_dim3A_134, %get3A_1452 : vector<16xf32>
        %mul3A_1454 = arith.mulf %sub3A_1453, %sub3A_1453 : vector<16xf32>
        %add3A_1455 = arith.addf %broadcast_in_dim3A_1416, %mul3A_1454 : vector<16xf32>
        %sub3A_1456 = arith.subf %broadcast_in_dim3A_235, %get3A_1452 : vector<16xf32>
        %mul3A_1457 = arith.mulf %sub3A_1456, %sub3A_1456 : vector<16xf32>
        %add3A_1458 = arith.addf %broadcast_in_dim3A_1424, %mul3A_1457 : vector<16xf32>
        %get3A_1459 = arith.constant 3 : i32
        %get3A_1460 = arith.index_cast %get3A_1459 : i32 to index
        %get3A_1461 = arith.index_cast %mul3A_1428 : i32 to index
        %get3A_1462 = tpu.vector_load %arg12[%get3A_1460, %get3A_1461] {strides = array<i32>} : memref<27x1472xf32, #tpu.memory_space<vmem>>, vector<16xf32>,
        %sub3A_1463 = arith.subf %broadcast_in_dim3A_137, %get3A_1462 : vector<16xf32>
        %mul3A_1464 = arith.mulf %sub3A_1463, %sub3A_1463 : vector<16xf32>
        %add3A_1465 = arith.addf %broadcast_in_dim3A_1418, %mul3A_1464 : vector<16xf32>
        %sub3A_1466 = arith.subf %broadcast_in_dim3A_238, %get3A_1462 : vector<16xf32>
        %mul3A_1467 = arith.mulf %sub3A_1466, %sub3A_1466 : vector<16xf32>
        %add3A_1468 = arith.addf %broadcast_in_dim3A_1426, %mul3A_1467 : vector<16xf32>
        %get3A_1469 = arith.constant 4 : i32
        %get3A_1470 = arith.index_cast %get3A_1469 : i32 to index
        %get3A_1471 = arith.index_cast %mul3A_1428 : i32 to index
        %get3A_1472 = tpu.vector_load %arg12[%get3A_1470, %get3A_1471] {strides = array<i32>} : memref<27x1472xf32, #tpu.memory_space<vmem>>, vector<16xf32>,
        %sub3A_1473 = arith.subf %broadcast_in_dim3A_140, %get3A_1472 : vector<16xf32>
        %mul3A_1474 = arith.mulf %sub3A_1473, %sub3A_1473 : vector<16xf32>
        %add3A_1475 = arith.addf %add3A_1435, %mul3A_1474 : vector<16xf32>
        %sub3A_1476 = arith.subf %broadcast_in_dim3A_241, %get3A_1472 : vector<16xf32>
        %mul3A_1477 = arith.mulf %sub3A_1476, %sub3A_1476 : vector<16xf32>
        %add3A_1478 = arith.addf %add3A_1438, %mul3A_1477 : vector<16xf32>
        %get3A_1479 = arith.constant 5 : i32
        %get3A_1480 = arith.index_cast %get3A_1479 : i32 to index
        %get3A_1481 = arith.index_cast %mul3A_1428 : i32 to index
        %get3A_1482 = tpu.vector_load %arg12[%get3A_1480, %get3A_1481] {strides = array<i32>} : memref<27x1472xf32, #tpu.memory_space<vmem>>, vector<16xf32>,
        %sub3A_1483 = arith.subf %broadcast_in_dim3A_143, %get3A_1482 : vector<16xf32>
        %mul3A_1484 = arith.mulf %sub3A_1483, %sub3A_1483 : vector<16xf32>
        %add3A_1485 = arith.addf %add3A_1445, %mul3A_1484 : vector<16xf32>
        %sub3A_1486 = arith.subf %broadcast_in_dim3A_244, %get3A_1482 : vector<16xf32>
        %mul3A_1487 = arith.mulf %sub3A_1486, %sub3A_1486 : vector<16xf32>
        %add3A_1488 = arith.addf %add3A_1448, %mul3A_1487 : vector<16xf32>
        %get3A_1489 = arith.constant 6 : i32
        %get3A_1490 = arith.index_cast %get3A_1489 : i32 to index
        %get3A_1491 = arith.index_cast %mul3A_1428 : i32 to index
        %get3A_1492 = tpu.vector_load %arg12[%get3A_1490, %get3A_1491] {strides = array<i32>} : memref<27x1472xf32, #tpu.memory_space<vmem>>, vector<16xf32>,
        %sub3A_1493 = arith.subf %broadcast_in_dim3A_146, %get3A_1492 : vector<16xf32>
        %mul3A_1494 = arith.mulf %sub3A_1493, %sub3A_1493 : vector<16xf32>
        %add3A_1495 = arith.addf %add3A_1455, %mul3A_1494 : vector<16xf32>
        %sub3A_1496 = arith.subf %broadcast_in_dim3A_247, %get3A_1492 : vector<16xf32>
        %mul3A_1497 = arith.mulf %sub3A_1496, %sub3A_1496 : vector<16xf32>
        %add3A_1498 = arith.addf %add3A_1458, %mul3A_1497 : vector<16xf32>
        %get3A_1499 = arith.constant 7 : i32
        %get3A_1500 = arith.index_cast %get3A_1499 : i32 to index
        %get3A_1501 = arith.index_cast %mul3A_1428 : i32 to index
        %get3A_1502 = tpu.vector_load %arg12[%get3A_1500, %get3A_1501] {strides = array<i32>} : memref<27x1472xf32, #tpu.memory_space<vmem>>, vector<16xf32>,
        %sub3A_1503 = arith.subf %broadcast_in_dim3A_149, %get3A_1502 : vector<16xf32>
        %mul3A_1504 = arith.mulf %sub3A_1503, %sub3A_1503 : vector<16xf32>
        %add3A_1505 = arith.addf %add3A_1465, %mul3A_1504 : vector<16xf32>
        %sub3A_1506 = arith.subf %broadcast_in_dim3A_250, %get3A_1502 : vector<16xf32>
        %mul3A_1507 = arith.mulf %sub3A_1506, %sub3A_1506 : vector<16xf32>
        %add3A_1508 = arith.addf %add3A_1468, %mul3A_1507 : vector<16xf32>
        %get3A_1509 = arith.constant 8 : i32
        %get3A_1510 = arith.index_cast %get3A_1509 : i32 to index
        %get3A_1511 = arith.index_cast %mul3A_1428 : i32 to index
        %get3A_1512 = tpu.vector_load %arg12[%get3A_1510, %get3A_1511] {strides = array<i32>} : memref<27x1472xf32, #tpu.memory_space<vmem>>, vector<16xf32>,
        %sub3A_1513 = arith.subf %broadcast_in_dim3A_152, %get3A_1512 : vector<16xf32>
        %mul3A_1514 = arith.mulf %sub3A_1513, %sub3A_1513 : vector<16xf32>
        %add3A_1515 = arith.addf %add3A_1475, %mul3A_1514 : vector<16xf32>
        %sub3A_1516 = arith.subf %broadcast_in_dim3A_253, %get3A_1512 : vector<16xf32>
        %mul3A_1517 = arith.mulf %sub3A_1516, %sub3A_1516 : vector<16xf32>
        %add3A_1518 = arith.addf %add3A_1478, %mul3A_1517 : vector<16xf32>
        %get3A_1519 = arith.constant 9 : i32
        %get3A_1520 = arith.index_cast %get3A_1519 : i32 to index
        %get3A_1521 = arith.index_cast %mul3A_1428 : i32 to index
        %get3A_1522 = tpu.vector_load %arg12[%get3A_1520, %get3A_1521] {strides = array<i32>} : memref<27x1472xf32, #tpu.memory_space<vmem>>, vector<16xf32>,
        %sub3A_1523 = arith.subf %broadcast_in_dim3A_155, %get3A_1522 : vector<16xf32>
        %mul3A_1524 = arith.mulf %sub3A_1523, %sub3A_1523 : vector<16xf32>
        %add3A_1525 = arith.addf %add3A_1485, %mul3A_1524 : vector<16xf32>
        %sub3A_1526 = arith.subf %broadcast_in_dim3A_256, %get3A_1522 : vector<16xf32>
        %mul3A_1527 = arith.mulf %sub3A_1526, %sub3A_1526 : vector<16xf32>
        %add3A_1528 = arith.addf %add3A_1488, %mul3A_1527 : vector<16xf32>
        %get3A_1529 = arith.constant 10 : i32
        %get3A_1530 = arith.index_cast %get3A_1529 : i32 to index
        %get3A_1531 = arith.index_cast %mul3A_1428 : i32 to index
        %get3A_1532 = tpu.vector_load %arg12[%get3A_1530, %get3A_1531] {strides = array<i32>} : memref<27x1472xf32, #tpu.memory_space<vmem>>, vector<16xf32>,
        %sub3A_1533 = arith.subf %broadcast_in_dim3A_158, %get3A_1532 : vector<16xf32>
        %mul3A_1534 = arith.mulf %sub3A_1533, %sub3A_1533 : vector<16xf32>
        %add3A_1535 = arith.addf %add3A_1495, %mul3A_1534 : vector<16xf32>
        %sub3A_1536 = arith.subf %broadcast_in_dim3A_259, %get3A_1532 : vector<16xf32>
        %mul3A_1537 = arith.mulf %sub3A_1536, %sub3A_1536 : vector<16xf32>
        %add3A_1538 = arith.addf %add3A_1498, %mul3A_1537 : vector<16xf32>
        %get3A_1539 = arith.constant 11 : i32
        %get3A_1540 = arith.index_cast %get3A_1539 : i32 to index
        %get3A_1541 = arith.index_cast %mul3A_1428 : i32 to index
        %get3A_1542 = tpu.vector_load %arg12[%get3A_1540, %get3A_1541] {strides = array<i32>} : memref<27x1472xf32, #tpu.memory_space<vmem>>, vector<16xf32>,
        %sub3A_1543 = arith.subf %broadcast_in_dim3A_161, %get3A_1542 : vector<16xf32>
        %mul3A_1544 = arith.mulf %sub3A_1543, %sub3A_1543 : vector<16xf32>
        %add3A_1545 = arith.addf %add3A_1505, %mul3A_1544 : vector<16xf32>
        %sub3A_1546 = arith.subf %broadcast_in_dim3A_262, %get3A_1542 : vector<16xf32>
        %mul3A_1547 = arith.mulf %sub3A_1546, %sub3A_1546 : vector<16xf32>
        %add3A_1548 = arith.addf %add3A_1508, %mul3A_1547 : vector<16xf32>
        %get3A_1549 = arith.constant 12 : i32
        %get3A_1550 = arith.index_cast %get3A_1549 : i32 to index
        %get3A_1551 = arith.index_cast %mul3A_1428 : i32 to index
        %get3A_1552 = tpu.vector_load %arg12[%get3A_1550, %get3A_1551] {strides = array<i32>} : memref<27x1472xf32, #tpu.memory_space<vmem>>, vector<16xf32>,
        %sub3A_1553 = arith.subf %broadcast_in_dim3A_164, %get3A_1552 : vector<16xf32>
        %mul3A_1554 = arith.mulf %sub3A_1553, %sub3A_1553 : vector<16xf32>
        %add3A_1555 = arith.addf %add3A_1515, %mul3A_1554 : vector<16xf32>
        %sub3A_1556 = arith.subf %broadcast_in_dim3A_265, %get3A_1552 : vector<16xf32>
        %mul3A_1557 = arith.mulf %sub3A_1556, %sub3A_1556 : vector<16xf32>
        %add3A_1558 = arith.addf %add3A_1518, %mul3A_1557 : vector<16xf32>
        %get3A_1559 = arith.constant 13 : i32
        %get3A_1560 = arith.index_cast %get3A_1559 : i32 to index
        %get3A_1561 = arith.index_cast %mul3A_1428 : i32 to index
        %get3A_1562 = tpu.vector_load %arg12[%get3A_1560, %get3A_1561] {strides = array<i32>} : memref<27x1472xf32, #tpu.memory_space<vmem>>, vector<16xf32>,
        %sub3A_1563 = arith.subf %broadcast_in_dim3A_167, %get3A_1562 : vector<16xf32>
        %mul3A_1564 = arith.mulf %sub3A_1563, %sub3A_1563 : vector<16xf32>
        %add3A_1565 = arith.addf %add3A_1525, %mul3A_1564 : vector<16xf32>
        %sub3A_1566 = arith.subf %broadcast_in_dim3A_268, %get3A_1562 : vector<16xf32>
        %mul3A_1567 = arith.mulf %sub3A_1566, %sub3A_1566 : vector<16xf32>
        %add3A_1568 = arith.addf %add3A_1528, %mul3A_1567 : vector<16xf32>
        %get3A_1569 = arith.constant 14 : i32
        %get3A_1570 = arith.index_cast %get3A_1569 : i32 to index
        %get3A_1571 = arith.index_cast %mul3A_1428 : i32 to index
        %get3A_1572 = tpu.vector_load %arg12[%get3A_1570, %get3A_1571] {strides = array<i32>} : memref<27x1472xf32, #tpu.memory_space<vmem>>, vector<16xf32>,
        %sub3A_1573 = arith.subf %broadcast_in_dim3A_170, %get3A_1572 : vector<16xf32>
        %mul3A_1574 = arith.mulf %sub3A_1573, %sub3A_1573 : vector<16xf32>
        %add3A_1575 = arith.addf %add3A_1535, %mul3A_1574 : vector<16xf32>
        %sub3A_1576 = arith.subf %broadcast_in_dim3A_271, %get3A_1572 : vector<16xf32>
        %mul3A_1577 = arith.mulf %sub3A_1576, %sub3A_1576 : vector<16xf32>
        %add3A_1578 = arith.addf %add3A_1538, %mul3A_1577 : vector<16xf32>
        %get3A_1579 = arith.constant 15 : i32
        %get3A_1580 = arith.index_cast %get3A_1579 : i32 to index
        %get3A_1581 = arith.index_cast %mul3A_1428 : i32 to index
        %get3A_1582 = tpu.vector_load %arg12[%get3A_1580, %get3A_1581] {strides = array<i32>} : memref<27x1472xf32, #tpu.memory_space<vmem>>, vector<16xf32>,
        %sub3A_1583 = arith.subf %broadcast_in_dim3A_173, %get3A_1582 : vector<16xf32>
        %mul3A_1584 = arith.mulf %sub3A_1583, %sub3A_1583 : vector<16xf32>
        %add3A_1585 = arith.addf %add3A_1545, %mul3A_1584 : vector<16xf32>
        %sub3A_1586 = arith.subf %broadcast_in_dim3A_274, %get3A_1582 : vector<16xf32>
        %mul3A_1587 = arith.mulf %sub3A_1586, %sub3A_1586 : vector<16xf32>
        %add3A_1588 = arith.addf %add3A_1548, %mul3A_1587 : vector<16xf32>
        %get3A_1589 = arith.constant 16 : i32
        %get3A_1590 = arith.index_cast %get3A_1589 : i32 to index
        %get3A_1591 = arith.index_cast %mul3A_1428 : i32 to index
        %get3A_1592 = tpu.vector_load %arg12[%get3A_1590, %get3A_1591] {strides = array<i32>} : memref<27x1472xf32, #tpu.memory_space<vmem>>, vector<16xf32>,
        %sub3A_1593 = arith.subf %broadcast_in_dim3A_176, %get3A_1592 : vector<16xf32>
        %mul3A_1594 = arith.mulf %sub3A_1593, %sub3A_1593 : vector<16xf32>
        %add3A_1595 = arith.addf %add3A_1555, %mul3A_1594 : vector<16xf32>
        %sub3A_1596 = arith.subf %broadcast_in_dim3A_277, %get3A_1592 : vector<16xf32>
        %mul3A_1597 = arith.mulf %sub3A_1596, %sub3A_1596 : vector<16xf32>
        %add3A_1598 = arith.addf %add3A_1558, %mul3A_1597 : vector<16xf32>
        %get3A_1599 = arith.constant 17 : i32
        %get3A_1600 = arith.index_cast %get3A_1599 : i32 to index
        %get3A_1601 = arith.index_cast %mul3A_1428 : i32 to index
        %get3A_1602 = tpu.vector_load %arg12[%get3A_1600, %get3A_1601] {strides = array<i32>} : memref<27x1472xf32, #tpu.memory_space<vmem>>, vector<16xf32>,
        %sub3A_1603 = arith.subf %broadcast_in_dim3A_179, %get3A_1602 : vector<16xf32>
        %mul3A_1604 = arith.mulf %sub3A_1603, %sub3A_1603 : vector<16xf32>
        %add3A_1605 = arith.addf %add3A_1565, %mul3A_1604 : vector<16xf32>
        %sub3A_1606 = arith.subf %broadcast_in_dim3A_280, %get3A_1602 : vector<16xf32>
        %mul3A_1607 = arith.mulf %sub3A_1606, %sub3A_1606 : vector<16xf32>
        %add3A_1608 = arith.addf %add3A_1568, %mul3A_1607 : vector<16xf32>
        %get3A_1609 = arith.constant 18 : i32
        %get3A_1610 = arith.index_cast %get3A_1609 : i32 to index
        %get3A_1611 = arith.index_cast %mul3A_1428 : i32 to index
        %get3A_1612 = tpu.vector_load %arg12[%get3A_1610, %get3A_1611] {strides = array<i32>} : memref<27x1472xf32, #tpu.memory_space<vmem>>, vector<16xf32>,
        %sub3A_1613 = arith.subf %broadcast_in_dim3A_182, %get3A_1612 : vector<16xf32>
        %mul3A_1614 = arith.mulf %sub3A_1613, %sub3A_1613 : vector<16xf32>
        %add3A_1615 = arith.addf %add3A_1575, %mul3A_1614 : vector<16xf32>
        %sub3A_1616 = arith.subf %broadcast_in_dim3A_283, %get3A_1612 : vector<16xf32>
        %mul3A_1617 = arith.mulf %sub3A_1616, %sub3A_1616 : vector<16xf32>
        %add3A_1618 = arith.addf %add3A_1578, %mul3A_1617 : vector<16xf32>
        %get3A_1619 = arith.constant 19 : i32
        %get3A_1620 = arith.index_cast %get3A_1619 : i32 to index
        %get3A_1621 = arith.index_cast %mul3A_1428 : i32 to index
        %get3A_1622 = tpu.vector_load %arg12[%get3A_1620, %get3A_1621] {strides = array<i32>} : memref<27x1472xf32, #tpu.memory_space<vmem>>, vector<16xf32>,
        %sub3A_1623 = arith.subf %broadcast_in_dim3A_185, %get3A_1622 : vector<16xf32>
        %mul3A_1624 = arith.mulf %sub3A_1623, %sub3A_1623 : vector<16xf32>
        %add3A_1625 = arith.addf %add3A_1585, %mul3A_1624 : vector<16xf32>
        %sub3A_1626 = arith.subf %broadcast_in_dim3A_286, %get3A_1622 : vector<16xf32>
        %mul3A_1627 = arith.mulf %sub3A_1626, %sub3A_1626 : vector<16xf32>
        %add3A_1628 = arith.addf %add3A_1588, %mul3A_1627 : vector<16xf32>
        %get3A_1629 = arith.constant 20 : i32
        %get3A_1630 = arith.index_cast %get3A_1629 : i32 to index
        %get3A_1631 = arith.index_cast %mul3A_1428 : i32 to index
        %get3A_1632 = tpu.vector_load %arg12[%get3A_1630, %get3A_1631] {strides = array<i32>} : memref<27x1472xf32, #tpu.memory_space<vmem>>, vector<16xf32>,
        %sub3A_1633 = arith.subf %broadcast_in_dim3A_188, %get3A_1632 : vector<16xf32>
        %mul3A_1634 = arith.mulf %sub3A_1633, %sub3A_1633 : vector<16xf32>
        %add3A_1635 = arith.addf %add3A_1595, %mul3A_1634 : vector<16xf32>
        %sub3A_1636 = arith.subf %broadcast_in_dim3A_289, %get3A_1632 : vector<16xf32>
        %mul3A_1637 = arith.mulf %sub3A_1636, %sub3A_1636 : vector<16xf32>
        %add3A_1638 = arith.addf %add3A_1598, %mul3A_1637 : vector<16xf32>
        %get3A_1639 = arith.constant 21 : i32
        %get3A_1640 = arith.index_cast %get3A_1639 : i32 to index
        %get3A_1641 = arith.index_cast %mul3A_1428 : i32 to index
        %get3A_1642 = tpu.vector_load %arg12[%get3A_1640, %get3A_1641] {strides = array<i32>} : memref<27x1472xf32, #tpu.memory_space<vmem>>, vector<16xf32>,
        %sub3A_1643 = arith.subf %broadcast_in_dim3A_191, %get3A_1642 : vector<16xf32>
        %mul3A_1644 = arith.mulf %sub3A_1643, %sub3A_1643 : vector<16xf32>
        %add3A_1645 = arith.addf %add3A_1605, %mul3A_1644 : vector<16xf32>
        %sub3A_1646 = arith.subf %broadcast_in_dim3A_292, %get3A_1642 : vector<16xf32>
        %mul3A_1647 = arith.mulf %sub3A_1646, %sub3A_1646 : vector<16xf32>
        %add3A_1648 = arith.addf %add3A_1608, %mul3A_1647 : vector<16xf32>
        %get3A_1649 = arith.constant 22 : i32
        %get3A_1650 = arith.index_cast %get3A_1649 : i32 to index
        %get3A_1651 = arith.index_cast %mul3A_1428 : i32 to index
        %get3A_1652 = tpu.vector_load %arg12[%get3A_1650, %get3A_1651] {strides = array<i32>} : memref<27x1472xf32, #tpu.memory_space<vmem>>, vector<16xf32>,
        %sub3A_1653 = arith.subf %broadcast_in_dim3A_194, %get3A_1652 : vector<16xf32>
        %mul3A_1654 = arith.mulf %sub3A_1653, %sub3A_1653 : vector<16xf32>
        %add3A_1655 = arith.addf %add3A_1615, %mul3A_1654 : vector<16xf32>
        %sub3A_1656 = arith.subf %broadcast_in_dim3A_295, %get3A_1652 : vector<16xf32>
        %mul3A_1657 = arith.mulf %sub3A_1656, %sub3A_1656 : vector<16xf32>
        %add3A_1658 = arith.addf %add3A_1618, %mul3A_1657 : vector<16xf32>
        %get3A_1659 = arith.constant 23 : i32
        %get3A_1660 = arith.index_cast %get3A_1659 : i32 to index
        %get3A_1661 = arith.index_cast %mul3A_1428 : i32 to index
        %get3A_1662 = tpu.vector_load %arg12[%get3A_1660, %get3A_1661] {strides = array<i32>} : memref<27x1472xf32, #tpu.memory_space<vmem>>, vector<16xf32>,
        %sub3A_1663 = arith.subf %broadcast_in_dim3A_197, %get3A_1662 : vector<16xf32>
        %mul3A_1664 = arith.mulf %sub3A_1663, %sub3A_1663 : vector<16xf32>
        %add3A_1665 = arith.addf %add3A_1625, %mul3A_1664 : vector<16xf32>
        %sub3A_1666 = arith.subf %broadcast_in_dim3A_298, %get3A_1662 : vector<16xf32>
        %mul3A_1667 = arith.mulf %sub3A_1666, %sub3A_1666 : vector<16xf32>
        %add3A_1668 = arith.addf %add3A_1628, %mul3A_1667 : vector<16xf32>
        %get3A_1669 = arith.constant 24 : i32
        %get3A_1670 = arith.index_cast %get3A_1669 : i32 to index
        %get3A_1671 = arith.index_cast %mul3A_1428 : i32 to index
        %get3A_1672 = tpu.vector_load %arg12[%get3A_1670, %get3A_1671] {strides = array<i32>} : memref<27x1472xf32, #tpu.memory_space<vmem>>, vector<16xf32>,
        %sub3A_1673 = arith.subf %broadcast_in_dim3A_200, %get3A_1672 : vector<16xf32>
        %mul3A_1674 = arith.mulf %sub3A_1673, %sub3A_1673 : vector<16xf32>
        %add3A_1675 = arith.addf %add3A_1635, %mul3A_1674 : vector<16xf32>
        %sub3A_1676 = arith.subf %broadcast_in_dim3A_301, %get3A_1672 : vector<16xf32>
        %mul3A_1677 = arith.mulf %sub3A_1676, %sub3A_1676 : vector<16xf32>
        %add3A_1678 = arith.addf %add3A_1638, %mul3A_1677 : vector<16xf32>
        %get3A_1679 = arith.constant 25 : i32
        %get3A_1680 = arith.index_cast %get3A_1679 : i32 to index
        %get3A_1681 = arith.index_cast %mul3A_1428 : i32 to index
        %get3A_1682 = tpu.vector_load %arg12[%get3A_1680, %get3A_1681] {strides = array<i32>} : memref<27x1472xf32, #tpu.memory_space<vmem>>, vector<16xf32>,
        %sub3A_1683 = arith.subf %broadcast_in_dim3A_203, %get3A_1682 : vector<16xf32>
        %mul3A_1684 = arith.mulf %sub3A_1683, %sub3A_1683 : vector<16xf32>
        %add3A_1685 = arith.addf %add3A_1645, %mul3A_1684 : vector<16xf32>
        %sub3A_1686 = arith.subf %broadcast_in_dim3A_304, %get3A_1682 : vector<16xf32>
        %mul3A_1687 = arith.mulf %sub3A_1686, %sub3A_1686 : vector<16xf32>
        %add3A_1688 = arith.addf %add3A_1648, %mul3A_1687 : vector<16xf32>
        %get3A_1689 = arith.constant 26 : i32
        %get3A_1690 = arith.index_cast %get3A_1689 : i32 to index
        %get3A_1691 = arith.index_cast %mul3A_1428 : i32 to index
        %get3A_1692 = tpu.vector_load %arg12[%get3A_1690, %get3A_1691] {strides = array<i32>} : memref<27x1472xf32, #tpu.memory_space<vmem>>, vector<16xf32>,
        %sub3A_1693 = arith.subf %broadcast_in_dim3A_206, %get3A_1692 : vector<16xf32>
        %mul3A_1694 = arith.mulf %sub3A_1693, %sub3A_1693 : vector<16xf32>
        %add3A_1695 = arith.addf %add3A_1655, %mul3A_1694 : vector<16xf32>
        %sub3A_1696 = arith.subf %broadcast_in_dim3A_307, %get3A_1692 : vector<16xf32>
        %mul3A_1697 = arith.mulf %sub3A_1696, %sub3A_1696 : vector<16xf32>
        %add3A_1698 = arith.addf %add3A_1658, %mul3A_1697 : vector<16xf32>
        %add3A_1699 = arith.addf %add3A_1675, %add3A_1685 : vector<16xf32>
        %add3A_1700 = arith.addf %add3A_1695, %add3A_1665 : vector<16xf32>
        %add3A_1701 = arith.addf %add3A_1699, %add3A_1700 : vector<16xf32>
        %add3A_1702 = arith.addf %add3A_1678, %add3A_1688 : vector<16xf32>
        %add3A_1703 = arith.addf %add3A_1698, %add3A_1668 : vector<16xf32>
        %add3A_1704 = arith.addf %add3A_1702, %add3A_1703 : vector<16xf32>
        %broadcast_in_dim3A_1705 = vector.broadcast %add3A_1410 : i32 to vector<16xi32>
        %lt3A_1706 = arith.cmpf olt, %add3A_1701, %select_n3A_1402 : vector<16xf32>
        %select_n3A_1707 = arith.select %lt3A_1706, %add3A_1701, %select_n3A_1402 : vector<16xi1>, vector<16xf32>
        %select_n3A_1708 = arith.select %lt3A_1706, %broadcast_in_dim3A_1705, %select_n3A_1403 : vector<16xi1>, vector<16xi32>
        %lt3A_1709 = arith.cmpf olt, %add3A_1704, %select_n3A_1405 : vector<16xf32>
        %select_n3A_1710 = arith.select %lt3A_1709, %add3A_1704, %select_n3A_1405 : vector<16xi1>, vector<16xf32>
        %select_n3A_1711 = arith.select %lt3A_1709, %broadcast_in_dim3A_1705, %select_n3A_1406 : vector<16xi1>, vector<16xi32>
        scf.yield %select_n3A_1707, %select_n3A_1708, %select_n3A_1710, %select_n3A_1711 : vector<16xf32>, vector<16xi32>, vector<16xf32>, vector<16xi32>
      }
      %scan3A_317 = arith.constant 23 : i32
      %reduce_min3A = arith.constant true
      %reduce_min3A_318 = vector.broadcast %reduce_min3A : i1 to vector<16xi1>
      %reduce_min3A_319 = tpu.scan <min>, %scan3A_316#0 masked %reduce_min3A_318 : vector<16xf32>, vector<16xi1> -> vector<16xf32>
      %reduce_min3A_320 = vector.extract %reduce_min3A_319[15] : f32 from vector<16xf32>
      %mul3A_321 = arith.constant 16 : i32
      %mul3A_322 = vector.broadcast %mul3A_321 : i32 to vector<16xi32>
      %mul3A_323 = arith.muli %scan3A_316#1, %mul3A_322 : vector<16xi32>
      %add3A_324 = arith.addi %mul3A_323, %iota3A : vector<16xi32>
      %eq3A_325 = vector.broadcast %reduce_min3A_320 : f32 to vector<16xf32>
      %eq3A_326 = arith.cmpf oeq, %scan3A_316#0, %eq3A_325 : vector<16xf32>
      %jit3A_327 = arith.constant 1073741824 : i32
      %broadcast_in_dim3A_328 = vector.broadcast %jit3A_327 : i32 to vector<16xi32>
      %select_n3A_329 = arith.select %eq3A_326, %add3A_324, %broadcast_in_dim3A_328 : vector<16xi1>, vector<16xi32>
      %reduce_min3A_330 = arith.constant true
      %reduce_min3A_331 = vector.broadcast %reduce_min3A_330 : i1 to vector<16xi1>
      %reduce_min3A_332 = arith.constant -2147483648 : i32
      %reduce_min3A_333 = vector.broadcast %reduce_min3A_332 : i32 to vector<16xi32>
      %reduce_min3A_334 = arith.xori %select_n3A_329, %reduce_min3A_333 : vector<16xi32>
      %reduce_min3A_335 = tpu.scan <min>, %reduce_min3A_334 masked %reduce_min3A_331 : vector<16xi32>, vector<16xi1> -> vector<16xi32>
      %reduce_min3A_336 = arith.xori %reduce_min3A_335, %reduce_min3A_333 : vector<16xi32>
      %reduce_min3A_337 = vector.extract %reduce_min3A_336[15] : i32 from vector<16xi32>
      %broadcast_in_dim3A_338 = vector.broadcast %reduce_min3A_337 : i32 to vector<16xi32>
      %gather3A = tpu.vector_load_idx %arg10[%broadcast_in_dim3A_338] : memref<1472xi32, #tpu.memory_space<vmem>>[vector<16xi32>], vector<16xi32>,
      %add3A_339 = arith.addi %gather3A, %get3A_38 : vector<16xi32>
      %gather3A_340 = tpu.vector_load_idx %arg8[%add3A_339] : memref<20736xf32, #tpu.memory_space<vmem>>[vector<16xi32>], vector<16xf32>,
      %add3A_341 = arith.addi %gather3A, %get3A_42 : vector<16xi32>
      %gather3A_342 = tpu.vector_load_idx %arg8[%add3A_341] : memref<20736xf32, #tpu.memory_space<vmem>>[vector<16xi32>], vector<16xf32>,
      %jit3A_343 = arith.constant 0.000000e+00 : f32
      %broadcast_in_dim3A_344 = vector.broadcast %jit3A_343 : f32 to vector<16xf32>
      %select_n3A_345 = arith.select %lt3A_35, %gather3A_342, %broadcast_in_dim3A_344 : vector<16xi1>, vector<16xf32>
      %jit3A_346 = arith.constant 16 : i32
      %div3A_347 = arith.divsi %mul3A_105, %jit3A_346 : i32
      %sign3A_348 = arith.constant 0 : i32
      %sign3A_349 = arith.cmpi sgt, %mul3A_105, %sign3A_348 : i32
      %sign3A_350 = arith.extui %sign3A_349 : i1 to i32
      %sign3A_351 = arith.constant 0 : i32
      %sign3A_352 = arith.cmpi slt, %mul3A_105, %sign3A_351 : i32
      %sign3A_353 = arith.extui %sign3A_352 : i1 to i32
      %sign3A_354 = arith.subi %sign3A_350, %sign3A_353 : i32
      %sign3A_355 = arith.constant 0 : i32
      %sign3A_356 = arith.cmpi sgt, %jit3A_346, %sign3A_355 : i32
      %sign3A_357 = arith.extui %sign3A_356 : i1 to i32
      %sign3A_358 = arith.constant 0 : i32
      %sign3A_359 = arith.cmpi slt, %jit3A_346, %sign3A_358 : i32
      %sign3A_360 = arith.extui %sign3A_359 : i1 to i32
      %sign3A_361 = arith.subi %sign3A_357, %sign3A_360 : i32
      %ne3A_362 = arith.cmpi ne, %sign3A_354, %sign3A_361 : i32
      %rem3A_363 = arith.remsi %mul3A_105, %jit3A_346 : i32
      %ne3A_364 = arith.constant 0 : i32
      %ne3A_365 = arith.cmpi ne, %rem3A_363, %ne3A_364 : i32
      %and3A_366 = arith.andi %ne3A_362, %ne3A_365 : i1
      %sub3A_367 = arith.constant 1 : i32
      %sub3A_368 = arith.subi %div3A_347, %sub3A_367 : i32
      %select_n3A_369 = arith.select %and3A_366, %sub3A_368, %div3A_347 : i32
      %mul3A_370 = arith.constant 3 : i32
      %mul3A_371 = arith.muli %mul3A_370, %select_n3A_369 : i32
      %broadcast_in_dim3A_372 = vector.broadcast %mul3A_371 : i32 to vector<16xi32>
      %jit3A_373 = arith.constant 16 : i32
      %eq3A_374 = arith.constant 0 : i32
      %eq3A_375 = arith.cmpi eq, %jit3A_373, %eq3A_374 : i32
      %jit3A_376 = arith.constant 1 : i32
      %select_n3A_377 = arith.select %eq3A_375, %jit3A_376, %jit3A_373 : i32
      %rem3A_378 = arith.remsi %mul3A_105, %select_n3A_377 : i32
      %ne3A_379 = arith.constant 0 : i32
      %ne3A_380 = arith.cmpi ne, %rem3A_378, %ne3A_379 : i32
      %lt3A_381 = arith.constant 0 : i32
      %lt3A_382 = arith.cmpi slt, %rem3A_378, %lt3A_381 : i32
      %lt3A_383 = arith.constant 0 : i32
      %lt3A_384 = arith.cmpi slt, %select_n3A_377, %lt3A_383 : i32
      %ne3A_385 = arith.xori %lt3A_382, %lt3A_384 : i1
      %and3A_386 = arith.andi %ne3A_385, %ne3A_380 : i1
      %add3A_387 = arith.addi %rem3A_378, %select_n3A_377 : i32
      %select_n3A_388 = arith.select %and3A_386, %add3A_387, %rem3A_378 : i32
      %mul3A_389 = arith.constant 3 : i32
      %mul3A_390 = arith.muli %mul3A_389, %select_n3A_388 : i32
      %broadcast_in_dim3A_391 = vector.broadcast %mul3A_390 : i32 to vector<16xi32>
      %add3A_392 = arith.addi %broadcast_in_dim3A_372, %get3A_54 : vector<16xi32>
      %add3A_393 = arith.addi %broadcast_in_dim3A_391, %get3A_62 : vector<16xi32>
      tpu.vector_store_idx %arg15[%get3A_46, %add3A_392, %add3A_393], %gather3A_340 : memref<3x6x48xf32, #tpu.memory_space<vmem>>[vector<16xi32>, vector<16xi32>, vector<16xi32>], vector<16xf32>,
      %add3A_394 = arith.addi %broadcast_in_dim3A_372, %get3A_58 : vector<16xi32>
      %add3A_395 = arith.addi %broadcast_in_dim3A_391, %get3A_66 : vector<16xi32>
      tpu.vector_store_idx %arg15[%get3A_50, %add3A_394, %add3A_395], %select_n3A_345 masked %lt3A_35 : memref<3x6x48xf32, #tpu.memory_space<vmem>>[vector<16xi32>, vector<16xi32>, vector<16xi32>], vector<16xf32>, vector<16xi1>
      %sub3A_396 = arith.subf %get3A_116, %gather3A_340 : vector<16xf32>
      %abs3A = math.absf %sub3A_396 : vector<16xf32>
      %add3A_397 = arith.addf %scan3A_103, %abs3A : vector<16xf32>
      %sub3A_398 = arith.subf %get3A_119, %select_n3A_345 : vector<16xf32>
      %abs3A_399 = math.absf %sub3A_398 : vector<16xf32>
      %add3A_400 = arith.addf %add3A_397, %abs3A_399 : vector<16xf32>
      %reduce_min3A_401 = arith.constant true
      %reduce_min3A_402 = vector.broadcast %reduce_min3A_401 : i1 to vector<16xi1>
      %reduce_min3A_403 = tpu.scan <min>, %scan3A_316#2 masked %reduce_min3A_402 : vector<16xf32>, vector<16xi1> -> vector<16xf32>
      %reduce_min3A_404 = vector.extract %reduce_min3A_403[15] : f32 from vector<16xf32>
      %mul3A_405 = arith.constant 16 : i32
      %mul3A_406 = vector.broadcast %mul3A_405 : i32 to vector<16xi32>
      %mul3A_407 = arith.muli %scan3A_316#3, %mul3A_406 : vector<16xi32>
      %add3A_408 = arith.addi %mul3A_407, %iota3A : vector<16xi32>
      %eq3A_409 = vector.broadcast %reduce_min3A_404 : f32 to vector<16xf32>
      %eq3A_410 = arith.cmpf oeq, %scan3A_316#2, %eq3A_409 : vector<16xf32>
      %jit3A_411 = arith.constant 1073741824 : i32
      %broadcast_in_dim3A_412 = vector.broadcast %jit3A_411 : i32 to vector<16xi32>
      %select_n3A_413 = arith.select %eq3A_410, %add3A_408, %broadcast_in_dim3A_412 : vector<16xi1>, vector<16xi32>
      %reduce_min3A_414 = arith.constant true
      %reduce_min3A_415 = vector.broadcast %reduce_min3A_414 : i1 to vector<16xi1>
      %reduce_min3A_416 = arith.constant -2147483648 : i32
      %reduce_min3A_417 = vector.broadcast %reduce_min3A_416 : i32 to vector<16xi32>
      %reduce_min3A_418 = arith.xori %select_n3A_413, %reduce_min3A_417 : vector<16xi32>
      %reduce_min3A_419 = tpu.scan <min>, %reduce_min3A_418 masked %reduce_min3A_415 : vector<16xi32>, vector<16xi1> -> vector<16xi32>
      %reduce_min3A_420 = arith.xori %reduce_min3A_419, %reduce_min3A_417 : vector<16xi32>
      %reduce_min3A_421 = vector.extract %reduce_min3A_420[15] : i32 from vector<16xi32>
      %broadcast_in_dim3A_422 = vector.broadcast %reduce_min3A_421 : i32 to vector<16xi32>
      %gather3A_423 = tpu.vector_load_idx %arg10[%broadcast_in_dim3A_422] : memref<1472xi32, #tpu.memory_space<vmem>>[vector<16xi32>], vector<16xi32>,
      %add3A_424 = arith.addi %gather3A_423, %get3A_38 : vector<16xi32>
      %gather3A_425 = tpu.vector_load_idx %arg8[%add3A_424] : memref<20736xf32, #tpu.memory_space<vmem>>[vector<16xi32>], vector<16xf32>,
      %add3A_426 = arith.addi %gather3A_423, %get3A_42 : vector<16xi32>
      %gather3A_427 = tpu.vector_load_idx %arg8[%add3A_426] : memref<20736xf32, #tpu.memory_space<vmem>>[vector<16xi32>], vector<16xf32>,
      %jit3A_428 = arith.constant 0.000000e+00 : f32
      %broadcast_in_dim3A_429 = vector.broadcast %jit3A_428 : f32 to vector<16xf32>
      %select_n3A_430 = arith.select %lt3A_35, %gather3A_427, %broadcast_in_dim3A_429 : vector<16xi1>, vector<16xf32>
      %jit3A_431 = arith.constant 16 : i32
      %div3A_432 = arith.divsi %add3A_107, %jit3A_431 : i32
      %sign3A_433 = arith.constant 0 : i32
      %sign3A_434 = arith.cmpi sgt, %add3A_107, %sign3A_433 : i32
      %sign3A_435 = arith.extui %sign3A_434 : i1 to i32
      %sign3A_436 = arith.constant 0 : i32
      %sign3A_437 = arith.cmpi slt, %add3A_107, %sign3A_436 : i32
      %sign3A_438 = arith.extui %sign3A_437 : i1 to i32
      %sign3A_439 = arith.subi %sign3A_435, %sign3A_438 : i32
      %sign3A_440 = arith.constant 0 : i32
      %sign3A_441 = arith.cmpi sgt, %jit3A_431, %sign3A_440 : i32
      %sign3A_442 = arith.extui %sign3A_441 : i1 to i32
      %sign3A_443 = arith.constant 0 : i32
      %sign3A_444 = arith.cmpi slt, %jit3A_431, %sign3A_443 : i32
      %sign3A_445 = arith.extui %sign3A_444 : i1 to i32
      %sign3A_446 = arith.subi %sign3A_442, %sign3A_445 : i32
      %ne3A_447 = arith.cmpi ne, %sign3A_439, %sign3A_446 : i32
      %rem3A_448 = arith.remsi %add3A_107, %jit3A_431 : i32
      %ne3A_449 = arith.constant 0 : i32
      %ne3A_450 = arith.cmpi ne, %rem3A_448, %ne3A_449 : i32
      %and3A_451 = arith.andi %ne3A_447, %ne3A_450 : i1
      %sub3A_452 = arith.constant 1 : i32
      %sub3A_453 = arith.subi %div3A_432, %sub3A_452 : i32
      %select_n3A_454 = arith.select %and3A_451, %sub3A_453, %div3A_432 : i32
      %mul3A_455 = arith.constant 3 : i32
      %mul3A_456 = arith.muli %mul3A_455, %select_n3A_454 : i32
      %broadcast_in_dim3A_457 = vector.broadcast %mul3A_456 : i32 to vector<16xi32>
      %jit3A_458 = arith.constant 16 : i32
      %eq3A_459 = arith.constant 0 : i32
      %eq3A_460 = arith.cmpi eq, %jit3A_458, %eq3A_459 : i32
      %jit3A_461 = arith.constant 1 : i32
      %select_n3A_462 = arith.select %eq3A_460, %jit3A_461, %jit3A_458 : i32
      %rem3A_463 = arith.remsi %add3A_107, %select_n3A_462 : i32
      %ne3A_464 = arith.constant 0 : i32
      %ne3A_465 = arith.cmpi ne, %rem3A_463, %ne3A_464 : i32
      %lt3A_466 = arith.constant 0 : i32
      %lt3A_467 = arith.cmpi slt, %rem3A_463, %lt3A_466 : i32
      %lt3A_468 = arith.constant 0 : i32
      %lt3A_469 = arith.cmpi slt, %select_n3A_462, %lt3A_468 : i32
      %ne3A_470 = arith.xori %lt3A_467, %lt3A_469 : i1
      %and3A_471 = arith.andi %ne3A_470, %ne3A_465 : i1
      %add3A_472 = arith.addi %rem3A_463, %select_n3A_462 : i32
      %select_n3A_473 = arith.select %and3A_471, %add3A_472, %rem3A_463 : i32
      %mul3A_474 = arith.constant 3 : i32
      %mul3A_475 = arith.muli %mul3A_474, %select_n3A_473 : i32
      %broadcast_in_dim3A_476 = vector.broadcast %mul3A_475 : i32 to vector<16xi32>
      %add3A_477 = arith.addi %broadcast_in_dim3A_457, %get3A_54 : vector<16xi32>
      %add3A_478 = arith.addi %broadcast_in_dim3A_476, %get3A_62 : vector<16xi32>
      tpu.vector_store_idx %arg15[%get3A_46, %add3A_477, %add3A_478], %gather3A_425 : memref<3x6x48xf32, #tpu.memory_space<vmem>>[vector<16xi32>, vector<16xi32>, vector<16xi32>], vector<16xf32>,
      %add3A_479 = arith.addi %broadcast_in_dim3A_457, %get3A_58 : vector<16xi32>
      %add3A_480 = arith.addi %broadcast_in_dim3A_476, %get3A_66 : vector<16xi32>
      tpu.vector_store_idx %arg15[%get3A_50, %add3A_479, %add3A_480], %select_n3A_430 masked %lt3A_35 : memref<3x6x48xf32, #tpu.memory_space<vmem>>[vector<16xi32>, vector<16xi32>, vector<16xi32>], vector<16xf32>, vector<16xi1>
      %sub3A_481 = arith.subf %get3A_215, %gather3A_425 : vector<16xf32>
      %abs3A_482 = math.absf %sub3A_481 : vector<16xf32>
      %add3A_483 = arith.addf %add3A_400, %abs3A_482 : vector<16xf32>
      %sub3A_484 = arith.subf %get3A_218, %select_n3A_430 : vector<16xf32>
      %abs3A_485 = math.absf %sub3A_484 : vector<16xf32>
      %add3A_486 = arith.addf %add3A_483, %abs3A_485 : vector<16xf32>
      scf.yield %add3A_486 : vector<16xf32>
    }
    %scan3A_84 = arith.constant 16 : i32
    %swap3A = arith.constant 0 : index
    %swap3A_85 = tpu.vector_load %arg16[%swap3A] {strides = array<i32>} : memref<16xf32, #tpu.memory_space<vmem>>, vector<16xf32>,
    tpu.vector_store %arg16[%swap3A], %scan3A_83 {strides = array<i32>} : memref<16xf32, #tpu.memory_space<vmem>>, vector<16xf32>,
    %jit3A_86 = arith.constant 8 : i32
    %eq3A_87 = arith.constant 0 : i32
    %eq3A_88 = arith.cmpi eq, %jit3A_86, %eq3A_87 : i32
    %jit3A_89 = arith.constant 1 : i32
    %select_n3A_90 = arith.select %eq3A_88, %jit3A_89, %jit3A_86 : i32
    %rem3A_91 = arith.remsi %add3A, %select_n3A_90 : i32
    %ne3A_92 = arith.constant 0 : i32
    %ne3A_93 = arith.cmpi ne, %rem3A_91, %ne3A_92 : i32
    %lt3A_94 = arith.constant 0 : i32
    %lt3A_95 = arith.cmpi slt, %rem3A_91, %lt3A_94 : i32
    %lt3A_96 = arith.constant 0 : i32
    %lt3A_97 = arith.cmpi slt, %select_n3A_90, %lt3A_96 : i32
    %ne3A_98 = arith.xori %lt3A_95, %lt3A_97 : i1
    %and3A_99 = arith.andi %ne3A_98, %ne3A_93 : i1
    %add3A_100 = arith.addi %rem3A_91, %select_n3A_90 : i32
    %select_n3A_101 = arith.select %and3A_99, %add3A_100, %rem3A_91 : i32
    "tpu.region"() ({
      %run_scoped3A = tpu.sem_alloc : memref<!tpu.dma_semaphore, #tpu.memory_space<semaphore_mem>>
      %dma_start3A = arith.constant 0 : i32
      %dma_start3A_102 = arith.constant 0 : i32
      %dma_start3A_103 = arith.constant 0 : i32
      %dma_start3A_104 = tpu.memref_slice %arg6[%select_n3A, %select_n3A_101, %dma_start3A, %dma_start3A_102, %dma_start3A_103] : memref<4x8x3x6x48xf32, #tpu.memory_space<hbm>> -> memref<1x1x3x6x48xf32, #tpu.memory_space<hbm>>
      %dma_start3A_105 = tpu.memref_squeeze %dma_start3A_104 : memref<1x1x3x6x48xf32, #tpu.memory_space<hbm>> -> memref<3x6x48xf32, #tpu.memory_space<hbm>>
      %dma_start3A_106 = arith.constant 0 : i32
      %dma_start3A_107 = arith.constant 0 : i32
      %dma_start3A_108 = arith.constant 0 : i32
      %dma_start3A_109 = tpu.memref_slice %arg6[%select_n3A, %select_n3A_101, %dma_start3A_106, %dma_start3A_107, %dma_start3A_108] : memref<4x8x3x6x48xf32, #tpu.memory_space<hbm>> -> memref<1x1x3x6x48xf32, #tpu.memory_space<hbm>>
      %dma_start3A_110 = tpu.memref_squeeze %dma_start3A_109 : memref<1x1x3x6x48xf32, #tpu.memory_space<hbm>> -> memref<3x6x48xf32, #tpu.memory_space<hbm>>
      tpu.enqueue_dma source(%arg15 : memref<3x6x48xf32, #tpu.memory_space<vmem>>) target(%dma_start3A_110 : memref<3x6x48xf32, #tpu.memory_space<hbm>>) target_semaphore(%run_scoped3A : memref<!tpu.dma_semaphore, #tpu.memory_space<semaphore_mem>>)
      %dma_wait3A = arith.constant 0 : i32
      %dma_wait3A_111 = arith.constant 0 : i32
      %dma_wait3A_112 = arith.constant 0 : i32
      %dma_wait3A_113 = tpu.memref_slice %arg6[%select_n3A, %select_n3A_101, %dma_wait3A, %dma_wait3A_111, %dma_wait3A_112] : memref<4x8x3x6x48xf32, #tpu.memory_space<hbm>> -> memref<1x1x3x6x48xf32, #tpu.memory_space<hbm>>
      %dma_wait3A_114 = tpu.memref_squeeze %dma_wait3A_113 : memref<1x1x3x6x48xf32, #tpu.memory_space<hbm>> -> memref<3x6x48xf32, #tpu.memory_space<hbm>>
      %dma_wait3A_115 = arith.constant 0 : i32
      %dma_wait3A_116 = arith.constant 0 : i32
      %dma_wait3A_117 = arith.constant 0 : i32
      %dma_wait3A_118 = tpu.memref_slice %arg6[%select_n3A, %select_n3A_101, %dma_wait3A_115, %dma_wait3A_116, %dma_wait3A_117] : memref<4x8x3x6x48xf32, #tpu.memory_space<hbm>> -> memref<1x1x3x6x48xf32, #tpu.memory_space<hbm>>
      %dma_wait3A_119 = tpu.memref_squeeze %dma_wait3A_118 : memref<1x1x3x6x48xf32, #tpu.memory_space<hbm>> -> memref<3x6x48xf32, #tpu.memory_space<hbm>>
      tpu.wait_dma2 semaphore(%run_scoped3A : memref<!tpu.dma_semaphore, #tpu.memory_space<semaphore_mem>>) src(%arg15 : memref<3x6x48xf32, #tpu.memory_space<vmem>>) dst(%dma_wait3A_119 : memref<3x6x48xf32, #tpu.memory_space<hbm>>)
      tpu.yield
    }) : () -> ()
    "tpu.region"() ({
      %run_scoped3A = tpu.sem_alloc : memref<!tpu.dma_semaphore, #tpu.memory_space<semaphore_mem>>
      %dma_start3A = arith.constant 0 : i32
      %dma_start3A_102 = tpu.memref_slice %arg7[%add3A, %dma_start3A] : memref<32x16xf32, #tpu.memory_space<hbm>> -> memref<1x16xf32, #tpu.memory_space<hbm>>
      %dma_start3A_103 = tpu.memref_squeeze %dma_start3A_102 : memref<1x16xf32, #tpu.memory_space<hbm>> -> memref<16xf32, #tpu.memory_space<hbm>>
      %dma_start3A_104 = arith.constant 0 : i32
      %dma_start3A_105 = tpu.memref_slice %arg7[%add3A, %dma_start3A_104] : memref<32x16xf32, #tpu.memory_space<hbm>> -> memref<1x16xf32, #tpu.memory_space<hbm>>
      %dma_start3A_106 = tpu.memref_squeeze %dma_start3A_105 : memref<1x16xf32, #tpu.memory_space<hbm>> -> memref<16xf32, #tpu.memory_space<hbm>>
      tpu.enqueue_dma source(%arg16 : memref<16xf32, #tpu.memory_space<vmem>>) target(%dma_start3A_106 : memref<16xf32, #tpu.memory_space<hbm>>) target_semaphore(%run_scoped3A : memref<!tpu.dma_semaphore, #tpu.memory_space<semaphore_mem>>)
      %dma_wait3A = arith.constant 0 : i32
      %dma_wait3A_107 = tpu.memref_slice %arg7[%add3A, %dma_wait3A] : memref<32x16xf32, #tpu.memory_space<hbm>> -> memref<1x16xf32, #tpu.memory_space<hbm>>
      %dma_wait3A_108 = tpu.memref_squeeze %dma_wait3A_107 : memref<1x16xf32, #tpu.memory_space<hbm>> -> memref<16xf32, #tpu.memory_space<hbm>>
      %dma_wait3A_109 = arith.constant 0 : i32
      %dma_wait3A_110 = tpu.memref_slice %arg7[%add3A, %dma_wait3A_109] : memref<32x16xf32, #tpu.memory_space<hbm>> -> memref<1x16xf32, #tpu.memory_space<hbm>>
      %dma_wait3A_111 = tpu.memref_squeeze %dma_wait3A_110 : memref<1x16xf32, #tpu.memory_space<hbm>> -> memref<16xf32, #tpu.memory_space<hbm>>
      tpu.wait_dma2 semaphore(%run_scoped3A : memref<!tpu.dma_semaphore, #tpu.memory_space<semaphore_mem>>) src(%arg16 : memref<16xf32, #tpu.memory_space<vmem>>) dst(%dma_wait3A_111 : memref<16xf32, #tpu.memory_space<hbm>>)
      tpu.yield
    }) : () -> ()
    return
  }
}

</mosaic_0001>

<sc_bundles>
// kernel: kernel.3.cloned.1.call-start
scs
__scs_entry_jumppad:
0x0: {  	(pc) =	sbr.rel $0x88, $3  }
0x1: {  	(tag) =	ssettag $0x0;
	lr =	simm.s32 $0x1  }
0x2: {  	[smem:$0x3F9F] =	sst lr;
	_ =	strace $0xD0000000  }
0x3: {  	_ = 	snop  }
0x4: {  	_ = 	snop  }
0x5: {  	_ = 	snop  }
0x6: {  	_ = 	snop  }
0x7: {  	_ = 	snop  }
__scs_overlays_trampoline_lowered:
0x8: {  	[smem:$0x3FAE] =	sst s0  }
0x9: {  	[smem:$0x3FAF] =	sst s1  }
0xa: {  	[smem:$0x3FB0] =	sst s2  }
0xb: {  	[smem:$0x3FB1] =	sst s3  }
0xc: {  	[smem:$0x3FB2] =	sst s4  }
0xd: {  	[smem:$0x3FB3] =	sst s5  }
0xe: {  	[smem:$0x3FB4] =	sst s6  }
0xf: {  	[smem:$0x3FB5] =	sst s7  }
0x10: {  	[smem:$0x3FB6] =	sst s8  }
0x11: {  	[smem:$0x3FB7] =	sst s9;
	s0 =	simm.s32 @!p0 $0x0  }
0x12: {  	s1 =	sld [smem:$0x3F9D];
	s0 =	simm.s32 @p0 $0x1  }
0x13: {  	[smem:$0x3FB8] =	sst s0;
	s0 =	simm.s32 @!p1 $0x0  }
0x14: {  	s2 =	sld [smem:$0x3F9C];
	s0 =	simm.s32 @p1 $0x1  }
0x15: {  	[smem:$0x3FB9] =	sst s0;
	s0 =	simm.s32 @!p2 $0x0  }
0x16: {  	s3 =	sld [smem:$0x3FDB];
	s0 =	simm.s32 @p2 $0x1  }
0x17: {  	s4 =	simm.s32 $0x1BF5;
	[smem:$0x3FBB] =	sst s0  }
0x18: {  	s0 =	sld [smem:$0x3F9E];
	_ =	swait.ge [sflag:s4], $0x0  }
0x19: {  	s7 =	sld [smem:$0x3F9F]  }
0x1a: {  	s8 =	sadd.s32 $0xFFFFE003, lr  }
0x1b: {  	s9 =	sadd.s32 $0xFFFFFEF7, lr;
	s5 =	simm.s32 $0xFFFFFFFF;
	p2 =	slt.u32 s8, $0xFFFFF086  }
0x1c: {  	p1 =	slt.u32 s9, $0xF7A;
	s5 =	simm.s32 @!p2 $0x0  }
0x1d: {  	s5 =	simm.s32 @p1 $0x1;
	p0 =	seq.s32 s7, s2  }
0x1e: {  	s7 =	smul.u32 @!p0 $0xF7A, s2;
	p2 =	seq.s32 @!p0 s5, $0x0  }
0x1f: {  	s9 =	smul.u32 $0xF7A, s1;
	s8 =	simm.s32 @!p0 $0x1BF5;
	p2 =	por !p2, p0  }
0x20: {  	[sflag:s8] =	ssyncset.s32 @!p0 $0xFFFFF086;
	s6 =	sadd.s32 @!p0 s3, s7;
	s7 =	simm.s32 @!p0 $0x108  }
0x21: {  	s3 =	sadd.s32 s3, s9;
	s6 =	sadd.s32 @!p0 $0x88, s6;
	s7 =	simm.s32 @p2 $0x1082  }
0x22: {  	[simem:s7], [sflag:s8] =	dma.local @!p0 [hbm:s6], $0xF7A  }
0x23: {  	s9 =	sor.u32 $0xD0000000, s2;
	s6 =	simm.s32 $0x108;
	_ =	swait.ge @!p0 [sflag:s8], $0x0  }
0x24: {  	s3 =	sadd.s32 $0x88, s3;
	s6 =	simm.s32 @!p1 $0x1082;
	[sflag:s4] =	ssyncset.s32 $0xFFFFF086  }
0x25: {  	[simem:s6], [sflag:s4] =	dma.local [hbm:s3], $0xF7A  }
0x26: {  	[smem:$0x3F9F] =	sst s1;
	(tag) =	ssettag s2;
	_ =	strace s9  }
0x27: {  	s1 =	sld [smem:$0x3FAF]  }
0x28: {  	s2 =	sld [smem:$0x3FB0]  }
0x29: {  	s4 =	sld [smem:$0x3FB2]  }
0x2a: {  	p0 =	seq.s32 s5, $0x0;
	s5 =	sld [smem:$0x3FB3]  }
0x2b: {  	s6 =	sld [smem:$0x3FB4]  }
0x2c: {  	s7 =	sld [smem:$0x3FB5]  }
0x2d: {  	s3 =	simm.s32 $0x108;
	s8 =	sld [smem:$0x3FB6]  }
0x2e: {  	s3 =	simm.s32 @!p0 $0x1082;
	s9 =	sld [smem:$0x3FB7]  }
0x2f: {  	lr =	sadd.s32 s0, s3;
	s0 =	sld [smem:$0x3FAE]  }
0x30: {  	s3 =	sld [smem:$0x3FB1]  }
0x31: {  	[smem:$0x3FBA] =	sst s10  }
0x32: {  	s10 =	sld [smem:$0x3FB8];
	_ =	sdelay $0x3  }
0x33: {  	p0 =	seq.s32 s10, $0x1;
	s10 =	sld [smem:$0x3FBA];
	_ =	sdelay $0x3  }
0x34: {  	[smem:$0x3FBA] =	sst s10  }
0x35: {  	s10 =	sld [smem:$0x3FB9];
	_ =	sdelay $0x3  }
0x36: {  	p1 =	seq.s32 s10, $0x1;
	s10 =	sld [smem:$0x3FBA];
	_ =	sdelay $0x3  }
0x37: {  	[smem:$0x3FBA] =	sst s10  }
0x38: {  	s10 =	sld [smem:$0x3FBB]  }
0x39: {  	_ = 	snop;
	(pc) =	sbr.ind lr, $3  }
0x3a: {  	_ = 	snop  }
0x3b: {  	_ = 	snop  }
0x3c: {  	p2 =	seq.s32 s10, $0x1;
	s10 =	sld [smem:$0x3FBA]  }
0x3d: {  	_ =	shalt  }
0x3e: {  	_ =	shalt  }
0x3f: {  	_ =	shalt  }
0x40: {  	_ =	shalt  }
0x41: {  	_ =	shalt  }
0x42: {  	_ =	shalt  }
0x43: {  	_ =	shalt  }
0x44: {  	_ =	shalt  }
0x45: {  	_ =	shalt  }
0x46: {  	_ =	shalt  }
0x47: {  	_ =	shalt  }
0x48: {  	_ =	shalt  }
0x49: {  	_ =	shalt  }
0x4a: {  	_ =	shalt  }
0x4b: {  	_ =	shalt  }
0x4c: {  	_ =	shalt  }
0x4d: {  	_ =	shalt  }
0x4e: {  	_ =	shalt  }
0x4f: {  	_ =	shalt  }
0x50: {  	_ =	shalt  }
0x51: {  	_ =	shalt  }
0x52: {  	_ =	shalt  }
0x53: {  	_ =	shalt  }
0x54: {  	_ =	shalt  }
0x55: {  	_ =	shalt  }
0x56: {  	_ =	shalt  }
0x57: {  	_ =	shalt  }
0x58: {  	_ =	shalt  }
0x59: {  	_ =	shalt  }
0x5a: {  	_ =	shalt  }
0x5b: {  	_ =	shalt  }
0x5c: {  	_ =	shalt  }
0x5d: {  	_ =	shalt  }
0x5e: {  	_ =	shalt  }
0x5f: {  	_ =	shalt  }
0x60: {  	_ =	shalt  }
0x61: {  	_ =	shalt  }
0x62: {  	_ =	shalt  }
0x63: {  	_ =	shalt  }
0x64: {  	_ =	shalt  }
0x65: {  	_ =	shalt  }
0x66: {  	_ =	shalt  }
0x67: {  	_ =	shalt  }
0x68: {  	_ =	shalt  }
0x69: {  	_ =	shalt  }
0x6a: {  	_ =	shalt  }
0x6b: {  	_ =	shalt  }
0x6c: {  	_ =	shalt  }
0x6d: {  	_ =	shalt  }
0x6e: {  	_ =	shalt  }
0x6f: {  	_ =	shalt  }
0x70: {  	_ =	shalt  }
0x71: {  	_ =	shalt  }
0x72: {  	_ =	shalt  }
0x73: {  	_ =	shalt  }
0x74: {  	_ =	shalt  }
0x75: {  	_ =	shalt  }
0x76: {  	_ =	shalt  }
0x77: {  	_ =	shalt  }
0x78: {  	_ =	shalt  }
0x79: {  	_ =	shalt  }
0x7a: {  	_ =	shalt  }
0x7b: {  	_ =	shalt  }
0x7c: {  	_ =	shalt  }
0x7d: {  	_ =	shalt  }
0x7e: {  	_ =	shalt  }
0x7f: {  	_ =	shalt  }
0x80: {  	_ =	shalt  }
0x81: {  	_ =	shalt  }
0x82: {  	_ =	shalt  }
0x83: {  	_ =	shalt  }
0x84: {  	_ =	shalt  }
0x85: {  	_ =	shalt  }
0x86: {  	_ =	shalt  }
0x87: {  	_ =	shalt  }
.Lfunc_end0:
.L_simem_size_0:
called_computation_lowered:
.L_overlay_start_0:
0x88: {  	s2 =	sld [smem:$0x3FD9]  }
0x89: {  	s3 =	sld [smem:$0x3FFE];
	_ =	sdelay $0x1  }
0x8a: {  	s1 =	srdreg.scid  }
0x8b: {  	s0 =	sand.u32 $0x1, s1  }
0x8c: {  	s14 =	sshll.u32 s0, $0xA;
	s2 =	sadd.s32 s3, s2  }
0x8d: {  	s2 =	sadd.s32 s2, s14  }
0x8e: {  	[smem:$0x3FC6] =	sst s2  }
0x8f: {  	_ = 	snop  }
0x90: {  	s2 =	sld [smem:$0x3FD0];
	_ =	sdelay $0x2  }
0x91: {  	s15 =	simm.s32 $0xA;
	s4 =	simm.s32 $0x10  }
0x92: {  	[smem:s4], [sflag:s15] =	dma.local [hbm:s2], $0x1  }
0x93: {  	_ =	swait.eq [sflag:s15], $0x1  }
0x94: {  	[sflag:s15] =	ssyncset.done $0x0  }
0x95: {  	s16 =	sld [smem:$0x10];
	[sflag:s15] =	ssyncadd.s32 $0xFFFFFFFF  }
0x96: {  	s17 =	sld [smem:$0x11];
	(tm) =	ssettm $0x1  }
0x97: {  	s18 =	sld [smem:$0x3FFB];
	_ =	sdelay $0x3  }
0x98: {  	_ =	strace s18  }
0x99: {  	s4 =	sld [smem:$0x3FFC];
	_ =	sdelay $0x3  }
0x9a: {  	_ =	strace s4  }
0x9b: {  	s4 =	sld [smem:$0x3FFD];
	_ =	sdelay $0x3  }
0x9c: {  	_ =	strace s4  }
0x9d: {  	_ =	strace $0x8FFFFFFF  }
0x9e: {  	s19 =	sld [smem:$0x3FDB];
	_ =	sdelay $0x1  }
0x9f: {  	s5 =	simm.s32 $_scs_section_size  }
0xa0: {  	s6 =	simm.s32 $_size__tile_overlayer_lowered;
	s7 =	simm.s32 $_tile_overlayer_lowered  }
0xa1: {  	s22 =	simm.s32 $0x1BFF;
	s21 =	sshll.u32 s7, $0x1;
	s4 =	sadd.s32 s5, s19  }
0xa2: {  	s8 =	simm.s32 $0x0;
	s20 =	sshll.u32 s6, $0x1;
	s6 =	sadd.s32 s21, s4  }
0xa3: {  	[timem:s8], [sflag:s22] =	dma.local [hbm:s6], s20  }
0xa4: {  	_ =	swait.ge [sflag:s22], s20  }
0xa5: {  	s5 =	ssub.s32 $0x0, s20;
	[sflag:s22] =	ssyncset.done $0x0  }
0xa6: {  	[sflag:s22] =	ssyncadd.s32 s5;
	_ =	sdelay $0x1  }
0xa7: {  	s23 =	simm.s32 $0x1B8B  }
0xa8: {  	_ =	swait.ge [sflag:s23], $0x1  }
0xa9: {  	[sflag:s23] =	ssyncset.done $0x0  }
0xaa: {  	s25 =	simm.s32 $0x1B8E;
	s24 =	sld [smem:$0x3FFE];
	[sflag:s23] =	ssyncadd.s32 $0xFFFFFFFF  }
0xab: {  	s26 =	simm.s32 $execute0_lowered;
	[smem:$0x3FD2] =	sst s25  }
0xac: {  	s6 =	sshll.u32 s26, $0x1;
	_ =	strace $0x80000046;
	[dreg:$0x1] =	wrdreg $0xFFFFFFFF  }
0xad: {  	s28 =	simm.s32 $_size_execute0_lowered;
	s4 =	sadd.s32 s4, s6;
	[dreg:$0x0] =	wrdreg $0x0  }
0xae: {  	s6 =	sshll.u32 s28, $0x1;
	[dreg:$0x2] =	wrdreg s4  }
0xaf: {  	[dreg:$0x3] =	wrdreg s6  }
0xb0: {  	[dreg:$0x4] =	wrdreg $0xC0  }
0xb1: {  	_ =	task [dreg:s8], $0x5FFFF  }
0xb2: {  	[dreg:$0x1] =	wrdreg $0xFFFFFFFF  }
0xb3: {  	[dreg:$0x0] =	wrdreg $0x60  }
0xb4: {  	[dreg:$0x2] =	wrdreg s24  }
0xb5: {  	[dreg:$0x3] =	wrdreg s17  }
0xb6: {  	[dreg:$0x4] =	wrdreg s16  }
0xb7: {  	[dreg:$0x5] =	wrdreg $0x9  }
0xb8: {  	_ =	task.clear_ibuf [dreg:s8], $0x6FFFF;
	_ =	strace $0x90000046  }
0xb9: {  	s29 =	simm.s32 $0x9;
	_ =	strace $0x80000048  }
0xba: {  	_ =	swait.ge [sflag:s29], $0x1  }
0xbb: {  	[sflag:s29] =	ssyncadd.s32 $0xFFFFFFFF  }
0xbc: {  	_ =	strace $0x90000048  }
0xbd: {  	_ =	sfence  }
0xbe: {  	s30 =	sld [smem:$0x0];
	_ =	sdelay $0x2  }
0xbf: {  	s31 =	sshll.u32 s1, $0xD;
	s1 =	sshrl.u32 s1, $0x2  }
0xc0: {  	s3 =	sand.u32 $0x4000, s31;
	s1 =	sadd.s32 s1, s30  }
0xc1: {  	s0 =	sor.u32 s3, s0;
	s1 =	sshll.u32 s1, $0x11  }
0xc2: {  	s0 =	sor.u32 s1, s0  }
0xc3: {  	s0 =	sadd.s32 $0x8F2B, s0  }
0xc4: {  	[sflag:s0] =	ssyncadd.remote.s32 $0x1  }
0xc5: {  	_ =	sfence.sel $0xFFFF  }
0xc6: {  	[dreg:$0x0] =	wrdreg $0xFFFFFFFF;
	(pc) =	sbr.abs _section_cstart, $3  }
0xc7: {  	[dreg:$0x1] =	wrdreg $0xFFFFFFFF  }
0xc8: {  	_ =	task.clear_ibuf [dreg:s8], $0x2FFFF;
	_ =	strace $0x9FFFFFFF  }
0xc9: {  	(tm) =	ssettm $0x7FFFFFFF  }
tec
execute0_lowered:
.L_overlay_start_1:
0x0: {  	(tag) =	ssettag $0x1  }
0x1: {  	s1 =	srdreg.scid;
	s6 =	rddreg [dreg:$0x0]  }
0x2: {  	s0 =	stileid.u32;
	s9 =	rddreg [dreg:$0x1]  }
0x3: {  	s2 =	rddreg [dreg:$0x2];
	s3 =	simm.s32 $0x0;
	s15 =	simm.s32 $0x11580  }
0x4: {  	s16 =	simm.s32 $0x118E0;
	s17 =	simm.s32 $0x0;
	s5 =	sand.u32 $0x1, s1  }
0x5: {  	s29 =	sshll.u32 s0, $0x1;
	s8 =	sshrl.u32 s0, $0x2;
	s1 =	rddreg [dreg:$0x3]  }
0x6: {  	[smem:$0x7FF] =	sst s3;
	s7 =	sor.u32 s5, s29;
	s11 =	smul.u32 $0x1B00, s8  }
0x7: {  	_ =	strace $0x80000047;
	s5 =	ssub.s32 $0x2, s5;
	s8 =	smul.u32 $0xA20, s8  }
0x8: {  	s10 =	sand.u32 $0x7, s7;
	s7 =	sshll.u32 s7, $0x1;
	s30 =	sshrl.u32 s5, $0x1  }
0x9: {  	s4 =	smul.u32 $0x360, s10;
	s13 =	sadd.s32 s7, s6;
	s14 =	ssub.s32 s5, s30  }
0xa: {  	s5 =	sadd.s32 s6, s8;
	s31 =	sshrl.u32 s11, $0x3;
	s10 =	sshll.u32 s10, $0x5  }
0xb: {  	s8 =	sadd.s32 $0x2C00, s13;
	s13 =	simm.s32 $0x6C00;
	s12 =	sadd.s32 s11, s4  }
0xc: {  	v0 =	vlaneseq.u32;
	s4 =	sadd.s32 $0x2A00, s6;
	s11 =	simm.s32 $0x1;
	s12 =	sshrl.u32 s12, $0x3  }
0xd: {  	v0 =	vor.u32 $0x80000000, v0;
	s12 =	sadd.s32 s12, s6;
	s6 =	sadd.s32 s9, s31;
	s9 =	smax.u32 s14, $0x1  }
0xe: {  	vm0 =	vmmov $0x7ff;
	[tilespmem:$0x1FFF0] =	vst v0;
	s14 =	simm.s32 $0x71C0;
	s7 =	sadd.s32 $0x2E00, s12;
	s12 =	simm.s32 $0x5100  }
.LBB2_1:
0xf: {  	[tilespmem:s3], [sflag:$0x1] =	stream.linear.gather [hbm4b:s5+s3], $0x5100, $0x38;
	[tilespmem:$0x118F0] =	vst v63  }
0x10: {  	_ =	swait.ge [sflag:s11], $0x5100  }
0x11: {  	[sflag:s11] =	ssyncset.done $0x0  }
0x12: {  	[sflag:s11] =	ssyncadd.s32 $0xFFFFAF00  }
0x13: {  	[tilespmem:s12], [sflag:$0x1] =	stream.linear.gather [hbm4b:s6+s3], $0x1B00, $0x38;
	[tilespmem:$0x118F0] =	vst v63  }
0x14: {  	_ =	swait.ge [sflag:s11], $0x1B00  }
0x15: {  	[sflag:s11] =	ssyncset.done $0x0  }
0x16: {  	[sflag:s11] =	ssyncadd.s32 $0xFFFFE500  }
0x17: {  	[tilespmem:s13], [sflag:$0x1] =	stream.linear.gather [hbm4b:s4+s3], $0x5C0, $0x38;
	[tilespmem:$0x118F0] =	vst v63  }
0x18: {  	_ =	swait.ge [sflag:s11], $0x5C0  }
0x19: {  	[sflag:s11] =	ssyncset.done $0x0  }
0x1a: {  	s18 =	sadd.s32 $0x0, s10;
	s19 =	sand.u32 $0xF, s3;
	[sflag:s11] =	ssyncadd.s32 $0xFFFFFA40  }
0x1b: {  	[tilespmem:s14], [sflag:$0x1] =	stream.linear.gather [hbm4b:s2+s3], $0x80, $0x38;
	[tilespmem:$0x118F0] =	vst v63  }
0x1c: {  	p0 =	seq.s32 s18, $0x0;
	p1 =	sne.s32 s19, $0x0;
	_ =	swait.ge [sflag:s11], $0x80  }
0x1d: {  	p0 =	por !p0, !p1;
	[sflag:s11] =	ssyncset.done $0x0  }
0x1e: {  	s20 =	simm.s32 $0x1;
	p0 =	por !p0, !p0;
	[sflag:s11] =	ssyncadd.s32 $0xFFFFFF80  }
0x1f: {  	s18 =	sshrl.u32 s18, $0x4;
	s20 =	simm.s32 @!p0 $0x0;
	v9 =	vld [tilespmem:$0x71C0]  }
0x20: {  	s19 =	smul.u32 $0x3, s19;
	s18 =	ssub.s32 s18, s20  }
0x21: {  	s18 =	smul.u32 $0x90, s18;
	_ =	sdelay $0x1  }
0x22: {  	s18 =	sadd.s32 s19, s18;
	v5 =	vld [tilespmem:$0x7210]  }
0x23: {  	v10 =	vld [tilespmem:$0x71D0];
	v2 =	vadd.s32 s18, v9  }
0x24: {  	v4 =	vld [tilespmem:$0x7200];
	_ =	sdelay $0x2  }
0x25: {  	[tilespmem:$0x1FFC0] =	vst v5;
	v5 =	vld [tilespmem:$0x7220]  }
0x26: {  	v3 =	vld.idx.msk [tilespmem:v2+s3+$0x0], $0xffff  }
0x27: {  	[tilespmem:$0x1FFB0] =	vst v4;
	v4 =	vadd.s32 s18, v10;
	_ =	sdelay $0x1  }
0x28: {  	v0 =	vld [tilespmem:$0x71E0]  }
0x29: {  	v1 =	vld [tilespmem:$0x71F0];
	s18 =	simm.s32 $0x10D90;
	[tilespmem:$0x1FFD0] =	vst v5  }
0x2a: {  	v5 =	vld [tilespmem:$0x7230];
	[tilespmem:s18+$0xFFFFFFF0] =	vst v3  }
0x2b: {  	v3 =	vld.idx.msk [tilespmem:v4+s3+$0x0], $0xffff;
	_ =	sdelay $0x4  }
0x2c: {  	s30 =	simm.s32 $0x1;
	[tilespmem:s18+$0x0] =	vst v3  }
0x2d: {  	s31 =	sadd.s32 $0x1, s10;
	s21 =	sand.u32 $0xF, s30;
	v2 =	vld.idx.msk [tilespmem:v2+s12+$0x0], $0xffff  }
0x2e: {  	p5 =	seq.s32 s31, $0x0;
	p6 =	sne.s32 s21, $0x0  }
0x2f: {  	p0 =	por !p5, !p6  }
0x30: {  	s22 =	simm.s32 $0x1;
	p0 =	por !p0, !p0  }
0x31: {  	s20 =	sshrl.u32 s31, $0x4;
	s22 =	simm.s32 @!p0 $0x0;
	s19 =	simm.s32 $0x11190  }
0x32: {  	s21 =	smul.u32 $0x3, s21;
	s20 =	ssub.s32 s20, s22;
	[tilespmem:s19+$0xFFFFFFF0] =	vst v2  }
0x33: {  	s20 =	smul.u32 $0x90, s20;
	v3 =	vld.idx.msk [tilespmem:v4+s12+$0x0], $0xffff;
	_ =	sdelay $0x1  }
0x34: {  	s22 =	sadd.s32 s21, s20  }
0x35: {  	v2 =	vadd.s32 s22, v9;
	_ =	sdelay $0x1  }
0x36: {  	s23 =	simm.s32 $0x2;
	s20 =	simm.s32 $0x111B0;
	s21 =	simm.s32 $0x0;
	[tilespmem:$0x1FFE0] =	vst v5;
	v3 =	vnsel vm0, $0x0, v3  }
.LBB2_2:
0x37: {  	s24 =	simm.s32 $0x0;
	s18 =	sadd.s32 $0x20, s18  }
0x38: {  	[tilespmem:s19+$0x0] =	vst v3;
	s25 =	smov.u32 s23;
	s26 =	sadd.s32 $0x1, s23;
	s19 =	smov.u32 s20  }
0x39: {  	p0 =	seq.s32 s23, $0x1F;
	v3 =	vld.idx.msk [tilespmem:v2+s21+$0x0], $0xffff;
	_ =	sdelay $0x1  }
0x3a: {  	v4 =	vadd.s32 s22, v10;
	_ =	sdelay $0x3  }
0x3b: {  	[tilespmem:s18+$0xFFFFFFF0] =	vst v3  }
0x3c: {  	v3 =	vld.idx.msk [tilespmem:v4+s21+$0x0], $0xffff;
	s21 =	smov.u32 s24;
	_ =	sdelay $0x5  }
0x3d: {  	[tilespmem:s18+$0x0] =	vst v3  }
0x3e: {  	v2 =	vld.idx.msk [tilespmem:v2+s12+$0x0], $0xffff  }
0x3f: {  	s22 =	sadd.s32 s25, s10;
	s23 =	sand.u32 $0xF, s25  }
0x40: {  	p1 =	seq.s32 s22, $0x0;
	p2 =	sne.s32 s23, $0x0  }
0x41: {  	p1 =	por !p1, !p2  }
0x42: {  	p1 =	por !p1, !p1;
	s24 =	simm.s32 $0x1  }
0x43: {  	s22 =	sshrl.u32 s22, $0x4;
	s24 =	simm.s32 @!p1 $0x0  }
0x44: {  	s23 =	smul.u32 $0x3, s23;
	s22 =	ssub.s32 s22, s24;
	[tilespmem:s20+$0xFFFFFFF0] =	vst v2  }
0x45: {  	s22 =	smul.u32 $0x90, s22;
	v3 =	vld.idx.msk [tilespmem:v4+s12+$0x0], $0xffff;
	_ =	sdelay $0x1  }
.Ltmp0:
0x46: {  	s22 =	sadd.s32 s23, s22;
	(pc) =	sbr.rel @!p0 .LBB2_2-.Ltmp0, $2  }
0x47: {  	v2 =	vadd.s32 s22, v9;
	_ =	sdelay $0x2  }
0x48: {  	s23 =	smov.u32 s26;
	s20 =	sadd.s32 $0x20, s20;
	v3 =	vnsel vm0, $0x0, v3  }
0x49: {  	_ =	sdelay $0x2  }
0x4a: {  	[tilespmem:s19+$0x0] =	vst v3  }
0x4b: {  	v3 =	vld.idx.msk [tilespmem:v2+s21+$0x0], $0xffff  }
0x4c: {  	v4 =	vadd.s32 s22, v10;
	_ =	sdelay $0x2  }
0x4d: {  	s18 =	sadd.s32 $0x20, s18  }
0x4e: {  	[tilespmem:s18+$0xFFFFFFF0] =	vst v3  }
0x4f: {  	v3 =	vld.idx.msk [tilespmem:v4+s21+$0x0], $0xffff;
	_ =	sdelay $0x4  }
0x50: {  	[tilespmem:s18+$0x0] =	vst v3  }
0x51: {  	v2 =	vld.idx.msk [tilespmem:v2+s12+$0x0], $0xffff;
	_ =	sdelay $0x4  }
0x52: {  	[tilespmem:s20+$0xFFFFFFF0] =	vst v2  }
0x53: {  	v2 =	vld.idx.msk [tilespmem:v4+s12+$0x0], $0xffff;
	_ =	sdelay $0x4  }
0x54: {  	v2 =	vnsel vm0, $0x0, v2  }
0x55: {  	s18 =	simm.s32 $0x0;
	[tilespmem:s20+$0x0] =	vst v2  }
0x56: {  	v2 =	vld [tilespmem:s18+$0x6C00];
	_ =	sdelay $0x7  }
0x57: {  	v3 =	vld.idx.msk [tilespmem:v2+s3+$0x0], $0xffff  }
0x58: {  	v4 =	vadd.s32 $0x1, v2;
	_ =	sdelay $0x3  }
0x59: {  	[tilespmem:s18+$0x7240] =	vst v3  }
0x5a: {  	v3 =	vld.idx.msk [tilespmem:v4+s3+$0x0], $0xffff  }
0x5b: {  	v4 =	vadd.s32 $0x2, v2;
	_ =	sdelay $0x3  }
0x5c: {  	[tilespmem:s18+$0x7800] =	vst v3  }
0x5d: {  	v3 =	vld.idx.msk [tilespmem:v4+s3+$0x0], $0xffff  }
0x5e: {  	v4 =	vadd.s32 $0x30, v2;
	_ =	sdelay $0x3  }
0x5f: {  	[tilespmem:s18+$0x7DC0] =	vst v3  }
0x60: {  	v3 =	vld.idx.msk [tilespmem:v4+s3+$0x0], $0xffff  }
0x61: {  	v4 =	vadd.s32 $0x31, v2;
	_ =	sdelay $0x3  }
0x62: {  	[tilespmem:s18+$0x8380] =	vst v3  }
0x63: {  	v3 =	vld.idx.msk [tilespmem:v4+s3+$0x0], $0xffff  }
0x64: {  	v4 =	vadd.s32 $0x32, v2;
	_ =	sdelay $0x3  }
0x65: {  	[tilespmem:s18+$0x8940] =	vst v3  }
0x66: {  	v3 =	vld.idx.msk [tilespmem:v4+s3+$0x0], $0xffff  }
0x67: {  	v4 =	vadd.s32 $0x60, v2;
	_ =	sdelay $0x3  }
0x68: {  	[tilespmem:s18+$0x8F00] =	vst v3  }
0x69: {  	v3 =	vld.idx.msk [tilespmem:v4+s3+$0x0], $0xffff  }
0x6a: {  	v4 =	vadd.s32 $0x61, v2;
	_ =	sdelay $0x3  }
0x6b: {  	[tilespmem:s18+$0x94C0] =	vst v3  }
0x6c: {  	v3 =	vld.idx.msk [tilespmem:v4+s3+$0x0], $0xffff  }
0x6d: {  	v4 =	vadd.s32 $0x62, v2;
	_ =	sdelay $0x3  }
0x6e: {  	[tilespmem:s18+$0x9A80] =	vst v3  }
0x6f: {  	v3 =	vld.idx.msk [tilespmem:v4+s3+$0x0], $0xffff  }
0x70: {  	v4 =	vadd.s32 $0x900, v2;
	_ =	sdelay $0x3  }
0x71: {  	[tilespmem:s18+$0xA040] =	vst v3  }
0x72: {  	v3 =	vld.idx.msk [tilespmem:v4+s3+$0x0], $0xffff  }
0x73: {  	v4 =	vadd.s32 $0x901, v2;
	_ =	sdelay $0x3  }
0x74: {  	[tilespmem:s18+$0xA600] =	vst v3  }
0x75: {  	v3 =	vld.idx.msk [tilespmem:v4+s3+$0x0], $0xffff  }
0x76: {  	v4 =	vadd.s32 $0x902, v2;
	_ =	sdelay $0x3  }
0x77: {  	[tilespmem:s18+$0xABC0] =	vst v3  }
0x78: {  	v3 =	vld.idx.msk [tilespmem:v4+s3+$0x0], $0xffff  }
0x79: {  	v4 =	vadd.s32 $0x930, v2;
	_ =	sdelay $0x3  }
0x7a: {  	[tilespmem:s18+$0xB180] =	vst v3  }
0x7b: {  	v3 =	vld.idx.msk [tilespmem:v4+s3+$0x0], $0xffff  }
0x7c: {  	v4 =	vadd.s32 $0x931, v2;
	_ =	sdelay $0x3  }
0x7d: {  	[tilespmem:s18+$0xB740] =	vst v3  }
0x7e: {  	v3 =	vld.idx.msk [tilespmem:v4+s3+$0x0], $0xffff  }
0x7f: {  	v4 =	vadd.s32 $0x932, v2;
	_ =	sdelay $0x3  }
0x80: {  	[tilespmem:s18+$0xBD00] =	vst v3  }
0x81: {  	v3 =	vld.idx.msk [tilespmem:v4+s3+$0x0], $0xffff  }
0x82: {  	v4 =	vadd.s32 $0x960, v2;
	_ =	sdelay $0x3  }
0x83: {  	[tilespmem:s18+$0xC2C0] =	vst v3  }
0x84: {  	v3 =	vld.idx.msk [tilespmem:v4+s3+$0x0], $0xffff  }
0x85: {  	v4 =	vadd.s32 $0x961, v2;
	_ =	sdelay $0x3  }
0x86: {  	[tilespmem:s18+$0xC880] =	vst v3  }
0x87: {  	v3 =	vld.idx.msk [tilespmem:v4+s3+$0x0], $0xffff  }
0x88: {  	v4 =	vadd.s32 $0x962, v2;
	_ =	sdelay $0x3  }
0x89: {  	[tilespmem:s18+$0xCE40] =	vst v3  }
0x8a: {  	v3 =	vld.idx.msk [tilespmem:v4+s3+$0x0], $0xffff  }
0x8b: {  	v4 =	vadd.s32 $0x1200, v2;
	_ =	sdelay $0x3  }
0x8c: {  	[tilespmem:s18+$0xD400] =	vst v3  }
0x8d: {  	v3 =	vld.idx.msk [tilespmem:v4+s3+$0x0], $0xffff  }
0x8e: {  	v4 =	vadd.s32 $0x1201, v2;
	_ =	sdelay $0x3  }
0x8f: {  	[tilespmem:s18+$0xD9C0] =	vst v3  }
0x90: {  	v3 =	vld.idx.msk [tilespmem:v4+s3+$0x0], $0xffff  }
0x91: {  	v4 =	vadd.s32 $0x1202, v2;
	_ =	sdelay $0x3  }
0x92: {  	[tilespmem:s18+$0xDF80] =	vst v3  }
0x93: {  	v3 =	vld.idx.msk [tilespmem:v4+s3+$0x0], $0xffff  }
0x94: {  	v4 =	vadd.s32 $0x1230, v2;
	_ =	sdelay $0x3  }
0x95: {  	[tilespmem:s18+$0xE540] =	vst v3  }
0x96: {  	v3 =	vld.idx.msk [tilespmem:v4+s3+$0x0], $0xffff  }
0x97: {  	v4 =	vadd.s32 $0x1231, v2;
	_ =	sdelay $0x3  }
0x98: {  	[tilespmem:s18+$0xEB00] =	vst v3  }
0x99: {  	v3 =	vld.idx.msk [tilespmem:v4+s3+$0x0], $0xffff  }
0x9a: {  	v4 =	vadd.s32 $0x1232, v2;
	_ =	sdelay $0x3  }
0x9b: {  	[tilespmem:s18+$0xF0C0] =	vst v3  }
0x9c: {  	v3 =	vld.idx.msk [tilespmem:v4+s3+$0x0], $0xffff  }
0x9d: {  	v4 =	vadd.s32 $0x1260, v2;
	_ =	sdelay $0x3  }
0x9e: {  	[tilespmem:s18+$0xF680] =	vst v3  }
0x9f: {  	v3 =	vld.idx.msk [tilespmem:v4+s3+$0x0], $0xffff  }
0xa0: {  	v4 =	vadd.s32 $0x1261, v2;
	_ =	sdelay $0x3  }
0xa1: {  	[tilespmem:s18+$0xFC40] =	vst v3  }
0xa2: {  	v3 =	vld.idx.msk [tilespmem:v4+s3+$0x0], $0xffff  }
0xa3: {  	v4 =	vadd.s32 $0x1262, v2;
	_ =	sdelay $0x2  }
0xa4: {  	s19 =	simm.s32 $0x80;
	s20 =	simm.s32 $0x10  }
.LBB2_4:
0xa5: {  	p0 =	seq.s32 s19, $0x16C0;
	v2 =	vld [tilespmem:s20+$0x6C00];
	[tilespmem:s18+$0x10200] =	vst v3  }
0xa6: {  	v3 =	vld.idx.msk [tilespmem:v4+s3+$0x0], $0xffff;
	_ =	sdelay $0x5  }
0xa7: {  	[tilespmem:s18+$0x107C0] =	vst v3;
	s18 =	smov.u32 s20  }
0xa8: {  	v3 =	vld.idx.msk [tilespmem:v2+s3+$0x0], $0xffff;
	_ =	sdelay $0x1  }
0xa9: {  	v4 =	vadd.s32 $0x1, v2;
	_ =	sdelay $0x3  }
0xaa: {  	[tilespmem:s18+$0x7240] =	vst v3  }
0xab: {  	v3 =	vld.idx.msk [tilespmem:v4+s3+$0x0], $0xffff;
	_ =	sdelay $0x1  }
0xac: {  	v4 =	vadd.s32 $0x2, v2;
	_ =	sdelay $0x3  }
0xad: {  	[tilespmem:s18+$0x7800] =	vst v3  }
0xae: {  	v3 =	vld.idx.msk [tilespmem:v4+s3+$0x0], $0xffff;
	_ =	sdelay $0x1  }
0xaf: {  	v4 =	vadd.s32 $0x30, v2;
	_ =	sdelay $0x3  }
0xb0: {  	[tilespmem:s18+$0x7DC0] =	vst v3  }
0xb1: {  	v3 =	vld.idx.msk [tilespmem:v4+s3+$0x0], $0xffff;
	_ =	sdelay $0x1  }
0xb2: {  	v4 =	vadd.s32 $0x31, v2;
	_ =	sdelay $0x3  }
0xb3: {  	[tilespmem:s18+$0x8380] =	vst v3  }
0xb4: {  	v3 =	vld.idx.msk [tilespmem:v4+s3+$0x0], $0xffff;
	_ =	sdelay $0x1  }
0xb5: {  	v4 =	vadd.s32 $0x32, v2;
	_ =	sdelay $0x3  }
0xb6: {  	[tilespmem:s18+$0x8940] =	vst v3  }
0xb7: {  	v3 =	vld.idx.msk [tilespmem:v4+s3+$0x0], $0xffff;
	_ =	sdelay $0x1  }
0xb8: {  	v4 =	vadd.s32 $0x60, v2;
	_ =	sdelay $0x3  }
0xb9: {  	[tilespmem:s18+$0x8F00] =	vst v3  }
0xba: {  	v3 =	vld.idx.msk [tilespmem:v4+s3+$0x0], $0xffff;
	_ =	sdelay $0x1  }
0xbb: {  	v4 =	vadd.s32 $0x61, v2;
	_ =	sdelay $0x3  }
0xbc: {  	[tilespmem:s18+$0x94C0] =	vst v3  }
0xbd: {  	v3 =	vld.idx.msk [tilespmem:v4+s3+$0x0], $0xffff;
	_ =	sdelay $0x1  }
0xbe: {  	v4 =	vadd.s32 $0x62, v2;
	_ =	sdelay $0x3  }
0xbf: {  	[tilespmem:s18+$0x9A80] =	vst v3  }
0xc0: {  	v3 =	vld.idx.msk [tilespmem:v4+s3+$0x0], $0xffff;
	_ =	sdelay $0x1  }
0xc1: {  	v4 =	vadd.s32 $0x900, v2;
	_ =	sdelay $0x3  }
0xc2: {  	[tilespmem:s18+$0xA040] =	vst v3  }
0xc3: {  	v3 =	vld.idx.msk [tilespmem:v4+s3+$0x0], $0xffff;
	_ =	sdelay $0x1  }
0xc4: {  	v4 =	vadd.s32 $0x901, v2;
	_ =	sdelay $0x3  }
0xc5: {  	[tilespmem:s18+$0xA600] =	vst v3  }
0xc6: {  	v3 =	vld.idx.msk [tilespmem:v4+s3+$0x0], $0xffff;
	_ =	sdelay $0x1  }
0xc7: {  	v4 =	vadd.s32 $0x902, v2;
	_ =	sdelay $0x3  }
0xc8: {  	[tilespmem:s18+$0xABC0] =	vst v3  }
0xc9: {  	v3 =	vld.idx.msk [tilespmem:v4+s3+$0x0], $0xffff;
	_ =	sdelay $0x1  }
0xca: {  	v4 =	vadd.s32 $0x930, v2;
	_ =	sdelay $0x3  }
0xcb: {  	[tilespmem:s18+$0xB180] =	vst v3  }
0xcc: {  	v3 =	vld.idx.msk [tilespmem:v4+s3+$0x0], $0xffff;
	_ =	sdelay $0x1  }
0xcd: {  	v4 =	vadd.s32 $0x931, v2;
	_ =	sdelay $0x3  }
0xce: {  	[tilespmem:s18+$0xB740] =	vst v3  }
0xcf: {  	v3 =	vld.idx.msk [tilespmem:v4+s3+$0x0], $0xffff;
	_ =	sdelay $0x1  }
0xd0: {  	v4 =	vadd.s32 $0x932, v2;
	_ =	sdelay $0x3  }
0xd1: {  	[tilespmem:s18+$0xBD00] =	vst v3  }
0xd2: {  	v3 =	vld.idx.msk [tilespmem:v4+s3+$0x0], $0xffff;
	_ =	sdelay $0x1  }
0xd3: {  	v4 =	vadd.s32 $0x960, v2;
	_ =	sdelay $0x3  }
0xd4: {  	[tilespmem:s18+$0xC2C0] =	vst v3  }
0xd5: {  	v3 =	vld.idx.msk [tilespmem:v4+s3+$0x0], $0xffff;
	_ =	sdelay $0x1  }
0xd6: {  	v4 =	vadd.s32 $0x961, v2;
	_ =	sdelay $0x3  }
0xd7: {  	[tilespmem:s18+$0xC880] =	vst v3  }
0xd8: {  	v3 =	vld.idx.msk [tilespmem:v4+s3+$0x0], $0xffff;
	_ =	sdelay $0x1  }
0xd9: {  	v4 =	vadd.s32 $0x962, v2;
	_ =	sdelay $0x3  }
0xda: {  	[tilespmem:s18+$0xCE40] =	vst v3  }
0xdb: {  	v3 =	vld.idx.msk [tilespmem:v4+s3+$0x0], $0xffff;
	_ =	sdelay $0x1  }
0xdc: {  	v4 =	vadd.s32 $0x1200, v2;
	_ =	sdelay $0x3  }
0xdd: {  	[tilespmem:s18+$0xD400] =	vst v3  }
0xde: {  	v3 =	vld.idx.msk [tilespmem:v4+s3+$0x0], $0xffff;
	_ =	sdelay $0x1  }
0xdf: {  	v4 =	vadd.s32 $0x1201, v2;
	_ =	sdelay $0x3  }
0xe0: {  	[tilespmem:s18+$0xD9C0] =	vst v3  }
0xe1: {  	v3 =	vld.idx.msk [tilespmem:v4+s3+$0x0], $0xffff;
	_ =	sdelay $0x1  }
0xe2: {  	v4 =	vadd.s32 $0x1202, v2;
	_ =	sdelay $0x3  }
0xe3: {  	[tilespmem:s18+$0xDF80] =	vst v3  }
0xe4: {  	v3 =	vld.idx.msk [tilespmem:v4+s3+$0x0], $0xffff;
	_ =	sdelay $0x1  }
0xe5: {  	v4 =	vadd.s32 $0x1230, v2;
	_ =	sdelay $0x3  }
0xe6: {  	[tilespmem:s18+$0xE540] =	vst v3  }
0xe7: {  	v3 =	vld.idx.msk [tilespmem:v4+s3+$0x0], $0xffff;
	_ =	sdelay $0x1  }
0xe8: {  	v4 =	vadd.s32 $0x1231, v2;
	_ =	sdelay $0x3  }
0xe9: {  	[tilespmem:s18+$0xEB00] =	vst v3  }
0xea: {  	v3 =	vld.idx.msk [tilespmem:v4+s3+$0x0], $0xffff;
	_ =	sdelay $0x1  }
0xeb: {  	v4 =	vadd.s32 $0x1232, v2;
	_ =	sdelay $0x3  }
0xec: {  	[tilespmem:s18+$0xF0C0] =	vst v3  }
0xed: {  	v3 =	vld.idx.msk [tilespmem:v4+s3+$0x0], $0xffff;
	_ =	sdelay $0x1  }
0xee: {  	v4 =	vadd.s32 $0x1260, v2;
	_ =	sdelay $0x3  }
0xef: {  	[tilespmem:s18+$0xF680] =	vst v3  }
0xf0: {  	v3 =	vld.idx.msk [tilespmem:v4+s3+$0x0], $0xffff;
	_ =	sdelay $0x1  }
0xf1: {  	v4 =	vadd.s32 $0x1261, v2;
	_ =	sdelay $0x3  }
0xf2: {  	[tilespmem:s18+$0xFC40] =	vst v3  }
0xf3: {  	v3 =	vld.idx.msk [tilespmem:v4+s3+$0x0], $0xffff  }
.Ltmp1:
0xf4: {  	(pc) =	sbr.rel @!p0 .LBB2_4-.Ltmp1, $2  }
0xf5: {  	v4 =	vadd.s32 $0x1262, v2;
	_ =	sdelay $0x2  }
0xf6: {  	s20 =	sshra.s32 s19, $0x2;
	s19 =	sadd.s32 $0x40, s19  }
0xf7: {  	_ =	sdelay $0x1  }
0xf8: {  	v2 =	vld [tilespmem:s20+$0x6C00]  }
0xf9: {  	[tilespmem:s18+$0x10200] =	vst v3  }
0xfa: {  	v3 =	vld.idx.msk [tilespmem:v4+s3+$0x0], $0xffff;
	_ =	sdelay $0x4  }
0xfb: {  	[tilespmem:s18+$0x107C0] =	vst v3  }
0xfc: {  	v3 =	vld.idx.msk [tilespmem:v2+s3+$0x0], $0xffff  }
0xfd: {  	v39 =	vadd.s32 $0x1, v2;
	_ =	sdelay $0x3  }
0xfe: {  	[tilespmem:s20+$0x7240] =	vst v3  }
0xff: {  	v3 =	vld.idx.msk [tilespmem:v39+s3+$0x0], $0xffff  }
0x100: {  	v40 =	vadd.s32 $0x2, v2;
	_ =	sdelay $0x3  }
0x101: {  	[tilespmem:s20+$0x7800] =	vst v3  }
0x102: {  	v3 =	vld.idx.msk [tilespmem:v40+s3+$0x0], $0xffff  }
0x103: {  	v41 =	vadd.s32 $0x30, v2;
	_ =	sdelay $0x3  }
0x104: {  	[tilespmem:s20+$0x7DC0] =	vst v3  }
0x105: {  	v3 =	vld.idx.msk [tilespmem:v41+s3+$0x0], $0xffff  }
0x106: {  	v42 =	vadd.s32 $0x31, v2;
	_ =	sdelay $0x3  }
0x107: {  	[tilespmem:s20+$0x8380] =	vst v3  }
0x108: {  	v3 =	vld.idx.msk [tilespmem:v42+s3+$0x0], $0xffff  }
0x109: {  	v43 =	vadd.s32 $0x32, v2;
	_ =	sdelay $0x3  }
0x10a: {  	[tilespmem:s20+$0x8940] =	vst v3  }
0x10b: {  	v3 =	vld.idx.msk [tilespmem:v43+s3+$0x0], $0xffff  }
0x10c: {  	v44 =	vadd.s32 $0x60, v2;
	_ =	sdelay $0x3  }
0x10d: {  	[tilespmem:s20+$0x8F00] =	vst v3  }
0x10e: {  	v3 =	vld.idx.msk [tilespmem:v44+s3+$0x0], $0xffff  }
0x10f: {  	v45 =	vadd.s32 $0x61, v2;
	_ =	sdelay $0x3  }
0x110: {  	[tilespmem:s20+$0x94C0] =	vst v3  }
0x111: {  	v3 =	vld.idx.msk [tilespmem:v45+s3+$0x0], $0xffff  }
0x112: {  	v46 =	vadd.s32 $0x62, v2;
	_ =	sdelay $0x3  }
0x113: {  	[tilespmem:s20+$0x9A80] =	vst v3  }
0x114: {  	v3 =	vld.idx.msk [tilespmem:v46+s3+$0x0], $0xffff  }
0x115: {  	v47 =	vadd.s32 $0x900, v2;
	_ =	sdelay $0x3  }
0x116: {  	[tilespmem:s20+$0xA040] =	vst v3  }
0x117: {  	v3 =	vld.idx.msk [tilespmem:v47+s3+$0x0], $0xffff  }
0x118: {  	v48 =	vadd.s32 $0x901, v2;
	_ =	sdelay $0x3  }
0x119: {  	[tilespmem:s20+$0xA600] =	vst v3  }
0x11a: {  	v3 =	vld.idx.msk [tilespmem:v48+s3+$0x0], $0xffff  }
0x11b: {  	v49 =	vadd.s32 $0x902, v2;
	_ =	sdelay $0x3  }
0x11c: {  	[tilespmem:s20+$0xABC0] =	vst v3  }
0x11d: {  	v3 =	vld.idx.msk [tilespmem:v49+s3+$0x0], $0xffff  }
0x11e: {  	v50 =	vadd.s32 $0x930, v2;
	_ =	sdelay $0x3  }
0x11f: {  	[tilespmem:s20+$0xB180] =	vst v3  }
0x120: {  	v3 =	vld.idx.msk [tilespmem:v50+s3+$0x0], $0xffff  }
0x121: {  	v51 =	vadd.s32 $0x931, v2;
	_ =	sdelay $0x3  }
0x122: {  	[tilespmem:s20+$0xB740] =	vst v3  }
0x123: {  	v3 =	vld.idx.msk [tilespmem:v51+s3+$0x0], $0xffff  }
0x124: {  	v52 =	vadd.s32 $0x932, v2;
	_ =	sdelay $0x3  }
0x125: {  	[tilespmem:s20+$0xBD00] =	vst v3  }
0x126: {  	v3 =	vld.idx.msk [tilespmem:v52+s3+$0x0], $0xffff  }
0x127: {  	v53 =	vadd.s32 $0x960, v2;
	_ =	sdelay $0x3  }
0x128: {  	[tilespmem:s20+$0xC2C0] =	vst v3  }
0x129: {  	v3 =	vld.idx.msk [tilespmem:v53+s3+$0x0], $0xffff  }
0x12a: {  	v54 =	vadd.s32 $0x961, v2;
	_ =	sdelay $0x3  }
0x12b: {  	[tilespmem:s20+$0xC880] =	vst v3  }
0x12c: {  	v3 =	vld.idx.msk [tilespmem:v54+s3+$0x0], $0xffff  }
0x12d: {  	v55 =	vadd.s32 $0x962, v2;
	_ =	sdelay $0x3  }
0x12e: {  	[tilespmem:s20+$0xCE40] =	vst v3  }
0x12f: {  	v3 =	vld.idx.msk [tilespmem:v55+s3+$0x0], $0xffff  }
0x130: {  	v56 =	vadd.s32 $0x1200, v2;
	_ =	sdelay $0x3  }
0x131: {  	[tilespmem:s20+$0xD400] =	vst v3  }
0x132: {  	v3 =	vld.idx.msk [tilespmem:v56+s3+$0x0], $0xffff  }
0x133: {  	v57 =	vadd.s32 $0x1201, v2;
	_ =	sdelay $0x3  }
0x134: {  	[tilespmem:s20+$0xD9C0] =	vst v3  }
0x135: {  	v3 =	vld.idx.msk [tilespmem:v57+s3+$0x0], $0xffff  }
0x136: {  	v58 =	vadd.s32 $0x1202, v2;
	_ =	sdelay $0x3  }
0x137: {  	[tilespmem:s20+$0xDF80] =	vst v3  }
0x138: {  	v3 =	vld.idx.msk [tilespmem:v58+s3+$0x0], $0xffff  }
0x139: {  	v59 =	vadd.s32 $0x1230, v2;
	_ =	sdelay $0x3  }
0x13a: {  	[tilespmem:s20+$0xE540] =	vst v3  }
0x13b: {  	v3 =	vld.idx.msk [tilespmem:v59+s3+$0x0], $0xffff  }
0x13c: {  	v60 =	vadd.s32 $0x1231, v2;
	_ =	sdelay $0x3  }
0x13d: {  	[tilespmem:s20+$0xEB00] =	vst v3  }
0x13e: {  	v3 =	vld.idx.msk [tilespmem:v60+s3+$0x0], $0xffff  }
0x13f: {  	v61 =	vadd.s32 $0x1232, v2;
	_ =	sdelay $0x3  }
0x140: {  	[tilespmem:s20+$0xF0C0] =	vst v3  }
0x141: {  	v3 =	vld.idx.msk [tilespmem:v61+s3+$0x0], $0xffff  }
0x142: {  	v62 =	vadd.s32 $0x1260, v2;
	_ =	sdelay $0x3  }
0x143: {  	[tilespmem:s20+$0xF680] =	vst v3  }
0x144: {  	v3 =	vld.idx.msk [tilespmem:v62+s3+$0x0], $0xffff  }
0x145: {  	v63 =	vadd.s32 $0x1261, v2;
	_ =	sdelay $0x3  }
0x146: {  	[tilespmem:s20+$0xFC40] =	vst v3  }
0x147: {  	v3 =	vld.idx.msk [tilespmem:v63+s3+$0x0], $0xffff  }
0x148: {  	v2 =	vadd.s32 $0x1262, v2;
	_ =	sdelay $0x3  }
0x149: {  	[tilespmem:s20+$0x10200] =	vst v3  }
0x14a: {  	v0 =	vmul.u32 $0x120, v0;
	v2 =	vld.idx.msk [tilespmem:v2+s3+$0x0], $0xffff  }
0x14b: {  	[tilespmem:$0x1FF90] =	vst v9  }
0x14c: {  	[tilespmem:$0x1FF70] =	vst v0;
	v0 =	vmul.u32 $0x120, v1  }
0x14d: {  	[tilespmem:$0x1FFA0] =	vst v10  }
0x14e: {  	[tilespmem:$0x1FF80] =	vst v0  }
0x14f: {  	v0 =	vimm.f32 $0.0e+00;
	s18 =	simm.s32 $0x0;
	[tilespmem:s20+$0x107C0] =	vst v2  }
.LBB2_6:
0x150: {  	s22 =	sshll.u32 s18, $0x6  }
0x151: {  	[tilespmem:$0x1FAE0] =	vst v0;
	v0 =	vld [tilespmem:s22+$0x10D80]  }
0x152: {  	s20 =	simm.s32 $0x0;
	v1 =	vld [tilespmem:s22+$0x11180]  }
0x153: {  	v4 =	vld [tilespmem:s20+$0x83B0]  }
0x154: {  	v5 =	vld [tilespmem:s20+$0x9AB0]  }
0x155: {  	v7 =	vld [tilespmem:s20+$0x9AA0]  }
0x156: {  	v8 =	vld [tilespmem:s20+$0x7270]  }
0x157: {  	v10 =	vld [tilespmem:s20+$0x7830]  }
0x158: {  	v12 =	vld [tilespmem:s20+$0x7DF0]  }
0x159: {  	v14 =	vld [tilespmem:s20+$0x8970]  }
0x15a: {  	s19 =	sshllo.u32 s18, $0x1;
	v16 =	vld [tilespmem:s20+$0x8F30]  }
0x15b: {  	s21 =	sshll.u32 s19, $0x5;
	v18 =	vld [tilespmem:s20+$0x94F0]  }
0x15c: {  	v2 =	vld [tilespmem:s21+$0x10D80];
	v0 =	vadd.f32 v1, v0  }
0x15d: {  	v3 =	vld [tilespmem:s21+$0x11180]  }
0x15e: {  	v20 =	vld [tilespmem:s20+$0x8390];
	[tilespmem:$0x1FAF0] =	vst v1;
	v1 =	vmul.f32 $5.000000000e-01, v0  }
0x15f: {  	v22 =	vld [tilespmem:s20+$0x9A90]  }
0x160: {  	v26 =	vld [tilespmem:s20+$0x7820];
	v60 =	vbroadcast v1, $0x0  }
0x161: {  	v28 =	vld [tilespmem:s20+$0x7DE0];
	v48 =	vbroadcast v1, $0x3;
	v47 =	vbroadcast v1, $0x7  }
0x162: {  	v30 =	vld [tilespmem:s20+$0x8960];
	v0 =	vadd.f32 v3, v2;
	v53 =	vbroadcast v1, $0x1;
	v57 =	vbroadcast v1, $0x2  }
0x163: {  	v32 =	vld [tilespmem:s20+$0x8F20];
	v62 =	vbroadcast v1, $0x4;
	v9 =	vsub.f32 v48, v4;
	v11 =	vsub.f32 v47, v5  }
0x164: {  	v34 =	vld [tilespmem:s20+$0x94E0];
	v51 =	vbroadcast v1, $0x5;
	v15 =	vsub.f32 v47, v7;
	v17 =	vsub.f32 v60, v8  }
0x165: {  	v37 =	vld [tilespmem:s20+$0x8380];
	v59 =	vbroadcast v1, $0x6;
	v19 =	vsub.f32 v53, v10;
	v21 =	vsub.f32 v57, v12  }
0x166: {  	v40 =	vld [tilespmem:s20+$0x9A80];
	v0 =	vmul.f32 $5.000000000e-01, v0;
	v23 =	vsub.f32 v62, v14;
	v25 =	vsub.f32 v51, v16  }
0x167: {  	v2 =	vld [tilespmem:s20+$0xB1B0];
	v50 =	vbroadcast v1, $0xB;
	v27 =	vsub.f32 v59, v18;
	v29 =	vsub.f32 v48, v20  }
0x168: {  	v49 =	vbroadcast v0, $0xB;
	v31 =	vsub.f32 v47, v22;
	v35 =	vsub.f32 v53, v26  }
0x169: {  	v6 =	vld [tilespmem:s20+$0x83A0];
	v56 =	vbroadcast v0, $0x3;
	v36 =	vsub.f32 v57, v28;
	v38 =	vsub.f32 v62, v30  }
0x16a: {  	v33 =	vbroadcast v0, $0x7;
	v39 =	vsub.f32 v51, v32;
	v41 =	vsub.f32 v59, v34  }
0x16b: {  	v61 =	vbroadcast v0, $0x0;
	v42 =	vsub.f32 v48, v37;
	v45 =	vsub.f32 v47, v40  }
0x16c: {  	[tilespmem:$0x1FB00] =	vst v3;
	v52 =	vbroadcast v0, $0x1;
	v3 =	vsub.f32 v50, v2;
	v2 =	vsub.f32 v49, v2  }
0x16d: {  	v55 =	vbroadcast v0, $0x2;
	v4 =	vsub.f32 v56, v4;
	v13 =	vsub.f32 v33, v5  }
0x16e: {  	v24 =	vld [tilespmem:s20+$0x7260];
	v63 =	vbroadcast v0, $0x4;
	v5 =	vsub.f32 v48, v6;
	v6 =	vsub.f32 v56, v6  }
0x16f: {  	v54 =	vbroadcast v0, $0x5;
	v7 =	vsub.f32 v33, v7;
	v8 =	vsub.f32 v61, v8  }
0x170: {  	v58 =	vbroadcast v0, $0x6;
	v10 =	vsub.f32 v52, v10;
	v12 =	vsub.f32 v55, v12  }
0x171: {  	v14 =	vsub.f32 v63, v14;
	v16 =	vsub.f32 v54, v16  }
0x172: {  	v18 =	vsub.f32 v58, v18;
	v20 =	vsub.f32 v56, v20  }
0x173: {  	v22 =	vsub.f32 v33, v22;
	v46 =	vmov v33;
	[tilespmem:$0x1FB30] =	vst v33;
	v33 =	vsub.f32 v60, v24  }
0x174: {  	v24 =	vsub.f32 v61, v24;
	v26 =	vsub.f32 v52, v26  }
0x175: {  	v28 =	vsub.f32 v55, v28;
	v9 =	vmul.f32 v9, v9;
	v11 =	vmul.f32 v11, v11  }
0x176: {  	v30 =	vsub.f32 v63, v30;
	v15 =	vmul.f32 v15, v15;
	v17 =	vmul.f32 v17, v17  }
0x177: {  	v43 =	vld [tilespmem:s20+$0x7250];
	v32 =	vsub.f32 v54, v32;
	v23 =	vmul.f32 v23, v23;
	v38 =	vmul.f32 v38, v38  }
0x178: {  	v34 =	vsub.f32 v58, v34;
	v3 =	vmul.f32 v3, v3;
	v4 =	vmul.f32 v4, v4  }
0x179: {  	v44 =	vmul.f32 v5, v5;
	v5 =	vadd.f32 v11, v9;
	v9 =	vmul.f32 v13, v13  }
0x17a: {  	v37 =	vsub.f32 v56, v37;
	v11 =	vmul.f32 v6, v6;
	v7 =	vmul.f32 v7, v7  }
0x17b: {  	v40 =	vsub.f32 v46, v40;
	v8 =	vmul.f32 v8, v8;
	v14 =	vmul.f32 v14, v14  }
0x17c: {  	v46 =	vsub.f32 v60, v43;
	v10 =	vmul.f32 v10, v10;
	v12 =	vmul.f32 v12, v12  }
0x17d: {  	v43 =	vsub.f32 v61, v43;
	v26 =	vmul.f32 v26, v26;
	v32 =	vmul.f32 v32, v32  }
0x17e: {  	v28 =	vmul.f32 v28, v28;
	v34 =	vmul.f32 v34, v34;
	v6 =	vadd.f32 v15, v44;
	v15 =	vld [tilespmem:s20+$0x7810]  }
0x17f: {  	v37 =	vmul.f32 v37, v37;
	v13 =	vadd.f32 v9, v4;
	v9 =	vadd.f32 v7, v11;
	v44 =	vld [tilespmem:s20+$0x7DD0]  }
0x180: {  	v4 =	vadd.f32 v14, v8;
	v7 =	vmul.f32 v19, v19;
	v8 =	vmul.f32 v25, v25  }
0x181: {  	v2 =	vmul.f32 v2, v2;
	v40 =	vmul.f32 v40, v40;
	v11 =	vadd.f32 v23, v17;
	v14 =	vld [tilespmem:s20+$0x8950]  }
0x182: {  	v43 =	vmul.f32 v43, v43;
	v28 =	vadd.f32 v34, v28;
	v8 =	vadd.f32 v8, v7  }
0x183: {  	v17 =	vsub.f32 v53, v15;
	v19 =	vsub.f32 v52, v15;
	v15 =	vmul.f32 v16, v16  }
0x184: {  	v23 =	vld [tilespmem:s20+$0x8F10];
	v16 =	vmul.f32 v21, v21;
	v21 =	vmul.f32 v27, v27;
	v25 =	vsub.f32 v57, v44  }
0x185: {  	v27 =	vsub.f32 v55, v44;
	v44 =	vmul.f32 v39, v39;
	v7 =	vadd.f32 v15, v10  }
0x186: {  	v10 =	vadd.f32 v21, v16;
	v21 =	vsub.f32 v62, v14;
	v15 =	vmul.f32 v29, v29  }
0x187: {  	v16 =	vmul.f32 v31, v31;
	v29 =	vsub.f32 v63, v14;
	v14 =	vmul.f32 v18, v18  }
0x188: {  	v3 =	vadd.f32 v3, v5;
	v18 =	vmul.f32 v20, v20;
	v20 =	vmul.f32 v22, v22  }
0x189: {  	v31 =	vsub.f32 v51, v23;
	v17 =	vmul.f32 v17, v17;
	v19 =	vmul.f32 v19, v19  }
0x18a: {  	v25 =	vmul.f32 v25, v25;
	v27 =	vmul.f32 v27, v27;
	v22 =	vadd.f32 v16, v15  }
0x18b: {  	v14 =	vadd.f32 v14, v12;
	v15 =	vmul.f32 v33, v33;
	v12 =	vadd.f32 v20, v18  }
0x18c: {  	v20 =	vsub.f32 v54, v23;
	v23 =	vmul.f32 v24, v24;
	v24 =	vmul.f32 v30, v30  }
0x18d: {  	v37 =	vadd.f32 v40, v37;
	v16 =	vld [tilespmem:s20+$0x94D0];
	v30 =	vmul.f32 v35, v35;
	v35 =	vmul.f32 v36, v36  }
0x18e: {  	v2 =	vadd.f32 v2, v13;
	v18 =	vld [tilespmem:s20+$0x7240];
	v29 =	vmul.f32 v29, v29;
	v31 =	vmul.f32 v31, v31  }
0x18f: {  	v33 =	vld [tilespmem:s20+$0x7800];
	v15 =	vadd.f32 v38, v15;
	v23 =	vadd.f32 v24, v23;
	v20 =	vmul.f32 v20, v20  }
0x190: {  	v21 =	vmul.f32 v21, v21;
	v30 =	vadd.f32 v44, v30;
	v29 =	vadd.f32 v29, v43  }
0x191: {  	v44 =	vmul.f32 v45, v45;
	v45 =	vld [tilespmem:s20+$0x8940];
	v17 =	vadd.f32 v31, v17;
	v19 =	vadd.f32 v20, v19  }
0x192: {  	v43 =	vbroadcast v1, $0x8;
	v24 =	vsub.f32 v59, v16;
	v38 =	vsub.f32 v58, v16  }
0x193: {  	[tilespmem:$0x1FB40] =	vst v60;
	v31 =	vld [tilespmem:s20+$0x94C0];
	v16 =	vadd.f32 v32, v26;
	v32 =	vsub.f32 v60, v18;
	v60 =	vmul.f32 v41, v41  }
0x194: {  	[tilespmem:$0x1FB50] =	vst v61;
	v18 =	vsub.f32 v61, v18;
	v61 =	vmul.f32 v42, v42;
	v36 =	vsub.f32 v53, v33  }
0x195: {  	v33 =	vsub.f32 v52, v33;
	v35 =	vadd.f32 v60, v35;
	v60 =	vld [tilespmem:s20+$0x8F00];
	v24 =	vmul.f32 v24, v24  }
0x196: {  	[tilespmem:$0x1FB70] =	vst v52;
	v26 =	vld [tilespmem:s20+$0x7DC0];
	v52 =	vbroadcast v0, $0x8;
	v39 =	vadd.f32 v44, v61;
	v61 =	vsub.f32 v62, v45  }
0x197: {  	v32 =	vmul.f32 v32, v32;
	v38 =	vmul.f32 v38, v38;
	v24 =	vadd.f32 v24, v25;
	v25 =	vld [tilespmem:s20+$0xB1A0]  }
0x198: {  	[tilespmem:$0x1FB80] =	vst v62;
	v18 =	vmul.f32 v18, v18;
	v62 =	vsub.f32 v59, v31;
	v31 =	vsub.f32 v58, v31  }
0x199: {  	[tilespmem:$0x1FB90] =	vst v63;
	v41 =	vsub.f32 v63, v45;
	v36 =	vmul.f32 v36, v36;
	v63 =	vld [tilespmem:s20+$0xA070];
	v33 =	vmul.f32 v33, v33  }
0x19a: {  	[tilespmem:$0x1FB60] =	vst v53;
	v42 =	vmul.f32 v61, v61;
	v31 =	vmul.f32 v31, v31;
	v20 =	vsub.f32 v51, v60  }
0x19b: {  	[tilespmem:$0x1FBC0] =	vst v57;
	v53 =	vsub.f32 v57, v26;
	v57 =	vmul.f32 v46, v46;
	v26 =	vsub.f32 v55, v26  }
0x19c: {  	v32 =	vadd.f32 v42, v32;
	v20 =	vmul.f32 v20, v20;
	v44 =	vsub.f32 v50, v25  }
0x19d: {  	v45 =	vld [tilespmem:s20+$0xA630];
	v42 =	vbroadcast v1, $0x9;
	v26 =	vmul.f32 v26, v26;
	v25 =	vsub.f32 v49, v25  }
0x19e: {  	v46 =	vsub.f32 v43, v63;
	v20 =	vadd.f32 v20, v36;
	v36 =	vmul.f32 v44, v44  }
0x19f: {  	v40 =	vsub.f32 v54, v60;
	v26 =	vadd.f32 v31, v26;
	v31 =	vld [tilespmem:s20+$0xABF0];
	v25 =	vmul.f32 v25, v25  }
0x1a0: {  	v34 =	vmul.f32 v53, v53;
	v13 =	vmul.f32 v46, v46;
	v5 =	vadd.f32 v36, v6  }
0x1a1: {  	[tilespmem:$0x1FBB0] =	vst v54;
	v54 =	vbroadcast v0, $0x9;
	v9 =	vadd.f32 v25, v9;
	v25 =	vsub.f32 v52, v63  }
0x1a2: {  	v53 =	vbroadcast v1, $0xA;
	v6 =	vld [tilespmem:s20+$0xB190];
	v36 =	vadd.f32 v13, v11;
	v11 =	vsub.f32 v42, v45  }
0x1a3: {  	v21 =	vadd.f32 v21, v57;
	v13 =	vsub.f32 v54, v45;
	v25 =	vmul.f32 v25, v25  }
0x1a4: {  	[tilespmem:$0x1FBD0] =	vst v55;
	v57 =	vbroadcast v0, $0xA;
	v55 =	vsub.f32 v53, v31;
	v11 =	vmul.f32 v11, v11  }
0x1a5: {  	[tilespmem:$0x1FBE0] =	vst v59;
	v59 =	vld [tilespmem:s20+$0xA060];
	v40 =	vmul.f32 v40, v40;
	v13 =	vmul.f32 v13, v13;
	v4 =	vadd.f32 v25, v4  }
0x1a6: {  	v60 =	vld [tilespmem:s20+$0xA620];
	v25 =	vmul.f32 v55, v55;
	v8 =	vadd.f32 v11, v8;
	v11 =	vsub.f32 v57, v31  }
0x1a7: {  	[tilespmem:$0x1FBF0] =	vst v58;
	v41 =	vmul.f32 v41, v41;
	v33 =	vadd.f32 v40, v33;
	v58 =	vsub.f32 v50, v6  }
0x1a8: {  	v40 =	vadd.f32 v13, v7;
	v7 =	vld [tilespmem:s20+$0xABE0];
	v25 =	vadd.f32 v25, v10;
	v10 =	vmul.f32 v11, v11  }
0x1a9: {  	v27 =	vadd.f32 v38, v27;
	v6 =	vsub.f32 v49, v6;
	v31 =	vmul.f32 v58, v58  }
0x1aa: {  	v38 =	vmul.f32 v62, v62;
	v13 =	vsub.f32 v52, v59;
	v14 =	vadd.f32 v10, v14  }
0x1ab: {  	v6 =	vmul.f32 v6, v6;
	v10 =	vsub.f32 v42, v60;
	v22 =	vadd.f32 v31, v22;
	v31 =	vld [tilespmem:s20+$0xB180]  }
0x1ac: {  	v34 =	vadd.f32 v38, v34;
	v11 =	vsub.f32 v43, v59;
	v13 =	vmul.f32 v13, v13  }
0x1ad: {  	v61 =	vld [tilespmem:s20+$0xA050];
	v6 =	vadd.f32 v6, v12;
	v12 =	vsub.f32 v53, v7;
	v10 =	vmul.f32 v10, v10  }
0x1ae: {  	v38 =	vsub.f32 v54, v60;
	v11 =	vmul.f32 v11, v11;
	v23 =	vadd.f32 v13, v23  }
0x1af: {  	v13 =	vld [tilespmem:s20+$0xA610];
	v7 =	vsub.f32 v57, v7;
	v30 =	vadd.f32 v10, v30;
	v10 =	vmul.f32 v12, v12  }
0x1b0: {  	v15 =	vadd.f32 v11, v15;
	v11 =	vmul.f32 v38, v38;
	v12 =	vsub.f32 v50, v31  }
0x1b1: {  	v7 =	vmul.f32 v7, v7;
	v35 =	vadd.f32 v10, v35;
	v10 =	vsub.f32 v49, v31  }
0x1b2: {  	v62 =	vld [tilespmem:s20+$0xABD0];
	v16 =	vadd.f32 v11, v16;
	v11 =	vmul.f32 v12, v12;
	v12 =	vsub.f32 v43, v61  }
0x1b3: {  	v28 =	vadd.f32 v7, v28;
	v31 =	vsub.f32 v52, v61;
	v10 =	vmul.f32 v10, v10  }
0x1b4: {  	v63 =	vld [tilespmem:s20+$0xA040];
	v39 =	vadd.f32 v11, v39;
	v11 =	vsub.f32 v42, v13;
	v7 =	vmul.f32 v12, v12  }
0x1b5: {  	v12 =	vmul.f32 v31, v31;
	v31 =	vadd.f32 v10, v37;
	v10 =	vsub.f32 v54, v13;
	v13 =	vld [tilespmem:s20+$0xA600]  }
0x1b6: {  	v18 =	vadd.f32 v41, v18;
	v11 =	vmul.f32 v11, v11;
	v21 =	vadd.f32 v7, v21  }
0x1b7: {  	v29 =	vadd.f32 v12, v29;
	v7 =	vmul.f32 v10, v10;
	v10 =	vsub.f32 v53, v62;
	v12 =	vld [tilespmem:s20+$0xABC0]  }
0x1b8: {  	v17 =	vadd.f32 v11, v17;
	v11 =	vsub.f32 v57, v62  }
0x1b9: {  	v19 =	vadd.f32 v7, v19;
	v7 =	vsub.f32 v52, v63;
	v10 =	vmul.f32 v10, v10  }
0x1ba: {  	[tilespmem:$0x1FC40] =	vst v49;
	v46 =	vld [tilespmem:s20+$0xC8B0];
	v44 =	vsub.f32 v43, v63;
	v49 =	vsub.f32 v42, v13;
	v11 =	vmul.f32 v11, v11  }
0x1bb: {  	[tilespmem:$0x1FBA0] =	vst v51;
	v24 =	vadd.f32 v10, v24;
	v10 =	vsub.f32 v54, v13;
	v7 =	vmul.f32 v7, v7;
	v13 =	vld [tilespmem:s20+$0xC8A0]  }
0x1bc: {  	[tilespmem:$0x1FC30] =	vst v50;
	v45 =	vbroadcast v0, $0xD;
	v50 =	vsub.f32 v53, v12;
	v27 =	vadd.f32 v11, v27  }
0x1bd: {  	[tilespmem:$0x1FC60] =	vst v52;
	v11 =	vmul.f32 v49, v49;
	v18 =	vadd.f32 v7, v18;
	v7 =	vmul.f32 v10, v10  }
0x1be: {  	[tilespmem:$0x1FCA0] =	vst v57;
	v52 =	vbroadcast v1, $0xF;
	v12 =	vsub.f32 v57, v12;
	v57 =	vbroadcast v0, $0xF  }
0x1bf: {  	[tilespmem:$0x1FC80] =	vst v54;
	v10 =	vadd.f32 v11, v20;
	v11 =	vadd.f32 v7, v33;
	v7 =	vmul.f32 v50, v50  }
0x1c0: {  	[tilespmem:$0x1FC90] =	vst v53;
	v51 =	vsub.f32 v52, v46;
	v54 =	vld [tilespmem:s20+$0xB770];
	v20 =	vmul.f32 v12, v12;
	v53 =	vsub.f32 v52, v13  }
0x1c1: {  	v59 =	vbroadcast v0, $0xC;
	v12 =	vadd.f32 v7, v34;
	v7 =	vsub.f32 v57, v46  }
0x1c2: {  	v20 =	vadd.f32 v20, v26;
	v26 =	vmul.f32 v51, v51;
	v55 =	vmul.f32 v53, v53  }
0x1c3: {  	v58 =	vld [tilespmem:s20+$0xBD30];
	v49 =	vbroadcast v1, $0xC;
	v13 =	vsub.f32 v57, v13;
	v7 =	vmul.f32 v7, v7  }
0x1c4: {  	v37 =	vmul.f32 v44, v44;
	v26 =	vadd.f32 v26, v3;
	v33 =	vadd.f32 v55, v5;
	v5 =	vld [tilespmem:s20+$0xC2F0]  }
0x1c5: {  	v3 =	vadd.f32 v7, v2;
	v2 =	vmul.f32 v13, v13;
	v7 =	vsub.f32 v49, v54  }
0x1c6: {  	v61 =	vbroadcast v1, $0xD;
	v32 =	vadd.f32 v37, v32;
	v62 =	vld [tilespmem:s20+$0xC890];
	v60 =	vsub.f32 v59, v54  }
0x1c7: {  	v63 =	vbroadcast v1, $0xE;
	v13 =	vadd.f32 v2, v9;
	v1 =	vmul.f32 v7, v7  }
0x1c8: {  	v44 =	vmul.f32 v60, v60;
	v2 =	vsub.f32 v61, v58;
	v9 =	vsub.f32 v45, v58  }
0x1c9: {  	v46 =	vld [tilespmem:s20+$0xB760];
	v7 =	vadd.f32 v1, v36;
	v1 =	vsub.f32 v63, v5  }
0x1ca: {  	v34 =	vadd.f32 v44, v4;
	v2 =	vmul.f32 v2, v2;
	v4 =	vmul.f32 v9, v9  }
0x1cb: {  	v53 =	vbroadcast v0, $0xE;
	v9 =	vld [tilespmem:s20+$0xBD20];
	v0 =	vmul.f32 v1, v1;
	v1 =	vsub.f32 v52, v62  }
0x1cc: {  	v37 =	vadd.f32 v2, v8;
	v40 =	vadd.f32 v4, v40  }
0x1cd: {  	v2 =	vadd.f32 v0, v25;
	v0 =	vsub.f32 v53, v5;
	v1 =	vmul.f32 v1, v1  }
0x1ce: {  	v8 =	vsub.f32 v49, v46;
	v5 =	vsub.f32 v57, v62;
	v25 =	vld [tilespmem:s20+$0xC2E0]  }
0x1cf: {  	v4 =	vadd.f32 v1, v22;
	v1 =	vsub.f32 v59, v46;
	v0 =	vmul.f32 v0, v0;
	v22 =	vld [tilespmem:s20+$0xC880]  }
0x1d0: {  	v8 =	vmul.f32 v8, v8;
	v55 =	vsub.f32 v61, v9;
	v5 =	vmul.f32 v5, v5  }
0x1d1: {  	v14 =	vadd.f32 v0, v14;
	v0 =	vsub.f32 v45, v9;
	v1 =	vmul.f32 v1, v1;
	v9 =	vld [tilespmem:s20+$0xB750]  }
0x1d2: {  	v15 =	vadd.f32 v8, v15;
	v38 =	vadd.f32 v5, v6;
	v5 =	vmul.f32 v55, v55  }
0x1d3: {  	v23 =	vadd.f32 v1, v23;
	v0 =	vmul.f32 v0, v0;
	v1 =	vsub.f32 v63, v25  }
0x1d4: {  	v8 =	vadd.f32 v5, v30;
	v30 =	vld [tilespmem:s20+$0xBD10];
	v5 =	vsub.f32 v52, v22  }
0x1d5: {  	v6 =	vadd.f32 v0, v16;
	v0 =	vsub.f32 v53, v25;
	v1 =	vmul.f32 v1, v1  }
0x1d6: {  	[tilespmem:$0x1FCD0] =	vst v59;
	v16 =	vsub.f32 v57, v22;
	v22 =	vld [tilespmem:s20+$0xC2D0];
	v5 =	vmul.f32 v5, v5;
	v25 =	vsub.f32 v49, v9  }
0x1d7: {  	v58 =	vmovc v59;
	v35 =	vadd.f32 v1, v35;
	v1 =	vsub.f32 v59, v9;
	v0 =	vmul.f32 v0, v0;
	v59 =	vld [tilespmem:s20+$0xB740]  }
0x1d8: {  	[tilespmem:$0x1FCE0] =	vst v61;
	v39 =	vadd.f32 v5, v39;
	v5 =	vmul.f32 v16, v16;
	v9 =	vmul.f32 v25, v25  }
0x1d9: {  	v60 =	vmovc v61;
	v25 =	vsub.f32 v61, v30;
	v61 =	vld [tilespmem:s22+$0x11190];
	v16 =	vadd.f32 v0, v28;
	v0 =	vmul.f32 v1, v1  }
0x1da: {  	v1 =	vld [tilespmem:s22+$0x10D90];
	v28 =	vadd.f32 v5, v31;
	v21 =	vadd.f32 v9, v21  }
0x1db: {  	v9 =	vmul.f32 v25, v25;
	v5 =	vadd.f32 v0, v29;
	v0 =	vsub.f32 v45, v30  }
0x1dc: {  	[tilespmem:$0x1FD00] =	vst v63;
	v25 =	vsub.f32 v63, v22;
	v29 =	vld [tilespmem:s20+$0xBD00];
	v30 =	vsub.f32 v49, v59  }
0x1dd: {  	v62 =	vmovc v63;
	v63 =	vld [tilespmem:s21+$0x11190];
	v9 =	vadd.f32 v9, v17;
	v17 =	vsub.f32 v53, v22;
	v0 =	vmul.f32 v0, v0  }
0x1de: {  	v22 =	vld [tilespmem:s21+$0x10D90];
	v31 =	vsub.f32 v58, v59;
	v25 =	vmul.f32 v25, v25;
	v30 =	vmul.f32 v30, v30  }
0x1df: {  	v19 =	vadd.f32 v0, v19;
	v0 =	vadd.f32 v61, v1;
	v1 =	vmul.f32 v17, v17  }
0x1e0: {  	v24 =	vadd.f32 v25, v24;
	v17 =	vld [tilespmem:s20+$0xC2C0];
	v25 =	vadd.f32 v30, v32;
	v30 =	vmul.f32 v31, v31  }
0x1e1: {  	v31 =	vld [tilespmem:s20+$0xDFB0];
	v27 =	vadd.f32 v1, v27;
	v1 =	vmul.f32 $5.000000000e-01, v0;
	v0 =	vsub.f32 v60, v29  }
0x1e2: {  	v29 =	vsub.f32 v45, v29  }
0x1e3: {  	v22 =	vadd.f32 v63, v22;
	v0 =	vmul.f32 v0, v0  }
0x1e4: {  	v18 =	vadd.f32 v30, v18;
	v50 =	vbroadcast v1, $0x3;
	v29 =	vmul.f32 v29, v29  }
0x1e5: {  	v51 =	vbroadcast v1, $0x0;
	v41 =	vsub.f32 v62, v17;
	v17 =	vsub.f32 v53, v17  }
0x1e6: {  	[tilespmem:$0x1FC50] =	vst v43;
	v30 =	vld [tilespmem:s20+$0xDFA0];
	v0 =	vadd.f32 v0, v10;
	v10 =	vmul.f32 $5.000000000e-01, v22;
	v22 =	vsub.f32 v50, v31  }
0x1e7: {  	v46 =	vld [tilespmem:s20+$0xDF90];
	[tilespmem:$0x1FB10] =	vst v61;
	v61 =	vbroadcast v1, $0x2;
	v17 =	vmul.f32 v17, v17  }
0x1e8: {  	v43 =	vld [tilespmem:s20+$0xCE70];
	[tilespmem:$0x1FCC0] =	vst v49;
	v22 =	vmul.f32 v22, v22;
	v49 =	vbroadcast v10, $0x3  }
0x1e9: {  	[tilespmem:$0x1FD10] =	vst v53;
	v53 =	vbroadcast v1, $0x1;
	v11 =	vadd.f32 v29, v11;
	v17 =	vadd.f32 v17, v20;
	v20 =	vld [tilespmem:s20+$0xD430]  }
0x1ea: {  	[tilespmem:$0x1FC70] =	vst v42;
	v29 =	vmul.f32 v41, v41;
	v22 =	vadd.f32 v22, v26;
	v26 =	vsub.f32 v49, v31  }
0x1eb: {  	[tilespmem:$0x1FCB0] =	vst v57;
	v42 =	vsub.f32 v50, v30;
	v54 =	vbroadcast v10, $0x0;
	v30 =	vsub.f32 v49, v30  }
0x1ec: {  	[tilespmem:$0x1FB20] =	vst v63;
	v57 =	vsub.f32 v50, v46;
	v63 =	vbroadcast v10, $0x1;
	v26 =	vmul.f32 v26, v26  }
0x1ed: {  	[tilespmem:$0x1FCF0] =	vst v45;
	v45 =	vld [tilespmem:s20+$0xD9F0];
	v31 =	vsub.f32 v51, v43;
	v44 =	vsub.f32 v54, v43;
	v30 =	vmul.f32 v30, v30  }
0x1ee: {  	v60 =	vbroadcast v10, $0x2;
	v26 =	vadd.f32 v26, v3;
	v3 =	vsub.f32 v53, v20  }
0x1ef: {  	v13 =	vadd.f32 v30, v13;
	v30 =	vmul.f32 v31, v31;
	v31 =	vmul.f32 v44, v44  }
0x1f0: {  	v55 =	vld [tilespmem:s20+$0xCE60];
	v12 =	vadd.f32 v29, v12;
	v20 =	vsub.f32 v63, v20;
	v3 =	vmul.f32 v3, v3  }
0x1f1: {  	v29 =	vmul.f32 v42, v42;
	v7 =	vadd.f32 v30, v7;
	v30 =	vadd.f32 v31, v34  }
0x1f2: {  	v31 =	vadd.f32 v3, v37;
	v3 =	vmul.f32 v20, v20;
	v20 =	vsub.f32 v61, v45  }
0x1f3: {  	v58 =	vld [tilespmem:s20+$0xD420];
	v29 =	vadd.f32 v29, v33;
	v33 =	vsub.f32 v60, v45  }
0x1f4: {  	v40 =	vadd.f32 v3, v40;
	v3 =	vsub.f32 v49, v46;
	v20 =	vmul.f32 v20, v20  }
0x1f5: {  	v59 =	vld [tilespmem:s20+$0xD9E0];
	v62 =	vsub.f32 v51, v55;
	v33 =	vmul.f32 v33, v33;
	v34 =	vmul.f32 v57, v57  }
0x1f6: {  	v43 =	vld [tilespmem:s20+$0xDF80];
	v20 =	vadd.f32 v20, v2;
	v2 =	vsub.f32 v54, v55;
	v3 =	vmul.f32 v3, v3  }
0x1f7: {  	v14 =	vadd.f32 v33, v14;
	v34 =	vadd.f32 v34, v4;
	v4 =	vmul.f32 v62, v62  }
0x1f8: {  	v33 =	vadd.f32 v3, v38;
	v2 =	vmul.f32 v2, v2;
	v3 =	vsub.f32 v53, v58  }
0x1f9: {  	v44 =	vld [tilespmem:s20+$0xCE50];
	v15 =	vadd.f32 v4, v15;
	v4 =	vsub.f32 v63, v58  }
0x1fa: {  	v23 =	vadd.f32 v2, v23;
	v2 =	vmul.f32 v3, v3;
	v3 =	vsub.f32 v61, v59  }
0x1fb: {  	v36 =	vsub.f32 v60, v59;
	v45 =	vsub.f32 v50, v43;
	v4 =	vmul.f32 v4, v4  }
0x1fc: {  	v46 =	vld [tilespmem:s20+$0xD410];
	v8 =	vadd.f32 v2, v8;
	v2 =	vsub.f32 v49, v43;
	v3 =	vmul.f32 v3, v3  }
0x1fd: {  	v55 =	vld [tilespmem:s20+$0xD9D0];
	v58 =	vadd.f32 v4, v6;
	v4 =	vmul.f32 v36, v36;
	v6 =	vmul.f32 v45, v45  }
0x1fe: {  	v57 =	vld [tilespmem:s20+$0xCE40];
	v35 =	vadd.f32 v3, v35;
	v2 =	vmul.f32 v2, v2;
	v3 =	vsub.f32 v51, v44  }
0x1ff: {  	v39 =	vadd.f32 v6, v39;
	v16 =	vadd.f32 v4, v16  }
0x200: {  	v28 =	vadd.f32 v2, v28;
	v2 =	vsub.f32 v54, v44;
	v3 =	vmul.f32 v3, v3  }
0x201: {  	v4 =	vsub.f32 v53, v46;
	v6 =	vsub.f32 v63, v46  }
0x202: {  	v59 =	vld [tilespmem:s20+$0xD400];
	v21 =	vadd.f32 v3, v21;
	v2 =	vmul.f32 v2, v2;
	v3 =	vsub.f32 v61, v55  }
0x203: {  	v62 =	vsub.f32 v51, v57;
	v4 =	vmul.f32 v4, v4;
	v6 =	vmul.f32 v6, v6  }
0x204: {  	v42 =	vadd.f32 v2, v5;
	v2 =	vsub.f32 v60, v55;
	v3 =	vmul.f32 v3, v3;
	v5 =	vld [tilespmem:s20+$0xD9C0]  }
0x205: {  	v36 =	vadd.f32 v4, v9;
	v19 =	vadd.f32 v6, v19;
	v4 =	vmul.f32 v62, v62  }
0x206: {  	v6 =	vld [tilespmem:s20+$0xF6B0];
	v24 =	vadd.f32 v3, v24;
	v3 =	vsub.f32 v54, v57;
	v2 =	vmul.f32 v2, v2  }
0x207: {  	v25 =	vadd.f32 v4, v25;
	v4 =	vsub.f32 v53, v59  }
0x208: {  	v9 =	vld [tilespmem:s20+$0xF6A0];
	v27 =	vadd.f32 v2, v27;
	v2 =	vsub.f32 v63, v59;
	v3 =	vmul.f32 v3, v3  }
0x209: {  	v62 =	vbroadcast v1, $0x7;
	v4 =	vmul.f32 v4, v4;
	v37 =	vsub.f32 v61, v5  }
0x20a: {  	v18 =	vadd.f32 v3, v18;
	v3 =	vsub.f32 v60, v5;
	v2 =	vmul.f32 v2, v2  }
0x20b: {  	v44 =	vadd.f32 v4, v0;
	v5 =	vsub.f32 v62, v6;
	v4 =	vmul.f32 v37, v37  }
0x20c: {  	v38 =	vld [tilespmem:s20+$0xE570];
	v59 =	vbroadcast v10, $0x7;
	v11 =	vadd.f32 v2, v11;
	v2 =	vmul.f32 v3, v3  }
0x20d: {  	v3 =	vmul.f32 v5, v5;
	v12 =	vadd.f32 v4, v12;
	v4 =	vsub.f32 v62, v9  }
0x20e: {  	v45 =	vbroadcast v1, $0x4;
	v55 =	vbroadcast v10, $0x4;
	v5 =	vsub.f32 v59, v6;
	v6 =	vld [tilespmem:s20+$0xEB30]  }
0x20f: {  	v9 =	vsub.f32 v59, v9;
	v46 =	vadd.f32 v3, v22;
	v3 =	vmul.f32 v4, v4  }
0x210: {  	v57 =	vbroadcast v1, $0x5;
	v4 =	vmul.f32 v5, v5  }
0x211: {  	v22 =	vld [tilespmem:s20+$0xF0F0];
	v5 =	vsub.f32 v45, v38;
	v9 =	vmul.f32 v9, v9;
	v3 =	vadd.f32 v3, v29  }
0x212: {  	v43 =	vbroadcast v10, $0x5;
	v4 =	vadd.f32 v4, v26;
	v26 =	vsub.f32 v55, v38;
	v29 =	vld [tilespmem:s20+$0xF690]  }
0x213: {  	v32 =	vmul.f32 v5, v5;
	v37 =	vsub.f32 v57, v6;
	v5 =	vadd.f32 v9, v13;
	v13 =	vld [tilespmem:s20+$0xE560]  }
0x214: {  	v41 =	vbroadcast v1, $0x6;
	v6 =	vsub.f32 v43, v6;
	v9 =	vmul.f32 v26, v26  }
0x215: {  	v17 =	vadd.f32 v2, v17;
	v26 =	vadd.f32 v32, v7;
	v7 =	vmul.f32 v37, v37  }
0x216: {  	v6 =	vmul.f32 v6, v6;
	v30 =	vadd.f32 v9, v30;
	v9 =	vsub.f32 v41, v22  }
0x217: {  	v2 =	vbroadcast v10, $0x6;
	v38 =	vld [tilespmem:s20+$0xF0E0];
	v31 =	vadd.f32 v7, v31;
	v7 =	vsub.f32 v62, v29  }
0x218: {  	v32 =	vld [tilespmem:s20+$0xEB20];
	v37 =	vadd.f32 v6, v40;
	v40 =	vsub.f32 v45, v13  }
0x219: {  	v22 =	vsub.f32 v2, v22;
	v9 =	vmul.f32 v9, v9;
	v6 =	vmul.f32 v7, v7  }
0x21a: {  	v29 =	vsub.f32 v59, v29;
	v13 =	vsub.f32 v55, v13;
	v40 =	vmul.f32 v40, v40  }
0x21b: {  	v20 =	vadd.f32 v9, v20;
	v9 =	vmul.f32 v22, v22;
	v7 =	vadd.f32 v6, v34  }
0x21c: {  	v22 =	vmul.f32 v29, v29;
	v29 =	vld [tilespmem:s20+$0xF680];
	v15 =	vadd.f32 v40, v15;
	v40 =	vsub.f32 v41, v38  }
0x21d: {  	v14 =	vadd.f32 v9, v14;
	v9 =	vmul.f32 v13, v13;
	v13 =	vsub.f32 v57, v32  }
0x21e: {  	v34 =	vsub.f32 v2, v38;
	v38 =	vld [tilespmem:s20+$0xEB10];
	v6 =	vadd.f32 v22, v33  }
0x21f: {  	v22 =	vsub.f32 v43, v32;
	v33 =	vld [tilespmem:s20+$0xE550];
	v23 =	vadd.f32 v9, v23;
	v9 =	vmul.f32 v13, v13  }
0x220: {  	v32 =	vmul.f32 v40, v40  }
0x221: {  	v22 =	vmul.f32 v22, v22;
	v13 =	vsub.f32 v62, v29;
	v40 =	vadd.f32 v9, v8  }
0x222: {  	v9 =	vsub.f32 v59, v29;
	v29 =	vadd.f32 v32, v35;
	v32 =	vmul.f32 v34, v34;
	v34 =	vld [tilespmem:s20+$0xE540]  }
0x223: {  	v22 =	vadd.f32 v22, v58;
	v35 =	vsub.f32 v43, v38;
	v8 =	vmul.f32 v13, v13;
	v13 =	vld [tilespmem:s20+$0xF0D0]  }
0x224: {  	v58 =	vsub.f32 v45, v33;
	v9 =	vmul.f32 v9, v9;
	v16 =	vadd.f32 v32, v16  }
0x225: {  	v35 =	vmul.f32 v35, v35;
	v8 =	vadd.f32 v8, v39;
	v39 =	vsub.f32 v55, v33  }
0x226: {  	v33 =	vld [tilespmem:s20+$0xEB00];
	v9 =	vadd.f32 v9, v28;
	v28 =	vmul.f32 v58, v58;
	v58 =	vsub.f32 v57, v38  }
0x227: {  	v19 =	vadd.f32 v35, v19;
	v32 =	vmul.f32 v39, v39;
	v39 =	vsub.f32 v45, v34  }
0x228: {  	v0 =	vmov v57;
	v38 =	vsub.f32 v41, v13;
	v21 =	vadd.f32 v28, v21  }
0x229: {  	[tilespmem:$0x1FDF0] =	vst v57;
	v28 =	vmul.f32 v58, v58;
	v13 =	vsub.f32 v2, v13;
	v32 =	vadd.f32 v32, v42;
	v42 =	vld [tilespmem:s20+$0xF0C0]  }
0x22a: {  	v57 =	vmovc v45;
	v34 =	vsub.f32 v55, v34;
	v45 =	vmul.f32 v39, v39;
	v38 =	vmul.f32 v38, v38  }
0x22b: {  	v28 =	vadd.f32 v28, v36;
	v13 =	vmul.f32 v13, v13;
	v58 =	vsub.f32 v0, v33  }
0x22c: {  	[tilespmem:$0x1FDD0] =	vst v55;
	v55 =	vbroadcast v10, $0x8;
	v33 =	vsub.f32 v43, v33;
	v36 =	vld [tilespmem:s20+$0xFC70];
	v25 =	vadd.f32 v45, v25  }
0x22d: {  	[tilespmem:$0x1FF60] =	vst v41;
	v24 =	vadd.f32 v38, v24;
	v13 =	vadd.f32 v13, v27;
	v35 =	vmul.f32 v58, v58  }
0x22e: {  	[tilespmem:$0x1FF40] =	vst v43;
	v27 =	vmul.f32 v34, v34;
	v33 =	vmul.f32 v33, v33;
	v34 =	vld [tilespmem:s20+$0x10230];
	v41 =	vsub.f32 v41, v42  }
0x22f: {  	[tilespmem:$0x1FE00] =	vst v2;
	v58 =	vbroadcast v1, $0x8;
	v43 =	vsub.f32 v2, v42;
	v2 =	vadd.f32 v35, v44;
	v35 =	vld [tilespmem:s20+$0x107F0]  }
0x230: {  	v18 =	vadd.f32 v27, v18;
	v11 =	vadd.f32 v33, v11;
	v27 =	vmul.f32 v41, v41  }
0x231: {  	v38 =	vsub.f32 v58, v36;
	v44 =	vmul.f32 v43, v43;
	v43 =	vbroadcast v1, $0x9  }
0x232: {  	v42 =	vbroadcast v1, $0xA;
	v1 =	vsub.f32 v55, v36;
	v12 =	vadd.f32 v27, v12;
	v27 =	vld [tilespmem:s20+$0xFC60]  }
0x233: {  	v45 =	vmul.f32 v38, v38;
	v17 =	vadd.f32 v44, v17;
	v41 =	vsub.f32 v43, v34  }
0x234: {  	v33 =	vld [tilespmem:s20+$0x10220];
	v44 =	vbroadcast v10, $0x9;
	v1 =	vmul.f32 v1, v1;
	v38 =	vsub.f32 v42, v35  }
0x235: {  	v10 =	vbroadcast v10, $0xA;
	v26 =	vadd.f32 v45, v26;
	v36 =	vmul.f32 v41, v41  }
0x236: {  	v34 =	vsub.f32 v44, v34;
	v1 =	vadd.f32 v1, v30;
	v0 =	vmul.f32 v38, v38  }
0x237: {  	v39 =	vld [tilespmem:s20+$0x107E0];
	v31 =	vadd.f32 v36, v31;
	v45 =	vsub.f32 v58, v27  }
0x238: {  	v30 =	vld [tilespmem:s20+$0xFC50];
	v34 =	vmul.f32 v34, v34;
	v0 =	vadd.f32 v0, v20;
	v20 =	vsub.f32 v10, v35  }
0x239: {  	v27 =	vsub.f32 v55, v27;
	v35 =	vsub.f32 v43, v33  }
0x23a: {  	v33 =	vsub.f32 v44, v33;
	v34 =	vadd.f32 v34, v37  }
0x23b: {  	v26 =	vadd.f32 v31, v26;
	v41 =	vmul.f32 v45, v45;
	v20 =	vmul.f32 v20, v20  }
0x23c: {  	v27 =	vmul.f32 v27, v27;
	v45 =	vsub.f32 v42, v39;
	v0 =	vadd.f32 v0, v46  }
0x23d: {  	v37 =	vld [tilespmem:s20+$0x107D0];
	v33 =	vmul.f32 v33, v33;
	v15 =	vadd.f32 v41, v15;
	v41 =	vsub.f32 v58, v30  }
0x23e: {  	v14 =	vadd.f32 v20, v14;
	v20 =	vmul.f32 v35, v35;
	v23 =	vadd.f32 v27, v23  }
0x23f: {  	v35 =	vld [tilespmem:s20+$0x10210];
	v27 =	vmul.f32 v45, v45;
	v22 =	vadd.f32 v33, v22;
	v30 =	vsub.f32 v55, v30  }
0x240: {  	v33 =	vld [tilespmem:s20+$0xFC40];
	v0 =	vadd.f32 v0, v26;
	v20 =	vadd.f32 v20, v40  }
0x241: {  	v45 =	vmul.f32 v41, v41;
	v27 =	vadd.f32 v27, v29;
	v29 =	vsub.f32 v10, v39  }
0x242: {  	v38 =	vsub.f32 v42, v37;
	v39 =	vld [tilespmem:s20+$0x10200];
	v4 =	vadd.f32 v14, v4  }
0x243: {  	v30 =	vmul.f32 v30, v30;
	v14 =	vadd.f32 v22, v23;
	v21 =	vadd.f32 v45, v21  }
0x244: {  	v29 =	vmul.f32 v29, v29;
	v3 =	vadd.f32 v27, v3;
	v41 =	vsub.f32 v43, v35  }
0x245: {  	v35 =	vsub.f32 v44, v35;
	v45 =	vsub.f32 v58, v33  }
0x246: {  	v16 =	vadd.f32 v29, v16;
	v29 =	vadd.f32 v30, v32;
	v30 =	vmul.f32 v38, v38  }
0x247: {  	[tilespmem:$0x1FEA0] =	vst v44;
	v33 =	vsub.f32 v55, v33;
	v36 =	vmul.f32 v41, v41;
	v44 =	vsub.f32 v44, v39  }
0x248: {  	v32 =	vld [tilespmem:s20+$0x107C0];
	v41 =	vmul.f32 v45, v45;
	v24 =	vadd.f32 v30, v24;
	v30 =	vsub.f32 v10, v37  }
0x249: {  	[tilespmem:$0x1FE90] =	vst v43;
	v43 =	vsub.f32 v43, v39;
	v33 =	vmul.f32 v33, v33;
	v5 =	vadd.f32 v16, v5  }
0x24a: {  	v28 =	vadd.f32 v36, v28;
	v39 =	vmul.f32 v44, v44;
	v30 =	vmul.f32 v30, v30  }
0x24b: {  	v25 =	vadd.f32 v41, v25;
	v18 =	vadd.f32 v33, v18  }
0x24c: {  	v11 =	vadd.f32 v39, v11;
	v13 =	vadd.f32 v30, v13;
	v30 =	vmul.f32 v43, v43  }
0x24d: {  	s28 =	simm.s32 $0x40;
	v45 =	vsub.f32 v42, v32;
	v32 =	vsub.f32 v10, v32  }
0x24e: {  	[tilespmem:$0x1FEC0] =	vst v10;
	v16 =	vld [tilespmem:s28+$0x9AB0];
	v11 =	vadd.f32 v11, v18;
	v10 =	vadd.f32 v30, v2  }
0x24f: {  	v40 =	vmul.f32 v45, v45;
	v30 =	vadd.f32 v34, v1;
	v2 =	vadd.f32 v20, v15;
	v20 =	vld [tilespmem:s28+$0x83B0]  }
0x250: {  	v32 =	vmul.f32 v32, v32;
	v15 =	vadd.f32 v28, v21;
	v6 =	vadd.f32 v13, v6  }
0x251: {  	[tilespmem:$0x1FE60] =	vst v0;
	v38 =	vld [tilespmem:$0x1FB70];
	v12 =	vadd.f32 v40, v12;
	v0 =	vadd.f32 v3, v2  }
0x252: {  	v21 =	vld [tilespmem:s28+$0x83A0];
	v17 =	vadd.f32 v32, v17;
	v10 =	vadd.f32 v10, v25  }
0x253: {  	v8 =	vadd.f32 v12, v8;
	v12 =	vld [tilespmem:s28+$0x9AA0];
	[tilespmem:$0x1FE20] =	vst v0;
	v0 =	vadd.f32 v4, v30  }
0x254: {  	v37 =	vld [tilespmem:$0x1FB30];
	v4 =	vsub.f32 v47, v16;
	v3 =	vsub.f32 v48, v20  }
0x255: {  	v44 =	vld [tilespmem:$0x1FBA0];
	v13 =	vadd.f32 v17, v9;
	[tilespmem:$0x1FE80] =	vst v0;
	v0 =	vadd.f32 v8, v10  }
0x256: {  	v7 =	vadd.f32 v24, v7;
	v43 =	vld [tilespmem:$0x1FB60];
	v4 =	vmul.f32 v4, v4;
	v3 =	vmul.f32 v3, v3  }
0x257: {  	v35 =	vmul.f32 v35, v35;
	v8 =	vsub.f32 v48, v21;
	[tilespmem:$0x1FDB0] =	vst v0;
	v0 =	vadd.f32 v13, v11;
	v13 =	vld [tilespmem:s28+$0x7270]  }
0x258: {  	v17 =	vsub.f32 v47, v12;
	v10 =	vadd.f32 v4, v3;
	v3 =	vld [tilespmem:$0x1FB80]  }
0x259: {  	v19 =	vadd.f32 v35, v19;
	v4 =	vld [tilespmem:$0x1FB90];
	[tilespmem:$0x1FDC0] =	vst v0;
	v0 =	vadd.f32 v7, v15  }
0x25a: {  	v7 =	vmul.f32 v8, v8;
	v8 =	vmul.f32 v17, v17;
	v17 =	vld [tilespmem:s28+$0x8F30]  }
0x25b: {  	v19 =	vadd.f32 v19, v29;
	[tilespmem:$0x1FDE0] =	vst v0;
	v0 =	vadd.f32 v5, v14;
	v14 =	vld [tilespmem:s28+$0x7830]  }
0x25c: {  	v11 =	vadd.f32 v8, v7;
	v7 =	vld [tilespmem:s28+$0x8970]  }
0x25d: {  	v12 =	vsub.f32 v37, v12;
	[tilespmem:$0x1FE30] =	vst v0;
	v0 =	vadd.f32 v6, v19;
	v6 =	vld [tilespmem:$0x1FB40]  }
0x25e: {  	v15 =	vsub.f32 v37, v16;
	v5 =	vld [tilespmem:$0x1FB50]  }
0x25f: {  	v41 =	vld [tilespmem:$0x1FBB0];
	v16 =	vsub.f32 v56, v21;
	v12 =	vmul.f32 v12, v12;
	v8 =	vsub.f32 v56, v20  }
0x260: {  	v24 =	vld [tilespmem:s28+$0x7DF0];
	v15 =	vmul.f32 v15, v15;
	v22 =	vsub.f32 v44, v17;
	v19 =	vsub.f32 v43, v14  }
0x261: {  	v45 =	vld [tilespmem:$0x1FBD0];
	v16 =	vmul.f32 v16, v16;
	v14 =	vsub.f32 v38, v14;
	v20 =	vsub.f32 v3, v7  }
0x262: {  	v1 =	vld [tilespmem:$0x1FBC0];
	v8 =	vmul.f32 v8, v8;
	v7 =	vsub.f32 v4, v7;
	v18 =	vsub.f32 v6, v13  }
0x263: {  	v2 =	vld [tilespmem:$0x1FBE0];
	v13 =	vsub.f32 v5, v13;
	v19 =	vmul.f32 v19, v19;
	v23 =	vmul.f32 v14, v14  }
0x264: {  	v17 =	vsub.f32 v41, v17;
	[tilespmem:$0x1FE10] =	vst v0;
	v0 =	vld [tilespmem:$0x1FBF0];
	v14 =	vmul.f32 v20, v20;
	v7 =	vmul.f32 v7, v7  }
0x265: {  	v8 =	vadd.f32 v15, v8;
	v20 =	vld [tilespmem:s28+$0x94F0];
	v18 =	vmul.f32 v18, v18;
	v21 =	vmul.f32 v13, v13  }
0x266: {  	v13 =	vadd.f32 v12, v16;
	v12 =	vmul.f32 v22, v22;
	v16 =	vmul.f32 v17, v17;
	v17 =	vld [tilespmem:s28+$0x8390]  }
0x267: {  	v15 =	vadd.f32 v14, v18;
	v14 =	vadd.f32 v7, v21;
	v18 =	vld [tilespmem:s28+$0x9A90]  }
0x268: {  	v12 =	vadd.f32 v12, v19;
	v9 =	vadd.f32 v16, v23;
	v16 =	vld [tilespmem:s28+$0x7260]  }
0x269: {  	v19 =	vsub.f32 v1, v24;
	v21 =	vsub.f32 v45, v24  }
0x26a: {  	v23 =	vld [tilespmem:s28+$0x8960];
	v22 =	vsub.f32 v2, v20;
	v20 =	vsub.f32 v0, v20  }
0x26b: {  	v19 =	vmul.f32 v19, v19;
	v21 =	vmul.f32 v21, v21;
	v24 =	vsub.f32 v48, v17  }
0x26c: {  	v40 =	vld [tilespmem:s28+$0x7810];
	v17 =	vsub.f32 v56, v17;
	v22 =	vmul.f32 v22, v22;
	v25 =	vsub.f32 v47, v18  }
0x26d: {  	v20 =	vmul.f32 v20, v20;
	v18 =	vsub.f32 v37, v18;
	v26 =	vsub.f32 v6, v16  }
0x26e: {  	v16 =	vsub.f32 v5, v16;
	v24 =	vmul.f32 v24, v24;
	v27 =	vmul.f32 v17, v17  }
0x26f: {  	v28 =	vld [tilespmem:s28+$0x7820];
	v29 =	vsub.f32 v3, v23;
	v23 =	vsub.f32 v4, v23;
	v25 =	vmul.f32 v25, v25  }
0x270: {  	v31 =	vld [tilespmem:s28+$0x7DE0];
	v17 =	vadd.f32 v22, v19;
	v30 =	vmul.f32 v18, v18;
	v22 =	vmul.f32 v26, v26  }
0x271: {  	v33 =	vsub.f32 v38, v40;
	v16 =	vmul.f32 v16, v16;
	v26 =	vld [tilespmem:s28+$0x8F20];
	v23 =	vmul.f32 v23, v23  }
0x272: {  	v21 =	vadd.f32 v20, v21;
	v18 =	vadd.f32 v25, v24;
	v24 =	vmul.f32 v29, v29;
	v25 =	vld [tilespmem:s28+$0x94E0]  }
0x273: {  	v19 =	vadd.f32 v30, v27;
	v27 =	vld [tilespmem:s28+$0x8380];
	v16 =	vadd.f32 v23, v16  }
0x274: {  	v29 =	vld [tilespmem:s28+$0x9A80];
	v23 =	vsub.f32 v38, v28;
	v20 =	vadd.f32 v24, v22  }
0x275: {  	[tilespmem:$0x1FC00] =	vst v48;
	v33 =	vmul.f32 v33, v33;
	v22 =	vsub.f32 v43, v28;
	v24 =	vsub.f32 v1, v31  }
0x276: {  	v7 =	vmovc v5;
	v23 =	vmul.f32 v23, v23;
	v30 =	vsub.f32 v44, v26;
	v26 =	vsub.f32 v41, v26  }
0x277: {  	v5 =	vmovc v1;
	v28 =	vsub.f32 v45, v31;
	v22 =	vmul.f32 v22, v22;
	v24 =	vmul.f32 v24, v24  }
0x278: {  	v1 =	vmovc v41;
	v41 =	vld [tilespmem:s28+$0x8950];
	v31 =	vsub.f32 v2, v25;
	v25 =	vsub.f32 v0, v25;
	v26 =	vmul.f32 v26, v26  }
0x279: {  	[tilespmem:$0x1FEB0] =	vst v42;
	v36 =	vld [tilespmem:s28+$0x7250];
	v30 =	vmul.f32 v30, v30;
	v42 =	vsub.f32 v48, v27;
	v48 =	vsub.f32 v47, v29  }
0x27a: {  	v23 =	vadd.f32 v26, v23;
	v26 =	vmul.f32 v28, v28;
	v28 =	vmul.f32 v25, v25  }
0x27b: {  	v32 =	vld [tilespmem:s28+$0x7DD0];
	v27 =	vsub.f32 v56, v27;
	v29 =	vsub.f32 v37, v29;
	v31 =	vmul.f32 v31, v31  }
0x27c: {  	v22 =	vadd.f32 v30, v22;
	v30 =	vmul.f32 v42, v42;
	v26 =	vadd.f32 v28, v26;
	v28 =	vld [tilespmem:s28+$0x8F10]  }
0x27d: {  	[tilespmem:$0x1FC20] =	vst v56;
	v39 =	vmul.f32 v48, v48;
	v42 =	vsub.f32 v43, v40;
	v56 =	vsub.f32 v3, v41  }
0x27e: {  	v27 =	vmul.f32 v27, v27;
	v24 =	vadd.f32 v31, v24;
	v31 =	vsub.f32 v7, v36  }
0x27f: {  	v29 =	vmul.f32 v29, v29;
	v25 =	vadd.f32 v39, v30;
	v30 =	vsub.f32 v6, v36;
	v36 =	vld [tilespmem:s28+$0x94D0]  }
0x280: {  	v35 =	vsub.f32 v4, v41;
	v48 =	vmovc v38;
	v38 =	vmul.f32 v31, v31;
	v31 =	vsub.f32 v5, v32  }
0x281: {  	v34 =	vmul.f32 v42, v42;
	v30 =	vmul.f32 v30, v30;
	v46 =	vsub.f32 v44, v28  }
0x282: {  	v37 =	vld [tilespmem:s28+$0x7240];
	v40 =	vmul.f32 v31, v31;
	v31 =	vmul.f32 v56, v56;
	v28 =	vsub.f32 v1, v28  }
0x283: {  	v42 =	vadd.f32 v29, v27;
	v27 =	vmul.f32 v35, v35;
	v35 =	vld [tilespmem:s28+$0x8940];
	v29 =	vmul.f32 v46, v46  }
0x284: {  	v56 =	vsub.f32 v2, v36;
	v31 =	vadd.f32 v31, v30;
	v30 =	vmul.f32 v28, v28  }
0x285: {  	v32 =	vsub.f32 v45, v32;
	v29 =	vadd.f32 v29, v34;
	v34 =	vld [tilespmem:s28+$0x7800]  }
0x286: {  	v36 =	vsub.f32 v0, v36;
	v46 =	vmul.f32 v56, v56;
	v30 =	vadd.f32 v30, v33;
	v33 =	vld [tilespmem:s28+$0x8F00]  }
0x287: {  	v28 =	vadd.f32 v27, v38;
	v56 =	vsub.f32 v6, v37  }
0x288: {  	v27 =	vadd.f32 v46, v40;
	v46 =	vsub.f32 v3, v35  }
0x289: {  	v32 =	vmul.f32 v32, v32;
	v37 =	vsub.f32 v7, v37;
	v35 =	vsub.f32 v4, v35;
	v40 =	vld [tilespmem:s28+$0x7DC0]  }
0x28a: {  	v38 =	vmul.f32 v56, v56;
	v39 =	vmul.f32 v46, v46;
	v56 =	vsub.f32 v43, v34;
	v43 =	vld [tilespmem:s28+$0x94C0]  }
0x28b: {  	v36 =	vmul.f32 v36, v36;
	v37 =	vmul.f32 v37, v37;
	v44 =	vsub.f32 v44, v33  }
0x28c: {  	[tilespmem:$0x1FC10] =	vst v47;
	v35 =	vmul.f32 v35, v35;
	v38 =	vadd.f32 v39, v38;
	v34 =	vsub.f32 v48, v34  }
0x28d: {  	v47 =	vmovc v0;
	v0 =	vld [tilespmem:$0x1FC30];
	v33 =	vsub.f32 v1, v33;
	v56 =	vmul.f32 v56, v56;
	v46 =	vmul.f32 v44, v44  }
0x28e: {  	v35 =	vadd.f32 v35, v37;
	v39 =	vld [tilespmem:s28+$0xB1A0];
	v48 =	vsub.f32 v5, v40;
	v34 =	vmul.f32 v34, v34  }
0x28f: {  	v33 =	vmul.f32 v33, v33;
	v37 =	vadd.f32 v46, v56;
	v56 =	vsub.f32 v2, v43  }
0x290: {  	v32 =	vadd.f32 v36, v32;
	v36 =	vld [tilespmem:s28+$0xB1B0]  }
0x291: {  	v6 =	vld [tilespmem:$0x1FC80];
	v33 =	vadd.f32 v33, v34;
	v34 =	vmul.f32 v48, v48;
	v48 =	vmul.f32 v56, v56  }
0x292: {  	v40 =	vsub.f32 v45, v40;
	v45 =	vld [tilespmem:s28+$0xA070]  }
0x293: {  	v1 =	vld [tilespmem:$0x1FC40];
	v34 =	vadd.f32 v48, v34;
	v48 =	vsub.f32 v0, v39  }
0x294: {  	v43 =	vsub.f32 v47, v43;
	v2 =	vld [tilespmem:$0x1FC60]  }
0x295: {  	v56 =	vsub.f32 v0, v36;
	v41 =	vmul.f32 v48, v48;
	v48 =	vld [tilespmem:$0x1FC50]  }
0x296: {  	v5 =	vld [tilespmem:$0x1FC70];
	v40 =	vmul.f32 v40, v40;
	v43 =	vmul.f32 v43, v43  }
0x297: {  	v46 =	vld [tilespmem:s28+$0xA630];
	v56 =	vmul.f32 v56, v56  }
0x298: {  	v44 =	vld [tilespmem:s28+$0xABF0];
	v36 =	vsub.f32 v1, v36;
	v40 =	vadd.f32 v43, v40  }
0x299: {  	v39 =	vsub.f32 v1, v39;
	v4 =	vadd.f32 v56, v10;
	v10 =	vld [tilespmem:$0x1FC90]  }
0x29a: {  	v56 =	vsub.f32 v2, v45;
	v47 =	vsub.f32 v48, v45;
	v45 =	vld [tilespmem:s28+$0xB190]  }
0x29b: {  	v36 =	vmul.f32 v36, v36;
	v39 =	vmul.f32 v39, v39;
	v3 =	vadd.f32 v41, v11;
	v11 =	vld [tilespmem:$0x1FCA0]  }
0x29c: {  	v56 =	vmul.f32 v56, v56;
	v41 =	vmul.f32 v47, v47;
	v47 =	vsub.f32 v5, v46  }
0x29d: {  	v8 =	vadd.f32 v36, v8;
	v13 =	vadd.f32 v39, v13;
	v39 =	vld [tilespmem:s28+$0xA060]  }
0x29e: {  	v36 =	vsub.f32 v6, v46;
	v14 =	vadd.f32 v56, v14;
	v56 =	vmul.f32 v47, v47  }
0x29f: {  	v43 =	vsub.f32 v10, v44;
	v46 =	vsub.f32 v0, v45  }
0x2a0: {  	v12 =	vadd.f32 v56, v12;
	v56 =	vsub.f32 v11, v44;
	v44 =	vld [tilespmem:s28+$0xA620]  }
0x2a1: {  	v36 =	vmul.f32 v36, v36;
	v45 =	vsub.f32 v1, v45;
	v46 =	vmul.f32 v46, v46  }
0x2a2: {  	v15 =	vadd.f32 v41, v15;
	v47 =	vld [tilespmem:s28+$0xABE0];
	v41 =	vsub.f32 v48, v39;
	v56 =	vmul.f32 v56, v56  }
0x2a3: {  	v7 =	vadd.f32 v36, v9;
	v9 =	vmovc v48;
	v48 =	vld [tilespmem:s28+$0xB180];
	v18 =	vadd.f32 v46, v18;
	v46 =	vmul.f32 v45, v45  }
0x2a4: {  	v45 =	vmul.f32 v41, v41;
	v21 =	vadd.f32 v56, v21;
	v56 =	vsub.f32 v2, v39  }
0x2a5: {  	v43 =	vmul.f32 v43, v43;
	v19 =	vadd.f32 v46, v19;
	v46 =	vsub.f32 v5, v44  }
0x2a6: {  	v20 =	vadd.f32 v45, v20;
	v39 =	vsub.f32 v6, v44;
	v45 =	vld [tilespmem:s28+$0xA050];
	v36 =	vmul.f32 v56, v56  }
0x2a7: {  	v17 =	vadd.f32 v43, v17;
	v43 =	vsub.f32 v10, v47;
	v41 =	vmul.f32 v46, v46  }
0x2a8: {  	v56 =	vsub.f32 v0, v48;
	v39 =	vmul.f32 v39, v39;
	v46 =	vld [tilespmem:s28+$0xA610];
	v16 =	vadd.f32 v36, v16  }
0x2a9: {  	v36 =	vsub.f32 v11, v47;
	v22 =	vadd.f32 v41, v22;
	v41 =	vmul.f32 v43, v43  }
0x2aa: {  	v44 =	vld [tilespmem:s28+$0xABD0];
	v43 =	vmul.f32 v56, v56;
	v23 =	vadd.f32 v39, v23;
	v56 =	vsub.f32 v1, v48  }
0x2ab: {  	v47 =	vld [tilespmem:s28+$0xA600];
	v36 =	vmul.f32 v36, v36;
	v39 =	vsub.f32 v9, v45;
	v24 =	vadd.f32 v41, v24  }
0x2ac: {  	v25 =	vadd.f32 v43, v25;
	v41 =	vld [tilespmem:s28+$0xA040];
	v48 =	vmul.f32 v56, v56;
	v43 =	vsub.f32 v2, v45  }
0x2ad: {  	v26 =	vadd.f32 v36, v26;
	v56 =	vsub.f32 v5, v46;
	v39 =	vmul.f32 v39, v39  }
0x2ae: {  	v36 =	vadd.f32 v48, v42;
	v48 =	vsub.f32 v6, v46;
	v43 =	vmul.f32 v43, v43  }
0x2af: {  	v46 =	vsub.f32 v10, v44;
	v45 =	vmul.f32 v56, v56;
	v31 =	vadd.f32 v39, v31  }
0x2b0: {  	v0 =	vld [tilespmem:$0x1FD00];
	v39 =	vmul.f32 v48, v48;
	v28 =	vadd.f32 v43, v28;
	v48 =	vsub.f32 v6, v47  }
0x2b1: {  	v42 =	vld [tilespmem:s28+$0xABC0];
	v43 =	vmul.f32 v46, v46;
	v56 =	vsub.f32 v9, v41;
	v41 =	vsub.f32 v2, v41  }
0x2b2: {  	v1 =	vld [tilespmem:$0x1FCB0];
	v30 =	vadd.f32 v39, v30;
	v39 =	vsub.f32 v11, v44  }
0x2b3: {  	v27 =	vadd.f32 v43, v27;
	v43 =	vld [tilespmem:s28+$0xC8B0];
	v48 =	vmul.f32 v48, v48;
	v56 =	vmul.f32 v56, v56  }
0x2b4: {  	v46 =	vld [tilespmem:s28+$0xC8A0];
	v29 =	vadd.f32 v45, v29;
	v44 =	vsub.f32 v5, v47;
	v41 =	vmul.f32 v41, v41  }
0x2b5: {  	v6 =	vld [tilespmem:$0x1FCE0];
	v39 =	vmul.f32 v39, v39;
	v33 =	vadd.f32 v48, v33;
	v38 =	vadd.f32 v56, v38  }
0x2b6: {  	v45 =	vld [tilespmem:s28+$0xB770];
	v56 =	vsub.f32 v10, v42;
	v35 =	vadd.f32 v41, v35  }
0x2b7: {  	v5 =	vld [tilespmem:$0x1FCC0];
	v32 =	vadd.f32 v39, v32;
	v39 =	vsub.f32 v11, v42  }
0x2b8: {  	v2 =	vld [tilespmem:$0x1FCD0];
	v42 =	vmul.f32 v44, v44;
	v56 =	vmul.f32 v56, v56;
	v47 =	vsub.f32 v52, v43  }
0x2b9: {  	v41 =	vld [tilespmem:s28+$0xBD30];
	v44 =	vsub.f32 v1, v46;
	v43 =	vsub.f32 v1, v43;
	v39 =	vmul.f32 v39, v39  }
0x2ba: {  	v9 =	vld [tilespmem:$0x1FCF0];
	v34 =	vadd.f32 v56, v34;
	v48 =	vmul.f32 v47, v47;
	v56 =	vsub.f32 v52, v46  }
0x2bb: {  	v37 =	vadd.f32 v42, v37;
	v42 =	vld [tilespmem:s28+$0xC2F0];
	v44 =	vmul.f32 v44, v44;
	v39 =	vadd.f32 v39, v40  }
0x2bc: {  	v47 =	vld [tilespmem:s28+$0xC890];
	v4 =	vadd.f32 v48, v4;
	v48 =	vmul.f32 v56, v56;
	v56 =	vsub.f32 v5, v45  }
0x2bd: {  	v10 =	vld [tilespmem:$0x1FD10];
	v43 =	vmul.f32 v43, v43;
	v13 =	vadd.f32 v44, v13;
	v45 =	vsub.f32 v2, v45  }
0x2be: {  	v3 =	vadd.f32 v48, v3;
	v40 =	vmul.f32 v56, v56;
	v48 =	vsub.f32 v6, v41  }
0x2bf: {  	v44 =	vld [tilespmem:s28+$0xB760];
	v8 =	vadd.f32 v43, v8;
	v56 =	vmul.f32 v45, v45;
	v45 =	vsub.f32 v9, v41  }
0x2c0: {  	v15 =	vadd.f32 v40, v15;
	v46 =	vmul.f32 v48, v48;
	v48 =	vsub.f32 v0, v42  }
0x2c1: {  	v41 =	vld [tilespmem:s28+$0xC2E0];
	v14 =	vadd.f32 v56, v14;
	v40 =	vmul.f32 v45, v45;
	v56 =	vsub.f32 v52, v47  }
0x2c2: {  	v42 =	vsub.f32 v10, v42;
	v45 =	vsub.f32 v1, v47;
	v43 =	vmul.f32 v48, v48  }
0x2c3: {  	v12 =	vadd.f32 v46, v12;
	v46 =	vld [tilespmem:s28+$0xBD20];
	v7 =	vadd.f32 v40, v7;
	v48 =	vmul.f32 v56, v56  }
0x2c4: {  	v56 =	vsub.f32 v5, v44;
	v17 =	vadd.f32 v43, v17  }
0x2c5: {  	v43 =	vmul.f32 v45, v45;
	v18 =	vadd.f32 v48, v18;
	v48 =	vsub.f32 v2, v44  }
0x2c6: {  	v42 =	vmul.f32 v42, v42;
	v45 =	vld [tilespmem:s28+$0xC880];
	v56 =	vmul.f32 v56, v56;
	v44 =	vsub.f32 v0, v41  }
0x2c7: {  	v41 =	vsub.f32 v10, v41;
	v19 =	vadd.f32 v43, v19;
	v40 =	vmul.f32 v48, v48  }
0x2c8: {  	v44 =	vmul.f32 v44, v44;
	v48 =	vsub.f32 v6, v46;
	v43 =	vsub.f32 v9, v46;
	v46 =	vld [tilespmem:s28+$0xB750]  }
0x2c9: {  	v21 =	vadd.f32 v42, v21;
	v20 =	vadd.f32 v56, v20;
	v41 =	vmul.f32 v41, v41  }
0x2ca: {  	v47 =	vld [tilespmem:s28+$0xBD10];
	v16 =	vadd.f32 v40, v16;
	v24 =	vadd.f32 v44, v24;
	v56 =	vmul.f32 v48, v48  }
0x2cb: {  	v26 =	vadd.f32 v41, v26;
	v48 =	vsub.f32 v52, v45;
	v43 =	vmul.f32 v43, v43  }
0x2cc: {  	[tilespmem:$0x1FD20] =	vst v52;
	v52 =	vsub.f32 v1, v45;
	v45 =	vld [tilespmem:s28+$0xC2D0];
	v22 =	vadd.f32 v56, v22  }
0x2cd: {  	v23 =	vadd.f32 v43, v23;
	v43 =	vld [tilespmem:s28+$0xB740];
	v56 =	vsub.f32 v5, v46  }
0x2ce: {  	v42 =	vmul.f32 v48, v48;
	v40 =	vmul.f32 v52, v52;
	v48 =	vsub.f32 v2, v46  }
0x2cf: {  	v44 =	vsub.f32 v9, v47;
	v52 =	vmul.f32 v56, v56;
	v56 =	vsub.f32 v6, v47  }
0x2d0: {  	v25 =	vadd.f32 v42, v25;
	v36 =	vadd.f32 v40, v36;
	v42 =	vld [tilespmem:s28+$0xBD00];
	v41 =	vmul.f32 v48, v48  }
0x2d1: {  	v48 =	vsub.f32 v0, v45;
	v31 =	vadd.f32 v52, v31;
	v52 =	vmul.f32 v56, v56  }
0x2d2: {  	v46 =	vld [tilespmem:s28+$0xC2C0];
	v56 =	vsub.f32 v5, v43;
	v28 =	vadd.f32 v41, v28;
	v41 =	vmul.f32 v44, v44  }
0x2d3: {  	v48 =	vmul.f32 v48, v48;
	v43 =	vsub.f32 v2, v43;
	v29 =	vadd.f32 v52, v29  }
0x2d4: {  	v52 =	vsub.f32 v10, v45;
	v56 =	vmul.f32 v56, v56;
	v30 =	vadd.f32 v41, v30  }
0x2d5: {  	v27 =	vadd.f32 v48, v27;
	v41 =	vld [tilespmem:s28+$0xDFB0];
	v48 =	vsub.f32 v6, v42  }
0x2d6: {  	v42 =	vsub.f32 v9, v42;
	v45 =	vld [tilespmem:s28+$0xDFA0];
	v38 =	vadd.f32 v56, v38;
	v40 =	vmul.f32 v52, v52  }
0x2d7: {  	v52 =	vmul.f32 v43, v43;
	v56 =	vsub.f32 v0, v46;
	v44 =	vmul.f32 v48, v48  }
0x2d8: {  	v47 =	vld [tilespmem:s28+$0xCE70];
	v46 =	vsub.f32 v10, v46;
	v42 =	vmul.f32 v42, v42;
	v32 =	vadd.f32 v40, v32  }
0x2d9: {  	v35 =	vadd.f32 v52, v35;
	v48 =	vmul.f32 v56, v56;
	v37 =	vadd.f32 v44, v37  }
0x2da: {  	v33 =	vadd.f32 v42, v33;
	v44 =	vld [tilespmem:s28+$0xD430];
	v52 =	vsub.f32 v50, v41  }
0x2db: {  	v56 =	vmul.f32 v46, v46;
	v34 =	vadd.f32 v48, v34;
	v48 =	vsub.f32 v50, v45  }
0x2dc: {  	v41 =	vsub.f32 v49, v41;
	v40 =	vsub.f32 v49, v45;
	v46 =	vmul.f32 v52, v52  }
0x2dd: {  	v39 =	vadd.f32 v56, v39;
	v56 =	vsub.f32 v51, v47;
	v52 =	vmul.f32 v48, v48  }
0x2de: {  	v41 =	vmul.f32 v41, v41;
	v48 =	vsub.f32 v54, v47;
	v4 =	vadd.f32 v46, v4;
	v46 =	vld [tilespmem:s28+$0xD9F0]  }
0x2df: {  	v40 =	vmul.f32 v40, v40;
	v47 =	vld [tilespmem:s28+$0xDF90];
	v3 =	vadd.f32 v52, v3;
	v52 =	vsub.f32 v53, v44  }
0x2e0: {  	v41 =	vadd.f32 v41, v8;
	v8 =	vmul.f32 v56, v56;
	v56 =	vmul.f32 v48, v48  }
0x2e1: {  	v13 =	vadd.f32 v40, v13;
	v48 =	vsub.f32 v63, v44;
	v44 =	vld [tilespmem:s28+$0xCE60];
	v42 =	vmul.f32 v52, v52  }
0x2e2: {  	v15 =	vadd.f32 v8, v15;
	v14 =	vadd.f32 v56, v14  }
0x2e3: {  	v8 =	vmul.f32 v48, v48;
	v42 =	vadd.f32 v42, v12;
	v12 =	vsub.f32 v61, v46  }
0x2e4: {  	v45 =	vld [tilespmem:s28+$0xD420];
	v56 =	vsub.f32 v50, v47;
	v52 =	vsub.f32 v60, v46  }
0x2e5: {  	v46 =	vadd.f32 v8, v7;
	v7 =	vsub.f32 v49, v47;
	v8 =	vmul.f32 v12, v12  }
0x2e6: {  	v43 =	vld [tilespmem:s28+$0xD9E0];
	v48 =	vmul.f32 v56, v56;
	v12 =	vmul.f32 v52, v52;
	v52 =	vsub.f32 v51, v44  }
0x2e7: {  	v56 =	vld [tilespmem:s28+$0xDF80];
	v7 =	vmul.f32 v7, v7;
	v17 =	vadd.f32 v8, v17;
	v8 =	vsub.f32 v54, v44  }
0x2e8: {  	v40 =	vadd.f32 v48, v18;
	v48 =	vadd.f32 v12, v21;
	v12 =	vmul.f32 v52, v52  }
0x2e9: {  	v47 =	vadd.f32 v7, v19;
	v7 =	vmul.f32 v8, v8;
	v8 =	vsub.f32 v53, v45  }
0x2ea: {  	v18 =	vld [tilespmem:s28+$0xCE50];
	v20 =	vadd.f32 v12, v20;
	v12 =	vsub.f32 v63, v45  }
0x2eb: {  	v45 =	vadd.f32 v7, v16;
	v7 =	vmul.f32 v8, v8;
	v8 =	vsub.f32 v61, v43  }
0x2ec: {  	v19 =	vsub.f32 v50, v56;
	v16 =	vsub.f32 v60, v43;
	v12 =	vmul.f32 v12, v12  }
0x2ed: {  	v21 =	vld [tilespmem:s28+$0xD410];
	v43 =	vadd.f32 v7, v22;
	v7 =	vsub.f32 v49, v56;
	v8 =	vmul.f32 v8, v8  }
0x2ee: {  	v23 =	vadd.f32 v12, v23;
	v12 =	vmul.f32 v16, v16;
	v16 =	vmul.f32 v19, v19;
	v19 =	vld [tilespmem:s28+$0xD9D0]  }
0x2ef: {  	[tilespmem:$0x1FD30] =	vst v50;
	v44 =	vadd.f32 v8, v24;
	v7 =	vmul.f32 v7, v7;
	v8 =	vsub.f32 v51, v18;
	v24 =	vld [tilespmem:s28+$0xCE40]  }
0x2f0: {  	[tilespmem:$0x1FD40] =	vst v49;
	v49 =	vadd.f32 v16, v25;
	v50 =	vadd.f32 v12, v26  }
0x2f1: {  	v22 =	vadd.f32 v7, v36;
	v7 =	vsub.f32 v54, v18;
	v8 =	vmul.f32 v8, v8  }
0x2f2: {  	v12 =	vsub.f32 v53, v21;
	v16 =	vsub.f32 v63, v21  }
0x2f3: {  	v18 =	vld [tilespmem:s28+$0xD400];
	v36 =	vadd.f32 v8, v31;
	v7 =	vmul.f32 v7, v7;
	v8 =	vsub.f32 v61, v19  }
0x2f4: {  	v12 =	vmul.f32 v12, v12;
	v16 =	vmul.f32 v16, v16;
	v21 =	vsub.f32 v51, v24  }
0x2f5: {  	[tilespmem:$0x1FD50] =	vst v51;
	v51 =	vadd.f32 v7, v28;
	v7 =	vsub.f32 v60, v19;
	v8 =	vmul.f32 v8, v8;
	v19 =	vld [tilespmem:s28+$0xD9C0]  }
0x2f6: {  	v52 =	vadd.f32 v12, v29;
	v30 =	vadd.f32 v16, v30;
	v16 =	vld [tilespmem:s28+$0xF6B0];
	v12 =	vmul.f32 v21, v21  }
0x2f7: {  	v29 =	vadd.f32 v8, v27;
	v8 =	vsub.f32 v54, v24;
	v7 =	vmul.f32 v7, v7  }
0x2f8: {  	v21 =	vld [tilespmem:s28+$0xF6A0];
	v24 =	vadd.f32 v12, v38;
	v12 =	vsub.f32 v53, v18  }
0x2f9: {  	v31 =	vadd.f32 v7, v32;
	v7 =	vsub.f32 v63, v18;
	v8 =	vmul.f32 v8, v8  }
0x2fa: {  	v18 =	vsub.f32 v61, v19;
	v12 =	vmul.f32 v12, v12  }
0x2fb: {  	v32 =	vadd.f32 v8, v35;
	v7 =	vmul.f32 v7, v7;
	v8 =	vsub.f32 v62, v16  }
0x2fc: {  	v35 =	vadd.f32 v12, v37;
	v12 =	vmul.f32 v18, v18  }
0x2fd: {  	v0 =	vld [tilespmem:$0x1FDB0];
	v18 =	vadd.f32 v7, v33;
	v7 =	vmul.f32 v8, v8;
	v8 =	vsub.f32 v62, v21;
	_ =	sdelay $0x1  }
0x2fe: {  	v7 =	vadd.f32 v7, v4;
	v4 =	vsub.f32 v59, v16;
	v8 =	vmul.f32 v8, v8;
	_ =	sdelay $0x1  }
0x2ff: {  	v1 =	vld [tilespmem:$0x1FDF0];
	v8 =	vadd.f32 v8, v3;
	v3 =	vmul.f32 v4, v4;
	v4 =	vimm.f32 $3.000000010e+38  }
0x300: {  	v25 =	vld [tilespmem:s28+$0xE570];
	vm1 =	vlt.f32 v0, v4  }
0x301: {  	v9 =	vsel vm1, v0, v4;
	v0 =	vld [tilespmem:$0x1FDC0]  }
0x302: {  	v2 =	vld [tilespmem:$0x1FDE0]  }
0x303: {  	v5 =	vld [tilespmem:$0x1FE00]  }
0x304: {  	v16 =	vsub.f32 v59, v21;
	v21 =	vld [tilespmem:s28+$0xEB30]  }
0x305: {  	[tilespmem:$0x1FD70] =	vst v53;
	v53 =	vld [tilespmem:$0x1FF40]  }
0x306: {  	v26 =	vsub.f32 v57, v25;
	v27 =	vld [tilespmem:s28+$0xF0F0];
	vm3 =	vlt.f32 v0, v4  }
0x307: {  	v16 =	vmul.f32 v16, v16;
	v3 =	vadd.f32 v3, v41;
	v41 =	vsel vm3, v0, v4;
	v0 =	vld [tilespmem:$0x1FDD0]  }
0x308: {  	v56 =	vld [tilespmem:$0x1FF60];
	v26 =	vmul.f32 v26, v26  }
0x309: {  	vm2 =	vlt.f32 v2, v9;
	v4 =	vadd.f32 v16, v13;
	v13 =	vsub.f32 v1, v21  }
0x30a: {  	v28 =	vld [tilespmem:s28+$0xF690];
	v12 =	vadd.f32 v12, v34;
	v34 =	vsel vm2, v2, v9;
	v9 =	vsub.f32 v53, v21  }
0x30b: {  	v16 =	vadd.f32 v26, v15;
	v13 =	vmul.f32 v13, v13  }
0x30c: {  	v9 =	vmul.f32 v9, v9;
	v26 =	vsub.f32 v5, v27;
	v11 =	vsub.f32 v0, v25;
	v25 =	vld [tilespmem:s28+$0xE560]  }
0x30d: {  	v10 =	vsub.f32 v56, v27;
	v27 =	vld [tilespmem:s28+$0xEB20];
	v21 =	vadd.f32 v13, v42  }
0x30e: {  	v13 =	vadd.f32 v9, v46;
	v9 =	vmul.f32 v26, v26;
	v11 =	vmul.f32 v11, v11  }
0x30f: {  	v10 =	vmul.f32 v10, v10;
	v15 =	vsub.f32 v62, v28  }
0x310: {  	[tilespmem:$0x1FD90] =	vst v61;
	v61 =	vld [tilespmem:s28+$0xF0E0];
	v6 =	vadd.f32 v9, v48;
	v11 =	vadd.f32 v11, v14  }
0x311: {  	v2 =	vld [tilespmem:$0x1FE10];
	v14 =	vadd.f32 v10, v17;
	v9 =	vsub.f32 v57, v25  }
0x312: {  	v46 =	vmov v1;
	v17 =	vsub.f32 v0, v25;
	v25 =	vsub.f32 v1, v27;
	v1 =	vld [tilespmem:$0x1FE20]  }
0x313: {  	v19 =	vsub.f32 v60, v19  }
0x314: {  	v15 =	vmul.f32 v15, v15;
	v42 =	vld [tilespmem:s28+$0xF680]  }
0x315: {  	v19 =	vmul.f32 v19, v19  }
0x316: {  	vm4 =	vlt.f32 v2, v41;
	v10 =	vadd.f32 v15, v40;
	v15 =	vsub.f32 v59, v28  }
0x317: {  	[tilespmem:$0x1FD60] =	vst v54;
	v54 =	vsub.f32 v56, v61;
	v28 =	vsel vm4, v2, v41;
	vm5 =	vlt.f32 v1, v34  }
0x318: {  	[tilespmem:$0x1FD80] =	vst v63;
	v2 =	vsub.f32 v5, v61;
	v15 =	vmul.f32 v15, v15;
	v34 =	vsel vm5, v1, v34;
	v1 =	vld [tilespmem:$0x1FE30]  }
0x319: {  	v63 =	vmovc v5;
	v26 =	vsub.f32 v53, v27;
	v5 =	vsub.f32 v59, v42;
	v27 =	vmul.f32 v9, v9  }
0x31a: {  	v38 =	vld [tilespmem:s28+$0x107E0];
	v2 =	vmul.f32 v2, v2;
	v9 =	vadd.f32 v15, v47;
	v15 =	vmul.f32 v17, v17  }
0x31b: {  	v48 =	vmovc v56;
	v56 =	vld [tilespmem:s28+$0xE550];
	v17 =	vmul.f32 v25, v25;
	v25 =	vadd.f32 v27, v20;
	v20 =	vmul.f32 v26, v26  }
0x31c: {  	v19 =	vadd.f32 v19, v39;
	v47 =	vld [tilespmem:s28+$0xF0D0];
	v27 =	vmul.f32 v54, v54;
	v54 =	vmul.f32 v5, v5  }
0x31d: {  	v15 =	vadd.f32 v15, v45;
	v26 =	vadd.f32 v17, v43;
	v45 =	vld [tilespmem:s28+$0xEB10];
	vm6 =	vlt.f32 v1, v28  }
0x31e: {  	v17 =	vadd.f32 v20, v23;
	v20 =	vsub.f32 v62, v42;
	v37 =	vsel vm6, v1, v28;
	v1 =	vld [tilespmem:$0x1FE60]  }
0x31f: {  	v61 =	vld [tilespmem:s28+$0xE540];
	v5 =	vadd.f32 v2, v50;
	v23 =	vadd.f32 v27, v44  }
0x320: {  	v39 =	vld [tilespmem:s28+$0x107F0];
	v27 =	vsub.f32 v57, v56;
	v2 =	vadd.f32 v54, v22;
	v20 =	vmul.f32 v20, v20  }
0x321: {  	[tilespmem:$0x1FDA0] =	vst v60;
	v50 =	vld [tilespmem:s28+$0xFC70];
	v33 =	vsub.f32 v63, v47;
	v28 =	vsub.f32 v0, v56  }
0x322: {  	v43 =	vmovc v57;
	v57 =	vld [tilespmem:s28+$0xEB00];
	v27 =	vmul.f32 v27, v27;
	v60 =	vsub.f32 v46, v45;
	v20 =	vadd.f32 v20, v49  }
0x323: {  	[tilespmem:$0x1FE40] =	vst v62;
	v42 =	vld [tilespmem:s28+$0xFC50];
	v44 =	vsub.f32 v53, v45;
	v62 =	vmul.f32 v28, v28;
	vm7 =	vlt.f32 v1, v34  }
0x324: {  	[tilespmem:$0x1FE50] =	vst v59;
	v59 =	vsel vm7, v1, v34;
	v1 =	vsub.f32 v48, v47;
	v48 =	vsub.f32 v0, v61;
	v0 =	vld [tilespmem:$0x1FE80]  }
0x325: {  	v28 =	vadd.f32 v27, v36;
	v27 =	vmul.f32 v60, v60;
	v22 =	vadd.f32 v62, v51;
	v62 =	vld [tilespmem:s28+$0x10230]  }
0x326: {  	v33 =	vmul.f32 v33, v33;
	v45 =	vmul.f32 v44, v44;
	v51 =	vld [tilespmem:$0x1FEB0];
	v47 =	vsub.f32 v43, v61  }
0x327: {  	[tilespmem:$0x1FE70] =	vst v43;
	v27 =	vadd.f32 v27, v52;
	v61 =	vsub.f32 v46, v57;
	v43 =	vld [tilespmem:$0x1FE90];
	v49 =	vmul.f32 v1, v1  }
0x328: {  	v1 =	vadd.f32 v45, v30;
	v30 =	vmul.f32 v47, v47;
	v56 =	vmul.f32 v48, v48;
	v45 =	vld [tilespmem:s28+$0x10210]  }
0x329: {  	v60 =	vmul.f32 v61, v61;
	v29 =	vadd.f32 v49, v29;
	v49 =	vld [tilespmem:$0x1FEA0];
	vm8 =	vlt.f32 v0, v37  }
0x32a: {  	v30 =	vadd.f32 v30, v24;
	v52 =	vsel vm8, v0, v37;
	v0 =	vadd.f32 v56, v32;
	v32 =	vld [tilespmem:s28+$0x10220]  }
0x32b: {  	v24 =	vadd.f32 v33, v31;
	v31 =	vadd.f32 v60, v35;
	v60 =	vld [tilespmem:$0x1FEC0]  }
0x32c: {  	v44 =	vmov v55;
	v55 =	vsub.f32 v55, v50;
	v47 =	vld [tilespmem:s28+$0x107D0];
	v34 =	vsub.f32 v51, v39  }
0x32d: {  	v33 =	vld [tilespmem:s28+$0xFC60];
	v35 =	vsub.f32 v58, v50;
	v50 =	vsub.f32 v51, v38  }
0x32e: {  	v40 =	vsub.f32 v43, v62;
	v56 =	vsub.f32 v49, v62  }
0x32f: {  	v48 =	vsub.f32 v43, v32;
	v53 =	vsub.f32 v49, v32;
	v32 =	vmov v49;
	v49 =	vld [tilespmem:s28+$0xFC40]  }
0x330: {  	s29 =	simm.s32 $0x0;
	v61 =	vimm.s32 $0x0;
	v54 =	vsub.f32 v60, v39;
	v62 =	vsub.f32 v43, v45  }
0x331: {  	s30 =	simm.s32 $0x1;
	v37 =	vsel vm1, s29, v61;
	v39 =	vmovc v51;
	v46 =	vsub.f32 v60, v38;
	v38 =	vmovc v60;
	v51 =	vld [tilespmem:s28+$0x10200];
	v60 =	vsub.f32 v58, v42  }
0x332: {  	s31 =	simm.s32 $0x2;
	v37 =	vsel vm2, s30, v37;
	v36 =	vsub.f32 v58, v33;
	[tilespmem:$0x1FEE0] =	vst v62;
	v62 =	vsub.f32 v39, v47  }
0x333: {  	v37 =	vsel vm5, s31, v37;
	[tilespmem:$0x1FED0] =	vst v60;
	v60 =	vsub.f32 v32, v45;
	v45 =	vsub.f32 v38, v47  }
0x334: {  	s21 =	simm.s32 $0x3;
	[tilespmem:$0x1FEF0] =	vst v58;
	v58 =	vsub.f32 v58, v49;
	v47 =	vsub.f32 v44, v49;
	v49 =	vmul.f32 v40, v40  }
0x335: {  	v41 =	vsel vm3, s29, v61;
	v61 =	vsub.f32 v44, v42;
	v42 =	vsel vm7, s21, v37;
	v37 =	vld [tilespmem:s28+$0xF0C0]  }
0x336: {  	v35 =	vmul.f32 v35, v35;
	[tilespmem:$0x1FF20] =	vst v49;
	v49 =	vsub.f32 v43, v51;
	v43 =	vld [tilespmem:$0x1FF40]  }
0x337: {  	[tilespmem:$0x1FF00] =	vst v44;
	v41 =	vsel vm4, s30, v41;
	v33 =	vsub.f32 v44, v33;
	v44 =	vmul.f32 v48, v48;
	v48 =	vld [tilespmem:$0x1FF60]  }
0x338: {  	v55 =	vmul.f32 v55, v55;
	v41 =	vsel vm6, s31, v41;
	[tilespmem:$0x1FF10] =	vst v35;
	v35 =	vld [tilespmem:s28+$0x107C0]  }
0x339: {  	v41 =	vsel vm8, s21, v41;
	v50 =	vmul.f32 v50, v50;
	v54 =	vmul.f32 v54, v54  }
0x33a: {  	v40 =	vsub.f32 v32, v51;
	v51 =	vmul.f32 v56, v56;
	v56 =	vmul.f32 v34, v34  }
0x33b: {  	v46 =	vmul.f32 v46, v46;
	v63 =	vsub.f32 v63, v37;
	v34 =	vsub.f32 v43, v57  }
0x33c: {  	[tilespmem:$0x1FF30] =	vst v56;
	v56 =	vmul.f32 v33, v33;
	v33 =	vsub.f32 v48, v37;
	v48 =	vmul.f32 v53, v53  }
0x33d: {  	[tilespmem:$0x1FF50] =	vst v44;
	v44 =	vsub.f32 v39, v35;
	v57 =	vmul.f32 v36, v36;
	v32 =	vmul.f32 v34, v34  }
0x33e: {  	s22 =	simm.s32 $0x200;
	s20 =	sshll.u32 s18, $0x1;
	v43 =	vsub.f32 v38, v35;
	v34 =	vmul.f32 v33, v33;
	v33 =	vmul.f32 v63, v63  }
.LBB2_7:
0x33f: {  	v53 =	vld [tilespmem:$0x1FF10]  }
0x340: {  	v35 =	vld [tilespmem:$0x1FF20];
	v18 =	vadd.f32 v32, v18;
	v12 =	vadd.f32 v34, v12  }
0x341: {  	v36 =	vld [tilespmem:$0x1FF30];
	v19 =	vadd.f32 v33, v19;
	v11 =	vadd.f32 v55, v11  }
0x342: {  	v38 =	vld [tilespmem:$0x1FF50];
	v33 =	vmul.f32 v61, v61;
	v13 =	vadd.f32 v51, v13;
	v25 =	vadd.f32 v57, v25  }
0x343: {  	v63 =	vmul.f32 v60, v60;
	v6 =	vadd.f32 v54, v6;
	v15 =	vadd.f32 v56, v15  }
0x344: {  	v37 =	vmul.f32 v45, v45;
	v17 =	vadd.f32 v48, v17;
	v23 =	vadd.f32 v50, v23  }
0x345: {  	v54 =	vmul.f32 v58, v58;
	v5 =	vadd.f32 v46, v5;
	v16 =	vadd.f32 v53, v16  }
0x346: {  	v39 =	vld [tilespmem:$0x1FED0];
	v55 =	vmul.f32 v49, v49;
	v21 =	vadd.f32 v35, v21;
	v14 =	vadd.f32 v36, v14  }
0x347: {  	v56 =	vmul.f32 v40, v40;
	v26 =	vadd.f32 v38, v26;
	v22 =	vadd.f32 v33, v22  }
0x348: {  	v57 =	vmul.f32 v44, v44;
	v1 =	vadd.f32 v63, v1;
	v30 =	vadd.f32 v54, v30  }
0x349: {  	v58 =	vmul.f32 v43, v43;
	v24 =	vadd.f32 v37, v24;
	v31 =	vadd.f32 v55, v31  }
0x34a: {  	v18 =	vadd.f32 v56, v18;
	v12 =	vadd.f32 v57, v12  }
0x34b: {  	v32 =	vmul.f32 v39, v39;
	v19 =	vadd.f32 v58, v19;
	v11 =	vadd.f32 v13, v11  }
0x34c: {  	v53 =	vmul.f32 v62, v62;
	v3 =	vadd.f32 v6, v3;
	v6 =	vadd.f32 v23, v8  }
0x34d: {  	v39 =	vmul.f32 v47, v47;
	v8 =	vadd.f32 v17, v15;
	v4 =	vadd.f32 v5, v4  }
0x34e: {  	v61 =	vld [tilespmem:$0x1FEE0];
	v28 =	vadd.f32 v32, v28;
	v29 =	vadd.f32 v53, v29  }
0x34f: {  	v0 =	vadd.f32 v39, v0;
	v16 =	vadd.f32 v21, v16  }
0x350: {  	v7 =	vadd.f32 v14, v7;
	v13 =	vadd.f32 v26, v25  }
0x351: {  	v1 =	vadd.f32 v1, v22;
	v9 =	vadd.f32 v24, v9  }
0x352: {  	v12 =	vadd.f32 v12, v20;
	v2 =	vadd.f32 v19, v2  }
0x353: {  	v3 =	vadd.f32 v3, v11;
	v34 =	vmul.f32 v61, v61;
	v5 =	vadd.f32 v29, v10  }
0x354: {  	v10 =	vadd.f32 v31, v30;
	v0 =	vadd.f32 v18, v0  }
0x355: {  	v4 =	vadd.f32 v4, v8;
	v27 =	vadd.f32 v34, v27  }
0x356: {  	v10 =	vadd.f32 v12, v10;
	v0 =	vadd.f32 v2, v0  }
0x357: {  	s21 =	sadd.s32 $0x4, s21;
	v15 =	vld [tilespmem:$0x1FE50];
	v6 =	vadd.f32 v6, v13;
	v14 =	vadd.f32 v27, v28  }
0x358: {  	s24 =	sadd.s32 $0xFFFFFFFD, s21;
	v25 =	vld [tilespmem:$0x1FF60];
	v1 =	vadd.f32 v9, v1;
	vm1 =	vlt.f32 v10, v59;
	vm2 =	vlt.f32 v0, v52  }
0x359: {  	v29 =	vld [tilespmem:$0x1FEA0];
	v0 =	vsel vm2, v0, v52;
	v8 =	vsel vm2, s24, v41;
	v2 =	vadd.f32 v5, v14  }
0x35a: {  	s30 =	sadd.s32 $0xFFFFFFFE, s21;
	v30 =	vld [tilespmem:$0x1FEC0];
	v9 =	vsel vm1, s24, v42;
	v5 =	vsel vm1, v10, v59;
	vm2 =	vlt.f32 v1, v0  }
0x35b: {  	s23 =	sshra.s32 s22, $0x2;
	v28 =	vld [tilespmem:$0x1FE90];
	v0 =	vsel vm2, v1, v0;
	v1 =	vsel vm2, s30, v8;
	vm1 =	vlt.f32 v2, v5  }
0x35c: {  	vm2 =	vlt.f32 v4, v0;
	v2 =	vsel vm1, v2, v5;
	v8 =	vsel vm1, s30, v9;
	v9 =	vld [tilespmem:s23+$0x10230]  }
0x35d: {  	s31 =	sadd.s32 $0xFFFFFFFF, s21;
	v7 =	vadd.f32 v7, v16;
	v27 =	vld [tilespmem:$0x1FF00];
	v0 =	vsel vm2, v4, v0;
	vm1 =	vlt.f32 v6, v2  }
0x35e: {  	v5 =	vld [tilespmem:s23+$0xFC70];
	v1 =	vsel vm2, s31, v1;
	vm2 =	vlt.f32 v3, v0;
	v2 =	vsel vm1, v6, v2  }
0x35f: {  	v4 =	vld [tilespmem:s23+$0x107F0];
	v6 =	vsel vm1, s31, v8;
	v0 =	vsel vm2, v3, v0;
	vm1 =	vlt.f32 v7, v2  }
0x360: {  	[tilespmem:$0x1F200] =	vst v0;
	v0 =	vsel vm2, s21, v1;
	v1 =	vsel vm1, s21, v6;
	v6 =	vld [tilespmem:$0x1FEF0]  }
0x361: {  	v3 =	vsub.f32 v28, v9;
	v50 =	vsub.f32 v29, v9;
	v9 =	vld [tilespmem:$0x1FEB0]  }
0x362: {  	v8 =	vld [tilespmem:s23+$0xF6A0]  }
0x363: {  	v2 =	vsel vm1, v7, v2;
	[tilespmem:$0x1FAA0] =	vst v0;
	v7 =	vld [tilespmem:$0x1FE40]  }
0x364: {  	v0 =	vld [tilespmem:s23+$0xFC60];
	[tilespmem:$0x1F1D0] =	vst v2;
	v2 =	vsub.f32 v27, v5  }
0x365: {  	v26 =	vld [tilespmem:$0x1FE00];
	[tilespmem:$0x1FA40] =	vst v1;
	v63 =	vsub.f32 v6, v5  }
0x366: {  	v19 =	vld [tilespmem:$0x1FDF0];
	[tilespmem:$0x1ECC0] =	vst v2;
	v5 =	vsub.f32 v9, v4;
	v4 =	vsub.f32 v30, v4  }
0x367: {  	v1 =	vld [tilespmem:s23+$0x10220];
	[tilespmem:$0x1ECD0] =	vst v3  }
0x368: {  	v2 =	vld [tilespmem:s23+$0x107E0];
	[tilespmem:$0x1ECF0] =	vst v4;
	v4 =	vsub.f32 v7, v8  }
0x369: {  	v12 =	vld [tilespmem:$0x1FD30];
	[tilespmem:$0x1ECE0] =	vst v5;
	v5 =	vsub.f32 v6, v0  }
0x36a: {  	v3 =	vld [tilespmem:s23+$0xDFB0];
	[tilespmem:$0x1ED00] =	vst v4;
	v4 =	vsub.f32 v15, v8  }
0x36b: {  	v16 =	vld [tilespmem:$0x1FE70];
	v0 =	vsub.f32 v27, v0;
	[tilespmem:$0x1ED20] =	vst v5  }
0x36c: {  	v5 =	vsub.f32 v28, v1;
	[tilespmem:$0x1ED10] =	vst v4;
	v4 =	vld [tilespmem:s23+$0xE570]  }
0x36d: {  	v13 =	vld [tilespmem:$0x1FD40];
	[tilespmem:$0x1ED30] =	vst v0;
	v8 =	vsub.f32 v9, v2  }
0x36e: {  	v0 =	vld [tilespmem:s23+$0xEB30];
	v1 =	vsub.f32 v29, v1;
	[tilespmem:$0x1ED40] =	vst v5  }
0x36f: {  	v18 =	vld [tilespmem:$0x1FDD0];
	[tilespmem:$0x1ED60] =	vst v8;
	v8 =	vsub.f32 v12, v3  }
0x370: {  	v2 =	vsub.f32 v30, v2;
	[tilespmem:$0x1ED50] =	vst v1;
	v1 =	vld [tilespmem:s23+$0xF0F0]  }
0x371: {  	v24 =	vld [tilespmem:$0x1FF40];
	[tilespmem:$0x1ED80] =	vst v8;
	v8 =	vsub.f32 v16, v4  }
0x372: {  	v5 =	vld [tilespmem:s23+$0xF690];
	[tilespmem:$0x1ED70] =	vst v2;
	v3 =	vsub.f32 v13, v3  }
0x373: {  	[tilespmem:$0x1EDA0] =	vst v8;
	v8 =	vsub.f32 v19, v0  }
0x374: {  	[tilespmem:$0x1ED90] =	vst v3;
	v4 =	vsub.f32 v18, v4  }
0x375: {  	v2 =	vld [tilespmem:s23+$0xFC50];
	[tilespmem:$0x1EDC0] =	vst v8;
	v8 =	vsub.f32 v25, v1;
	v1 =	vsub.f32 v26, v1  }
0x376: {  	[tilespmem:$0x1EDB0] =	vst v4;
	v0 =	vsub.f32 v24, v0  }
0x377: {  	v3 =	vld [tilespmem:s23+$0x10210];
	[tilespmem:$0x1EDF0] =	vst v1;
	v1 =	vsub.f32 v7, v5  }
0x378: {  	v10 =	vld [tilespmem:s23+$0xF6B0];
	[tilespmem:$0x1EDD0] =	vst v0  }
0x379: {  	v4 =	vld [tilespmem:s23+$0x107D0];
	[tilespmem:$0x1EE00] =	vst v1;
	v1 =	vsub.f32 v15, v5  }
0x37a: {  	[tilespmem:$0x1EDE0] =	vst v8;
	v5 =	vsub.f32 v6, v2  }
0x37b: {  	v0 =	vld [tilespmem:s23+$0xDFA0];
	v2 =	vsub.f32 v27, v2;
	[tilespmem:$0x1EE10] =	vst v1  }
0x37c: {  	v23 =	vld [tilespmem:$0x1FDA0];
	[tilespmem:$0x1FED0] =	vst v5;
	v5 =	vsub.f32 v28, v3  }
0x37d: {  	v54 =	vsub.f32 v15, v10;
	v1 =	vld [tilespmem:s23+$0xE560];
	[tilespmem:$0x1F230] =	vst v2;
	v3 =	vsub.f32 v29, v3  }
0x37e: {  	v55 =	vsub.f32 v7, v10;
	v10 =	vld [tilespmem:$0x1FD20];
	[tilespmem:$0x1FEE0] =	vst v5;
	v5 =	vsub.f32 v9, v4  }
0x37f: {  	[tilespmem:$0x1F180] =	vst v3;
	v3 =	vld [tilespmem:s23+$0xF0E0];
	v4 =	vsub.f32 v30, v4  }
0x380: {  	v2 =	vld [tilespmem:s23+$0xEB20];
	[tilespmem:$0x1F1A0] =	vst v5;
	v5 =	vsub.f32 v12, v0  }
0x381: {  	[tilespmem:$0x1FAB0] =	vst v4;
	v4 =	vld [tilespmem:s23+$0xC8B0];
	v0 =	vsub.f32 v13, v0  }
0x382: {  	v14 =	vld [tilespmem:$0x1FD50];
	[tilespmem:$0x1EE20] =	vst v5;
	v5 =	vsub.f32 v16, v1  }
0x383: {  	[tilespmem:$0x1EE30] =	vst v0;
	v0 =	vld [tilespmem:s23+$0xCE70];
	v1 =	vsub.f32 v18, v1  }
0x384: {  	v20 =	vld [tilespmem:$0x1FD70];
	v8 =	vsub.f32 v25, v3;
	[tilespmem:$0x1EE40] =	vst v5  }
0x385: {  	[tilespmem:$0x1EE50] =	vst v1;
	v1 =	vld [tilespmem:s23+$0xD430];
	v5 =	vsub.f32 v19, v2;
	v2 =	vsub.f32 v24, v2  }
0x386: {  	v22 =	vld [tilespmem:$0x1FD90];
	[tilespmem:$0x1F850] =	vst v8;
	v8 =	vsub.f32 v10, v4  }
0x387: {  	[tilespmem:$0x1EE70] =	vst v2;
	v2 =	vld [tilespmem:s23+$0xD9F0]  }
0x388: {  	v11 =	vld [tilespmem:$0x1FCB0];
	[tilespmem:$0x1EE80] =	vst v8;
	v8 =	vsub.f32 v14, v0  }
0x389: {  	v3 =	vsub.f32 v26, v3;
	[tilespmem:$0x1EE60] =	vst v5;
	v5 =	vld [tilespmem:s23+$0xF680]  }
0x38a: {  	v17 =	vld [tilespmem:$0x1FD60];
	[tilespmem:$0x1EE90] =	vst v8;
	v8 =	vsub.f32 v20, v1  }
0x38b: {  	v21 =	vld [tilespmem:$0x1FD80];
	[tilespmem:$0x1F860] =	vst v3  }
0x38c: {  	v3 =	vld [tilespmem:s23+$0xFC40];
	[tilespmem:$0x1EEB0] =	vst v8;
	v8 =	vsub.f32 v22, v2;
	v2 =	vsub.f32 v23, v2;
	_ =	sdelay $0x1  }
0x38d: {  	v52 =	vsub.f32 v11, v4;
	v4 =	vld [tilespmem:s23+$0x10200];
	[tilespmem:$0x1EEE0] =	vst v2;
	v2 =	vsub.f32 v7, v5  }
0x38e: {  	v0 =	vsub.f32 v17, v0  }
0x38f: {  	v1 =	vsub.f32 v21, v1;
	[tilespmem:$0x1F880] =	vst v2;
	v2 =	vsub.f32 v15, v5  }
0x390: {  	[tilespmem:$0x1EEA0] =	vst v0;
	v5 =	vsub.f32 v6, v3;
	v3 =	vsub.f32 v27, v3  }
0x391: {  	v0 =	vld [tilespmem:s23+$0x107C0];
	[tilespmem:$0x1EEC0] =	vst v1  }
0x392: {  	[tilespmem:$0x1FA20] =	vst v3;
	v3 =	vsub.f32 v28, v4  }
0x393: {  	[tilespmem:$0x1F8B0] =	vst v2;
	v2 =	vld [tilespmem:s23+$0xE550]  }
0x394: {  	[tilespmem:$0x1F1F0] =	vst v3;
	v3 =	vsub.f32 v29, v4  }
0x395: {  	[tilespmem:$0x1F190] =	vst v5;
	v5 =	vld [tilespmem:s23+$0xEB10]  }
0x396: {  	v1 =	vld [tilespmem:s23+$0xDF90];
	[tilespmem:$0x1F9D0] =	vst v3;
	v3 =	vsub.f32 v9, v0;
	_ =	sdelay $0x1  }
0x397: {  	[tilespmem:$0x1FA80] =	vst v3;
	v3 =	vsub.f32 v16, v2;
	v2 =	vsub.f32 v18, v2  }
0x398: {  	[tilespmem:$0x1EED0] =	vst v8;
	v4 =	vld [tilespmem:s23+$0xF0D0];
	v0 =	vsub.f32 v30, v0  }
0x399: {  	[tilespmem:$0x1F910] =	vst v2;
	v2 =	vsub.f32 v19, v5  }
0x39a: {  	v53 =	vsub.f32 v12, v1;
	v1 =	vsub.f32 v13, v1;
	[tilespmem:$0x1FA60] =	vst v0  }
0x39b: {  	v0 =	vld [tilespmem:s23+$0xC8A0];
	[tilespmem:$0x1F940] =	vst v2;
	v2 =	vsub.f32 v24, v5  }
0x39c: {  	[tilespmem:$0x1EEF0] =	vst v1;
	v1 =	vld [tilespmem:s23+$0xCE60]  }
0x39d: {  	[tilespmem:$0x1F970] =	vst v2;
	v2 =	vsub.f32 v25, v4  }
0x39e: {  	v6 =	vld [tilespmem:s23+$0xD420];
	[tilespmem:$0x1F8E0] =	vst v3  }
0x39f: {  	v5 =	vld [tilespmem:s23+$0xD9E0];
	[tilespmem:$0x1F9A0] =	vst v2  }
0x3a0: {  	v49 =	vsub.f32 v10, v0;
	v2 =	vsub.f32 v26, v4;
	v4 =	vld [tilespmem:s23+$0xB1B0]  }
0x3a1: {  	v3 =	vsub.f32 v11, v0;
	v0 =	vsub.f32 v17, v1;
	v7 =	vld [tilespmem:s23+$0xB770]  }
0x3a2: {  	v8 =	vld [tilespmem:s23+$0xBD30]  }
0x3a3: {  	[tilespmem:$0x1EF00] =	vst v0;
	v0 =	vsub.f32 v20, v6;
	v9 =	vld [tilespmem:s23+$0xDF80]  }
0x3a4: {  	v40 =	vld [tilespmem:$0x1FCE0];
	[tilespmem:$0x1F9E0] =	vst v2  }
0x3a5: {  	[tilespmem:$0x1EF10] =	vst v0;
	v0 =	vsub.f32 v21, v6;
	v2 =	vld [tilespmem:$0x1FCC0]  }
0x3a6: {  	v42 =	vld [tilespmem:$0x1FCF0]  }
0x3a7: {  	v43 =	vld [tilespmem:$0x1FD00];
	[tilespmem:$0x1EF20] =	vst v0;
	v0 =	vsub.f32 v22, v5  }
0x3a8: {  	v62 =	vld [tilespmem:$0x1FD10]  }
0x3a9: {  	v6 =	vld [tilespmem:s23+$0xC2F0];
	[tilespmem:$0x1F650] =	vst v0;
	v0 =	vsub.f32 v23, v5  }
0x3aa: {  	v35 =	vsub.f32 v14, v1;
	v1 =	vld [tilespmem:$0x1FC40];
	v15 =	vsub.f32 v2, v7  }
0x3ab: {  	v39 =	vld [tilespmem:$0x1FCD0];
	[tilespmem:$0x1F660] =	vst v0  }
0x3ac: {  	v0 =	vld [tilespmem:$0x1FC30];
	[tilespmem:$0x1EF30] =	vst v15;
	v15 =	vsub.f32 v40, v8  }
0x3ad: {  	v8 =	vsub.f32 v42, v8  }
0x3ae: {  	v5 =	vld [tilespmem:s23+$0xE540];
	[tilespmem:$0x1EF50] =	vst v15;
	v15 =	vsub.f32 v43, v6;
	v6 =	vsub.f32 v62, v6  }
0x3af: {  	[tilespmem:$0x1EF60] =	vst v8  }
0x3b0: {  	v58 =	vsub.f32 v1, v4;
	v8 =	vld [tilespmem:s23+$0xC890];
	[tilespmem:$0x1EF80] =	vst v6;
	v6 =	vsub.f32 v12, v9  }
0x3b1: {  	v7 =	vsub.f32 v39, v7;
	v61 =	vsub.f32 v0, v4;
	v4 =	vld [tilespmem:s23+$0xEB00]  }
0x3b2: {  	[tilespmem:$0x1F680] =	vst v6;
	v6 =	vsub.f32 v13, v9  }
0x3b3: {  	[tilespmem:$0x1EF40] =	vst v7;
	v7 =	vld [tilespmem:s23+$0xF0C0];
	v9 =	vsub.f32 v16, v5  }
0x3b4: {  	v5 =	vsub.f32 v18, v5;
	[tilespmem:$0x1F6B0] =	vst v6  }
0x3b5: {  	v56 =	vsub.f32 v10, v8;
	v8 =	vsub.f32 v11, v8;
	v6 =	vld [tilespmem:s23+$0xCE50];
	[tilespmem:$0x1FA00] =	vst v9  }
0x3b6: {  	[tilespmem:$0x1FA10] =	vst v5;
	v9 =	vsub.f32 v19, v4  }
0x3b7: {  	v5 =	vld [tilespmem:s23+$0xD410];
	v4 =	vsub.f32 v24, v4;
	[tilespmem:$0x1EF90] =	vst v8  }
0x3b8: {  	[tilespmem:$0x1FA30] =	vst v9;
	v9 =	vsub.f32 v25, v7  }
0x3b9: {  	[tilespmem:$0x1FA50] =	vst v4;
	v4 =	vld [tilespmem:s23+$0xD9D0];
	v7 =	vsub.f32 v26, v7  }
0x3ba: {  	[tilespmem:$0x1FA90] =	vst v9;
	v9 =	vsub.f32 v14, v6  }
0x3bb: {  	[tilespmem:$0x1FAD0] =	vst v7;
	v7 =	vld [tilespmem:s23+$0xB1A0];
	v6 =	vsub.f32 v17, v6  }
0x3bc: {  	v8 =	vld [tilespmem:s23+$0xB760];
	[tilespmem:$0x1F6E0] =	vst v9;
	v9 =	vsub.f32 v20, v5  }
0x3bd: {  	[tilespmem:$0x1F710] =	vst v6;
	v5 =	vsub.f32 v21, v5  }
0x3be: {  	v6 =	vld [tilespmem:s23+$0xBD20];
	[tilespmem:$0x1F740] =	vst v9;
	v9 =	vsub.f32 v22, v4  }
0x3bf: {  	v33 =	vld [tilespmem:$0x1FC00];
	[tilespmem:$0x1F770] =	vst v5;
	v4 =	vsub.f32 v23, v4  }
0x3c0: {  	v5 =	vld [tilespmem:s23+$0xC2E0];
	v31 =	vsub.f32 v0, v7;
	v7 =	vsub.f32 v1, v7;
	[tilespmem:$0x1F7A0] =	vst v9  }
0x3c1: {  	[tilespmem:$0x1F7D0] =	vst v4;
	v4 =	vld [tilespmem:s23+$0x83B0];
	v9 =	vsub.f32 v2, v8  }
0x3c2: {  	v34 =	vld [tilespmem:$0x1FC10];
	[tilespmem:$0x1EFA0] =	vst v7  }
0x3c3: {  	v7 =	vld [tilespmem:s23+$0x9AB0];
	[tilespmem:$0x1EFB0] =	vst v9;
	v9 =	vsub.f32 v40, v6;
	_ =	sdelay $0x1  }
0x3c4: {  	[tilespmem:$0x1EFD0] =	vst v9;
	v9 =	vsub.f32 v43, v5;
	v5 =	vsub.f32 v62, v5  }
0x3c5: {  	[tilespmem:$0x1EF70] =	vst v15;
	v18 =	vld [tilespmem:$0x1FC90];
	v12 =	vsub.f32 v33, v4  }
0x3c6: {  	v8 =	vsub.f32 v39, v8;
	[tilespmem:$0x1F460] =	vst v5;
	v5 =	vld [tilespmem:s23+$0xABF0]  }
0x3c7: {  	v15 =	vld [tilespmem:$0x1FC70];
	[tilespmem:$0x1EFF0] =	vst v12;
	v12 =	vsub.f32 v34, v7  }
0x3c8: {  	[tilespmem:$0x1EFC0] =	vst v8;
	v8 =	vld [tilespmem:s23+$0xA070];
	v6 =	vsub.f32 v42, v6  }
0x3c9: {  	[tilespmem:$0x1F000] =	vst v12;
	v12 =	vld [tilespmem:$0x1FC50]  }
0x3ca: {  	[tilespmem:$0x1EFE0] =	vst v6;
	v6 =	vld [tilespmem:s23+$0xA630]  }
0x3cb: {  	v19 =	vsub.f32 v18, v5  }
0x3cc: {  	v46 =	vld [tilespmem:$0x1FC20]  }
0x3cd: {  	[tilespmem:$0x1F060] =	vst v19;
	v19 =	vld [tilespmem:$0x1FCA0]  }
0x3ce: {  	v47 =	vld [tilespmem:$0x1FB30];
	v13 =	vsub.f32 v12, v8  }
0x3cf: {  	[tilespmem:$0x1F450] =	vst v9;
	v9 =	vld [tilespmem:s23+$0xC880];
	v16 =	vsub.f32 v15, v6  }
0x3d0: {  	[tilespmem:$0x1F020] =	vst v13;
	v13 =	vld [tilespmem:$0x1FC60]  }
0x3d1: {  	[tilespmem:$0x1F040] =	vst v16;
	v16 =	vld [tilespmem:$0x1FC80]  }
0x3d2: {  	v5 =	vsub.f32 v19, v5  }
0x3d3: {  	v44 =	vsub.f32 v46, v4;
	v4 =	vld [tilespmem:s23+$0xCE40];
	v7 =	vsub.f32 v47, v7  }
0x3d4: {  	[tilespmem:$0x1F070] =	vst v5;
	v5 =	vsub.f32 v10, v9  }
0x3d5: {  	[tilespmem:$0x1F010] =	vst v7;
	v7 =	vld [tilespmem:s23+$0xD400];
	v8 =	vsub.f32 v13, v8  }
0x3d6: {  	v6 =	vsub.f32 v16, v6;
	[tilespmem:$0x1F480] =	vst v5  }
0x3d7: {  	v5 =	vsub.f32 v11, v9;
	[tilespmem:$0x1F030] =	vst v8;
	v8 =	vld [tilespmem:s23+$0xD9C0]  }
0x3d8: {  	[tilespmem:$0x1F050] =	vst v6;
	v6 =	vld [tilespmem:s23+$0xB190];
	v9 =	vsub.f32 v14, v4  }
0x3d9: {  	v4 =	vsub.f32 v17, v4;
	[tilespmem:$0x1F4B0] =	vst v5;
	v5 =	vld [tilespmem:s23+$0xB750]  }
0x3da: {  	v51 =	vld [tilespmem:s23+$0xB180];
	[tilespmem:$0x1F7F0] =	vst v9;
	v9 =	vsub.f32 v20, v7  }
0x3db: {  	[tilespmem:$0x1F800] =	vst v4;
	v4 =	vld [tilespmem:s23+$0xBD10]  }
0x3dc: {  	[tilespmem:$0x1F810] =	vst v9;
	v9 =	vsub.f32 v22, v8  }
0x3dd: {  	v45 =	vsub.f32 v1, v6;
	v7 =	vsub.f32 v21, v7  }
0x3de: {  	v59 =	vld [tilespmem:s23+$0xB740];
	[tilespmem:$0x1F830] =	vst v9;
	v9 =	vsub.f32 v0, v6;
	v6 =	vsub.f32 v2, v5  }
0x3df: {  	[tilespmem:$0x1F820] =	vst v7;
	v7 =	vld [tilespmem:s23+$0xC2D0];
	v0 =	vsub.f32 v0, v51  }
0x3e0: {  	[tilespmem:$0x1F4E0] =	vst v6;
	v6 =	vsub.f32 v40, v4;
	v4 =	vsub.f32 v42, v4  }
0x3e1: {  	[tilespmem:$0x1F280] =	vst v0;
	v0 =	vsub.f32 v1, v51  }
0x3e2: {  	[tilespmem:$0x1F570] =	vst v4  }
0x3e3: {  	v4 =	vld [tilespmem:s23+$0xA620];
	[tilespmem:$0x1F2B0] =	vst v0;
	v0 =	vsub.f32 v2, v59  }
0x3e4: {  	[tilespmem:$0x1F540] =	vst v6;
	v6 =	vsub.f32 v43, v7  }
0x3e5: {  	[tilespmem:$0x1F5F0] =	vst v0;
	v0 =	vmul.f32 v55, v55  }
0x3e6: {  	[tilespmem:$0x1F5A0] =	vst v6;
	v6 =	vsub.f32 v62, v7  }
0x3e7: {  	[tilespmem:$0x1F870] =	vst v0;
	v0 =	vmul.f32 v54, v54  }
0x3e8: {  	v29 =	vld [tilespmem:$0x1FB80];
	[tilespmem:$0x1F5D0] =	vst v6;
	v6 =	vsub.f32 v15, v4;
	v4 =	vsub.f32 v16, v4  }
0x3e9: {  	v30 =	vld [tilespmem:$0x1FB90];
	[tilespmem:$0x1F8A0] =	vst v0;
	v0 =	vsub.f32 v39, v59  }
0x3ea: {  	[tilespmem:$0x1F0A0] =	vst v4;
	v4 =	vld [tilespmem:s23+$0x8970]  }
0x3eb: {  	[tilespmem:$0x1F600] =	vst v0;
	v0 =	vmul.f32 v63, v63;
	_ =	sdelay $0x1  }
0x3ec: {  	[tilespmem:$0x1FF10] =	vst v0;
	v0 =	vld [tilespmem:$0x1ECC0];
	_ =	sdelay $0x1  }
0x3ed: {  	v57 =	vsub.f32 v29, v4;
	v60 =	vsub.f32 v30, v4;
	v4 =	vld [tilespmem:s23+$0xBD00];
	_ =	sdelay $0x2  }
0x3ee: {  	v0 =	vmul.f32 v0, v0;
	_ =	sdelay $0x1  }
0x3ef: {  	[tilespmem:$0x1F220] =	vst v0;
	v0 =	vsub.f32 v40, v4;
	_ =	sdelay $0x1  }
0x3f0: {  	[tilespmem:$0x1F610] =	vst v0;
	v0 =	vld [tilespmem:$0x1ECD0];
	_ =	sdelay $0x4  }
0x3f1: {  	v0 =	vmul.f32 v0, v0;
	_ =	sdelay $0x1  }
0x3f2: {  	[tilespmem:$0x1FF20] =	vst v0;
	v0 =	vmul.f32 v50, v50;
	_ =	sdelay $0x1  }
0x3f3: {  	[tilespmem:$0x1F210] =	vst v0;
	v0 =	vsub.f32 v42, v4;
	_ =	sdelay $0x1  }
0x3f4: {  	[tilespmem:$0x1F620] =	vst v0;
	v0 =	vld [tilespmem:$0x1ECE0];
	_ =	sdelay $0x4  }
0x3f5: {  	v0 =	vmul.f32 v0, v0;
	_ =	sdelay $0x1  }
0x3f6: {  	[tilespmem:$0x1FF30] =	vst v0;
	v0 =	vld [tilespmem:$0x1ECF0];
	_ =	sdelay $0x1  }
0x3f7: {  	v51 =	vld [tilespmem:s23+$0xC2C0];
	_ =	sdelay $0x2  }
0x3f8: {  	v0 =	vmul.f32 v0, v0;
	_ =	sdelay $0x1  }
0x3f9: {  	[tilespmem:$0x1F1E0] =	vst v0;
	v0 =	vsub.f32 v43, v51;
	_ =	sdelay $0x1  }
0x3fa: {  	[tilespmem:$0x1F630] =	vst v0;
	v0 =	vld [tilespmem:$0x1ED00];
	_ =	sdelay $0x4  }
0x3fb: {  	v0 =	vmul.f32 v0, v0;
	_ =	sdelay $0x1  }
0x3fc: {  	[tilespmem:$0x1F890] =	vst v0;
	v0 =	vld [tilespmem:$0x1ED10];
	_ =	sdelay $0x4  }
0x3fd: {  	v0 =	vmul.f32 v0, v0;
	_ =	sdelay $0x1  }
0x3fe: {  	[tilespmem:$0x1F8C0] =	vst v0;
	v0 =	vsub.f32 v62, v51;
	_ =	sdelay $0x1  }
0x3ff: {  	[tilespmem:$0x1F640] =	vst v0;
	v0 =	vld [tilespmem:$0x1ED20];
	_ =	sdelay $0x4  }
0x400: {  	v0 =	vmul.f32 v0, v0;
	_ =	sdelay $0x1  }
0x401: {  	[tilespmem:$0x1F160] =	vst v0;
	v0 =	vld [tilespmem:$0x1ED30];
	_ =	sdelay $0x4  }
0x402: {  	v0 =	vmul.f32 v0, v0;
	_ =	sdelay $0x1  }
0x403: {  	[tilespmem:$0x1F240] =	vst v0;
	v0 =	vld [tilespmem:$0x1ED40];
	_ =	sdelay $0x4  }
0x404: {  	v0 =	vmul.f32 v0, v0;
	_ =	sdelay $0x1  }
0x405: {  	[tilespmem:$0x1FF50] =	vst v0;
	v0 =	vld [tilespmem:$0x1ED50];
	_ =	sdelay $0x4  }
0x406: {  	v0 =	vmul.f32 v0, v0;
	_ =	sdelay $0x1  }
0x407: {  	[tilespmem:$0x1FA70] =	vst v0;
	v0 =	vld [tilespmem:$0x1ED60];
	_ =	sdelay $0x4  }
0x408: {  	v0 =	vmul.f32 v0, v0;
	_ =	sdelay $0x1  }
0x409: {  	[tilespmem:$0x1F1C0] =	vst v0;
	v0 =	vld [tilespmem:$0x1ED70];
	_ =	sdelay $0x4  }
0x40a: {  	v0 =	vmul.f32 v0, v0;
	_ =	sdelay $0x1  }
0x40b: {  	[tilespmem:$0x1FAC0] =	vst v0;
	v0 =	vld [tilespmem:$0x1ED80];
	_ =	sdelay $0x4  }
0x40c: {  	v0 =	vmul.f32 v0, v0;
	_ =	sdelay $0x1  }
0x40d: {  	[tilespmem:$0x1F670] =	vst v0;
	v0 =	vld [tilespmem:$0x1ED90];
	_ =	sdelay $0x4  }
0x40e: {  	v0 =	vmul.f32 v0, v0;
	_ =	sdelay $0x1  }
0x40f: {  	[tilespmem:$0x1F6A0] =	vst v0;
	v0 =	vld [tilespmem:$0x1EDA0];
	_ =	sdelay $0x4  }
0x410: {  	v0 =	vmul.f32 v0, v0;
	_ =	sdelay $0x1  }
0x411: {  	[tilespmem:$0x1F8D0] =	vst v0;
	v0 =	vld [tilespmem:$0x1EDB0];
	_ =	sdelay $0x1  }
0x412: {  	v5 =	vsub.f32 v39, v5;
	v39 =	vld [tilespmem:s23+$0xA050];
	_ =	sdelay $0x2  }
0x413: {  	v0 =	vmul.f32 v0, v0;
	_ =	sdelay $0x1  }
0x414: {  	[tilespmem:$0x1F8F0] =	vst v0;
	v0 =	vsub.f32 v12, v39;
	_ =	sdelay $0x1  }
0x415: {  	[tilespmem:$0x1F2E0] =	vst v0;
	v0 =	vld [tilespmem:$0x1EDC0];
	_ =	sdelay $0x4  }
0x416: {  	v0 =	vmul.f32 v0, v0;
	_ =	sdelay $0x1  }
0x417: {  	[tilespmem:$0x1F900] =	vst v0;
	v0 =	vld [tilespmem:$0x1EDD0];
	_ =	sdelay $0x4  }
0x418: {  	v0 =	vmul.f32 v0, v0;
	_ =	sdelay $0x1  }
0x419: {  	[tilespmem:$0x1F920] =	vst v0;
	v0 =	vsub.f32 v13, v39;
	_ =	sdelay $0x1  }
0x41a: {  	[tilespmem:$0x1F310] =	vst v0;
	v0 =	vld [tilespmem:$0x1EDE0];
	_ =	sdelay $0x4  }
0x41b: {  	v0 =	vmul.f32 v0, v0;
	_ =	sdelay $0x1  }
0x41c: {  	[tilespmem:$0x1F930] =	vst v0;
	v0 =	vld [tilespmem:$0x1EDF0];
	_ =	sdelay $0x1  }
0x41d: {  	v40 =	vld [tilespmem:s23+$0xA610];
	_ =	sdelay $0x2  }
0x41e: {  	v0 =	vmul.f32 v0, v0;
	_ =	sdelay $0x1  }
0x41f: {  	[tilespmem:$0x1F960] =	vst v0;
	v0 =	vsub.f32 v15, v40;
	_ =	sdelay $0x1  }
0x420: {  	[tilespmem:$0x1F340] =	vst v0;
	v0 =	vld [tilespmem:$0x1EE00];
	_ =	sdelay $0x4  }
0x421: {  	v0 =	vmul.f32 v0, v0;
	_ =	sdelay $0x1  }
0x422: {  	[tilespmem:$0x1F950] =	vst v0;
	v0 =	vld [tilespmem:$0x1EE10];
	_ =	sdelay $0x4  }
0x423: {  	v0 =	vmul.f32 v0, v0;
	_ =	sdelay $0x1  }
0x424: {  	[tilespmem:$0x1F980] =	vst v0;
	v0 =	vsub.f32 v16, v40;
	_ =	sdelay $0x1  }
0x425: {  	[tilespmem:$0x1F370] =	vst v0;
	v0 =	vld [tilespmem:$0x1EE20];
	_ =	sdelay $0x3  }
0x426: {  	v4 =	vld [tilespmem:s23+$0x9A90]  }
0x427: {  	v0 =	vmul.f32 v0, v0;
	_ =	sdelay $0x1  }
0x428: {  	[tilespmem:$0x1F690] =	vst v0;
	v0 =	vld [tilespmem:$0x1EE30];
	_ =	sdelay $0x1  }
0x429: {  	v50 =	vsub.f32 v47, v4;
	v62 =	vsub.f32 v34, v4;
	v4 =	vld [tilespmem:s23+$0xABD0];
	_ =	sdelay $0x2  }
0x42a: {  	v0 =	vmul.f32 v0, v0;
	_ =	sdelay $0x1  }
0x42b: {  	[tilespmem:$0x1F6C0] =	vst v0;
	v0 =	vsub.f32 v18, v4;
	_ =	sdelay $0x1  }
0x42c: {  	[tilespmem:$0x1F3A0] =	vst v0;
	v0 =	vld [tilespmem:$0x1EE40];
	_ =	sdelay $0x4  }
0x42d: {  	v0 =	vmul.f32 v0, v0;
	_ =	sdelay $0x1  }
0x42e: {  	[tilespmem:$0x1F990] =	vst v0;
	v0 =	vld [tilespmem:$0x1EE50];
	_ =	sdelay $0x4  }
0x42f: {  	v0 =	vmul.f32 v0, v0;
	_ =	sdelay $0x1  }
0x430: {  	[tilespmem:$0x1F9B0] =	vst v0;
	v0 =	vsub.f32 v19, v4;
	_ =	sdelay $0x1  }
0x431: {  	[tilespmem:$0x1F3D0] =	vst v0;
	v0 =	vld [tilespmem:$0x1EE60];
	_ =	sdelay $0x4  }
0x432: {  	v0 =	vmul.f32 v0, v0;
	_ =	sdelay $0x1  }
0x433: {  	[tilespmem:$0x1F9C0] =	vst v0;
	v0 =	vld [tilespmem:$0x1EE70];
	_ =	sdelay $0x4  }
0x434: {  	v2 =	vld [tilespmem:$0x1EED0];
	v0 =	vmul.f32 v0, v0;
	_ =	sdelay $0x1  }
0x435: {  	[tilespmem:$0x1F9F0] =	vst v0;
	v0 =	vld [tilespmem:$0x1EE80]  }
0x436: {  	v10 =	vld [tilespmem:s23+$0xABE0]  }
0x437: {  	v27 =	vld [tilespmem:$0x1FBC0]  }
0x438: {  	v28 =	vld [tilespmem:$0x1FBD0];
	v2 =	vmul.f32 v2, v2  }
0x439: {  	v7 =	vld [tilespmem:$0x1FB40]  }
0x43a: {  	[tilespmem:$0x1F730] =	vst v2;
	v2 =	vld [tilespmem:$0x1EEE0];
	v0 =	vmul.f32 v0, v0  }
0x43b: {  	[tilespmem:$0x1F090] =	vst v6;
	v6 =	vsub.f32 v18, v10;
	v42 =	vld [tilespmem:s23+$0x7260]  }
0x43c: {  	v4 =	vld [tilespmem:s23+$0x7DE0];
	[tilespmem:$0x1F470] =	vst v0;
	v0 =	vmul.f32 v52, v52  }
0x43d: {  	[tilespmem:$0x1F250] =	vst v6;
	v6 =	vsub.f32 v19, v10;
	v10 =	vld [tilespmem:$0x1FB50]  }
0x43e: {  	[tilespmem:$0x1F4A0] =	vst v0;
	v0 =	vld [tilespmem:s23+$0x8960]  }
0x43f: {  	v2 =	vmul.f32 v2, v2;
	_ =	sdelay $0x1  }
0x440: {  	[tilespmem:$0x1F760] =	vst v2;
	v2 =	vmul.f32 v53, v53;
	v54 =	vsub.f32 v7, v42;
	v53 =	vsub.f32 v27, v4  }
0x441: {  	v40 =	vsub.f32 v28, v4;
	v52 =	vsub.f32 v10, v42  }
0x442: {  	v4 =	vmul.f32 v49, v49;
	v49 =	vsub.f32 v29, v0;
	v42 =	vsub.f32 v30, v0;
	v0 =	vld [tilespmem:$0x1EF10];
	_ =	sdelay $0x4  }
0x443: {  	v0 =	vmul.f32 v0, v0;
	_ =	sdelay $0x1  }
0x444: {  	[tilespmem:$0x1F7C0] =	vst v0;
	v0 =	vld [tilespmem:$0x1EF20];
	_ =	sdelay $0x4  }
0x445: {  	v0 =	vmul.f32 v0, v0;
	_ =	sdelay $0x1  }
0x446: {  	[tilespmem:$0x1F7E0] =	vst v0;
	v0 =	vmul.f32 v61, v61;
	_ =	sdelay $0x1  }
0x447: {  	[tilespmem:$0x1F270] =	vst v0;
	v0 =	vmul.f32 v58, v58;
	_ =	sdelay $0x1  }
0x448: {  	[tilespmem:$0x1F2A0] =	vst v0;
	v0 =	vld [tilespmem:$0x1EF30];
	_ =	sdelay $0x4  }
0x449: {  	v0 =	vmul.f32 v0, v0;
	_ =	sdelay $0x1  }
0x44a: {  	[tilespmem:$0x1F4D0] =	vst v0;
	v0 =	vld [tilespmem:$0x1EF40];
	_ =	sdelay $0x4  }
0x44b: {  	v0 =	vmul.f32 v0, v0  }
0x44c: {  	[tilespmem:$0x1F750] =	vst v2;
	v2 =	vld [tilespmem:$0x1EEF0]  }
0x44d: {  	[tilespmem:$0x1F4F0] =	vst v0;
	v0 =	vld [tilespmem:$0x1EF50];
	_ =	sdelay $0x2  }
0x44e: {  	v37 =	vld [tilespmem:$0x1FBE0]  }
0x44f: {  	v38 =	vld [tilespmem:$0x1FBF0];
	v2 =	vmul.f32 v2, v2  }
0x450: {  	v1 =	vld [tilespmem:$0x1EE90];
	v0 =	vmul.f32 v0, v0  }
0x451: {  	[tilespmem:$0x1F780] =	vst v2;
	v2 =	vld [tilespmem:s23+$0x94E0]  }
0x452: {  	[tilespmem:$0x1F500] =	vst v0;
	v0 =	vld [tilespmem:$0x1EF60];
	_ =	sdelay $0x2  }
0x453: {  	v1 =	vmul.f32 v1, v1  }
0x454: {  	v39 =	vsub.f32 v37, v2;
	v61 =	vsub.f32 v38, v2;
	v2 =	vld [tilespmem:$0x1EFD0]  }
0x455: {  	[tilespmem:$0x1F6D0] =	vst v1;
	v1 =	vld [tilespmem:$0x1EEA0];
	v0 =	vmul.f32 v0, v0  }
0x456: {  	v3 =	vmul.f32 v3, v3  }
0x457: {  	[tilespmem:$0x1F520] =	vst v0;
	v0 =	vld [tilespmem:$0x1EF70]  }
0x458: {  	[tilespmem:$0x1F4C0] =	vst v3;
	v3 =	vmul.f32 v35, v35  }
0x459: {  	v32 =	vld [tilespmem:$0x1FBA0];
	v2 =	vmul.f32 v2, v2  }
0x45a: {  	[tilespmem:$0x1F790] =	vst v3;
	v3 =	vld [tilespmem:$0x1EF00];
	v1 =	vmul.f32 v1, v1  }
0x45b: {  	[tilespmem:$0x1F5C0] =	vst v2;
	v2 =	vld [tilespmem:$0x1EFE0]  }
0x45c: {  	[tilespmem:$0x1F6F0] =	vst v1;
	v1 =	vld [tilespmem:$0x1EEB0];
	v0 =	vmul.f32 v0, v0  }
0x45d: {  	v8 =	vsub.f32 v23, v8;
	v58 =	vld [tilespmem:s23+$0xA040]  }
0x45e: {  	[tilespmem:$0x1F530] =	vst v0;
	v0 =	vld [tilespmem:$0x1EF80]  }
0x45f: {  	v3 =	vmul.f32 v3, v3;
	[tilespmem:$0x1F840] =	vst v8;
	v8 =	vld [tilespmem:s23+$0x83A0]  }
0x460: {  	v59 =	vld [tilespmem:s23+$0x8390];
	v2 =	vmul.f32 v2, v2  }
0x461: {  	[tilespmem:$0x1F7B0] =	vst v3;
	v3 =	vld [tilespmem:s23+$0x8380];
	v1 =	vmul.f32 v1, v1  }
0x462: {  	v17 =	vld [tilespmem:s23+$0x8F30];
	[tilespmem:$0x1F5E0] =	vst v2;
	v2 =	vsub.f32 v12, v58  }
0x463: {  	[tilespmem:$0x1F700] =	vst v1;
	v0 =	vmul.f32 v0, v0  }
0x464: {  	[tilespmem:$0x1F3F0] =	vst v2;
	v2 =	vld [tilespmem:$0x1EFF0]  }
0x465: {  	v20 =	vsub.f32 v33, v8;
	v63 =	vsub.f32 v33, v59;
	v1 =	vld [tilespmem:$0x1EEC0];
	[tilespmem:$0x1F560] =	vst v0;
	v0 =	vmul.f32 v56, v56  }
0x466: {  	v33 =	vsub.f32 v33, v3;
	v56 =	vsub.f32 v46, v3;
	v3 =	vld [tilespmem:$0x1F000]  }
0x467: {  	v36 =	vsub.f32 v32, v17;
	[tilespmem:$0x1F550] =	vst v0;
	v0 =	vld [tilespmem:$0x1EF90];
	_ =	sdelay $0x1  }
0x468: {  	v26 =	vld [tilespmem:$0x1FB70];
	[tilespmem:$0x1F0B0] =	vst v36;
	v2 =	vmul.f32 v2, v2  }
0x469: {  	v36 =	vld [tilespmem:$0x1FBB0];
	[tilespmem:$0x1F080] =	vst v9  }
0x46a: {  	v9 =	vld [tilespmem:s23+$0x9AA0];
	v1 =	vmul.f32 v1, v1;
	[tilespmem:$0x1F0F0] =	vst v2;
	v2 =	vmul.f32 v44, v44  }
0x46b: {  	v44 =	vmul.f32 v3, v3;
	v3 =	vld [tilespmem:$0x1F010];
	v0 =	vmul.f32 v0, v0  }
0x46c: {  	[tilespmem:$0x1F720] =	vst v1;
	v1 =	vld [tilespmem:s23+$0x8F20]  }
0x46d: {  	[tilespmem:$0x1F580] =	vst v0;
	v0 =	vld [tilespmem:s23+$0xA600]  }
0x46e: {  	v43 =	vld [tilespmem:s23+$0x7820]  }
0x46f: {  	v41 =	vsub.f32 v34, v9;
	v23 =	vsub.f32 v47, v9;
	v9 =	vld [tilespmem:$0x1FB60]  }
0x470: {  	v3 =	vmul.f32 v3, v3;
	_ =	sdelay $0x1  }
0x471: {  	[tilespmem:$0x1F130] =	vst v3;
	v3 =	vsub.f32 v15, v0  }
0x472: {  	v35 =	vsub.f32 v36, v1;
	v55 =	vsub.f32 v26, v43  }
0x473: {  	v51 =	vsub.f32 v9, v43;
	v43 =	vsub.f32 v32, v1;
	v1 =	vmul.f32 v31, v31;
	[tilespmem:$0x1F410] =	vst v3;
	v3 =	vld [tilespmem:$0x1F020];
	_ =	sdelay $0x1  }
0x474: {  	[tilespmem:$0x1F290] =	vst v1;
	v1 =	vld [tilespmem:$0x1EFA0];
	_ =	sdelay $0x2  }
0x475: {  	v3 =	vmul.f32 v3, v3;
	_ =	sdelay $0x1  }
0x476: {  	v1 =	vmul.f32 v1, v1;
	[tilespmem:$0x1F2D0] =	vst v3;
	v3 =	vld [tilespmem:$0x1F030];
	_ =	sdelay $0x1  }
0x477: {  	[tilespmem:$0x1F2C0] =	vst v1;
	v1 =	vld [tilespmem:$0x1EFB0];
	_ =	sdelay $0x2  }
0x478: {  	v3 =	vmul.f32 v3, v3;
	_ =	sdelay $0x1  }
0x479: {  	v1 =	vmul.f32 v1, v1;
	[tilespmem:$0x1F2F0] =	vst v3;
	v3 =	vld [tilespmem:$0x1F040];
	_ =	sdelay $0x1  }
0x47a: {  	[tilespmem:$0x1F590] =	vst v1;
	v1 =	vld [tilespmem:$0x1EFC0];
	_ =	sdelay $0x2  }
0x47b: {  	v3 =	vmul.f32 v3, v3;
	_ =	sdelay $0x1  }
0x47c: {  	v1 =	vmul.f32 v1, v1;
	[tilespmem:$0x1F300] =	vst v3;
	v3 =	vld [tilespmem:$0x1F050];
	_ =	sdelay $0x1  }
0x47d: {  	[tilespmem:$0x1F5B0] =	vst v1;
	v1 =	vld [tilespmem:s23+$0xABC0];
	_ =	sdelay $0x2  }
0x47e: {  	v3 =	vmul.f32 v3, v3;
	_ =	sdelay $0x1  }
0x47f: {  	[tilespmem:$0x1F320] =	vst v3;
	v3 =	vsub.f32 v18, v1;
	_ =	sdelay $0x1  }
0x480: {  	[tilespmem:$0x1F430] =	vst v3;
	v3 =	vld [tilespmem:$0x1F060];
	_ =	sdelay $0x4  }
0x481: {  	v3 =	vmul.f32 v3, v3;
	_ =	sdelay $0x1  }
0x482: {  	[tilespmem:$0x1F330] =	vst v3;
	v3 =	vld [tilespmem:$0x1F070];
	_ =	sdelay $0x4  }
0x483: {  	v3 =	vmul.f32 v3, v3;
	_ =	sdelay $0x1  }
0x484: {  	[tilespmem:$0x1F360] =	vst v3;
	v3 =	vld [tilespmem:$0x1F080];
	_ =	sdelay $0x4  }
0x485: {  	v3 =	vmul.f32 v3, v3;
	_ =	sdelay $0x1  }
0x486: {  	[tilespmem:$0x1F350] =	vst v3;
	v3 =	vmul.f32 v45, v45;
	_ =	sdelay $0x1  }
0x487: {  	v21 =	vsub.f32 v46, v8;
	[tilespmem:$0x1F380] =	vst v3;
	v3 =	vmul.f32 v20, v20  }
0x488: {  	[tilespmem:$0x1F510] =	vst v5;
	v5 =	vld [tilespmem:s23+$0xA060]  }
0x489: {  	[tilespmem:$0x1F100] =	vst v3;
	v3 =	vmul.f32 v21, v21;
	_ =	sdelay $0x1  }
0x48a: {  	[tilespmem:$0x1F140] =	vst v3;
	v3 =	vmul.f32 v41, v41;
	_ =	sdelay $0x1  }
0x48b: {  	v48 =	vsub.f32 v12, v5;
	[tilespmem:$0x1F110] =	vst v3;
	v3 =	vmul.f32 v23, v23;
	_ =	sdelay $0x1  }
0x48c: {  	v22 =	vsub.f32 v13, v5;
	[tilespmem:$0x1F150] =	vst v3;
	v3 =	vmul.f32 v48, v48;
	_ =	sdelay $0x1  }
0x48d: {  	[tilespmem:$0x1F390] =	vst v3;
	v3 =	vmul.f32 v22, v22;
	_ =	sdelay $0x1  }
0x48e: {  	[tilespmem:$0x1F3B0] =	vst v3;
	v3 =	vld [tilespmem:$0x1F090];
	_ =	sdelay $0x1  }
0x48f: {  	v24 =	vld [tilespmem:s23+$0x94F0]  }
0x490: {  	v17 =	vsub.f32 v36, v17;
	_ =	sdelay $0x1  }
0x491: {  	v11 =	vld [tilespmem:s23+$0x7270];
	[tilespmem:$0x1F0C0] =	vst v17;
	v3 =	vmul.f32 v3, v3  }
0x492: {  	v5 =	vld [tilespmem:s23+$0x7DF0];
	[tilespmem:$0x1F490] =	vst v4  }
0x493: {  	v17 =	vsub.f32 v37, v24;
	[tilespmem:$0x1F3C0] =	vst v3;
	v3 =	vld [tilespmem:$0x1F0A0]  }
0x494: {  	v4 =	vld [tilespmem:s23+$0x9A80];
	[tilespmem:$0x1F120] =	vst v2;
	v2 =	vsub.f32 v13, v58  }
0x495: {  	[tilespmem:$0x1F0D0] =	vst v17  }
0x496: {  	v17 =	vsub.f32 v38, v24;
	[tilespmem:$0x1F400] =	vst v2;
	v2 =	vld [tilespmem:s23+$0x7250];
	v0 =	vsub.f32 v16, v0  }
0x497: {  	v14 =	vld [tilespmem:s23+$0x7830];
	v25 =	vsub.f32 v27, v5;
	[tilespmem:$0x1F260] =	vst v6;
	v6 =	vsub.f32 v7, v11  }
0x498: {  	v5 =	vsub.f32 v28, v5;
	v11 =	vsub.f32 v10, v11;
	[tilespmem:$0x1F420] =	vst v0;
	v0 =	vld [tilespmem:s23+$0x7810];
	v3 =	vmul.f32 v3, v3  }
0x499: {  	v31 =	vsub.f32 v47, v4;
	v47 =	vmul.f32 v6, v6;
	v6 =	vld [tilespmem:s23+$0x7800];
	v1 =	vsub.f32 v19, v1  }
0x49a: {  	v33 =	vmul.f32 v33, v33;
	v34 =	vsub.f32 v34, v4;
	v4 =	vld [tilespmem:s23+$0x7DC0];
	[tilespmem:$0x1F3E0] =	vst v3;
	v3 =	vmul.f32 v11, v11  }
0x49b: {  	v40 =	vmul.f32 v40, v40;
	v24 =	vsub.f32 v10, v2;
	[tilespmem:$0x1F440] =	vst v1;
	v45 =	vsub.f32 v7, v2;
	v2 =	vld [tilespmem:s23+$0x8950]  }
0x49c: {  	v34 =	vmul.f32 v34, v34;
	v1 =	vld [tilespmem:s23+$0x7DD0];
	[tilespmem:$0x1F170] =	vst v3;
	v3 =	vmul.f32 v5, v5  }
0x49d: {  	v61 =	vmul.f32 v61, v61;
	v23 =	vsub.f32 v9, v0;
	v22 =	vsub.f32 v26, v0;
	v0 =	vld [tilespmem:s23+$0x8F10]  }
0x49e: {  	v8 =	vsub.f32 v9, v14;
	v14 =	vsub.f32 v26, v14;
	[tilespmem:$0x1F1B0] =	vst v3;
	v3 =	vld [tilespmem:s23+$0x7240]  }
0x49f: {  	v33 =	vadd.f32 v34, v33;
	v34 =	vadd.f32 v61, v40;
	v40 =	vld [tilespmem:$0x1F370]  }
0x4a0: {  	[tilespmem:$0x1F0E0] =	vst v17;
	v39 =	vmul.f32 v39, v39;
	v17 =	vsub.f32 v29, v2;
	v16 =	vsub.f32 v30, v2;
	v2 =	vld [tilespmem:$0x1F0B0]  }
0x4a1: {  	v53 =	vmul.f32 v53, v53;
	v18 =	vsub.f32 v28, v1;
	v48 =	vsub.f32 v27, v1;
	v1 =	vld [tilespmem:s23+$0x94D0]  }
0x4a2: {  	v58 =	vmul.f32 v14, v14;
	v15 =	vsub.f32 v32, v0;
	v14 =	vsub.f32 v36, v0;
	v0 =	vld [tilespmem:$0x1F0D0]  }
0x4a3: {  	v39 =	vadd.f32 v39, v53;
	v53 =	vld [tilespmem:$0x1F350];
	v11 =	vsub.f32 v10, v3  }
0x4a4: {  	v10 =	vsub.f32 v9, v6;
	v9 =	vsub.f32 v26, v6;
	v26 =	vld [tilespmem:$0x1F0F0]  }
0x4a5: {  	v59 =	vsub.f32 v46, v59;
	v20 =	vmul.f32 v2, v2;
	v2 =	vld [tilespmem:$0x1F0C0]  }
0x4a6: {  	v46 =	vmul.f32 v8, v8;
	v8 =	vsub.f32 v37, v1;
	v13 =	vsub.f32 v38, v1;
	v1 =	vld [tilespmem:s23+$0x8F00]  }
0x4a7: {  	v19 =	vmul.f32 v0, v0;
	v0 =	vld [tilespmem:$0x1F0E0]  }
0x4a8: {  	v24 =	vmul.f32 v24, v24;
	v16 =	vmul.f32 v16, v16;
	v5 =	vsub.f32 v27, v4;
	v27 =	vld [tilespmem:$0x1F110]  }
0x4a9: {  	v44 =	vadd.f32 v44, v26;
	v26 =	vld [tilespmem:$0x1F100]  }
0x4aa: {  	v57 =	vmul.f32 v57, v57;
	v16 =	vadd.f32 v16, v24;
	v24 =	vld [tilespmem:$0x1F2E0]  }
0x4ab: {  	v45 =	vmul.f32 v45, v45;
	v41 =	vmul.f32 v25, v25;
	v20 =	vadd.f32 v20, v46;
	v46 =	vld [tilespmem:$0x1F320]  }
0x4ac: {  	v17 =	vmul.f32 v17, v17;
	v25 =	vmul.f32 v2, v2;
	v2 =	vld [tilespmem:s23+$0x8940]  }
0x4ad: {  	v21 =	vmul.f32 v0, v0;
	v0 =	vld [tilespmem:s23+$0x94C0];
	v6 =	vsub.f32 v28, v4;
	v4 =	vsub.f32 v32, v1  }
0x4ae: {  	v23 =	vmul.f32 v23, v23;
	v1 =	vsub.f32 v36, v1;
	v36 =	vadd.f32 v27, v26;
	v26 =	vld [tilespmem:$0x1F120]  }
0x4af: {  	v48 =	vmul.f32 v48, v48;
	v15 =	vmul.f32 v15, v15;
	v27 =	vld [tilespmem:$0x1F130]  }
0x4b0: {  	v17 =	vadd.f32 v17, v45;
	v24 =	vmul.f32 v24, v24;
	v45 =	vld [tilespmem:$0x1F3B0];
	v8 =	vmul.f32 v8, v8  }
0x4b1: {  	v47 =	vadd.f32 v57, v47;
	v15 =	vadd.f32 v15, v23;
	v23 =	vld [tilespmem:$0x1F2D0]  }
0x4b2: {  	v17 =	vadd.f32 v24, v17;
	v24 =	vld [tilespmem:$0x1F410];
	v8 =	vadd.f32 v8, v48  }
0x4b3: {  	v48 =	vld [tilespmem:$0x1F340];
	v12 =	vsub.f32 v7, v3;
	v7 =	vsub.f32 v37, v0  }
0x4b4: {  	v0 =	vsub.f32 v38, v0;
	v38 =	vadd.f32 v27, v26;
	v26 =	vld [tilespmem:$0x1F140]  }
0x4b5: {  	v22 =	vmul.f32 v22, v22;
	v14 =	vmul.f32 v14, v14;
	v27 =	vld [tilespmem:$0x1F150]  }
0x4b6: {  	v25 =	vadd.f32 v25, v58;
	v23 =	vadd.f32 v23, v47;
	v47 =	vld [tilespmem:$0x1F330]  }
0x4b7: {  	v51 =	vmul.f32 v51, v51;
	v43 =	vmul.f32 v43, v43;
	v14 =	vadd.f32 v14, v22;
	v22 =	vld [tilespmem:$0x1F2C0]  }
0x4b8: {  	v25 =	vadd.f32 v46, v25;
	v46 =	vld [tilespmem:$0x1F3C0];
	v19 =	vadd.f32 v19, v41  }
0x4b9: {  	v54 =	vmul.f32 v54, v54;
	v41 =	vadd.f32 v43, v51;
	v43 =	vld [tilespmem:$0x1F390];
	v3 =	vsub.f32 v29, v2  }
0x4ba: {  	v52 =	vmul.f32 v52, v52;
	v2 =	vsub.f32 v30, v2;
	v30 =	vadd.f32 v27, v26;
	v26 =	vld [tilespmem:$0x1F170]  }
0x4bb: {  	v49 =	vmul.f32 v49, v49;
	v42 =	vmul.f32 v42, v42;
	v19 =	vadd.f32 v47, v19;
	v47 =	vld [tilespmem:$0x1F3D0]  }
0x4bc: {  	v60 =	vmul.f32 v60, v60;
	v22 =	vadd.f32 v22, v30;
	v30 =	vld [tilespmem:$0x1F2F0]  }
0x4bd: {  	v35 =	vmul.f32 v35, v35;
	v28 =	vadd.f32 v49, v54;
	v37 =	vadd.f32 v42, v52;
	v42 =	vld [tilespmem:$0x1F380]  }
0x4be: {  	v18 =	vmul.f32 v18, v18;
	v32 =	vmul.f32 v48, v48;
	v48 =	vld [tilespmem:$0x1F3E0]  }
0x4bf: {  	v13 =	vmul.f32 v13, v13;
	v28 =	vadd.f32 v43, v28;
	v43 =	vld [tilespmem:$0x1F4D0];
	v29 =	vadd.f32 v60, v26  }
0x4c0: {  	v5 =	vmul.f32 v5, v5;
	v7 =	vmul.f32 v7, v7;
	v37 =	vadd.f32 v45, v37;
	v45 =	vld [tilespmem:$0x1F4F0]  }
0x4c1: {  	v6 =	vmul.f32 v6, v6;
	v0 =	vmul.f32 v0, v0;
	v29 =	vadd.f32 v30, v29;
	v30 =	vld [tilespmem:$0x1F300]  }
0x4c2: {  	v9 =	vmul.f32 v9, v9;
	v1 =	vmul.f32 v1, v1;
	v5 =	vadd.f32 v7, v5;
	v7 =	vld [tilespmem:$0x1F250]  }
0x4c3: {  	v12 =	vmul.f32 v12, v12;
	v3 =	vmul.f32 v3, v3;
	v0 =	vadd.f32 v0, v6;
	v6 =	vld [tilespmem:$0x1F260]  }
0x4c4: {  	v55 =	vmul.f32 v55, v55;
	v10 =	vmul.f32 v10, v10;
	v1 =	vadd.f32 v1, v9;
	v9 =	vld [tilespmem:$0x1F270]  }
0x4c5: {  	v4 =	vmul.f32 v4, v4;
	v3 =	vadd.f32 v3, v12;
	v12 =	vadd.f32 v13, v18;
	v18 =	vld [tilespmem:$0x1F2B0]  }
0x4c6: {  	v11 =	vmul.f32 v11, v11;
	v2 =	vmul.f32 v2, v2;
	v20 =	vadd.f32 v30, v20;
	v30 =	vld [tilespmem:$0x1F310]  }
0x4c7: {  	v35 =	vadd.f32 v35, v55;
	v4 =	vadd.f32 v4, v10;
	v10 =	vld [tilespmem:$0x1F280]  }
0x4c8: {  	v31 =	vmul.f32 v31, v31;
	v56 =	vmul.f32 v56, v56;
	v2 =	vadd.f32 v2, v11;
	v11 =	vld [tilespmem:$0x1F290]  }
0x4c9: {  	v24 =	vmul.f32 v24, v24;
	v13 =	vld [tilespmem:$0x1F2A0]  }
0x4ca: {  	v31 =	vadd.f32 v31, v56;
	v35 =	vadd.f32 v48, v35;
	v48 =	vld [tilespmem:$0x1F520];
	v18 =	vmul.f32 v18, v18  }
0x4cb: {  	v4 =	vadd.f32 v24, v4;
	v24 =	vld [tilespmem:$0x1F440];
	v30 =	vmul.f32 v30, v30  }
0x4cc: {  	v18 =	vadd.f32 v18, v31;
	v31 =	vld [tilespmem:$0x1F430]  }
0x4cd: {  	v16 =	vadd.f32 v30, v16;
	v30 =	vld [tilespmem:$0x1F420]  }
0x4ce: {  	v23 =	vadd.f32 v43, v23;
	v43 =	vld [tilespmem:$0x1F570]  }
0x4cf: {  	v9 =	vadd.f32 v9, v44;
	v44 =	vld [tilespmem:$0x1F3A0]  }
0x4d0: {  	v25 =	vadd.f32 v48, v25;
	v48 =	vld [tilespmem:$0x1F5C0];
	v11 =	vadd.f32 v11, v36  }
0x4d1: {  	v36 =	vmul.f32 v40, v40;
	v40 =	vadd.f32 v46, v41;
	v46 =	vld [tilespmem:$0x1F500];
	v31 =	vmul.f32 v31, v31  }
0x4d2: {  	v41 =	vmul.f32 v47, v47;
	v47 =	vld [tilespmem:$0x1F510];
	v30 =	vmul.f32 v30, v30  }
0x4d3: {  	v24 =	vmul.f32 v24, v24;
	v5 =	vadd.f32 v31, v5;
	v31 =	vld [tilespmem:$0x1F470]  }
0x4d4: {  	v1 =	vadd.f32 v30, v1;
	v30 =	vld [tilespmem:$0x1F450]  }
0x4d5: {  	v63 =	vmul.f32 v63, v63;
	v62 =	vmul.f32 v62, v62;
	v0 =	vadd.f32 v24, v0;
	v24 =	vld [tilespmem:$0x1F460]  }
0x4d6: {  	v12 =	vadd.f32 v41, v12;
	v41 =	vld [tilespmem:$0x1F4B0]  }
0x4d7: {  	v7 =	vmul.f32 v7, v7;
	v27 =	vld [tilespmem:$0x1F1B0];
	v26 =	vadd.f32 v62, v63  }
0x4d8: {  	v6 =	vmul.f32 v6, v6;
	v9 =	vadd.f32 v31, v9;
	v31 =	vld [tilespmem:$0x1F480]  }
0x4d9: {  	v7 =	vadd.f32 v7, v39;
	v26 =	vadd.f32 v53, v26;
	v53 =	vld [tilespmem:$0x1F3F0];
	v30 =	vmul.f32 v30, v30  }
0x4da: {  	v63 =	vld [tilespmem:$0x1F360]  }
0x4db: {  	v6 =	vadd.f32 v6, v34;
	v7 =	vadd.f32 v30, v7;
	v30 =	vld [tilespmem:$0x1F5F0]  }
0x4dc: {  	v10 =	vmul.f32 v10, v10;
	v40 =	vadd.f32 v48, v40;
	v48 =	vld [tilespmem:$0x1F710];
	v13 =	vadd.f32 v13, v38  }
0x4dd: {  	v38 =	vmul.f32 v44, v44;
	v44 =	vld [tilespmem:$0x1F4E0];
	v34 =	vmul.f32 v47, v47;
	v21 =	vadd.f32 v21, v27  }
0x4de: {  	v10 =	vadd.f32 v10, v33;
	v47 =	vld [tilespmem:$0x1F5B0];
	v31 =	vmul.f32 v31, v31;
	v39 =	vmul.f32 v53, v53  }
0x4df: {  	v21 =	vadd.f32 v63, v21;
	v63 =	vld [tilespmem:$0x1F400]  }
0x4e0: {  	v10 =	vadd.f32 v31, v10;
	v31 =	vld [tilespmem:$0x1F610];
	v3 =	vadd.f32 v39, v3;
	v30 =	vmul.f32 v30, v30  }
0x4e1: {  	v59 =	vmul.f32 v59, v59;
	v50 =	vmul.f32 v50, v50;
	v53 =	vld [tilespmem:$0x1F530]  }
0x4e2: {  	v3 =	vadd.f32 v30, v3;
	v30 =	vld [tilespmem:$0x1F630]  }
0x4e3: {  	v15 =	vadd.f32 v32, v15;
	v32 =	vmul.f32 v41, v41;
	v41 =	vld [tilespmem:$0x1F550];
	v27 =	vadd.f32 v50, v59  }
0x4e4: {  	v37 =	vadd.f32 v47, v37;
	v47 =	vld [tilespmem:$0x1F700];
	v33 =	vmul.f32 v63, v63  }
0x4e5: {  	v27 =	vadd.f32 v42, v27;
	v42 =	vld [tilespmem:$0x1F4C0]  }
0x4e6: {  	v31 =	vmul.f32 v31, v31;
	v2 =	vadd.f32 v33, v2;
	v33 =	vmul.f32 v44, v44;
	v44 =	vld [tilespmem:$0x1F580]  }
0x4e7: {  	v19 =	vadd.f32 v53, v19;
	v53 =	vld [tilespmem:$0x1F5D0];
	v30 =	vmul.f32 v30, v30  }
0x4e8: {  	v4 =	vadd.f32 v31, v4;
	v31 =	vld [tilespmem:$0x1F670]  }
0x4e9: {  	v5 =	vadd.f32 v30, v5;
	v30 =	vld [tilespmem:$0x1F650]  }
0x4ea: {  	v29 =	vadd.f32 v45, v29;
	v45 =	vld [tilespmem:$0x1F590]  }
0x4eb: {  	v39 =	vld [tilespmem:$0x1F4A0]  }
0x4ec: {  	v20 =	vadd.f32 v46, v20;
	v46 =	vld [tilespmem:$0x1F5A0]  }
0x4ed: {  	v26 =	vadd.f32 v41, v26;
	v27 =	vadd.f32 v44, v27;
	v41 =	vmul.f32 v53, v53;
	v44 =	vld [tilespmem:$0x1F6D0]  }
0x4ee: {  	v9 =	vadd.f32 v31, v9;
	v31 =	vld [tilespmem:$0x1F680];
	v30 =	vmul.f32 v30, v30  }
0x4ef: {  	v12 =	vadd.f32 v41, v12;
	v41 =	vld [tilespmem:$0x1F6A0]  }
0x4f0: {  	v30 =	vadd.f32 v30, v7;
	v7 =	vld [tilespmem:$0x1F7F0]  }
0x4f1: {  	v63 =	vld [tilespmem:$0x1F540]  }
0x4f2: {  	v23 =	vadd.f32 v44, v23;
	v44 =	vld [tilespmem:$0x1F790]  }
0x4f3: {  	v13 =	vadd.f32 v39, v13;
	v39 =	vmul.f32 v46, v46;
	v46 =	vld [tilespmem:$0x1F6F0]  }
0x4f4: {  	v16 =	vadd.f32 v34, v16;
	v34 =	vmul.f32 v48, v48;
	v48 =	vld [tilespmem:$0x1F7D0];
	v31 =	vmul.f32 v31, v31  }
0x4f5: {  	v28 =	vadd.f32 v45, v28;
	v13 =	vadd.f32 v41, v13;
	v41 =	vld [tilespmem:$0x1F750];
	v7 =	vmul.f32 v7, v7  }
0x4f6: {  	v31 =	vadd.f32 v31, v10;
	v10 =	vld [tilespmem:$0x1F810]  }
0x4f7: {  	v28 =	vadd.f32 v44, v28;
	v44 =	vadd.f32 v7, v3;
	v3 =	vld [tilespmem:$0x1F830]  }
0x4f8: {  	v29 =	vadd.f32 v46, v29;
	v46 =	vld [tilespmem:$0x1F7B0]  }
0x4f9: {  	v8 =	vadd.f32 v38, v8;
	v38 =	vld [tilespmem:$0x1F490]  }
0x4fa: {  	v22 =	vadd.f32 v42, v22;
	v42 =	vld [tilespmem:$0x1F560]  }
0x4fb: {  	v14 =	vadd.f32 v36, v14;
	v45 =	vld [tilespmem:$0x1F6E0];
	v20 =	vadd.f32 v47, v20;
	v10 =	vmul.f32 v10, v10  }
0x4fc: {  	v47 =	vld [tilespmem:$0x1F7C0];
	v26 =	vadd.f32 v41, v26;
	v41 =	vmul.f32 v48, v48;
	v3 =	vmul.f32 v3, v3  }
0x4fd: {  	v36 =	vmul.f32 v63, v63;
	v37 =	vadd.f32 v46, v37;
	v46 =	vadd.f32 v10, v4;
	v4 =	vld [tilespmem:$0x1F8B0]  }
0x4fe: {  	v41 =	vadd.f32 v41, v12;
	v12 =	vadd.f32 v3, v5;
	v5 =	vld [tilespmem:$0x1F8D0]  }
0x4ff: {  	v15 =	vadd.f32 v36, v15;
	v36 =	vld [tilespmem:$0x1F620]  }
0x500: {  	v11 =	vadd.f32 v38, v11;
	v38 =	vmul.f32 v43, v43;
	v43 =	vld [tilespmem:$0x1F6C0]  }
0x501: {  	v21 =	vadd.f32 v42, v21;
	v42 =	vld [tilespmem:$0x1F6B0]  }
0x502: {  	v18 =	vadd.f32 v32, v18;
	v40 =	vadd.f32 v47, v40;
	v47 =	vmul.f32 v4, v4;
	v4 =	vld [tilespmem:$0x1F8C0]  }
0x503: {  	v34 =	vadd.f32 v34, v16;
	v16 =	vadd.f32 v5, v23;
	v5 =	vld [tilespmem:$0x1F8E0]  }
0x504: {  	v17 =	vadd.f32 v33, v17;
	v33 =	vmul.f32 v45, v45;
	v45 =	vld [tilespmem:$0x1F7A0];
	v32 =	vmul.f32 v36, v36  }
0x505: {  	v8 =	vadd.f32 v39, v8;
	v39 =	vld [tilespmem:$0x1F690]  }
0x506: {  	v22 =	vadd.f32 v43, v22;
	v1 =	vadd.f32 v32, v1;
	v32 =	vmul.f32 v42, v42;
	v42 =	vld [tilespmem:$0x1F760]  }
0x507: {  	v3 =	vld [tilespmem:$0x1F890]  }
0x508: {  	v24 =	vmul.f32 v24, v24;
	v4 =	vadd.f32 v4, v22;
	v22 =	vmul.f32 v5, v5;
	v5 =	vld [tilespmem:$0x1F8F0];
	_ =	sdelay $0x1  }
0x509: {  	v6 =	vadd.f32 v24, v6;
	v24 =	vld [tilespmem:$0x1F600];
	v11 =	vadd.f32 v39, v11;
	v39 =	vmul.f32 v45, v45  }
0x50a: {  	v14 =	vadd.f32 v38, v14;
	v38 =	vadd.f32 v42, v21;
	v21 =	vld [tilespmem:$0x1F770]  }
0x50b: {  	v43 =	vld [tilespmem:$0x1F780];
	v39 =	vadd.f32 v39, v8  }
0x50c: {  	v8 =	vadd.f32 v3, v11;
	v11 =	vadd.f32 v5, v29;
	v5 =	vld [tilespmem:$0x1F900];
	_ =	sdelay $0x2  }
0x50d: {  	v21 =	vmul.f32 v21, v21  }
0x50e: {  	v24 =	vmul.f32 v24, v24;
	v27 =	vadd.f32 v43, v27  }
0x50f: {  	v43 =	vadd.f32 v21, v14;
	v21 =	vadd.f32 v5, v20;
	v5 =	vld [tilespmem:$0x1F910]  }
0x510: {  	v2 =	vadd.f32 v24, v2;
	v24 =	vld [tilespmem:$0x1F640]  }
0x511: {  	v63 =	vld [tilespmem:$0x1F5E0]  }
0x512: {  	v53 =	vld [tilespmem:$0x1F720]  }
0x513: {  	v3 =	vld [tilespmem:$0x1F8A0]  }
0x514: {  	v29 =	vmul.f32 v5, v5;
	v5 =	vld [tilespmem:$0x1F920];
	_ =	sdelay $0x2  }
0x515: {  	v35 =	vadd.f32 v63, v35;
	v63 =	vld [tilespmem:$0x1F730];
	v25 =	vadd.f32 v53, v25;
	_ =	sdelay $0x1  }
0x516: {  	v24 =	vmul.f32 v24, v24;
	v3 =	vadd.f32 v3, v13;
	v13 =	vadd.f32 v5, v25;
	v5 =	vld [tilespmem:$0x1F930];
	_ =	sdelay $0x1  }
0x517: {  	v0 =	vadd.f32 v24, v0;
	v24 =	vld [tilespmem:$0x1F660]  }
0x518: {  	v36 =	vadd.f32 v63, v19;
	_ =	sdelay $0x1  }
0x519: {  	v14 =	vadd.f32 v5, v36;
	v5 =	vld [tilespmem:$0x1F940];
	_ =	sdelay $0x1  }
0x51a: {  	v24 =	vmul.f32 v24, v24;
	_ =	sdelay $0x1  }
0x51b: {  	v24 =	vadd.f32 v24, v6;
	v6 =	vld [tilespmem:$0x1F800]  }
0x51c: {  	v36 =	vmul.f32 v5, v5;
	v5 =	vld [tilespmem:$0x1F950];
	_ =	sdelay $0x4  }
0x51d: {  	v6 =	vmul.f32 v6, v6;
	v10 =	vadd.f32 v5, v26;
	v5 =	vld [tilespmem:$0x1F960]  }
0x51e: {  	v19 =	vld [tilespmem:$0x1F740]  }
0x51f: {  	v45 =	vadd.f32 v6, v2;
	v2 =	vld [tilespmem:$0x1F840];
	_ =	sdelay $0x2  }
0x520: {  	v6 =	vadd.f32 v5, v38;
	v5 =	vld [tilespmem:$0x1F970];
	_ =	sdelay $0x1  }
0x521: {  	v19 =	vmul.f32 v19, v19;
	v2 =	vmul.f32 v2, v2;
	_ =	sdelay $0x1  }
0x522: {  	v42 =	vadd.f32 v19, v15;
	v19 =	vadd.f32 v2, v0;
	v2 =	vld [tilespmem:$0x1F870]  }
0x523: {  	v38 =	vmul.f32 v5, v5;
	v5 =	vld [tilespmem:$0x1F980];
	_ =	sdelay $0x3  }
0x524: {  	v55 =	vld [tilespmem:$0x1F220]  }
0x525: {  	v7 =	vadd.f32 v2, v9;
	v9 =	vadd.f32 v5, v27;
	v5 =	vld [tilespmem:$0x1F990]  }
0x526: {  	v57 =	vld [tilespmem:$0x1F160]  }
0x527: {  	v15 =	vld [tilespmem:$0x1F820]  }
0x528: {  	v61 =	vld [tilespmem:$0x1F230]  }
0x529: {  	v56 =	vld [tilespmem:$0x1F240]  }
0x52a: {  	v25 =	vadd.f32 v5, v28;
	v5 =	vld [tilespmem:$0x1F9A0]  }
0x52b: {  	v58 =	vld [tilespmem:$0x1F190]  }
0x52c: {  	v51 =	vld [tilespmem:$0x1F210];
	v15 =	vmul.f32 v15, v15  }
0x52d: {  	v54 =	vld [tilespmem:$0x1F1E0]  }
0x52e: {  	v32 =	vadd.f32 v32, v18;
	v18 =	vadd.f32 v15, v1;
	v1 =	vld [tilespmem:$0x1F850]  }
0x52f: {  	v63 =	vmul.f32 v5, v5;
	v5 =	vld [tilespmem:$0x1F9B0]  }
0x530: {  	v49 =	vld [tilespmem:$0x1F1F0]  }
0x531: {  	v52 =	vld [tilespmem:$0x1F200]  }
0x532: {  	v60 =	vld [tilespmem:$0x1F180]  }
0x533: {  	v62 =	vld [tilespmem:$0x1F1A0]  }
0x534: {  	v1 =	vmul.f32 v1, v1;
	v15 =	vadd.f32 v5, v37;
	v5 =	vld [tilespmem:$0x1F9C0]  }
0x535: {  	v50 =	vld [tilespmem:$0x1F1C0]  }
0x536: {  	v23 =	vadd.f32 v1, v30;
	v1 =	vld [tilespmem:$0x1FA00]  }
0x537: {  	v53 =	vld [tilespmem:$0x1F7E0]  }
0x538: {  	v2 =	vld [tilespmem:$0x1F880]  }
0x539: {  	v26 =	vadd.f32 v5, v40;
	v5 =	vld [tilespmem:$0x1F9E0]  }
0x53a: {  	v59 =	vld [tilespmem:$0x1F1D0]  }
0x53b: {  	v30 =	vmul.f32 v1, v1;
	v1 =	vld [tilespmem:$0x1FA30]  }
0x53c: {  	v0 =	vld [tilespmem:$0x1F860]  }
0x53d: {  	v48 =	vld [tilespmem:$0x1FA70]  }
0x53e: {  	v35 =	vadd.f32 v53, v35;
	v2 =	vmul.f32 v2, v2;
	v53 =	vmul.f32 v5, v5;
	v5 =	vld [tilespmem:$0x1F9F0]  }
0x53f: {  	v30 =	vadd.f32 v30, v44;
	v44 =	vld [tilespmem:$0x1FA80]  }
0x540: {  	v20 =	vadd.f32 v2, v31;
	v2 =	vadd.f32 v47, v32;
	v47 =	vld [tilespmem:$0x1FA20];
	v31 =	vmul.f32 v1, v1  }
0x541: {  	v0 =	vmul.f32 v0, v0;
	v1 =	vld [tilespmem:$0x1FA50]  }
0x542: {  	v33 =	vadd.f32 v33, v17;
	v31 =	vadd.f32 v31, v46;
	v46 =	vld [tilespmem:$0x1FAC0]  }
0x543: {  	v17 =	vadd.f32 v5, v35;
	v5 =	vadd.f32 v0, v24;
	v0 =	vld [tilespmem:$0x1FA10]  }
0x544: {  	v28 =	vadd.f32 v22, v33;
	v24 =	vld [tilespmem:$0x1FA90]  }
0x545: {  	p0 =	sne.s32 s22, $0x1600;
	v22 =	vadd.f32 v29, v34;
	v29 =	vadd.f32 v63, v39;
	v63 =	vld [tilespmem:$0x1FAD0]  }
.Ltmp2:
0x546: {  	v32 =	vmul.f32 v1, v1;
	v1 =	vadd.f32 v38, v43;
	v43 =	vld [tilespmem:$0x1FA60];
	(pc) =	sbr.rel @p0 .LBB2_7-.Ltmp2, $4  }
0x547: {  	v27 =	vadd.f32 v36, v42;
	v42 =	vld [tilespmem:$0x1FA40]  }
0x548: {  	v40 =	vld [tilespmem:$0x1F9D0];
	v0 =	vmul.f32 v0, v0  }
0x549: {  	v34 =	vmul.f32 v24, v24;
	v24 =	vadd.f32 v53, v41;
	v41 =	vld [tilespmem:$0x1FAA0]  }
0x54a: {  	s22 =	sadd.s32 $0x100, s22;
	v33 =	vmul.f32 v63, v63;
	v0 =	vadd.f32 v0, v45;
	v45 =	vld [tilespmem:$0x1FAB0]  }
0x54b: {  	v53 =	vld [tilespmem:$0x1FED0]  }
0x54c: {  	v35 =	vld [tilespmem:$0x1FF50];
	v58 =	vmul.f32 v58, v58  }
0x54d: {  	v12 =	vadd.f32 v34, v12;
	v63 =	vmul.f32 v49, v49;
	v36 =	vmul.f32 v44, v44;
	v49 =	vld [tilespmem:$0x1FEE0]  }
0x54e: {  	v38 =	vld [tilespmem:$0x1FF10];
	v37 =	vmul.f32 v62, v62;
	v30 =	vadd.f32 v58, v30  }
0x54f: {  	v31 =	vadd.f32 v63, v31;
	v12 =	vadd.f32 v36, v12  }
0x550: {  	v39 =	vld [tilespmem:$0x1FF20];
	v25 =	vadd.f32 v57, v25;
	v29 =	vadd.f32 v37, v29  }
0x551: {  	v30 =	vadd.f32 v31, v30;
	v12 =	vadd.f32 v12, v20  }
0x552: {  	v58 =	vld [tilespmem:$0x1FF30];
	v34 =	vmul.f32 v53, v53;
	v26 =	vadd.f32 v35, v26;
	v35 =	vmul.f32 v49, v49  }
0x553: {  	v10 =	vadd.f32 v29, v10;
	v16 =	vadd.f32 v38, v16  }
0x554: {  	v28 =	vadd.f32 v34, v28;
	v27 =	vadd.f32 v35, v27  }
0x555: {  	v21 =	vadd.f32 v39, v21;
	v53 =	vadd.f32 v50, v23  }
0x556: {  	v12 =	vadd.f32 v12, v30;
	v57 =	vadd.f32 v27, v28  }
0x557: {  	v14 =	vadd.f32 v58, v14;
	v25 =	vadd.f32 v26, v25  }
0x558: {  	v8 =	vadd.f32 v53, v8;
	vm3 =	vlt.f32 v12, v59;
	v10 =	vadd.f32 v10, v57  }
0x559: {  	v16 =	vadd.f32 v21, v16;
	v12 =	vsel vm3, v12, v59  }
0x55a: {  	v7 =	vadd.f32 v14, v7;
	v8 =	vadd.f32 v8, v25;
	vm5 =	vlt.f32 v10, v12  }
0x55b: {  	v10 =	vsel vm5, v10, v12  }
0x55c: {  	v7 =	vadd.f32 v7, v16;
	vm4 =	vlt.f32 v8, v10  }
0x55d: {  	v8 =	vsel vm4, v8, v10  }
0x55e: {  	vm2 =	vlt.f32 v7, v8  }
0x55f: {  	v7 =	vsel vm2, v7, v8  }
0x560: {  	(xrf0) =	vmin.scan.msk.f32 $0xffff, v7;
	_ =	sdelay $0x2  }
0x561: {  	v5 =	vadd.f32 v46, v5;
	v63 =	vadd.f32 v32, v18;
	v32 =	vmul.f32 v60, v60  }
0x562: {  	v6 =	vadd.f32 v54, v6;
	v29 =	vmul.f32 v47, v47  }
0x563: {  	v4 =	vadd.f32 v5, v4;
	v31 =	vmul.f32 v43, v43;
	v1 =	vadd.f32 v32, v1  }
0x564: {  	s21 =	sadd.s32 $0x4, s21;
	v23 =	vadd.f32 v55, v11;
	v30 =	vmul.f32 v40, v40;
	v0 =	vadd.f32 v29, v0;
	v62, _, _ =	vpop (xrf0)  }
0x565: {  	s22 =	sadd.s32 $0xFFFFFFFD, s21;
	v21 =	vadd.f32 v33, v19;
	v26 =	vmul.f32 v61, v61;
	v8 =	vbroadcast v62, $0xF  }
0x566: {  	v33 =	vmul.f32 v45, v45;
	v27 =	vadd.f32 v56, v15;
	v34 =	vsel vm3, s22, v42  }
0x567: {  	s23 =	sadd.s32 $0xFFFFFFFE, s21;
	v38 =	vld [tilespmem:$0x1FFF0];
	v10 =	vadd.f32 v30, v63;
	vm1 =	veq.f32 v7, v8;
	v7 =	vadd.f32 v31, v21  }
0x568: {  	s24 =	sadd.s32 $0xFFFFFFFF, s21;
	v35 =	vadd.f32 v33, v24;
	v12 =	vadd.f32 v26, v22;
	v16 =	vsel vm5, s23, v34  }
0x569: {  	v36 =	vsel vm4, s24, v16;
	v0 =	vadd.f32 v10, v0;
	v2 =	vadd.f32 v7, v2  }
0x56a: {  	v28 =	vadd.f32 v48, v17;
	v9 =	vadd.f32 v35, v9;
	v7 =	vsel vm2, s21, v36  }
0x56b: {  	v1 =	vadd.f32 v1, v12;
	v0 =	vadd.f32 v2, v0;
	v2 =	vshll.u32 v7, $0x4  }
0x56c: {  	v25 =	vadd.f32 v51, v13;
	v37 =	vadd.f32 v28, v27;
	v2 =	vxor.u32 v38, v2  }
0x56d: {  	v1 =	vadd.f32 v9, v1;
	vm2 =	vlt.f32 v0, v52;
	v2 =	vnsel vm1, $0xC0000000, v2  }
0x56e: {  	v39 =	vadd.f32 v25, v23;
	v0 =	vsel vm2, v0, v52;
	(xrf0) =	vmin.scan.msk.u32 $0xffff, v2;
	v2 =	vadd.f32 v6, v3  }
0x56f: {  	v3 =	vadd.f32 v4, v37;
	vm1 =	vlt.f32 v1, v0  }
0x570: {  	v0 =	vsel vm1, v1, v0;
	v1 =	vadd.f32 v2, v39  }
0x571: {  	vm3 =	vlt.f32 v3, v0  }
0x572: {  	v0 =	vsel vm3, v3, v0  }
0x573: {  	vm15 =	vlt.f32 v1, v0  }
0x574: {  	v0 =	vsel vm15, v1, v0;
	v1, _, _ =	vpop (xrf0)  }
0x575: {  	(v2sf) =	vpush v1, $0xF;
	(xrf0) =	vmin.scan.msk.f32 $0xffff, v0;
	_ =	sdelay $0x3  }
0x576: {  	v1 =	vsel vm2, s22, v41  }
0x577: {  	v1 =	vsel vm1, s23, v1  }
0x578: {  	v1 =	vsel vm3, s24, v1;
	v2, _, _ =	vpop (xrf0)  }
0x579: {  	v1 =	vsel vm15, s21, v1;
	v2 =	vbroadcast v2, $0xF  }
0x57a: {  	v1 =	vshll.u32 v1, $0x4  }
0x57b: {  	vm1 =	veq.f32 v0, v2;
	v0 =	vxor.u32 v38, v1  }
0x57c: {  	v0 =	vnsel vm1, $0xC0000000, v0  }
0x57d: {  	(xrf0) =	vmin.scan.msk.u32 $0xffff, v0;
	_ =	sdelay $0x3  }
0x57e: {  	s29 =	spop (v2sf)  }
0x57f: {  	s21 =	sxor.u32 $0x80000000, s29  }
0x580: {  	v0 =	vmov s21;
	v1, _, _ =	vpop (xrf0)  }
0x581: {  	(v2sf) =	vpush v1, $0xF  }
0x582: {  	v46 =	vld [tilespmem:$0x1FFE0]  }
0x583: {  	v40 =	vld [tilespmem:$0x1FF90]  }
0x584: {  	v41 =	vld [tilespmem:$0x1FFA0]  }
0x585: {  	v0 =	vld.idx.msk [tilespmem:v0+s13+$0x0], $0xffff  }
0x586: {  	v2 =	vld [tilespmem:$0x1FFB0]  }
0x587: {  	v43 =	vld [tilespmem:$0x1FFC0]  }
0x588: {  	s30 =	sshrl.u32 s18, $0x3;
	v42 =	vld [tilespmem:$0x1FFD0]  }
0x589: {  	v45 =	vld [tilespmem:$0x1FF70];
	s21 =	smul.u32 $0x3, s30  }
0x58a: {  	s20 =	sand.u32 $0xE, s20;
	v49 =	vld [tilespmem:$0x1FF80];
	v1 =	vadd.s32 v40, v0  }
0x58b: {  	s20 =	smul.u32 $0x3, s20;
	v2 =	vadd.s32 s21, v2;
	v0 =	vadd.s32 v41, v0  }
0x58c: {  	v4 =	vadd.s32 s21, v43;
	v2 =	vmul.u32 $0x30, v2  }
0x58d: {  	v47 =	vadd.s32 s20, v46;
	v3 =	vadd.s32 s20, v42;
	v4 =	vmul.u32 $0x30, v4  }
0x58e: {  	v48 =	vand.u32 $0xFFFFFFF8, v47;
	v44 =	vand.u32 $0xFFFFFFF8, v3;
	v2 =	vadd.s32 v45, v2  }
0x58f: {  	v3 =	vand.u32 $0x7, v3;
	v4 =	vadd.s32 v49, v4;
	v5 =	vadd.s32 v44, v2;
	v1 =	vld.idx.msk [tilespmem:v1+s3+$0x0], $0xffff  }
0x590: {  	v50 =	vand.u32 $0x7, v47;
	v51 =	vadd.s32 v48, v4;
	v3 =	vor.u32 v3, v5;
	v0 =	vld.idx.msk [tilespmem:v0+s3+$0x0], $0xffff;
	s31 =	spop (v2sf)  }
0x591: {  	v5 =	vor.u32 v50, v51;
	s20 =	sxor.u32 $0x80000000, s31  }
0x592: {  	v52 =	vmov s20;
	_ =	sdelay $0x2  }
0x593: {  	[tilespmem:v3+s15+$0x0] =	vst.idx.msk $0xffff, v1;
	v0 =	vnsel vm0, $0x0, v0  }
0x594: {  	[tilespmem:v5+s15+$0x0] =	vst.idx.msk $0x7ff, v0  }
0x595: {  	v3 =	vld.idx.msk [tilespmem:v52+s13+$0x0], $0xffff;
	_ =	sdelay $0x4  }
0x596: {  	v53 =	vadd.s32 v40, v3  }
0x597: {  	v54 =	vld [tilespmem:$0x1FAF0];
	v3 =	vadd.s32 v41, v3  }
0x598: {  	s19 =	sand.u32 $0xF, s19;
	v55 =	vld [tilespmem:$0x1FAE0]  }
0x599: {  	s19 =	smul.u32 $0x3, s19;
	v57 =	vld [tilespmem:$0x1FB10]  }
0x59a: {  	v62 =	vld [tilespmem:$0x1FB00]  }
0x59b: {  	v59 =	vadd.s32 s19, v46;
	v5 =	vld.idx.msk [tilespmem:v53+s3+$0x0], $0xffff  }
0x59c: {  	v60 =	vand.u32 $0xFFFFFFF8, v59;
	v56 =	vadd.s32 s19, v42;
	v1 =	vsub.f32 v54, v1;
	v3 =	vld.idx.msk [tilespmem:v3+s3+$0x0], $0xffff  }
0x59d: {  	v61 =	vand.u32 $0x7, v59;
	v58 =	vand.u32 $0xFFFFFFF8, v56;
	v63 =	vld [tilespmem:$0x1FB20];
	v6 =	vand.u32 $0x7, v56  }
0x59e: {  	v2 =	vadd.s32 v2, v58;
	v0 =	vsub.f32 v57, v0;
	v1 =	vand.u32 $0x7FFFFFFF, v1  }
0x59f: {  	s18 =	sadd.s32 $0x1, s18;
	v4 =	vadd.s32 v4, v60;
	v2 =	vor.u32 v6, v2;
	v1 =	vadd.f32 v1, v55  }
0x5a0: {  	p0 =	sne.s32 s18, $0x10;
	v4 =	vor.u32 v61, v4;
	v0 =	vand.u32 $0x7FFFFFFF, v0;
	v6 =	vsub.f32 v62, v5  }
.Ltmp3:
0x5a1: {  	v0 =	vadd.f32 v0, v1;
	v1 =	vnsel vm0, $0x0, v3;
	(pc) =	sbr.rel @p0 .LBB2_6-.Ltmp3, $4  }
0x5a2: {  	v3 =	vand.u32 $0x7FFFFFFF, v6;
	v6 =	vsub.f32 v63, v1  }
0x5a3: {  	v0 =	vadd.f32 v3, v0  }
0x5a4: {  	[tilespmem:v2+s15+$0x0] =	vst.idx.msk $0xffff, v5;
	v2 =	vand.u32 $0x7FFFFFFF, v6  }
0x5a5: {  	[tilespmem:v4+s15+$0x0] =	vst.idx.msk $0x7ff, v1;
	v0 =	vadd.f32 v2, v0  }
0x5a6: {  	_ = 	snop  }
0x5a7: {  	[tilespmem:$0x118E0] =	vst v0  }
0x5a8: {  	[hbm4b:s7+s3] =	stream.linear.scatter [tilespmem:s15], [sflag:$0x1], $0x360, $0x38;
	[tilespmem:$0x118F0] =	vst v63  }
0x5a9: {  	s17 =	sadd.s32 $0x1, s17;
	_ =	swait.ge [sflag:s11], $0x360  }
0x5aa: {  	p0 =	sne.s32 s17, s9;
	[sflag:s11] =	ssyncset.done $0x0  }
.Ltmp4:
0x5ab: {  	[sflag:s11] =	ssyncadd.s32 $0xFFFFFCA0;
	(pc) =	sbr.rel @p0 .LBB2_1-.Ltmp4, $4  }
0x5ac: {  	[hbm4b:s8+s3] =	stream.linear.scatter [tilespmem:s16], [sflag:$0x1], $0x10, $0x38;
	[tilespmem:$0x118F0] =	vst v63  }
0x5ad: {  	_ =	swait.ge [sflag:s11], $0x10  }
0x5ae: {  	[sflag:s11] =	ssyncset.done $0x0  }
0x5af: {  	[sflag:s11] =	ssyncadd.s32 $0xFFFFFFF0  }
0x5b0: {  	_ =	sfence.sel $0x180000  }
0x5b1: {  	[bflag:$0x0] =	sbarrier.arrive $0xFFFF  }
0x5b2: {  	p0 =	sne.s32 s0, $0x0;
	_ =	strace $0x90000047  }
0x5b3: {  	s0 =	sadd.s32 @!p0 $0x100000, s1;
	[bflag:$0x2] =	sbarrier.arrive $0xFFFF  }
0x5b4: {  	[sflag:s0] =	ssyncadd.tile.s32 @!p0 $0x1;
	_ =	shalt  }
.Lfunc_end2:
_tile_overlayer_lowered:
.L_overlay_start_2:
0x5b5: {  	(tag) =	ssettag $0x2  }
0x5b6: {  	s0 =	rddreg [dreg:$0x0];
	s2 =	stileid.u32  }
0x5b7: {  	s1 =	rddreg [dreg:$0x1];
	p0 =	sne.s32 s2, $0x0  }
0x5b8: {  	s3 =	rddreg [dreg:$0x2];
	[bflag:$0x3] =	sbarrier.arrive $0xFFFF;
	s2 =	simm.s32 @!p0 $0x1C01  }
0x5b9: {  	[timem:s3], [sflag:s2] =	dma.local @!p0 [hbm:s0], s1  }
0x5ba: {  	s0 =	simm.s32 @!p0 $0x1  }
0x5bb: {  	_ =	swait.ge @!p0 [sflag:s0], s1  }
0x5bc: {  	s1 =	ssub.s32 @!p0 $0x0, s1;
	[sflag:s0] =	ssyncset.done @!p0 $0x0  }
0x5bd: {  	[sflag:s0] =	ssyncadd.s32 @!p0 s1  }
0x5be: {  	[bflag:$0x3] =	sbarrier.arrive $0xFFFF  }
0x5bf: {  	_ =	shalt  }

</sc_bundles>
